<compile_context>
chip_gen: v7x
topology: tpu7x:2x2x1
jax: 0.10.2.dev20260603
libtpu: 0.0.44.dev20260713+nightly
codegen_flags: <defaults>
</compile_context>

<pallas_src>
import functools

import jax
import jax.numpy as jnp
from jax import lax
from jax.experimental import pallas as pl
from jax.experimental.pallas import tpu as pltpu
from jax.experimental.pallas import tpu_sc as plsc

N = 50000
E = 800000
NC, NS = 2, 16
EPAD = 802816
CHUNK = 448
C2 = 1792
CC = 3136
EPT = EPAD // NS
NP = 50176
RPT = NP // NS
CW = 8

_mesh = plsc.VectorSubcoreMesh(
    core_axis_name="c", subcore_axis_name="s", num_cores=NC, num_subcores=NS)
_sc_params = pltpu.CompilerParams(use_tc_tiling_on_sc=False)


def _gather_scatter_chunks(n_chunks, chunk, edge_base, src1d, dst1d, xtbl,
                           tbl, srcv, dstv, rows, semi, semd, semg, sems):
    def src_desc(k, b):
        return pltpu.make_async_copy(
            src1d.at[pl.ds(edge_base + k * chunk, chunk)], srcv[b], semi[b])

    def dst_desc(k, b):
        return pltpu.make_async_copy(
            dst1d.at[pl.ds(edge_base + k * chunk, chunk)], dstv[b], semd[b])

    def gather_desc(b):
        return pltpu.make_async_copy(
            xtbl.at[srcv[b]], rows.at[pl.ds(b * chunk, chunk)], semg[b])

    def scatter_drain(b):
        pltpu.make_async_copy(xtbl.at[pl.ds(0, chunk)],
                              rows.at[pl.ds(b * chunk, chunk)],
                              sems[b]).wait()

    src_desc(0, 0).start()
    src_desc(1, 1).start()
    dst_desc(0, 0).start()
    src_desc(0, 0).wait()
    gather_desc(0).start()

    def pair(g, carry):
        for b in (0, 1):
            k = 2 * g + b
            nb = 1 - b

            @pl.when(k >= 1)
            def _():
                scatter_drain(nb)

            @pl.when(k + 1 < n_chunks)
            def _():
                src_desc(k + 1, nb).wait()
                gather_desc(nb).start()
                dst_desc(k + 1, nb).start()

            gather_desc(b).wait()
            dst_desc(k, b).wait()
            pltpu.async_copy(rows.at[pl.ds(b * chunk, chunk)],
                             tbl.at[dstv[b]], sems[b], add=True)

            @pl.when(k + 2 < n_chunks)
            def _():
                src_desc(k + 2, b).start()
        return carry

    lax.fori_loop(0, n_chunks // 2, pair, 0)
    scatter_drain((n_chunks - 1) % 2)


def _seg_scratch(chunk, width):
    return [
        pltpu.VMEM_SHARED((NP, width), jnp.float32),
        pltpu.VMEM((chunk,), jnp.int32),
        pltpu.VMEM((chunk,), jnp.int32),
        pltpu.VMEM((chunk,), jnp.int32),
        pltpu.VMEM((chunk,), jnp.int32),
        pltpu.VMEM((2 * chunk, width), jnp.float32),
        pltpu.SemaphoreType.DMA,
        pltpu.SemaphoreType.DMA,
        pltpu.SemaphoreType.DMA,
        pltpu.SemaphoreType.DMA,
        pltpu.SemaphoreType.DMA,
        pltpu.SemaphoreType.DMA,
        pltpu.SemaphoreType.DMA,
        pltpu.SemaphoreType.DMA,
    ]



@functools.partial(
    pl.kernel,
    out_type=[
        jax.ShapeDtypeStruct((NP, CW), jnp.float32),
        jax.ShapeDtypeStruct((NP, CW), jnp.float32),
    ],
    mesh=_mesh,
    compiler_params=_sc_params,
    scratch_types=[
        pltpu.VMEM_SHARED((NP, CW), jnp.float32),
        pltpu.VMEM((CC,), jnp.int32),
        pltpu.VMEM((CC, CW), jnp.float32),
        pltpu.SemaphoreType.DMA,
    ],
)
def _sc_pass0(dstap1d, dstpp1d, zeros8, ones8, cnt8, deg8,
              tblc, dstv, onev, sems):
    c = lax.axis_index("c")
    s = lax.axis_index("s")
    pltpu.sync_copy(ones8, onev)
    pltpu.sync_copy(zeros8, tblc.at[pl.ds(s * RPT, RPT)])
    plsc.subcore_barrier()

    n_chunks = EPT // CC
    edge_base = s * EPT

    def count_loop(d1d):
        def chunk(u, carry):
            e0 = edge_base + u * CC
            pltpu.sync_copy(d1d.at[pl.ds(e0, CC)], dstv)
            pltpu.async_copy(onev, tblc.at[dstv], sems, add=True).wait()
            return carry
        lax.fori_loop(0, n_chunks, chunk, 0)

    @pl.when(c == 0)
    def _():
        count_loop(dstap1d)

    @pl.when(c == 1)
    def _():
        count_loop(dstpp1d)

    plsc.subcore_barrier()

    @pl.when(c == 0)
    def _():
        pltpu.sync_copy(tblc.at[pl.ds(s * RPT, RPT)],
                        cnt8.at[pl.ds(s * RPT, RPT)])

    @pl.when(c == 1)
    def _():
        pltpu.sync_copy(tblc.at[pl.ds(s * RPT, RPT)],
                        deg8.at[pl.ds(s * RPT, RPT)])



@functools.partial(
    pl.kernel,
    out_type=[
        jax.ShapeDtypeStruct((NP, 32), jnp.float32),
        jax.ShapeDtypeStruct((NP, 32), jnp.float32),
    ],
    mesh=_mesh,
    compiler_params=_sc_params,
    scratch_types=_seg_scratch(CHUNK, 32),
)
def _sc_pass1(xa_lo, xa_hi, srcap1d, dstap1d, zeros32, agg_lo, agg_hi,
              tblf, sv0, sv1, dv0, dv1, rows, si0, si1, sd0, sd1, sg0, sg1, ss0, ss1):
    c = lax.axis_index("c")
    s = lax.axis_index("s")
    pltpu.sync_copy(zeros32, tblf.at[pl.ds(s * RPT, RPT)])
    plsc.subcore_barrier()

    n_chunks = EPT // CHUNK
    edge_base = s * EPT
    srcv, dstv = (sv0, sv1), (dv0, dv1)
    semi, semd = (si0, si1), (sd0, sd1)
    semg, sems = (sg0, sg1), (ss0, ss1)

    @pl.when(c == 0)
    def _():
        _gather_scatter_chunks(n_chunks, CHUNK, edge_base, srcap1d, dstap1d, xa_lo,
                               tblf, srcv, dstv, rows, semi, semd, semg, sems)

    @pl.when(c == 1)
    def _():
        _gather_scatter_chunks(n_chunks, CHUNK, edge_base, srcap1d, dstap1d, xa_hi,
                               tblf, srcv, dstv, rows, semi, semd, semg, sems)

    plsc.subcore_barrier()

    @pl.when(c == 0)
    def _():
        pltpu.sync_copy(tblf.at[pl.ds(s * RPT, RPT)],
                        agg_lo.at[pl.ds(s * RPT, RPT)])

    @pl.when(c == 1)
    def _():
        pltpu.sync_copy(tblf.at[pl.ds(s * RPT, RPT)],
                        agg_hi.at[pl.ds(s * RPT, RPT)])



@functools.partial(
    pl.kernel,
    out_type=[
        jax.ShapeDtypeStruct((NP, 16), jnp.float32),
        jax.ShapeDtypeStruct((NP, 16), jnp.float32),
    ],
    mesh=_mesh,
    compiler_params=_sc_params,
    scratch_types=_seg_scratch(C2, 16),
)
def _sc_pass2(y1a, y1b, srcpp1d, dstpp1d, zeros16, agg1_lo, agg1_hi,
              tblf, sv0, sv1, dv0, dv1, rows, si0, si1, sd0, sd1, sg0, sg1, ss0, ss1):
    c = lax.axis_index("c")
    s = lax.axis_index("s")
    pltpu.sync_copy(zeros16, tblf.at[pl.ds(s * RPT, RPT)])
    plsc.subcore_barrier()

    n_chunks = EPT // C2
    edge_base = s * EPT
    srcv, dstv = (sv0, sv1), (dv0, dv1)
    semi, semd = (si0, si1), (sd0, sd1)
    semg, sems = (sg0, sg1), (ss0, ss1)

    @pl.when(c == 0)
    def _():
        _gather_scatter_chunks(n_chunks, C2, edge_base, srcpp1d, dstpp1d,
                               y1a, tblf, srcv, dstv, rows, semi, semd, semg, sems)

    @pl.when(c == 1)
    def _():
        _gather_scatter_chunks(n_chunks, C2, edge_base, srcpp1d, dstpp1d,
                               y1b, tblf, srcv, dstv, rows, semi, semd, semg, sems)

    plsc.subcore_barrier()

    @pl.when(c == 0)
    def _():
        pltpu.sync_copy(tblf.at[pl.ds(s * RPT, RPT)],
                        agg1_lo.at[pl.ds(s * RPT, RPT)])

    @pl.when(c == 1)
    def _():
        pltpu.sync_copy(tblf.at[pl.ds(s * RPT, RPT)],
                        agg1_hi.at[pl.ds(s * RPT, RPT)])



@functools.partial(
    pl.kernel,
    out_type=[
        jax.ShapeDtypeStruct((NP, 32), jnp.float32),
        jax.ShapeDtypeStruct((NP, 32), jnp.float32),
    ],
    mesh=_mesh,
    compiler_params=_sc_params,
    scratch_types=_seg_scratch(CHUNK, 32),
)
def _sc_pass3(y2_lo, y2_hi, srcpp1d, dstpp1d, zeros32, agg2_lo, agg2_hi,
              tblf, sv0, sv1, dv0, dv1, rows, si0, si1, sd0, sd1, sg0, sg1, ss0, ss1):
    c = lax.axis_index("c")
    s = lax.axis_index("s")
    pltpu.sync_copy(zeros32, tblf.at[pl.ds(s * RPT, RPT)])
    plsc.subcore_barrier()

    n_chunks = EPT // CHUNK
    edge_base = s * EPT
    srcv, dstv = (sv0, sv1), (dv0, dv1)
    semi, semd = (si0, si1), (sd0, sd1)
    semg, sems = (sg0, sg1), (ss0, ss1)

    @pl.when(c == 0)
    def _():
        _gather_scatter_chunks(n_chunks, CHUNK, edge_base, srcpp1d, dstpp1d,
                               y2_lo, tblf, srcv, dstv, rows, semi, semd,
                               semg, sems)

    @pl.when(c == 1)
    def _():
        _gather_scatter_chunks(n_chunks, CHUNK, edge_base, srcpp1d, dstpp1d,
                               y2_hi, tblf, srcv, dstv, rows, semi, semd,
                               semg, sems)

    plsc.subcore_barrier()

    @pl.when(c == 0)
    def _():
        pltpu.sync_copy(tblf.at[pl.ds(s * RPT, RPT)],
                        agg2_lo.at[pl.ds(s * RPT, RPT)])

    @pl.when(c == 1)
    def _():
        pltpu.sync_copy(tblf.at[pl.ds(s * RPT, RPT)],
                        agg2_hi.at[pl.ds(s * RPT, RPT)])



BLK = 2000


def _rows_spec(cols):
    return pl.BlockSpec((BLK, cols), lambda i: (i, 0))


def _full_spec(r, cols):
    return pl.BlockSpec((r, cols), lambda i: (0, 0))


def _tc_a(deg_ref, cnt_ref, xp_ref, alo_ref, ahi_ref, wl1_ref, bl1_ref,
          wr1_ref, wl2_ref, bl2_ref, y1a_ref, y1b_ref, s1_ref, s2_ref):
    dis = lax.rsqrt(deg_ref[:, 0:1] + 1.0)
    xp = xp_ref[...]
    y1 = xp * dis
    y1a_ref[...] = y1[:, 0:16]
    y1b_ref[...] = y1[:, 16:32]
    inv = 1.0 / jnp.maximum(cnt_ref[:, 0:1], 1.0)
    mlo = alo_ref[...] * inv
    mhi = ahi_ref[...] * inv
    wl1 = wl1_ref[...]
    wl2 = wl2_ref[...]
    dot = functools.partial(jnp.dot, preferred_element_type=jnp.float32)
    s1_ref[...] = (dot(mlo, wl1[0:32, :]) + dot(mhi, wl1[32:64, :])
                   + bl1_ref[...] + dot(xp, wr1_ref[...]))
    s2_ref[...] = dot(mlo, wl2[0:32, :]) + dot(mhi, wl2[32:64, :]) + bl2_ref[...]


def _tc_b(a1lo_ref, a1hi_ref, y1a_ref, y1b_ref, deg_ref, s1_ref, w1_ref,
          b1_ref, wr2_ref, s2_ref, y2lo_ref, y2hi_ref, hp_ref):
    dis = lax.rsqrt(deg_ref[:, 0:1] + 1.0)
    glo = (a1lo_ref[...] + y1a_ref[...]) * dis
    ghi = (a1hi_ref[...] + y1b_ref[...]) * dis
    dot = functools.partial(jnp.dot, preferred_element_type=jnp.float32)
    w1 = w1_ref[...]
    h = jnp.maximum(dot(glo, w1[0:16, :]) + dot(ghi, w1[16:32, :])
                    + b1_ref[...] + s1_ref[...], 0.0)
    y2 = h * dis
    y2lo_ref[...] = y2[:, 0:32]
    y2hi_ref[...] = y2[:, 32:64]
    hp_ref[...] = dot(h, wr2_ref[...]) + s2_ref[...]


def _tc_c(a2lo_ref, a2hi_ref, y2lo_ref, y2hi_ref, deg_ref, hp_ref, w2_ref,
          b2_ref, out_ref):
    dis = lax.rsqrt(deg_ref[:, 0:1] + 1.0)
    dot = functools.partial(jnp.dot, preferred_element_type=jnp.float32)
    w2 = w2_ref[...]
    out_ref[...] = (dot((a2lo_ref[...] + y2lo_ref[...]) * dis, w2[0:32, :])
                    + dot((a2hi_ref[...] + y2hi_ref[...]) * dis, w2[32:64, :])
                    + b2_ref[...] + hp_ref[...])


def _pad_edges(src, dst):
    pad = EPAD - E
    src_p = jnp.concatenate([src, jnp.zeros((pad,), jnp.int32)])
    dst_p = jnp.concatenate([dst, jnp.full((pad,), N, jnp.int32)])
    return src_p, dst_p


def kernel(x_paper, x_author, edge_index_pp, edge_index_ap, W_gcn1, b_gcn1,
           Wl_sage1, bl_sage1, Wr_sage1, W_gcn2, b_gcn2, Wl_sage2, bl_sage2,
           Wr_sage2):
    f32 = jnp.float32
    srcpp1d, dstpp1d = _pad_edges(edge_index_pp[0], edge_index_pp[1])
    srcap1d, dstap1d = _pad_edges(edge_index_ap[0], edge_index_ap[1])
    xa_lo = x_author[:, 0:32]
    xa_hi = x_author[:, 32:64]
    zeros32 = jnp.zeros((RPT, 32), f32)
    zeros16 = jnp.zeros((RPT, 16), f32)
    zeros8 = jnp.zeros((RPT, CW), f32)
    ones8 = jnp.ones((CC, CW), f32)

    cnt8, deg8 = _sc_pass0(dstap1d, dstpp1d, zeros8, ones8)
    agg_lo, agg_hi = _sc_pass1(xa_lo, xa_hi, srcap1d, dstap1d, zeros32)

    b2d = lambda b: b.reshape(1, 64)
    y1a, y1b, s1, s2m = pl.pallas_call(
        _tc_a,
        grid=(N // BLK,),
        in_specs=[_rows_spec(CW), _rows_spec(CW), _rows_spec(32),
                  _rows_spec(32), _rows_spec(32), _full_spec(64, 64),
                  _full_spec(1, 64), _full_spec(32, 64), _full_spec(64, 64),
                  _full_spec(1, 64)],
        out_specs=[_rows_spec(16), _rows_spec(16), _rows_spec(64),
                   _rows_spec(64)],
        out_shape=[jax.ShapeDtypeStruct((N, 16), f32),
                   jax.ShapeDtypeStruct((N, 16), f32),
                   jax.ShapeDtypeStruct((N, 64), f32),
                   jax.ShapeDtypeStruct((N, 64), f32)],
    )(deg8, cnt8, x_paper, agg_lo, agg_hi, Wl_sage1, b2d(bl_sage1),
      Wr_sage1, Wl_sage2, b2d(bl_sage2))

    agg1_lo, agg1_hi = _sc_pass2(y1a, y1b, srcpp1d, dstpp1d, zeros16)

    y2lo, y2hi, hpart = pl.pallas_call(
        _tc_b,
        grid=(N // BLK,),
        in_specs=[_rows_spec(16), _rows_spec(16), _rows_spec(16),
                  _rows_spec(16), _rows_spec(CW), _rows_spec(64),
                  _full_spec(32, 64), _full_spec(1, 64), _full_spec(64, 64),
                  _rows_spec(64)],
        out_specs=[_rows_spec(32), _rows_spec(32), _rows_spec(64)],
        out_shape=[jax.ShapeDtypeStruct((N, 32), f32),
                   jax.ShapeDtypeStruct((N, 32), f32),
                   jax.ShapeDtypeStruct((N, 64), f32)],
    )(agg1_lo, agg1_hi, y1a, y1b, deg8, s1, W_gcn1, b2d(b_gcn1), Wr_sage2,
      s2m)

    agg2_lo, agg2_hi = _sc_pass3(y2lo, y2hi, srcpp1d, dstpp1d, zeros32)

    out = pl.pallas_call(
        _tc_c,
        grid=(N // BLK,),
        in_specs=[_rows_spec(32), _rows_spec(32), _rows_spec(32),
                  _rows_spec(32), _rows_spec(CW), _rows_spec(64),
                  _full_spec(64, 64), _full_spec(1, 64)],
        out_specs=_rows_spec(64),
        out_shape=jax.ShapeDtypeStruct((N, 64), f32),
    )(agg2_lo, agg2_hi, y2lo, y2hi, deg8, hpart, W_gcn2, b2d(b_gcn2))

    return out

# --- scband reference (transcript-rebuilt; emitter-appended) ---
"""Pipeline reference for scband-hetro-net-8400956031233 (READ-ONLY COPY).

The authoritative reference and input builder live on the scoring server;
editing this copy changes nothing except your own understanding.
"""

import jax, jax.numpy as jnp
import numpy as np

N_PAPER = 50000
N_AUTHOR = 50000
E = 800000


def gcn_conv(x, edge_index, W, b):
    # PyG GCNConv: add self loops, symmetric normalization, linear transform
    n = x.shape[0]
    loop = jnp.arange(n, dtype=edge_index.dtype)
    src = jnp.concatenate([edge_index[0], loop])
    dst = jnp.concatenate([edge_index[1], loop])
    deg = jax.ops.segment_sum(jnp.ones_like(src, dtype=x.dtype), dst, num_segments=n)
    dis = jnp.where(deg > 0, 1.0 / jnp.sqrt(deg), 0.0)
    norm = dis[src] * dis[dst]
    xw = x @ W
    msg = xw[src] * norm[:, None]
    out = jax.ops.segment_sum(msg, dst, num_segments=n)
    return out + b


def sage_conv(x_src, x_dst, edge_index, Wl, bl, Wr):
    # PyG SAGEConv (bipartite, mean aggregation): lin_l(mean_neighbors) + lin_r(x_dst)
    n_dst = x_dst.shape[0]
    src, dst = edge_index[0], edge_index[1]
    s = jax.ops.segment_sum(x_src[src], dst, num_segments=n_dst)
    cnt = jax.ops.segment_sum(jnp.ones((src.shape[0],), x_src.dtype), dst, num_segments=n_dst)
    mean = s / jnp.maximum(cnt, 1.0)[:, None]
    return mean @ Wl + bl + x_dst @ Wr


def setup_inputs(seed: int = 0):
    key = jax.random.key(seed)
    ks = jax.random.split(key, 16)
    inp = {}
    inp['x_paper'] = jax.random.normal(ks[0], (N_PAPER, 32), jnp.float32)
    inp['x_author'] = jax.random.normal(ks[1], (N_AUTHOR, 64), jnp.float32)
    inp['edge_index_pp'] = jax.random.randint(ks[2], (2, E), 0, N_PAPER, jnp.int32)
    inp['edge_index_ap'] = jax.random.randint(ks[3], (2, E), 0, N_PAPER, jnp.int32)
    # conv1 params
    inp['W_gcn1'] = jax.random.normal(ks[4], (32, 64), jnp.float32) / np.sqrt(32.0)
    inp['b_gcn1'] = jnp.zeros((64,), jnp.float32)
    inp['Wl_sage1'] = jax.random.normal(ks[5], (64, 64), jnp.float32) / np.sqrt(64.0)
    inp['bl_sage1'] = jnp.zeros((64,), jnp.float32)
    inp['Wr_sage1'] = jax.random.normal(ks[6], (32, 64), jnp.float32) / np.sqrt(32.0)
    # conv2 params
    inp['W_gcn2'] = jax.random.normal(ks[7], (64, 64), jnp.float32) / np.sqrt(64.0)
    inp['b_gcn2'] = jnp.zeros((64,), jnp.float32)
    inp['Wl_sage2'] = jax.random.normal(ks[8], (64, 64), jnp.float32) / np.sqrt(64.0)
    inp['bl_sage2'] = jnp.zeros((64,), jnp.float32)
    inp['Wr_sage2'] = jax.random.normal(ks[9], (64, 64), jnp.float32) / np.sqrt(64.0)
    return inp


def reference(x_paper, x_author, edge_index_pp, edge_index_ap,
              W_gcn1, b_gcn1, Wl_sage1, bl_sage1, Wr_sage1,
              W_gcn2, b_gcn2, Wl_sage2, bl_sage2, Wr_sage2):
    # HeteroConv layer 1: dst type 'paper' aggregates (sum) over both edge types
    h = gcn_conv(x_paper, edge_index_pp, W_gcn1, b_gcn1) \
        + sage_conv(x_author, x_paper, edge_index_ap, Wl_sage1, bl_sage1, Wr_sage1)
    h = jax.nn.relu(h)
    # HeteroConv layer 2 (author features pass through from input, 64-dim)
    out = gcn_conv(h, edge_index_pp, W_gcn2, b_gcn2) \
        + sage_conv(x_author, h, edge_index_ap, Wl_sage2, bl_sage2, Wr_sage2)
    return out

if __name__ == "__main__":
    import jax
    _d = setup_inputs()
    print(jax.jit(kernel)(*tuple(_d.values())))

</pallas_src>

<mosaic_0001>
#map = affine_map<(d0, d1) -> (0)>
#map1 = affine_map<(d0, d1) -> (0, 0)>
module attributes {stable_mosaic.version = 14 : i64} {
  func.func @_sc_pass0(%arg0: i32, %arg1: i32, %arg2: memref<802816xi32, #tpu.memory_space<hbm>>, %arg3: memref<802816xi32, #tpu.memory_space<hbm>>, %arg4: memref<3136x8xf32, #tpu.memory_space<hbm>>, %arg5: memref<3136x8xf32, #tpu.memory_space<hbm>>, %arg6: memref<50176x8xf32, #tpu.memory_space<hbm>>, %arg7: memref<50176x8xf32, #tpu.memory_space<hbm>>, %arg8: memref<50176x8xf32, #tpu.memory_space<vmem_shared>>, %arg9: memref<3136xi32, #tpu.memory_space<vmem>>, %arg10: memref<3136x8xf32, #tpu.memory_space<vmem>>, %arg11: memref<!tpu.dma_semaphore, #tpu.memory_space<semaphore_mem>>) attributes {dimension_semantics = [#tpu.dimension_semantics<core_parallel>, #tpu.dimension_semantics<subcore_parallel>], iteration_bounds = array<i64: 2, 16>, scalar_prefetch = 0 : i64, scratch_operands = 4 : i64, tpu.core_type = #tpu.core_type<sc_vector_subcore>, window_params = [{transform_indices = #map}, {transform_indices = #map}, {transform_indices = #map1}, {transform_indices = #map1}, {transform_indices = #map1}, {transform_indices = #map1}]} {
    "tpu.region"() ({
      %run_scoped3A = tpu.sem_alloc : memref<!tpu.dma_semaphore, #tpu.memory_space<semaphore_mem>>
      tpu.enqueue_dma source(%arg5 : memref<3136x8xf32, #tpu.memory_space<hbm>>) target(%arg10 : memref<3136x8xf32, #tpu.memory_space<vmem>>) target_semaphore(%run_scoped3A : memref<!tpu.dma_semaphore, #tpu.memory_space<semaphore_mem>>)
      tpu.wait_dma2 semaphore(%run_scoped3A : memref<!tpu.dma_semaphore, #tpu.memory_space<semaphore_mem>>) src(%arg5 : memref<3136x8xf32, #tpu.memory_space<hbm>>) dst(%arg10 : memref<3136x8xf32, #tpu.memory_space<vmem>>)
      tpu.yield
    }) : () -> ()
    %mul3A = arith.constant 3136 : i32
    %mul3A_0 = arith.muli %arg1, %mul3A : i32
    "tpu.region"() ({
      %run_scoped3A = tpu.sem_alloc : memref<!tpu.dma_semaphore, #tpu.memory_space<semaphore_mem>>
      %dma_start3A = arith.constant 0 : i32
      %dma_start3A_21 = tpu.memref_slice %arg8[%mul3A_0, %dma_start3A] : memref<50176x8xf32, #tpu.memory_space<vmem_shared>> -> memref<3136x8xf32, #tpu.memory_space<vmem_shared>>
      tpu.enqueue_dma source(%arg4 : memref<3136x8xf32, #tpu.memory_space<hbm>>) target(%dma_start3A_21 : memref<3136x8xf32, #tpu.memory_space<vmem_shared>>) target_semaphore(%run_scoped3A : memref<!tpu.dma_semaphore, #tpu.memory_space<semaphore_mem>>)
      %dma_wait3A = arith.constant 0 : i32
      %dma_wait3A_22 = tpu.memref_slice %arg8[%mul3A_0, %dma_wait3A] : memref<50176x8xf32, #tpu.memory_space<vmem_shared>> -> memref<3136x8xf32, #tpu.memory_space<vmem_shared>>
      tpu.wait_dma2 semaphore(%run_scoped3A : memref<!tpu.dma_semaphore, #tpu.memory_space<semaphore_mem>>) src(%arg4 : memref<3136x8xf32, #tpu.memory_space<hbm>>) dst(%dma_wait3A_22 : memref<3136x8xf32, #tpu.memory_space<vmem_shared>>)
      tpu.yield
    }) : () -> ()
    %barrier3A = arith.constant 0 : index
    tpu.barrier barrier_id(%barrier3A)
    %mul3A_1 = arith.constant 50176 : i32
    %mul3A_2 = arith.muli %arg1, %mul3A_1 : i32
    %eq3A = arith.constant 0 : i32
    %eq3A_3 = arith.cmpi eq, %arg0, %eq3A : i32
    %convert_element_type3A = arith.extui %eq3A_3 : i1 to i32
    %cond3A = arith.constant 0 : i32
    %cond3A_4 = arith.cmpi ne, %convert_element_type3A, %cond3A : i32
    scf.if %cond3A_4 {
      %scan3A = arith.constant 0 : i32
      %scan3A_21 = arith.constant 0 : i32
      %scan3A_22 = arith.constant 16 : i32
      %scan3A_23 = arith.addi %scan3A_21, %scan3A_22 : i32
      %scan3A_24 = arith.constant 1 : i32
      scf.for %scan3A_26 = %scan3A_21 to %scan3A_23 step %scan3A_24  : i32 {
        %mul3A_27 = arith.constant 3136 : i32
        %mul3A_28 = arith.muli %scan3A_26, %mul3A_27 : i32
        %add3A = arith.addi %mul3A_2, %mul3A_28 : i32
        "tpu.region"() ({
          %run_scoped3A = tpu.sem_alloc : memref<!tpu.dma_semaphore, #tpu.memory_space<semaphore_mem>>
          %dma_start3A_33 = tpu.memref_slice %arg2[%add3A] : memref<802816xi32, #tpu.memory_space<hbm>> -> memref<3136xi32, #tpu.memory_space<hbm>>
          %dma_start3A_34 = tpu.memref_slice %arg2[%add3A] : memref<802816xi32, #tpu.memory_space<hbm>> -> memref<3136xi32, #tpu.memory_space<hbm>>
          tpu.enqueue_dma source(%dma_start3A_34 : memref<3136xi32, #tpu.memory_space<hbm>>) target(%arg9 : memref<3136xi32, #tpu.memory_space<vmem>>) target_semaphore(%run_scoped3A : memref<!tpu.dma_semaphore, #tpu.memory_space<semaphore_mem>>)
          %dma_wait3A_35 = tpu.memref_slice %arg2[%add3A] : memref<802816xi32, #tpu.memory_space<hbm>> -> memref<3136xi32, #tpu.memory_space<hbm>>
          %dma_wait3A_36 = tpu.memref_slice %arg2[%add3A] : memref<802816xi32, #tpu.memory_space<hbm>> -> memref<3136xi32, #tpu.memory_space<hbm>>
          tpu.wait_dma2 semaphore(%run_scoped3A : memref<!tpu.dma_semaphore, #tpu.memory_space<semaphore_mem>>) src(%dma_wait3A_36 : memref<3136xi32, #tpu.memory_space<hbm>>) dst(%arg9 : memref<3136xi32, #tpu.memory_space<vmem>>)
          tpu.yield
        }) : () -> ()
        %dma_start3A = arith.constant 0 : i32
        %dma_start3A_29 = arith.constant 0 : i32
        %dma_start3A_30 = tpu.memref_slice %arg8[%dma_start3A, %dma_start3A_29] : memref<50176x8xf32, #tpu.memory_space<vmem_shared>> -> memref<50176x8xf32, #tpu.memory_space<vmem_shared>>
        tpu.enqueue_indirect_dma source(%arg10 : memref<3136x8xf32, #tpu.memory_space<vmem>>) target(%dma_start3A_30 : memref<50176x8xf32, #tpu.memory_space<vmem_shared>>) offsets(%arg9 : memref<3136xi32, #tpu.memory_space<vmem>>) semaphore(%arg11 : memref<!tpu.dma_semaphore, #tpu.memory_space<semaphore_mem>>) {add = true}
        %dma_wait3A = arith.constant 0 : i32
        %dma_wait3A_31 = arith.constant 0 : i32
        %dma_wait3A_32 = tpu.memref_slice %arg8[%dma_wait3A, %dma_wait3A_31] : memref<50176x8xf32, #tpu.memory_space<vmem_shared>> -> memref<50176x8xf32, #tpu.memory_space<vmem_shared>>
        tpu.wait_indirect_dma semaphore(%arg11 : memref<!tpu.dma_semaphore, #tpu.memory_space<semaphore_mem>>) src(%arg10 : memref<3136x8xf32, #tpu.memory_space<vmem>>) dst(%dma_wait3A_32 : memref<50176x8xf32, #tpu.memory_space<vmem_shared>>)
      }
      %scan3A_25 = arith.constant 16 : i32
    } else {
    }
    %eq3A_5 = arith.constant 1 : i32
    %eq3A_6 = arith.cmpi eq, %arg0, %eq3A_5 : i32
    %convert_element_type3A_7 = arith.extui %eq3A_6 : i1 to i32
    %cond3A_8 = arith.constant 0 : i32
    %cond3A_9 = arith.cmpi ne, %convert_element_type3A_7, %cond3A_8 : i32
    scf.if %cond3A_9 {
      %scan3A = arith.constant 0 : i32
      %scan3A_21 = arith.constant 0 : i32
      %scan3A_22 = arith.constant 16 : i32
      %scan3A_23 = arith.addi %scan3A_21, %scan3A_22 : i32
      %scan3A_24 = arith.constant 1 : i32
      scf.for %scan3A_26 = %scan3A_21 to %scan3A_23 step %scan3A_24  : i32 {
        %mul3A_27 = arith.constant 3136 : i32
        %mul3A_28 = arith.muli %scan3A_26, %mul3A_27 : i32
        %add3A = arith.addi %mul3A_2, %mul3A_28 : i32
        "tpu.region"() ({
          %run_scoped3A = tpu.sem_alloc : memref<!tpu.dma_semaphore, #tpu.memory_space<semaphore_mem>>
          %dma_start3A_33 = tpu.memref_slice %arg3[%add3A] : memref<802816xi32, #tpu.memory_space<hbm>> -> memref<3136xi32, #tpu.memory_space<hbm>>
          %dma_start3A_34 = tpu.memref_slice %arg3[%add3A] : memref<802816xi32, #tpu.memory_space<hbm>> -> memref<3136xi32, #tpu.memory_space<hbm>>
          tpu.enqueue_dma source(%dma_start3A_34 : memref<3136xi32, #tpu.memory_space<hbm>>) target(%arg9 : memref<3136xi32, #tpu.memory_space<vmem>>) target_semaphore(%run_scoped3A : memref<!tpu.dma_semaphore, #tpu.memory_space<semaphore_mem>>)
          %dma_wait3A_35 = tpu.memref_slice %arg3[%add3A] : memref<802816xi32, #tpu.memory_space<hbm>> -> memref<3136xi32, #tpu.memory_space<hbm>>
          %dma_wait3A_36 = tpu.memref_slice %arg3[%add3A] : memref<802816xi32, #tpu.memory_space<hbm>> -> memref<3136xi32, #tpu.memory_space<hbm>>
          tpu.wait_dma2 semaphore(%run_scoped3A : memref<!tpu.dma_semaphore, #tpu.memory_space<semaphore_mem>>) src(%dma_wait3A_36 : memref<3136xi32, #tpu.memory_space<hbm>>) dst(%arg9 : memref<3136xi32, #tpu.memory_space<vmem>>)
          tpu.yield
        }) : () -> ()
        %dma_start3A = arith.constant 0 : i32
        %dma_start3A_29 = arith.constant 0 : i32
        %dma_start3A_30 = tpu.memref_slice %arg8[%dma_start3A, %dma_start3A_29] : memref<50176x8xf32, #tpu.memory_space<vmem_shared>> -> memref<50176x8xf32, #tpu.memory_space<vmem_shared>>
        tpu.enqueue_indirect_dma source(%arg10 : memref<3136x8xf32, #tpu.memory_space<vmem>>) target(%dma_start3A_30 : memref<50176x8xf32, #tpu.memory_space<vmem_shared>>) offsets(%arg9 : memref<3136xi32, #tpu.memory_space<vmem>>) semaphore(%arg11 : memref<!tpu.dma_semaphore, #tpu.memory_space<semaphore_mem>>) {add = true}
        %dma_wait3A = arith.constant 0 : i32
        %dma_wait3A_31 = arith.constant 0 : i32
        %dma_wait3A_32 = tpu.memref_slice %arg8[%dma_wait3A, %dma_wait3A_31] : memref<50176x8xf32, #tpu.memory_space<vmem_shared>> -> memref<50176x8xf32, #tpu.memory_space<vmem_shared>>
        tpu.wait_indirect_dma semaphore(%arg11 : memref<!tpu.dma_semaphore, #tpu.memory_space<semaphore_mem>>) src(%arg10 : memref<3136x8xf32, #tpu.memory_space<vmem>>) dst(%dma_wait3A_32 : memref<50176x8xf32, #tpu.memory_space<vmem_shared>>)
      }
      %scan3A_25 = arith.constant 16 : i32
    } else {
    }
    %barrier3A_10 = arith.constant 0 : index
    tpu.barrier barrier_id(%barrier3A_10)
    %eq3A_11 = arith.constant 0 : i32
    %eq3A_12 = arith.cmpi eq, %arg0, %eq3A_11 : i32
    %convert_element_type3A_13 = arith.extui %eq3A_12 : i1 to i32
    %cond3A_14 = arith.constant 0 : i32
    %cond3A_15 = arith.cmpi ne, %convert_element_type3A_13, %cond3A_14 : i32
    scf.if %cond3A_15 {
      %mul3A_21 = arith.constant 3136 : i32
      %mul3A_22 = arith.muli %arg1, %mul3A_21 : i32
      %mul3A_23 = arith.constant 3136 : i32
      %mul3A_24 = arith.muli %arg1, %mul3A_23 : i32
      "tpu.region"() ({
        %run_scoped3A = tpu.sem_alloc : memref<!tpu.dma_semaphore, #tpu.memory_space<semaphore_mem>>
        %dma_start3A = arith.constant 0 : i32
        %dma_start3A_25 = tpu.memref_slice %arg6[%mul3A_24, %dma_start3A] : memref<50176x8xf32, #tpu.memory_space<hbm>> -> memref<3136x8xf32, #tpu.memory_space<hbm>>
        %dma_start3A_26 = arith.constant 0 : i32
        %dma_start3A_27 = tpu.memref_slice %arg8[%mul3A_22, %dma_start3A_26] : memref<50176x8xf32, #tpu.memory_space<vmem_shared>> -> memref<3136x8xf32, #tpu.memory_space<vmem_shared>>
        tpu.enqueue_dma source(%dma_start3A_27 : memref<3136x8xf32, #tpu.memory_space<vmem_shared>>) target(%dma_start3A_25 : memref<3136x8xf32, #tpu.memory_space<hbm>>) target_semaphore(%run_scoped3A : memref<!tpu.dma_semaphore, #tpu.memory_space<semaphore_mem>>)
        %dma_wait3A = arith.constant 0 : i32
        %dma_wait3A_28 = tpu.memref_slice %arg6[%mul3A_24, %dma_wait3A] : memref<50176x8xf32, #tpu.memory_space<hbm>> -> memref<3136x8xf32, #tpu.memory_space<hbm>>
        %dma_wait3A_29 = arith.constant 0 : i32
        %dma_wait3A_30 = tpu.memref_slice %arg8[%mul3A_22, %dma_wait3A_29] : memref<50176x8xf32, #tpu.memory_space<vmem_shared>> -> memref<3136x8xf32, #tpu.memory_space<vmem_shared>>
        tpu.wait_dma2 semaphore(%run_scoped3A : memref<!tpu.dma_semaphore, #tpu.memory_space<semaphore_mem>>) src(%dma_wait3A_30 : memref<3136x8xf32, #tpu.memory_space<vmem_shared>>) dst(%dma_wait3A_28 : memref<3136x8xf32, #tpu.memory_space<hbm>>)
        tpu.yield
      }) : () -> ()
    } else {
    }
    %eq3A_16 = arith.constant 1 : i32
    %eq3A_17 = arith.cmpi eq, %arg0, %eq3A_16 : i32
    %convert_element_type3A_18 = arith.extui %eq3A_17 : i1 to i32
    %cond3A_19 = arith.constant 0 : i32
    %cond3A_20 = arith.cmpi ne, %convert_element_type3A_18, %cond3A_19 : i32
    scf.if %cond3A_20 {
      %mul3A_21 = arith.constant 3136 : i32
      %mul3A_22 = arith.muli %arg1, %mul3A_21 : i32
      %mul3A_23 = arith.constant 3136 : i32
      %mul3A_24 = arith.muli %arg1, %mul3A_23 : i32
      "tpu.region"() ({
        %run_scoped3A = tpu.sem_alloc : memref<!tpu.dma_semaphore, #tpu.memory_space<semaphore_mem>>
        %dma_start3A = arith.constant 0 : i32
        %dma_start3A_25 = tpu.memref_slice %arg7[%mul3A_24, %dma_start3A] : memref<50176x8xf32, #tpu.memory_space<hbm>> -> memref<3136x8xf32, #tpu.memory_space<hbm>>
        %dma_start3A_26 = arith.constant 0 : i32
        %dma_start3A_27 = tpu.memref_slice %arg8[%mul3A_22, %dma_start3A_26] : memref<50176x8xf32, #tpu.memory_space<vmem_shared>> -> memref<3136x8xf32, #tpu.memory_space<vmem_shared>>
        tpu.enqueue_dma source(%dma_start3A_27 : memref<3136x8xf32, #tpu.memory_space<vmem_shared>>) target(%dma_start3A_25 : memref<3136x8xf32, #tpu.memory_space<hbm>>) target_semaphore(%run_scoped3A : memref<!tpu.dma_semaphore, #tpu.memory_space<semaphore_mem>>)
        %dma_wait3A = arith.constant 0 : i32
        %dma_wait3A_28 = tpu.memref_slice %arg7[%mul3A_24, %dma_wait3A] : memref<50176x8xf32, #tpu.memory_space<hbm>> -> memref<3136x8xf32, #tpu.memory_space<hbm>>
        %dma_wait3A_29 = arith.constant 0 : i32
        %dma_wait3A_30 = tpu.memref_slice %arg8[%mul3A_22, %dma_wait3A_29] : memref<50176x8xf32, #tpu.memory_space<vmem_shared>> -> memref<3136x8xf32, #tpu.memory_space<vmem_shared>>
        tpu.wait_dma2 semaphore(%run_scoped3A : memref<!tpu.dma_semaphore, #tpu.memory_space<semaphore_mem>>) src(%dma_wait3A_30 : memref<3136x8xf32, #tpu.memory_space<vmem_shared>>) dst(%dma_wait3A_28 : memref<3136x8xf32, #tpu.memory_space<hbm>>)
        tpu.yield
      }) : () -> ()
    } else {
    }
    return
  }
}

#map = affine_map<(d0, d1) -> (0, 0)>
#map1 = affine_map<(d0, d1) -> (0)>
module attributes {stable_mosaic.version = 14 : i64} {
  func.func @_sc_pass2(%arg0: i32, %arg1: i32, %arg2: memref<50000x16xf32, #tpu.memory_space<hbm>>, %arg3: memref<50000x16xf32, #tpu.memory_space<hbm>>, %arg4: memref<802816xi32, #tpu.memory_space<hbm>>, %arg5: memref<802816xi32, #tpu.memory_space<hbm>>, %arg6: memref<3136x16xf32, #tpu.memory_space<hbm>>, %arg7: memref<50176x16xf32, #tpu.memory_space<hbm>>, %arg8: memref<50176x16xf32, #tpu.memory_space<hbm>>, %arg9: memref<50176x16xf32, #tpu.memory_space<vmem_shared>>, %arg10: memref<1792xi32, #tpu.memory_space<vmem>>, %arg11: memref<1792xi32, #tpu.memory_space<vmem>>, %arg12: memref<1792xi32, #tpu.memory_space<vmem>>, %arg13: memref<1792xi32, #tpu.memory_space<vmem>>, %arg14: memref<3584x16xf32, #tpu.memory_space<vmem>>, %arg15: memref<!tpu.dma_semaphore, #tpu.memory_space<semaphore_mem>>, %arg16: memref<!tpu.dma_semaphore, #tpu.memory_space<semaphore_mem>>, %arg17: memref<!tpu.dma_semaphore, #tpu.memory_space<semaphore_mem>>, %arg18: memref<!tpu.dma_semaphore, #tpu.memory_space<semaphore_mem>>, %arg19: memref<!tpu.dma_semaphore, #tpu.memory_space<semaphore_mem>>, %arg20: memref<!tpu.dma_semaphore, #tpu.memory_space<semaphore_mem>>, %arg21: memref<!tpu.dma_semaphore, #tpu.memory_space<semaphore_mem>>, %arg22: memref<!tpu.dma_semaphore, #tpu.memory_space<semaphore_mem>>) attributes {dimension_semantics = [#tpu.dimension_semantics<core_parallel>, #tpu.dimension_semantics<subcore_parallel>], iteration_bounds = array<i64: 2, 16>, scalar_prefetch = 0 : i64, scratch_operands = 14 : i64, tpu.core_type = #tpu.core_type<sc_vector_subcore>, window_params = [{transform_indices = #map}, {transform_indices = #map}, {transform_indices = #map1}, {transform_indices = #map1}, {transform_indices = #map}, {transform_indices = #map}, {transform_indices = #map}]} {
    %mul3A = arith.constant 3136 : i32
    %mul3A_0 = arith.muli %arg1, %mul3A : i32
    "tpu.region"() ({
      %run_scoped3A = tpu.sem_alloc : memref<!tpu.dma_semaphore, #tpu.memory_space<semaphore_mem>>
      %dma_start3A = arith.constant 0 : i32
      %dma_start3A_21 = tpu.memref_slice %arg9[%mul3A_0, %dma_start3A] : memref<50176x16xf32, #tpu.memory_space<vmem_shared>> -> memref<3136x16xf32, #tpu.memory_space<vmem_shared>>
      tpu.enqueue_dma source(%arg6 : memref<3136x16xf32, #tpu.memory_space<hbm>>) target(%dma_start3A_21 : memref<3136x16xf32, #tpu.memory_space<vmem_shared>>) target_semaphore(%run_scoped3A : memref<!tpu.dma_semaphore, #tpu.memory_space<semaphore_mem>>)
      %dma_wait3A = arith.constant 0 : i32
      %dma_wait3A_22 = tpu.memref_slice %arg9[%mul3A_0, %dma_wait3A] : memref<50176x16xf32, #tpu.memory_space<vmem_shared>> -> memref<3136x16xf32, #tpu.memory_space<vmem_shared>>
      tpu.wait_dma2 semaphore(%run_scoped3A : memref<!tpu.dma_semaphore, #tpu.memory_space<semaphore_mem>>) src(%arg6 : memref<3136x16xf32, #tpu.memory_space<hbm>>) dst(%dma_wait3A_22 : memref<3136x16xf32, #tpu.memory_space<vmem_shared>>)
      tpu.yield
    }) : () -> ()
    %barrier3A = arith.constant 0 : index
    tpu.barrier barrier_id(%barrier3A)
    %mul3A_1 = arith.constant 50176 : i32
    %mul3A_2 = arith.muli %arg1, %mul3A_1 : i32
    %eq3A = arith.constant 0 : i32
    %eq3A_3 = arith.cmpi eq, %arg0, %eq3A : i32
    %convert_element_type3A = arith.extui %eq3A_3 : i1 to i32
    %cond3A = arith.constant 0 : i32
    %cond3A_4 = arith.cmpi ne, %convert_element_type3A, %cond3A : i32
    scf.if %cond3A_4 {
      %add3A = arith.constant 0 : i32
      %add3A_21 = arith.addi %mul3A_2, %add3A : i32
      %dma_start3A = tpu.memref_slice %arg4[%add3A_21] : memref<802816xi32, #tpu.memory_space<hbm>> -> memref<1792xi32, #tpu.memory_space<hbm>>
      %dma_start3A_22 = tpu.memref_slice %arg4[%add3A_21] : memref<802816xi32, #tpu.memory_space<hbm>> -> memref<1792xi32, #tpu.memory_space<hbm>>
      tpu.enqueue_dma source(%dma_start3A_22 : memref<1792xi32, #tpu.memory_space<hbm>>) target(%arg10 : memref<1792xi32, #tpu.memory_space<vmem>>) target_semaphore(%arg15 : memref<!tpu.dma_semaphore, #tpu.memory_space<semaphore_mem>>)
      %add3A_23 = arith.constant 1792 : i32
      %add3A_24 = arith.addi %mul3A_2, %add3A_23 : i32
      %dma_start3A_25 = tpu.memref_slice %arg4[%add3A_24] : memref<802816xi32, #tpu.memory_space<hbm>> -> memref<1792xi32, #tpu.memory_space<hbm>>
      %dma_start3A_26 = tpu.memref_slice %arg4[%add3A_24] : memref<802816xi32, #tpu.memory_space<hbm>> -> memref<1792xi32, #tpu.memory_space<hbm>>
      tpu.enqueue_dma source(%dma_start3A_26 : memref<1792xi32, #tpu.memory_space<hbm>>) target(%arg11 : memref<1792xi32, #tpu.memory_space<vmem>>) target_semaphore(%arg16 : memref<!tpu.dma_semaphore, #tpu.memory_space<semaphore_mem>>)
      %add3A_27 = arith.constant 0 : i32
      %add3A_28 = arith.addi %mul3A_2, %add3A_27 : i32
      %dma_start3A_29 = tpu.memref_slice %arg5[%add3A_28] : memref<802816xi32, #tpu.memory_space<hbm>> -> memref<1792xi32, #tpu.memory_space<hbm>>
      %dma_start3A_30 = tpu.memref_slice %arg5[%add3A_28] : memref<802816xi32, #tpu.memory_space<hbm>> -> memref<1792xi32, #tpu.memory_space<hbm>>
      tpu.enqueue_dma source(%dma_start3A_30 : memref<1792xi32, #tpu.memory_space<hbm>>) target(%arg12 : memref<1792xi32, #tpu.memory_space<vmem>>) target_semaphore(%arg17 : memref<!tpu.dma_semaphore, #tpu.memory_space<semaphore_mem>>)
      %add3A_31 = arith.constant 0 : i32
      %add3A_32 = arith.addi %mul3A_2, %add3A_31 : i32
      %dma_wait3A = tpu.memref_slice %arg4[%add3A_32] : memref<802816xi32, #tpu.memory_space<hbm>> -> memref<1792xi32, #tpu.memory_space<hbm>>
      %dma_wait3A_33 = tpu.memref_slice %arg4[%add3A_32] : memref<802816xi32, #tpu.memory_space<hbm>> -> memref<1792xi32, #tpu.memory_space<hbm>>
      tpu.wait_dma2 semaphore(%arg15 : memref<!tpu.dma_semaphore, #tpu.memory_space<semaphore_mem>>) src(%dma_wait3A_33 : memref<1792xi32, #tpu.memory_space<hbm>>) dst(%arg10 : memref<1792xi32, #tpu.memory_space<vmem>>)
      %dma_start3A_34 = arith.constant 0 : i32
      %dma_start3A_35 = arith.constant 0 : i32
      %dma_start3A_36 = tpu.memref_slice %arg14[%dma_start3A_34, %dma_start3A_35] : memref<3584x16xf32, #tpu.memory_space<vmem>> -> memref<1792x16xf32, #tpu.memory_space<vmem>>
      %dma_start3A_37 = arith.constant 0 : i32
      %dma_start3A_38 = arith.constant 0 : i32
      %dma_start3A_39 = tpu.memref_slice %arg2[%dma_start3A_37, %dma_start3A_38] : memref<50000x16xf32, #tpu.memory_space<hbm>> -> memref<50000x16xf32, #tpu.memory_space<hbm>>
      tpu.enqueue_indirect_dma source(%dma_start3A_39 : memref<50000x16xf32, #tpu.memory_space<hbm>>) target(%dma_start3A_36 : memref<1792x16xf32, #tpu.memory_space<vmem>>) offsets(%arg10 : memref<1792xi32, #tpu.memory_space<vmem>>) semaphore(%arg19 : memref<!tpu.dma_semaphore, #tpu.memory_space<semaphore_mem>>)
      %scan3A = arith.constant 0 : i32
      %scan3A_40 = arith.constant 0 : i32
      %scan3A_41 = arith.constant 14 : i32
      %scan3A_42 = arith.addi %scan3A_40, %scan3A_41 : i32
      %scan3A_43 = arith.constant 1 : i32
      scf.for %scan3A_57 = %scan3A_40 to %scan3A_42 step %scan3A_43  : i32 {
        %mul3A_58 = arith.constant 2 : i32
        %mul3A_59 = arith.muli %mul3A_58, %scan3A_57 : i32
        %add3A_60 = arith.constant 0 : i32
        %add3A_61 = arith.addi %mul3A_59, %add3A_60 : i32
        %ge3A = arith.constant 1 : i32
        %ge3A_62 = arith.cmpi sge, %add3A_61, %ge3A : i32
        %convert_element_type3A_63 = arith.extui %ge3A_62 : i1 to i32
        %cond3A_64 = arith.constant 0 : i32
        %cond3A_65 = arith.cmpi ne, %convert_element_type3A_63, %cond3A_64 : i32
        scf.if %cond3A_65 {
          %dma_wait3A_136 = arith.constant 1792 : i32
          %dma_wait3A_137 = arith.constant 0 : i32
          %dma_wait3A_138 = tpu.memref_slice %arg14[%dma_wait3A_136, %dma_wait3A_137] : memref<3584x16xf32, #tpu.memory_space<vmem>> -> memref<1792x16xf32, #tpu.memory_space<vmem>>
          %dma_wait3A_139 = arith.constant 0 : i32
          %dma_wait3A_140 = arith.constant 0 : i32
          %dma_wait3A_141 = tpu.memref_slice %arg2[%dma_wait3A_139, %dma_wait3A_140] : memref<50000x16xf32, #tpu.memory_space<hbm>> -> memref<1792x16xf32, #tpu.memory_space<hbm>>
          %dma_wait3A_142 = arith.constant 1792 : i32
          %dma_wait3A_143 = arith.constant 0 : i32
          %dma_wait3A_144 = tpu.memref_slice %arg14[%dma_wait3A_142, %dma_wait3A_143] : memref<3584x16xf32, #tpu.memory_space<vmem>> -> memref<1792x16xf32, #tpu.memory_space<vmem>>
          %dma_wait3A_145 = arith.constant 0 : i32
          %dma_wait3A_146 = arith.constant 0 : i32
          %dma_wait3A_147 = tpu.memref_slice %arg2[%dma_wait3A_145, %dma_wait3A_146] : memref<50000x16xf32, #tpu.memory_space<hbm>> -> memref<1792x16xf32, #tpu.memory_space<hbm>>
          tpu.wait_dma2 semaphore(%arg22 : memref<!tpu.dma_semaphore, #tpu.memory_space<semaphore_mem>>) src(%dma_wait3A_147 : memref<1792x16xf32, #tpu.memory_space<hbm>>) dst(%dma_wait3A_144 : memref<1792x16xf32, #tpu.memory_space<vmem>>)
        } else {
        }
        %add3A_66 = arith.constant 1 : i32
        %add3A_67 = arith.addi %add3A_61, %add3A_66 : i32
        %lt3A = arith.constant 28 : i32
        %lt3A_68 = arith.cmpi slt, %add3A_67, %lt3A : i32
        %convert_element_type3A_69 = arith.extui %lt3A_68 : i1 to i32
        %cond3A_70 = arith.constant 0 : i32
        %cond3A_71 = arith.cmpi ne, %convert_element_type3A_69, %cond3A_70 : i32
        scf.if %cond3A_71 {
          %add3A_136 = arith.constant 1 : i32
          %add3A_137 = arith.addi %add3A_61, %add3A_136 : i32
          %mul3A_138 = arith.constant 1792 : i32
          %mul3A_139 = arith.muli %add3A_137, %mul3A_138 : i32
          %add3A_140 = arith.addi %mul3A_2, %mul3A_139 : i32
          %dma_wait3A_141 = tpu.memref_slice %arg4[%add3A_140] : memref<802816xi32, #tpu.memory_space<hbm>> -> memref<1792xi32, #tpu.memory_space<hbm>>
          %dma_wait3A_142 = tpu.memref_slice %arg4[%add3A_140] : memref<802816xi32, #tpu.memory_space<hbm>> -> memref<1792xi32, #tpu.memory_space<hbm>>
          tpu.wait_dma2 semaphore(%arg16 : memref<!tpu.dma_semaphore, #tpu.memory_space<semaphore_mem>>) src(%dma_wait3A_142 : memref<1792xi32, #tpu.memory_space<hbm>>) dst(%arg11 : memref<1792xi32, #tpu.memory_space<vmem>>)
          %dma_start3A_143 = arith.constant 1792 : i32
          %dma_start3A_144 = arith.constant 0 : i32
          %dma_start3A_145 = tpu.memref_slice %arg14[%dma_start3A_143, %dma_start3A_144] : memref<3584x16xf32, #tpu.memory_space<vmem>> -> memref<1792x16xf32, #tpu.memory_space<vmem>>
          %dma_start3A_146 = arith.constant 0 : i32
          %dma_start3A_147 = arith.constant 0 : i32
          %dma_start3A_148 = tpu.memref_slice %arg2[%dma_start3A_146, %dma_start3A_147] : memref<50000x16xf32, #tpu.memory_space<hbm>> -> memref<50000x16xf32, #tpu.memory_space<hbm>>
          tpu.enqueue_indirect_dma source(%dma_start3A_148 : memref<50000x16xf32, #tpu.memory_space<hbm>>) target(%dma_start3A_145 : memref<1792x16xf32, #tpu.memory_space<vmem>>) offsets(%arg11 : memref<1792xi32, #tpu.memory_space<vmem>>) semaphore(%arg20 : memref<!tpu.dma_semaphore, #tpu.memory_space<semaphore_mem>>)
          %add3A_149 = arith.constant 1 : i32
          %add3A_150 = arith.addi %add3A_61, %add3A_149 : i32
          %mul3A_151 = arith.constant 1792 : i32
          %mul3A_152 = arith.muli %add3A_150, %mul3A_151 : i32
          %add3A_153 = arith.addi %mul3A_2, %mul3A_152 : i32
          %dma_start3A_154 = tpu.memref_slice %arg5[%add3A_153] : memref<802816xi32, #tpu.memory_space<hbm>> -> memref<1792xi32, #tpu.memory_space<hbm>>
          %dma_start3A_155 = tpu.memref_slice %arg5[%add3A_153] : memref<802816xi32, #tpu.memory_space<hbm>> -> memref<1792xi32, #tpu.memory_space<hbm>>
          tpu.enqueue_dma source(%dma_start3A_155 : memref<1792xi32, #tpu.memory_space<hbm>>) target(%arg13 : memref<1792xi32, #tpu.memory_space<vmem>>) target_semaphore(%arg18 : memref<!tpu.dma_semaphore, #tpu.memory_space<semaphore_mem>>)
        } else {
        }
        %dma_wait3A_72 = arith.constant 0 : i32
        %dma_wait3A_73 = arith.constant 0 : i32
        %dma_wait3A_74 = tpu.memref_slice %arg14[%dma_wait3A_72, %dma_wait3A_73] : memref<3584x16xf32, #tpu.memory_space<vmem>> -> memref<1792x16xf32, #tpu.memory_space<vmem>>
        %dma_wait3A_75 = arith.constant 0 : i32
        %dma_wait3A_76 = arith.constant 0 : i32
        %dma_wait3A_77 = tpu.memref_slice %arg2[%dma_wait3A_75, %dma_wait3A_76] : memref<50000x16xf32, #tpu.memory_space<hbm>> -> memref<50000x16xf32, #tpu.memory_space<hbm>>
        tpu.wait_indirect_dma semaphore(%arg19 : memref<!tpu.dma_semaphore, #tpu.memory_space<semaphore_mem>>) src(%dma_wait3A_77 : memref<50000x16xf32, #tpu.memory_space<hbm>>) dst(%dma_wait3A_74 : memref<1792x16xf32, #tpu.memory_space<vmem>>)
        %mul3A_78 = arith.constant 1792 : i32
        %mul3A_79 = arith.muli %add3A_61, %mul3A_78 : i32
        %add3A_80 = arith.addi %mul3A_2, %mul3A_79 : i32
        %dma_wait3A_81 = tpu.memref_slice %arg5[%add3A_80] : memref<802816xi32, #tpu.memory_space<hbm>> -> memref<1792xi32, #tpu.memory_space<hbm>>
        %dma_wait3A_82 = tpu.memref_slice %arg5[%add3A_80] : memref<802816xi32, #tpu.memory_space<hbm>> -> memref<1792xi32, #tpu.memory_space<hbm>>
        tpu.wait_dma2 semaphore(%arg17 : memref<!tpu.dma_semaphore, #tpu.memory_space<semaphore_mem>>) src(%dma_wait3A_82 : memref<1792xi32, #tpu.memory_space<hbm>>) dst(%arg12 : memref<1792xi32, #tpu.memory_space<vmem>>)
        %dma_start3A_83 = arith.constant 0 : i32
        %dma_start3A_84 = arith.constant 0 : i32
        %dma_start3A_85 = tpu.memref_slice %arg14[%dma_start3A_83, %dma_start3A_84] : memref<3584x16xf32, #tpu.memory_space<vmem>> -> memref<1792x16xf32, #tpu.memory_space<vmem>>
        %dma_start3A_86 = arith.constant 0 : i32
        %dma_start3A_87 = arith.constant 0 : i32
        %dma_start3A_88 = tpu.memref_slice %arg9[%dma_start3A_86, %dma_start3A_87] : memref<50176x16xf32, #tpu.memory_space<vmem_shared>> -> memref<50176x16xf32, #tpu.memory_space<vmem_shared>>
        tpu.enqueue_indirect_dma source(%dma_start3A_85 : memref<1792x16xf32, #tpu.memory_space<vmem>>) target(%dma_start3A_88 : memref<50176x16xf32, #tpu.memory_space<vmem_shared>>) offsets(%arg12 : memref<1792xi32, #tpu.memory_space<vmem>>) semaphore(%arg21 : memref<!tpu.dma_semaphore, #tpu.memory_space<semaphore_mem>>) {add = true}
        %add3A_89 = arith.constant 2 : i32
        %add3A_90 = arith.addi %add3A_61, %add3A_89 : i32
        %lt3A_91 = arith.constant 28 : i32
        %lt3A_92 = arith.cmpi slt, %add3A_90, %lt3A_91 : i32
        %convert_element_type3A_93 = arith.extui %lt3A_92 : i1 to i32
        %cond3A_94 = arith.constant 0 : i32
        %cond3A_95 = arith.cmpi ne, %convert_element_type3A_93, %cond3A_94 : i32
        scf.if %cond3A_95 {
          %add3A_136 = arith.constant 2 : i32
          %add3A_137 = arith.addi %add3A_61, %add3A_136 : i32
          %mul3A_138 = arith.constant 1792 : i32
          %mul3A_139 = arith.muli %add3A_137, %mul3A_138 : i32
          %add3A_140 = arith.addi %mul3A_2, %mul3A_139 : i32
          %dma_start3A_141 = tpu.memref_slice %arg4[%add3A_140] : memref<802816xi32, #tpu.memory_space<hbm>> -> memref<1792xi32, #tpu.memory_space<hbm>>
          %dma_start3A_142 = tpu.memref_slice %arg4[%add3A_140] : memref<802816xi32, #tpu.memory_space<hbm>> -> memref<1792xi32, #tpu.memory_space<hbm>>
          tpu.enqueue_dma source(%dma_start3A_142 : memref<1792xi32, #tpu.memory_space<hbm>>) target(%arg10 : memref<1792xi32, #tpu.memory_space<vmem>>) target_semaphore(%arg15 : memref<!tpu.dma_semaphore, #tpu.memory_space<semaphore_mem>>)
        } else {
        }
        %mul3A_96 = arith.constant 2 : i32
        %mul3A_97 = arith.muli %mul3A_96, %scan3A_57 : i32
        %add3A_98 = arith.constant 1 : i32
        %add3A_99 = arith.addi %mul3A_97, %add3A_98 : i32
        %ge3A_100 = arith.constant 1 : i32
        %ge3A_101 = arith.cmpi sge, %add3A_99, %ge3A_100 : i32
        %convert_element_type3A_102 = arith.extui %ge3A_101 : i1 to i32
        %cond3A_103 = arith.constant 0 : i32
        %cond3A_104 = arith.cmpi ne, %convert_element_type3A_102, %cond3A_103 : i32
        scf.if %cond3A_104 {
          %dma_wait3A_136 = arith.constant 0 : i32
          %dma_wait3A_137 = arith.constant 0 : i32
          %dma_wait3A_138 = tpu.memref_slice %arg14[%dma_wait3A_136, %dma_wait3A_137] : memref<3584x16xf32, #tpu.memory_space<vmem>> -> memref<1792x16xf32, #tpu.memory_space<vmem>>
          %dma_wait3A_139 = arith.constant 0 : i32
          %dma_wait3A_140 = arith.constant 0 : i32
          %dma_wait3A_141 = tpu.memref_slice %arg2[%dma_wait3A_139, %dma_wait3A_140] : memref<50000x16xf32, #tpu.memory_space<hbm>> -> memref<1792x16xf32, #tpu.memory_space<hbm>>
          %dma_wait3A_142 = arith.constant 0 : i32
          %dma_wait3A_143 = arith.constant 0 : i32
          %dma_wait3A_144 = tpu.memref_slice %arg14[%dma_wait3A_142, %dma_wait3A_143] : memref<3584x16xf32, #tpu.memory_space<vmem>> -> memref<1792x16xf32, #tpu.memory_space<vmem>>
          %dma_wait3A_145 = arith.constant 0 : i32
          %dma_wait3A_146 = arith.constant 0 : i32
          %dma_wait3A_147 = tpu.memref_slice %arg2[%dma_wait3A_145, %dma_wait3A_146] : memref<50000x16xf32, #tpu.memory_space<hbm>> -> memref<1792x16xf32, #tpu.memory_space<hbm>>
          tpu.wait_dma2 semaphore(%arg21 : memref<!tpu.dma_semaphore, #tpu.memory_space<semaphore_mem>>) src(%dma_wait3A_147 : memref<1792x16xf32, #tpu.memory_space<hbm>>) dst(%dma_wait3A_144 : memref<1792x16xf32, #tpu.memory_space<vmem>>)
        } else {
        }
        %add3A_105 = arith.constant 1 : i32
        %add3A_106 = arith.addi %add3A_99, %add3A_105 : i32
        %lt3A_107 = arith.constant 28 : i32
        %lt3A_108 = arith.cmpi slt, %add3A_106, %lt3A_107 : i32
        %convert_element_type3A_109 = arith.extui %lt3A_108 : i1 to i32
        %cond3A_110 = arith.constant 0 : i32
        %cond3A_111 = arith.cmpi ne, %convert_element_type3A_109, %cond3A_110 : i32
        scf.if %cond3A_111 {
          %add3A_136 = arith.constant 1 : i32
          %add3A_137 = arith.addi %add3A_99, %add3A_136 : i32
          %mul3A_138 = arith.constant 1792 : i32
          %mul3A_139 = arith.muli %add3A_137, %mul3A_138 : i32
          %add3A_140 = arith.addi %mul3A_2, %mul3A_139 : i32
          %dma_wait3A_141 = tpu.memref_slice %arg4[%add3A_140] : memref<802816xi32, #tpu.memory_space<hbm>> -> memref<1792xi32, #tpu.memory_space<hbm>>
          %dma_wait3A_142 = tpu.memref_slice %arg4[%add3A_140] : memref<802816xi32, #tpu.memory_space<hbm>> -> memref<1792xi32, #tpu.memory_space<hbm>>
          tpu.wait_dma2 semaphore(%arg15 : memref<!tpu.dma_semaphore, #tpu.memory_space<semaphore_mem>>) src(%dma_wait3A_142 : memref<1792xi32, #tpu.memory_space<hbm>>) dst(%arg10 : memref<1792xi32, #tpu.memory_space<vmem>>)
          %dma_start3A_143 = arith.constant 0 : i32
          %dma_start3A_144 = arith.constant 0 : i32
          %dma_start3A_145 = tpu.memref_slice %arg14[%dma_start3A_143, %dma_start3A_144] : memref<3584x16xf32, #tpu.memory_space<vmem>> -> memref<1792x16xf32, #tpu.memory_space<vmem>>
          %dma_start3A_146 = arith.constant 0 : i32
          %dma_start3A_147 = arith.constant 0 : i32
          %dma_start3A_148 = tpu.memref_slice %arg2[%dma_start3A_146, %dma_start3A_147] : memref<50000x16xf32, #tpu.memory_space<hbm>> -> memref<50000x16xf32, #tpu.memory_space<hbm>>
          tpu.enqueue_indirect_dma source(%dma_start3A_148 : memref<50000x16xf32, #tpu.memory_space<hbm>>) target(%dma_start3A_145 : memref<1792x16xf32, #tpu.memory_space<vmem>>) offsets(%arg10 : memref<1792xi32, #tpu.memory_space<vmem>>) semaphore(%arg19 : memref<!tpu.dma_semaphore, #tpu.memory_space<semaphore_mem>>)
          %add3A_149 = arith.constant 1 : i32
          %add3A_150 = arith.addi %add3A_99, %add3A_149 : i32
          %mul3A_151 = arith.constant 1792 : i32
          %mul3A_152 = arith.muli %add3A_150, %mul3A_151 : i32
          %add3A_153 = arith.addi %mul3A_2, %mul3A_152 : i32
          %dma_start3A_154 = tpu.memref_slice %arg5[%add3A_153] : memref<802816xi32, #tpu.memory_space<hbm>> -> memref<1792xi32, #tpu.memory_space<hbm>>
          %dma_start3A_155 = tpu.memref_slice %arg5[%add3A_153] : memref<802816xi32, #tpu.memory_space<hbm>> -> memref<1792xi32, #tpu.memory_space<hbm>>
          tpu.enqueue_dma source(%dma_start3A_155 : memref<1792xi32, #tpu.memory_space<hbm>>) target(%arg12 : memref<1792xi32, #tpu.memory_space<vmem>>) target_semaphore(%arg17 : memref<!tpu.dma_semaphore, #tpu.memory_space<semaphore_mem>>)
        } else {
        }
        %dma_wait3A_112 = arith.constant 1792 : i32
        %dma_wait3A_113 = arith.constant 0 : i32
        %dma_wait3A_114 = tpu.memref_slice %arg14[%dma_wait3A_112, %dma_wait3A_113] : memref<3584x16xf32, #tpu.memory_space<vmem>> -> memref<1792x16xf32, #tpu.memory_space<vmem>>
        %dma_wait3A_115 = arith.constant 0 : i32
        %dma_wait3A_116 = arith.constant 0 : i32
        %dma_wait3A_117 = tpu.memref_slice %arg2[%dma_wait3A_115, %dma_wait3A_116] : memref<50000x16xf32, #tpu.memory_space<hbm>> -> memref<50000x16xf32, #tpu.memory_space<hbm>>
        tpu.wait_indirect_dma semaphore(%arg20 : memref<!tpu.dma_semaphore, #tpu.memory_space<semaphore_mem>>) src(%dma_wait3A_117 : memref<50000x16xf32, #tpu.memory_space<hbm>>) dst(%dma_wait3A_114 : memref<1792x16xf32, #tpu.memory_space<vmem>>)
        %mul3A_118 = arith.constant 1792 : i32
        %mul3A_119 = arith.muli %add3A_99, %mul3A_118 : i32
        %add3A_120 = arith.addi %mul3A_2, %mul3A_119 : i32
        %dma_wait3A_121 = tpu.memref_slice %arg5[%add3A_120] : memref<802816xi32, #tpu.memory_space<hbm>> -> memref<1792xi32, #tpu.memory_space<hbm>>
        %dma_wait3A_122 = tpu.memref_slice %arg5[%add3A_120] : memref<802816xi32, #tpu.memory_space<hbm>> -> memref<1792xi32, #tpu.memory_space<hbm>>
        tpu.wait_dma2 semaphore(%arg18 : memref<!tpu.dma_semaphore, #tpu.memory_space<semaphore_mem>>) src(%dma_wait3A_122 : memref<1792xi32, #tpu.memory_space<hbm>>) dst(%arg13 : memref<1792xi32, #tpu.memory_space<vmem>>)
        %dma_start3A_123 = arith.constant 1792 : i32
        %dma_start3A_124 = arith.constant 0 : i32
        %dma_start3A_125 = tpu.memref_slice %arg14[%dma_start3A_123, %dma_start3A_124] : memref<3584x16xf32, #tpu.memory_space<vmem>> -> memref<1792x16xf32, #tpu.memory_space<vmem>>
        %dma_start3A_126 = arith.constant 0 : i32
        %dma_start3A_127 = arith.constant 0 : i32
        %dma_start3A_128 = tpu.memref_slice %arg9[%dma_start3A_126, %dma_start3A_127] : memref<50176x16xf32, #tpu.memory_space<vmem_shared>> -> memref<50176x16xf32, #tpu.memory_space<vmem_shared>>
        tpu.enqueue_indirect_dma source(%dma_start3A_125 : memref<1792x16xf32, #tpu.memory_space<vmem>>) target(%dma_start3A_128 : memref<50176x16xf32, #tpu.memory_space<vmem_shared>>) offsets(%arg13 : memref<1792xi32, #tpu.memory_space<vmem>>) semaphore(%arg22 : memref<!tpu.dma_semaphore, #tpu.memory_space<semaphore_mem>>) {add = true}
        %add3A_129 = arith.constant 2 : i32
        %add3A_130 = arith.addi %add3A_99, %add3A_129 : i32
        %lt3A_131 = arith.constant 28 : i32
        %lt3A_132 = arith.cmpi slt, %add3A_130, %lt3A_131 : i32
        %convert_element_type3A_133 = arith.extui %lt3A_132 : i1 to i32
        %cond3A_134 = arith.constant 0 : i32
        %cond3A_135 = arith.cmpi ne, %convert_element_type3A_133, %cond3A_134 : i32
        scf.if %cond3A_135 {
          %add3A_136 = arith.constant 2 : i32
          %add3A_137 = arith.addi %add3A_99, %add3A_136 : i32
          %mul3A_138 = arith.constant 1792 : i32
          %mul3A_139 = arith.muli %add3A_137, %mul3A_138 : i32
          %add3A_140 = arith.addi %mul3A_2, %mul3A_139 : i32
          %dma_start3A_141 = tpu.memref_slice %arg4[%add3A_140] : memref<802816xi32, #tpu.memory_space<hbm>> -> memref<1792xi32, #tpu.memory_space<hbm>>
          %dma_start3A_142 = tpu.memref_slice %arg4[%add3A_140] : memref<802816xi32, #tpu.memory_space<hbm>> -> memref<1792xi32, #tpu.memory_space<hbm>>
          tpu.enqueue_dma source(%dma_start3A_142 : memref<1792xi32, #tpu.memory_space<hbm>>) target(%arg11 : memref<1792xi32, #tpu.memory_space<vmem>>) target_semaphore(%arg16 : memref<!tpu.dma_semaphore, #tpu.memory_space<semaphore_mem>>)
        } else {
        }
      }
      %scan3A_44 = arith.constant 14 : i32
      %dma_wait3A_45 = arith.constant 1792 : i32
      %dma_wait3A_46 = arith.constant 0 : i32
      %dma_wait3A_47 = tpu.memref_slice %arg14[%dma_wait3A_45, %dma_wait3A_46] : memref<3584x16xf32, #tpu.memory_space<vmem>> -> memref<1792x16xf32, #tpu.memory_space<vmem>>
      %dma_wait3A_48 = arith.constant 0 : i32
      %dma_wait3A_49 = arith.constant 0 : i32
      %dma_wait3A_50 = tpu.memref_slice %arg2[%dma_wait3A_48, %dma_wait3A_49] : memref<50000x16xf32, #tpu.memory_space<hbm>> -> memref<1792x16xf32, #tpu.memory_space<hbm>>
      %dma_wait3A_51 = arith.constant 1792 : i32
      %dma_wait3A_52 = arith.constant 0 : i32
      %dma_wait3A_53 = tpu.memref_slice %arg14[%dma_wait3A_51, %dma_wait3A_52] : memref<3584x16xf32, #tpu.memory_space<vmem>> -> memref<1792x16xf32, #tpu.memory_space<vmem>>
      %dma_wait3A_54 = arith.constant 0 : i32
      %dma_wait3A_55 = arith.constant 0 : i32
      %dma_wait3A_56 = tpu.memref_slice %arg2[%dma_wait3A_54, %dma_wait3A_55] : memref<50000x16xf32, #tpu.memory_space<hbm>> -> memref<1792x16xf32, #tpu.memory_space<hbm>>
      tpu.wait_dma2 semaphore(%arg22 : memref<!tpu.dma_semaphore, #tpu.memory_space<semaphore_mem>>) src(%dma_wait3A_56 : memref<1792x16xf32, #tpu.memory_space<hbm>>) dst(%dma_wait3A_53 : memref<1792x16xf32, #tpu.memory_space<vmem>>)
    } else {
    }
    %eq3A_5 = arith.constant 1 : i32
    %eq3A_6 = arith.cmpi eq, %arg0, %eq3A_5 : i32
    %convert_element_type3A_7 = arith.extui %eq3A_6 : i1 to i32
    %cond3A_8 = arith.constant 0 : i32
    %cond3A_9 = arith.cmpi ne, %convert_element_type3A_7, %cond3A_8 : i32
    scf.if %cond3A_9 {
      %add3A = arith.constant 0 : i32
      %add3A_21 = arith.addi %mul3A_2, %add3A : i32
      %dma_start3A = tpu.memref_slice %arg4[%add3A_21] : memref<802816xi32, #tpu.memory_space<hbm>> -> memref<1792xi32, #tpu.memory_space<hbm>>
      %dma_start3A_22 = tpu.memref_slice %arg4[%add3A_21] : memref<802816xi32, #tpu.memory_space<hbm>> -> memref<1792xi32, #tpu.memory_space<hbm>>
      tpu.enqueue_dma source(%dma_start3A_22 : memref<1792xi32, #tpu.memory_space<hbm>>) target(%arg10 : memref<1792xi32, #tpu.memory_space<vmem>>) target_semaphore(%arg15 : memref<!tpu.dma_semaphore, #tpu.memory_space<semaphore_mem>>)
      %add3A_23 = arith.constant 1792 : i32
      %add3A_24 = arith.addi %mul3A_2, %add3A_23 : i32
      %dma_start3A_25 = tpu.memref_slice %arg4[%add3A_24] : memref<802816xi32, #tpu.memory_space<hbm>> -> memref<1792xi32, #tpu.memory_space<hbm>>
      %dma_start3A_26 = tpu.memref_slice %arg4[%add3A_24] : memref<802816xi32, #tpu.memory_space<hbm>> -> memref<1792xi32, #tpu.memory_space<hbm>>
      tpu.enqueue_dma source(%dma_start3A_26 : memref<1792xi32, #tpu.memory_space<hbm>>) target(%arg11 : memref<1792xi32, #tpu.memory_space<vmem>>) target_semaphore(%arg16 : memref<!tpu.dma_semaphore, #tpu.memory_space<semaphore_mem>>)
      %add3A_27 = arith.constant 0 : i32
      %add3A_28 = arith.addi %mul3A_2, %add3A_27 : i32
      %dma_start3A_29 = tpu.memref_slice %arg5[%add3A_28] : memref<802816xi32, #tpu.memory_space<hbm>> -> memref<1792xi32, #tpu.memory_space<hbm>>
      %dma_start3A_30 = tpu.memref_slice %arg5[%add3A_28] : memref<802816xi32, #tpu.memory_space<hbm>> -> memref<1792xi32, #tpu.memory_space<hbm>>
      tpu.enqueue_dma source(%dma_start3A_30 : memref<1792xi32, #tpu.memory_space<hbm>>) target(%arg12 : memref<1792xi32, #tpu.memory_space<vmem>>) target_semaphore(%arg17 : memref<!tpu.dma_semaphore, #tpu.memory_space<semaphore_mem>>)
      %add3A_31 = arith.constant 0 : i32
      %add3A_32 = arith.addi %mul3A_2, %add3A_31 : i32
      %dma_wait3A = tpu.memref_slice %arg4[%add3A_32] : memref<802816xi32, #tpu.memory_space<hbm>> -> memref<1792xi32, #tpu.memory_space<hbm>>
      %dma_wait3A_33 = tpu.memref_slice %arg4[%add3A_32] : memref<802816xi32, #tpu.memory_space<hbm>> -> memref<1792xi32, #tpu.memory_space<hbm>>
      tpu.wait_dma2 semaphore(%arg15 : memref<!tpu.dma_semaphore, #tpu.memory_space<semaphore_mem>>) src(%dma_wait3A_33 : memref<1792xi32, #tpu.memory_space<hbm>>) dst(%arg10 : memref<1792xi32, #tpu.memory_space<vmem>>)
      %dma_start3A_34 = arith.constant 0 : i32
      %dma_start3A_35 = arith.constant 0 : i32
      %dma_start3A_36 = tpu.memref_slice %arg14[%dma_start3A_34, %dma_start3A_35] : memref<3584x16xf32, #tpu.memory_space<vmem>> -> memref<1792x16xf32, #tpu.memory_space<vmem>>
      %dma_start3A_37 = arith.constant 0 : i32
      %dma_start3A_38 = arith.constant 0 : i32
      %dma_start3A_39 = tpu.memref_slice %arg3[%dma_start3A_37, %dma_start3A_38] : memref<50000x16xf32, #tpu.memory_space<hbm>> -> memref<50000x16xf32, #tpu.memory_space<hbm>>
      tpu.enqueue_indirect_dma source(%dma_start3A_39 : memref<50000x16xf32, #tpu.memory_space<hbm>>) target(%dma_start3A_36 : memref<1792x16xf32, #tpu.memory_space<vmem>>) offsets(%arg10 : memref<1792xi32, #tpu.memory_space<vmem>>) semaphore(%arg19 : memref<!tpu.dma_semaphore, #tpu.memory_space<semaphore_mem>>)
      %scan3A = arith.constant 0 : i32
      %scan3A_40 = arith.constant 0 : i32
      %scan3A_41 = arith.constant 14 : i32
      %scan3A_42 = arith.addi %scan3A_40, %scan3A_41 : i32
      %scan3A_43 = arith.constant 1 : i32
      scf.for %scan3A_57 = %scan3A_40 to %scan3A_42 step %scan3A_43  : i32 {
        %mul3A_58 = arith.constant 2 : i32
        %mul3A_59 = arith.muli %mul3A_58, %scan3A_57 : i32
        %add3A_60 = arith.constant 0 : i32
        %add3A_61 = arith.addi %mul3A_59, %add3A_60 : i32
        %ge3A = arith.constant 1 : i32
        %ge3A_62 = arith.cmpi sge, %add3A_61, %ge3A : i32
        %convert_element_type3A_63 = arith.extui %ge3A_62 : i1 to i32
        %cond3A_64 = arith.constant 0 : i32
        %cond3A_65 = arith.cmpi ne, %convert_element_type3A_63, %cond3A_64 : i32
        scf.if %cond3A_65 {
          %dma_wait3A_136 = arith.constant 1792 : i32
          %dma_wait3A_137 = arith.constant 0 : i32
          %dma_wait3A_138 = tpu.memref_slice %arg14[%dma_wait3A_136, %dma_wait3A_137] : memref<3584x16xf32, #tpu.memory_space<vmem>> -> memref<1792x16xf32, #tpu.memory_space<vmem>>
          %dma_wait3A_139 = arith.constant 0 : i32
          %dma_wait3A_140 = arith.constant 0 : i32
          %dma_wait3A_141 = tpu.memref_slice %arg3[%dma_wait3A_139, %dma_wait3A_140] : memref<50000x16xf32, #tpu.memory_space<hbm>> -> memref<1792x16xf32, #tpu.memory_space<hbm>>
          %dma_wait3A_142 = arith.constant 1792 : i32
          %dma_wait3A_143 = arith.constant 0 : i32
          %dma_wait3A_144 = tpu.memref_slice %arg14[%dma_wait3A_142, %dma_wait3A_143] : memref<3584x16xf32, #tpu.memory_space<vmem>> -> memref<1792x16xf32, #tpu.memory_space<vmem>>
          %dma_wait3A_145 = arith.constant 0 : i32
          %dma_wait3A_146 = arith.constant 0 : i32
          %dma_wait3A_147 = tpu.memref_slice %arg3[%dma_wait3A_145, %dma_wait3A_146] : memref<50000x16xf32, #tpu.memory_space<hbm>> -> memref<1792x16xf32, #tpu.memory_space<hbm>>
          tpu.wait_dma2 semaphore(%arg22 : memref<!tpu.dma_semaphore, #tpu.memory_space<semaphore_mem>>) src(%dma_wait3A_147 : memref<1792x16xf32, #tpu.memory_space<hbm>>) dst(%dma_wait3A_144 : memref<1792x16xf32, #tpu.memory_space<vmem>>)
        } else {
        }
        %add3A_66 = arith.constant 1 : i32
        %add3A_67 = arith.addi %add3A_61, %add3A_66 : i32
        %lt3A = arith.constant 28 : i32
        %lt3A_68 = arith.cmpi slt, %add3A_67, %lt3A : i32
        %convert_element_type3A_69 = arith.extui %lt3A_68 : i1 to i32
        %cond3A_70 = arith.constant 0 : i32
        %cond3A_71 = arith.cmpi ne, %convert_element_type3A_69, %cond3A_70 : i32
        scf.if %cond3A_71 {
          %add3A_136 = arith.constant 1 : i32
          %add3A_137 = arith.addi %add3A_61, %add3A_136 : i32
          %mul3A_138 = arith.constant 1792 : i32
          %mul3A_139 = arith.muli %add3A_137, %mul3A_138 : i32
          %add3A_140 = arith.addi %mul3A_2, %mul3A_139 : i32
          %dma_wait3A_141 = tpu.memref_slice %arg4[%add3A_140] : memref<802816xi32, #tpu.memory_space<hbm>> -> memref<1792xi32, #tpu.memory_space<hbm>>
          %dma_wait3A_142 = tpu.memref_slice %arg4[%add3A_140] : memref<802816xi32, #tpu.memory_space<hbm>> -> memref<1792xi32, #tpu.memory_space<hbm>>
          tpu.wait_dma2 semaphore(%arg16 : memref<!tpu.dma_semaphore, #tpu.memory_space<semaphore_mem>>) src(%dma_wait3A_142 : memref<1792xi32, #tpu.memory_space<hbm>>) dst(%arg11 : memref<1792xi32, #tpu.memory_space<vmem>>)
          %dma_start3A_143 = arith.constant 1792 : i32
          %dma_start3A_144 = arith.constant 0 : i32
          %dma_start3A_145 = tpu.memref_slice %arg14[%dma_start3A_143, %dma_start3A_144] : memref<3584x16xf32, #tpu.memory_space<vmem>> -> memref<1792x16xf32, #tpu.memory_space<vmem>>
          %dma_start3A_146 = arith.constant 0 : i32
          %dma_start3A_147 = arith.constant 0 : i32
          %dma_start3A_148 = tpu.memref_slice %arg3[%dma_start3A_146, %dma_start3A_147] : memref<50000x16xf32, #tpu.memory_space<hbm>> -> memref<50000x16xf32, #tpu.memory_space<hbm>>
          tpu.enqueue_indirect_dma source(%dma_start3A_148 : memref<50000x16xf32, #tpu.memory_space<hbm>>) target(%dma_start3A_145 : memref<1792x16xf32, #tpu.memory_space<vmem>>) offsets(%arg11 : memref<1792xi32, #tpu.memory_space<vmem>>) semaphore(%arg20 : memref<!tpu.dma_semaphore, #tpu.memory_space<semaphore_mem>>)
          %add3A_149 = arith.constant 1 : i32
          %add3A_150 = arith.addi %add3A_61, %add3A_149 : i32
          %mul3A_151 = arith.constant 1792 : i32
          %mul3A_152 = arith.muli %add3A_150, %mul3A_151 : i32
          %add3A_153 = arith.addi %mul3A_2, %mul3A_152 : i32
          %dma_start3A_154 = tpu.memref_slice %arg5[%add3A_153] : memref<802816xi32, #tpu.memory_space<hbm>> -> memref<1792xi32, #tpu.memory_space<hbm>>
          %dma_start3A_155 = tpu.memref_slice %arg5[%add3A_153] : memref<802816xi32, #tpu.memory_space<hbm>> -> memref<1792xi32, #tpu.memory_space<hbm>>
          tpu.enqueue_dma source(%dma_start3A_155 : memref<1792xi32, #tpu.memory_space<hbm>>) target(%arg13 : memref<1792xi32, #tpu.memory_space<vmem>>) target_semaphore(%arg18 : memref<!tpu.dma_semaphore, #tpu.memory_space<semaphore_mem>>)
        } else {
        }
        %dma_wait3A_72 = arith.constant 0 : i32
        %dma_wait3A_73 = arith.constant 0 : i32
        %dma_wait3A_74 = tpu.memref_slice %arg14[%dma_wait3A_72, %dma_wait3A_73] : memref<3584x16xf32, #tpu.memory_space<vmem>> -> memref<1792x16xf32, #tpu.memory_space<vmem>>
        %dma_wait3A_75 = arith.constant 0 : i32
        %dma_wait3A_76 = arith.constant 0 : i32
        %dma_wait3A_77 = tpu.memref_slice %arg3[%dma_wait3A_75, %dma_wait3A_76] : memref<50000x16xf32, #tpu.memory_space<hbm>> -> memref<50000x16xf32, #tpu.memory_space<hbm>>
        tpu.wait_indirect_dma semaphore(%arg19 : memref<!tpu.dma_semaphore, #tpu.memory_space<semaphore_mem>>) src(%dma_wait3A_77 : memref<50000x16xf32, #tpu.memory_space<hbm>>) dst(%dma_wait3A_74 : memref<1792x16xf32, #tpu.memory_space<vmem>>)
        %mul3A_78 = arith.constant 1792 : i32
        %mul3A_79 = arith.muli %add3A_61, %mul3A_78 : i32
        %add3A_80 = arith.addi %mul3A_2, %mul3A_79 : i32
        %dma_wait3A_81 = tpu.memref_slice %arg5[%add3A_80] : memref<802816xi32, #tpu.memory_space<hbm>> -> memref<1792xi32, #tpu.memory_space<hbm>>
        %dma_wait3A_82 = tpu.memref_slice %arg5[%add3A_80] : memref<802816xi32, #tpu.memory_space<hbm>> -> memref<1792xi32, #tpu.memory_space<hbm>>
        tpu.wait_dma2 semaphore(%arg17 : memref<!tpu.dma_semaphore, #tpu.memory_space<semaphore_mem>>) src(%dma_wait3A_82 : memref<1792xi32, #tpu.memory_space<hbm>>) dst(%arg12 : memref<1792xi32, #tpu.memory_space<vmem>>)
        %dma_start3A_83 = arith.constant 0 : i32
        %dma_start3A_84 = arith.constant 0 : i32
        %dma_start3A_85 = tpu.memref_slice %arg14[%dma_start3A_83, %dma_start3A_84] : memref<3584x16xf32, #tpu.memory_space<vmem>> -> memref<1792x16xf32, #tpu.memory_space<vmem>>
        %dma_start3A_86 = arith.constant 0 : i32
        %dma_start3A_87 = arith.constant 0 : i32
        %dma_start3A_88 = tpu.memref_slice %arg9[%dma_start3A_86, %dma_start3A_87] : memref<50176x16xf32, #tpu.memory_space<vmem_shared>> -> memref<50176x16xf32, #tpu.memory_space<vmem_shared>>
        tpu.enqueue_indirect_dma source(%dma_start3A_85 : memref<1792x16xf32, #tpu.memory_space<vmem>>) target(%dma_start3A_88 : memref<50176x16xf32, #tpu.memory_space<vmem_shared>>) offsets(%arg12 : memref<1792xi32, #tpu.memory_space<vmem>>) semaphore(%arg21 : memref<!tpu.dma_semaphore, #tpu.memory_space<semaphore_mem>>) {add = true}
        %add3A_89 = arith.constant 2 : i32
        %add3A_90 = arith.addi %add3A_61, %add3A_89 : i32
        %lt3A_91 = arith.constant 28 : i32
        %lt3A_92 = arith.cmpi slt, %add3A_90, %lt3A_91 : i32
        %convert_element_type3A_93 = arith.extui %lt3A_92 : i1 to i32
        %cond3A_94 = arith.constant 0 : i32
        %cond3A_95 = arith.cmpi ne, %convert_element_type3A_93, %cond3A_94 : i32
        scf.if %cond3A_95 {
          %add3A_136 = arith.constant 2 : i32
          %add3A_137 = arith.addi %add3A_61, %add3A_136 : i32
          %mul3A_138 = arith.constant 1792 : i32
          %mul3A_139 = arith.muli %add3A_137, %mul3A_138 : i32
          %add3A_140 = arith.addi %mul3A_2, %mul3A_139 : i32
          %dma_start3A_141 = tpu.memref_slice %arg4[%add3A_140] : memref<802816xi32, #tpu.memory_space<hbm>> -> memref<1792xi32, #tpu.memory_space<hbm>>
          %dma_start3A_142 = tpu.memref_slice %arg4[%add3A_140] : memref<802816xi32, #tpu.memory_space<hbm>> -> memref<1792xi32, #tpu.memory_space<hbm>>
          tpu.enqueue_dma source(%dma_start3A_142 : memref<1792xi32, #tpu.memory_space<hbm>>) target(%arg10 : memref<1792xi32, #tpu.memory_space<vmem>>) target_semaphore(%arg15 : memref<!tpu.dma_semaphore, #tpu.memory_space<semaphore_mem>>)
        } else {
        }
        %mul3A_96 = arith.constant 2 : i32
        %mul3A_97 = arith.muli %mul3A_96, %scan3A_57 : i32
        %add3A_98 = arith.constant 1 : i32
        %add3A_99 = arith.addi %mul3A_97, %add3A_98 : i32
        %ge3A_100 = arith.constant 1 : i32
        %ge3A_101 = arith.cmpi sge, %add3A_99, %ge3A_100 : i32
        %convert_element_type3A_102 = arith.extui %ge3A_101 : i1 to i32
        %cond3A_103 = arith.constant 0 : i32
        %cond3A_104 = arith.cmpi ne, %convert_element_type3A_102, %cond3A_103 : i32
        scf.if %cond3A_104 {
          %dma_wait3A_136 = arith.constant 0 : i32
          %dma_wait3A_137 = arith.constant 0 : i32
          %dma_wait3A_138 = tpu.memref_slice %arg14[%dma_wait3A_136, %dma_wait3A_137] : memref<3584x16xf32, #tpu.memory_space<vmem>> -> memref<1792x16xf32, #tpu.memory_space<vmem>>
          %dma_wait3A_139 = arith.constant 0 : i32
          %dma_wait3A_140 = arith.constant 0 : i32
          %dma_wait3A_141 = tpu.memref_slice %arg3[%dma_wait3A_139, %dma_wait3A_140] : memref<50000x16xf32, #tpu.memory_space<hbm>> -> memref<1792x16xf32, #tpu.memory_space<hbm>>
          %dma_wait3A_142 = arith.constant 0 : i32
          %dma_wait3A_143 = arith.constant 0 : i32
          %dma_wait3A_144 = tpu.memref_slice %arg14[%dma_wait3A_142, %dma_wait3A_143] : memref<3584x16xf32, #tpu.memory_space<vmem>> -> memref<1792x16xf32, #tpu.memory_space<vmem>>
          %dma_wait3A_145 = arith.constant 0 : i32
          %dma_wait3A_146 = arith.constant 0 : i32
          %dma_wait3A_147 = tpu.memref_slice %arg3[%dma_wait3A_145, %dma_wait3A_146] : memref<50000x16xf32, #tpu.memory_space<hbm>> -> memref<1792x16xf32, #tpu.memory_space<hbm>>
          tpu.wait_dma2 semaphore(%arg21 : memref<!tpu.dma_semaphore, #tpu.memory_space<semaphore_mem>>) src(%dma_wait3A_147 : memref<1792x16xf32, #tpu.memory_space<hbm>>) dst(%dma_wait3A_144 : memref<1792x16xf32, #tpu.memory_space<vmem>>)
        } else {
        }
        %add3A_105 = arith.constant 1 : i32
        %add3A_106 = arith.addi %add3A_99, %add3A_105 : i32
        %lt3A_107 = arith.constant 28 : i32
        %lt3A_108 = arith.cmpi slt, %add3A_106, %lt3A_107 : i32
        %convert_element_type3A_109 = arith.extui %lt3A_108 : i1 to i32
        %cond3A_110 = arith.constant 0 : i32
        %cond3A_111 = arith.cmpi ne, %convert_element_type3A_109, %cond3A_110 : i32
        scf.if %cond3A_111 {
          %add3A_136 = arith.constant 1 : i32
          %add3A_137 = arith.addi %add3A_99, %add3A_136 : i32
          %mul3A_138 = arith.constant 1792 : i32
          %mul3A_139 = arith.muli %add3A_137, %mul3A_138 : i32
          %add3A_140 = arith.addi %mul3A_2, %mul3A_139 : i32
          %dma_wait3A_141 = tpu.memref_slice %arg4[%add3A_140] : memref<802816xi32, #tpu.memory_space<hbm>> -> memref<1792xi32, #tpu.memory_space<hbm>>
          %dma_wait3A_142 = tpu.memref_slice %arg4[%add3A_140] : memref<802816xi32, #tpu.memory_space<hbm>> -> memref<1792xi32, #tpu.memory_space<hbm>>
          tpu.wait_dma2 semaphore(%arg15 : memref<!tpu.dma_semaphore, #tpu.memory_space<semaphore_mem>>) src(%dma_wait3A_142 : memref<1792xi32, #tpu.memory_space<hbm>>) dst(%arg10 : memref<1792xi32, #tpu.memory_space<vmem>>)
          %dma_start3A_143 = arith.constant 0 : i32
          %dma_start3A_144 = arith.constant 0 : i32
          %dma_start3A_145 = tpu.memref_slice %arg14[%dma_start3A_143, %dma_start3A_144] : memref<3584x16xf32, #tpu.memory_space<vmem>> -> memref<1792x16xf32, #tpu.memory_space<vmem>>
          %dma_start3A_146 = arith.constant 0 : i32
          %dma_start3A_147 = arith.constant 0 : i32
          %dma_start3A_148 = tpu.memref_slice %arg3[%dma_start3A_146, %dma_start3A_147] : memref<50000x16xf32, #tpu.memory_space<hbm>> -> memref<50000x16xf32, #tpu.memory_space<hbm>>
          tpu.enqueue_indirect_dma source(%dma_start3A_148 : memref<50000x16xf32, #tpu.memory_space<hbm>>) target(%dma_start3A_145 : memref<1792x16xf32, #tpu.memory_space<vmem>>) offsets(%arg10 : memref<1792xi32, #tpu.memory_space<vmem>>) semaphore(%arg19 : memref<!tpu.dma_semaphore, #tpu.memory_space<semaphore_mem>>)
          %add3A_149 = arith.constant 1 : i32
          %add3A_150 = arith.addi %add3A_99, %add3A_149 : i32
          %mul3A_151 = arith.constant 1792 : i32
          %mul3A_152 = arith.muli %add3A_150, %mul3A_151 : i32
          %add3A_153 = arith.addi %mul3A_2, %mul3A_152 : i32
          %dma_start3A_154 = tpu.memref_slice %arg5[%add3A_153] : memref<802816xi32, #tpu.memory_space<hbm>> -> memref<1792xi32, #tpu.memory_space<hbm>>
          %dma_start3A_155 = tpu.memref_slice %arg5[%add3A_153] : memref<802816xi32, #tpu.memory_space<hbm>> -> memref<1792xi32, #tpu.memory_space<hbm>>
          tpu.enqueue_dma source(%dma_start3A_155 : memref<1792xi32, #tpu.memory_space<hbm>>) target(%arg12 : memref<1792xi32, #tpu.memory_space<vmem>>) target_semaphore(%arg17 : memref<!tpu.dma_semaphore, #tpu.memory_space<semaphore_mem>>)
        } else {
        }
        %dma_wait3A_112 = arith.constant 1792 : i32
        %dma_wait3A_113 = arith.constant 0 : i32
        %dma_wait3A_114 = tpu.memref_slice %arg14[%dma_wait3A_112, %dma_wait3A_113] : memref<3584x16xf32, #tpu.memory_space<vmem>> -> memref<1792x16xf32, #tpu.memory_space<vmem>>
        %dma_wait3A_115 = arith.constant 0 : i32
        %dma_wait3A_116 = arith.constant 0 : i32
        %dma_wait3A_117 = tpu.memref_slice %arg3[%dma_wait3A_115, %dma_wait3A_116] : memref<50000x16xf32, #tpu.memory_space<hbm>> -> memref<50000x16xf32, #tpu.memory_space<hbm>>
        tpu.wait_indirect_dma semaphore(%arg20 : memref<!tpu.dma_semaphore, #tpu.memory_space<semaphore_mem>>) src(%dma_wait3A_117 : memref<50000x16xf32, #tpu.memory_space<hbm>>) dst(%dma_wait3A_114 : memref<1792x16xf32, #tpu.memory_space<vmem>>)
        %mul3A_118 = arith.constant 1792 : i32
        %mul3A_119 = arith.muli %add3A_99, %mul3A_118 : i32
        %add3A_120 = arith.addi %mul3A_2, %mul3A_119 : i32
        %dma_wait3A_121 = tpu.memref_slice %arg5[%add3A_120] : memref<802816xi32, #tpu.memory_space<hbm>> -> memref<1792xi32, #tpu.memory_space<hbm>>
        %dma_wait3A_122 = tpu.memref_slice %arg5[%add3A_120] : memref<802816xi32, #tpu.memory_space<hbm>> -> memref<1792xi32, #tpu.memory_space<hbm>>
        tpu.wait_dma2 semaphore(%arg18 : memref<!tpu.dma_semaphore, #tpu.memory_space<semaphore_mem>>) src(%dma_wait3A_122 : memref<1792xi32, #tpu.memory_space<hbm>>) dst(%arg13 : memref<1792xi32, #tpu.memory_space<vmem>>)
        %dma_start3A_123 = arith.constant 1792 : i32
        %dma_start3A_124 = arith.constant 0 : i32
        %dma_start3A_125 = tpu.memref_slice %arg14[%dma_start3A_123, %dma_start3A_124] : memref<3584x16xf32, #tpu.memory_space<vmem>> -> memref<1792x16xf32, #tpu.memory_space<vmem>>
        %dma_start3A_126 = arith.constant 0 : i32
        %dma_start3A_127 = arith.constant 0 : i32
        %dma_start3A_128 = tpu.memref_slice %arg9[%dma_start3A_126, %dma_start3A_127] : memref<50176x16xf32, #tpu.memory_space<vmem_shared>> -> memref<50176x16xf32, #tpu.memory_space<vmem_shared>>
        tpu.enqueue_indirect_dma source(%dma_start3A_125 : memref<1792x16xf32, #tpu.memory_space<vmem>>) target(%dma_start3A_128 : memref<50176x16xf32, #tpu.memory_space<vmem_shared>>) offsets(%arg13 : memref<1792xi32, #tpu.memory_space<vmem>>) semaphore(%arg22 : memref<!tpu.dma_semaphore, #tpu.memory_space<semaphore_mem>>) {add = true}
        %add3A_129 = arith.constant 2 : i32
        %add3A_130 = arith.addi %add3A_99, %add3A_129 : i32
        %lt3A_131 = arith.constant 28 : i32
        %lt3A_132 = arith.cmpi slt, %add3A_130, %lt3A_131 : i32
        %convert_element_type3A_133 = arith.extui %lt3A_132 : i1 to i32
        %cond3A_134 = arith.constant 0 : i32
        %cond3A_135 = arith.cmpi ne, %convert_element_type3A_133, %cond3A_134 : i32
        scf.if %cond3A_135 {
          %add3A_136 = arith.constant 2 : i32
          %add3A_137 = arith.addi %add3A_99, %add3A_136 : i32
          %mul3A_138 = arith.constant 1792 : i32
          %mul3A_139 = arith.muli %add3A_137, %mul3A_138 : i32
          %add3A_140 = arith.addi %mul3A_2, %mul3A_139 : i32
          %dma_start3A_141 = tpu.memref_slice %arg4[%add3A_140] : memref<802816xi32, #tpu.memory_space<hbm>> -> memref<1792xi32, #tpu.memory_space<hbm>>
          %dma_start3A_142 = tpu.memref_slice %arg4[%add3A_140] : memref<802816xi32, #tpu.memory_space<hbm>> -> memref<1792xi32, #tpu.memory_space<hbm>>
          tpu.enqueue_dma source(%dma_start3A_142 : memref<1792xi32, #tpu.memory_space<hbm>>) target(%arg11 : memref<1792xi32, #tpu.memory_space<vmem>>) target_semaphore(%arg16 : memref<!tpu.dma_semaphore, #tpu.memory_space<semaphore_mem>>)
        } else {
        }
      }
      %scan3A_44 = arith.constant 14 : i32
      %dma_wait3A_45 = arith.constant 1792 : i32
      %dma_wait3A_46 = arith.constant 0 : i32
      %dma_wait3A_47 = tpu.memref_slice %arg14[%dma_wait3A_45, %dma_wait3A_46] : memref<3584x16xf32, #tpu.memory_space<vmem>> -> memref<1792x16xf32, #tpu.memory_space<vmem>>
      %dma_wait3A_48 = arith.constant 0 : i32
      %dma_wait3A_49 = arith.constant 0 : i32
      %dma_wait3A_50 = tpu.memref_slice %arg3[%dma_wait3A_48, %dma_wait3A_49] : memref<50000x16xf32, #tpu.memory_space<hbm>> -> memref<1792x16xf32, #tpu.memory_space<hbm>>
      %dma_wait3A_51 = arith.constant 1792 : i32
      %dma_wait3A_52 = arith.constant 0 : i32
      %dma_wait3A_53 = tpu.memref_slice %arg14[%dma_wait3A_51, %dma_wait3A_52] : memref<3584x16xf32, #tpu.memory_space<vmem>> -> memref<1792x16xf32, #tpu.memory_space<vmem>>
      %dma_wait3A_54 = arith.constant 0 : i32
      %dma_wait3A_55 = arith.constant 0 : i32
      %dma_wait3A_56 = tpu.memref_slice %arg3[%dma_wait3A_54, %dma_wait3A_55] : memref<50000x16xf32, #tpu.memory_space<hbm>> -> memref<1792x16xf32, #tpu.memory_space<hbm>>
      tpu.wait_dma2 semaphore(%arg22 : memref<!tpu.dma_semaphore, #tpu.memory_space<semaphore_mem>>) src(%dma_wait3A_56 : memref<1792x16xf32, #tpu.memory_space<hbm>>) dst(%dma_wait3A_53 : memref<1792x16xf32, #tpu.memory_space<vmem>>)
    } else {
    }
    %barrier3A_10 = arith.constant 0 : index
    tpu.barrier barrier_id(%barrier3A_10)
    %eq3A_11 = arith.constant 0 : i32
    %eq3A_12 = arith.cmpi eq, %arg0, %eq3A_11 : i32
    %convert_element_type3A_13 = arith.extui %eq3A_12 : i1 to i32
    %cond3A_14 = arith.constant 0 : i32
    %cond3A_15 = arith.cmpi ne, %convert_element_type3A_13, %cond3A_14 : i32
    scf.if %cond3A_15 {
      %mul3A_21 = arith.constant 3136 : i32
      %mul3A_22 = arith.muli %arg1, %mul3A_21 : i32
      %mul3A_23 = arith.constant 3136 : i32
      %mul3A_24 = arith.muli %arg1, %mul3A_23 : i32
      "tpu.region"() ({
        %run_scoped3A = tpu.sem_alloc : memref<!tpu.dma_semaphore, #tpu.memory_space<semaphore_mem>>
        %dma_start3A = arith.constant 0 : i32
        %dma_start3A_25 = tpu.memref_slice %arg7[%mul3A_24, %dma_start3A] : memref<50176x16xf32, #tpu.memory_space<hbm>> -> memref<3136x16xf32, #tpu.memory_space<hbm>>
        %dma_start3A_26 = arith.constant 0 : i32
        %dma_start3A_27 = tpu.memref_slice %arg9[%mul3A_22, %dma_start3A_26] : memref<50176x16xf32, #tpu.memory_space<vmem_shared>> -> memref<3136x16xf32, #tpu.memory_space<vmem_shared>>
        tpu.enqueue_dma source(%dma_start3A_27 : memref<3136x16xf32, #tpu.memory_space<vmem_shared>>) target(%dma_start3A_25 : memref<3136x16xf32, #tpu.memory_space<hbm>>) target_semaphore(%run_scoped3A : memref<!tpu.dma_semaphore, #tpu.memory_space<semaphore_mem>>)
        %dma_wait3A = arith.constant 0 : i32
        %dma_wait3A_28 = tpu.memref_slice %arg7[%mul3A_24, %dma_wait3A] : memref<50176x16xf32, #tpu.memory_space<hbm>> -> memref<3136x16xf32, #tpu.memory_space<hbm>>
        %dma_wait3A_29 = arith.constant 0 : i32
        %dma_wait3A_30 = tpu.memref_slice %arg9[%mul3A_22, %dma_wait3A_29] : memref<50176x16xf32, #tpu.memory_space<vmem_shared>> -> memref<3136x16xf32, #tpu.memory_space<vmem_shared>>
        tpu.wait_dma2 semaphore(%run_scoped3A : memref<!tpu.dma_semaphore, #tpu.memory_space<semaphore_mem>>) src(%dma_wait3A_30 : memref<3136x16xf32, #tpu.memory_space<vmem_shared>>) dst(%dma_wait3A_28 : memref<3136x16xf32, #tpu.memory_space<hbm>>)
        tpu.yield
      }) : () -> ()
    } else {
    }
    %eq3A_16 = arith.constant 1 : i32
    %eq3A_17 = arith.cmpi eq, %arg0, %eq3A_16 : i32
    %convert_element_type3A_18 = arith.extui %eq3A_17 : i1 to i32
    %cond3A_19 = arith.constant 0 : i32
    %cond3A_20 = arith.cmpi ne, %convert_element_type3A_18, %cond3A_19 : i32
    scf.if %cond3A_20 {
      %mul3A_21 = arith.constant 3136 : i32
      %mul3A_22 = arith.muli %arg1, %mul3A_21 : i32
      %mul3A_23 = arith.constant 3136 : i32
      %mul3A_24 = arith.muli %arg1, %mul3A_23 : i32
      "tpu.region"() ({
        %run_scoped3A = tpu.sem_alloc : memref<!tpu.dma_semaphore, #tpu.memory_space<semaphore_mem>>
        %dma_start3A = arith.constant 0 : i32
        %dma_start3A_25 = tpu.memref_slice %arg8[%mul3A_24, %dma_start3A] : memref<50176x16xf32, #tpu.memory_space<hbm>> -> memref<3136x16xf32, #tpu.memory_space<hbm>>
        %dma_start3A_26 = arith.constant 0 : i32
        %dma_start3A_27 = tpu.memref_slice %arg9[%mul3A_22, %dma_start3A_26] : memref<50176x16xf32, #tpu.memory_space<vmem_shared>> -> memref<3136x16xf32, #tpu.memory_space<vmem_shared>>
        tpu.enqueue_dma source(%dma_start3A_27 : memref<3136x16xf32, #tpu.memory_space<vmem_shared>>) target(%dma_start3A_25 : memref<3136x16xf32, #tpu.memory_space<hbm>>) target_semaphore(%run_scoped3A : memref<!tpu.dma_semaphore, #tpu.memory_space<semaphore_mem>>)
        %dma_wait3A = arith.constant 0 : i32
        %dma_wait3A_28 = tpu.memref_slice %arg8[%mul3A_24, %dma_wait3A] : memref<50176x16xf32, #tpu.memory_space<hbm>> -> memref<3136x16xf32, #tpu.memory_space<hbm>>
        %dma_wait3A_29 = arith.constant 0 : i32
        %dma_wait3A_30 = tpu.memref_slice %arg9[%mul3A_22, %dma_wait3A_29] : memref<50176x16xf32, #tpu.memory_space<vmem_shared>> -> memref<3136x16xf32, #tpu.memory_space<vmem_shared>>
        tpu.wait_dma2 semaphore(%run_scoped3A : memref<!tpu.dma_semaphore, #tpu.memory_space<semaphore_mem>>) src(%dma_wait3A_30 : memref<3136x16xf32, #tpu.memory_space<vmem_shared>>) dst(%dma_wait3A_28 : memref<3136x16xf32, #tpu.memory_space<hbm>>)
        tpu.yield
      }) : () -> ()
    } else {
    }
    return
  }
}

#map = affine_map<(d0, d1) -> (0, 0)>
#map1 = affine_map<(d0, d1) -> (0)>
module attributes {stable_mosaic.version = 14 : i64} {
  func.func @_sc_pass3(%arg0: i32, %arg1: i32, %arg2: memref<50000x32xf32, #tpu.memory_space<hbm>>, %arg3: memref<50000x32xf32, #tpu.memory_space<hbm>>, %arg4: memref<802816xi32, #tpu.memory_space<hbm>>, %arg5: memref<802816xi32, #tpu.memory_space<hbm>>, %arg6: memref<3136x32xf32, #tpu.memory_space<hbm>>, %arg7: memref<50176x32xf32, #tpu.memory_space<hbm>>, %arg8: memref<50176x32xf32, #tpu.memory_space<hbm>>, %arg9: memref<50176x32xf32, #tpu.memory_space<vmem_shared>>, %arg10: memref<448xi32, #tpu.memory_space<vmem>>, %arg11: memref<448xi32, #tpu.memory_space<vmem>>, %arg12: memref<448xi32, #tpu.memory_space<vmem>>, %arg13: memref<448xi32, #tpu.memory_space<vmem>>, %arg14: memref<896x32xf32, #tpu.memory_space<vmem>>, %arg15: memref<!tpu.dma_semaphore, #tpu.memory_space<semaphore_mem>>, %arg16: memref<!tpu.dma_semaphore, #tpu.memory_space<semaphore_mem>>, %arg17: memref<!tpu.dma_semaphore, #tpu.memory_space<semaphore_mem>>, %arg18: memref<!tpu.dma_semaphore, #tpu.memory_space<semaphore_mem>>, %arg19: memref<!tpu.dma_semaphore, #tpu.memory_space<semaphore_mem>>, %arg20: memref<!tpu.dma_semaphore, #tpu.memory_space<semaphore_mem>>, %arg21: memref<!tpu.dma_semaphore, #tpu.memory_space<semaphore_mem>>, %arg22: memref<!tpu.dma_semaphore, #tpu.memory_space<semaphore_mem>>) attributes {dimension_semantics = [#tpu.dimension_semantics<core_parallel>, #tpu.dimension_semantics<subcore_parallel>], iteration_bounds = array<i64: 2, 16>, scalar_prefetch = 0 : i64, scratch_operands = 14 : i64, tpu.core_type = #tpu.core_type<sc_vector_subcore>, window_params = [{transform_indices = #map}, {transform_indices = #map}, {transform_indices = #map1}, {transform_indices = #map1}, {transform_indices = #map}, {transform_indices = #map}, {transform_indices = #map}]} {
    %mul3A = arith.constant 3136 : i32
    %mul3A_0 = arith.muli %arg1, %mul3A : i32
    "tpu.region"() ({
      %run_scoped3A = tpu.sem_alloc : memref<!tpu.dma_semaphore, #tpu.memory_space<semaphore_mem>>
      %dma_start3A = arith.constant 0 : i32
      %dma_start3A_21 = tpu.memref_slice %arg9[%mul3A_0, %dma_start3A] : memref<50176x32xf32, #tpu.memory_space<vmem_shared>> -> memref<3136x32xf32, #tpu.memory_space<vmem_shared>>
      tpu.enqueue_dma source(%arg6 : memref<3136x32xf32, #tpu.memory_space<hbm>>) target(%dma_start3A_21 : memref<3136x32xf32, #tpu.memory_space<vmem_shared>>) target_semaphore(%run_scoped3A : memref<!tpu.dma_semaphore, #tpu.memory_space<semaphore_mem>>)
      %dma_wait3A = arith.constant 0 : i32
      %dma_wait3A_22 = tpu.memref_slice %arg9[%mul3A_0, %dma_wait3A] : memref<50176x32xf32, #tpu.memory_space<vmem_shared>> -> memref<3136x32xf32, #tpu.memory_space<vmem_shared>>
      tpu.wait_dma2 semaphore(%run_scoped3A : memref<!tpu.dma_semaphore, #tpu.memory_space<semaphore_mem>>) src(%arg6 : memref<3136x32xf32, #tpu.memory_space<hbm>>) dst(%dma_wait3A_22 : memref<3136x32xf32, #tpu.memory_space<vmem_shared>>)
      tpu.yield
    }) : () -> ()
    %barrier3A = arith.constant 0 : index
    tpu.barrier barrier_id(%barrier3A)
    %mul3A_1 = arith.constant 50176 : i32
    %mul3A_2 = arith.muli %arg1, %mul3A_1 : i32
    %eq3A = arith.constant 0 : i32
    %eq3A_3 = arith.cmpi eq, %arg0, %eq3A : i32
    %convert_element_type3A = arith.extui %eq3A_3 : i1 to i32
    %cond3A = arith.constant 0 : i32
    %cond3A_4 = arith.cmpi ne, %convert_element_type3A, %cond3A : i32
    scf.if %cond3A_4 {
      %add3A = arith.constant 0 : i32
      %add3A_21 = arith.addi %mul3A_2, %add3A : i32
      %dma_start3A = tpu.memref_slice %arg4[%add3A_21] : memref<802816xi32, #tpu.memory_space<hbm>> -> memref<448xi32, #tpu.memory_space<hbm>>
      %dma_start3A_22 = tpu.memref_slice %arg4[%add3A_21] : memref<802816xi32, #tpu.memory_space<hbm>> -> memref<448xi32, #tpu.memory_space<hbm>>
      tpu.enqueue_dma source(%dma_start3A_22 : memref<448xi32, #tpu.memory_space<hbm>>) target(%arg10 : memref<448xi32, #tpu.memory_space<vmem>>) target_semaphore(%arg15 : memref<!tpu.dma_semaphore, #tpu.memory_space<semaphore_mem>>)
      %add3A_23 = arith.constant 448 : i32
      %add3A_24 = arith.addi %mul3A_2, %add3A_23 : i32
      %dma_start3A_25 = tpu.memref_slice %arg4[%add3A_24] : memref<802816xi32, #tpu.memory_space<hbm>> -> memref<448xi32, #tpu.memory_space<hbm>>
      %dma_start3A_26 = tpu.memref_slice %arg4[%add3A_24] : memref<802816xi32, #tpu.memory_space<hbm>> -> memref<448xi32, #tpu.memory_space<hbm>>
      tpu.enqueue_dma source(%dma_start3A_26 : memref<448xi32, #tpu.memory_space<hbm>>) target(%arg11 : memref<448xi32, #tpu.memory_space<vmem>>) target_semaphore(%arg16 : memref<!tpu.dma_semaphore, #tpu.memory_space<semaphore_mem>>)
      %add3A_27 = arith.constant 0 : i32
      %add3A_28 = arith.addi %mul3A_2, %add3A_27 : i32
      %dma_start3A_29 = tpu.memref_slice %arg5[%add3A_28] : memref<802816xi32, #tpu.memory_space<hbm>> -> memref<448xi32, #tpu.memory_space<hbm>>
      %dma_start3A_30 = tpu.memref_slice %arg5[%add3A_28] : memref<802816xi32, #tpu.memory_space<hbm>> -> memref<448xi32, #tpu.memory_space<hbm>>
      tpu.enqueue_dma source(%dma_start3A_30 : memref<448xi32, #tpu.memory_space<hbm>>) target(%arg12 : memref<448xi32, #tpu.memory_space<vmem>>) target_semaphore(%arg17 : memref<!tpu.dma_semaphore, #tpu.memory_space<semaphore_mem>>)
      %add3A_31 = arith.constant 0 : i32
      %add3A_32 = arith.addi %mul3A_2, %add3A_31 : i32
      %dma_wait3A = tpu.memref_slice %arg4[%add3A_32] : memref<802816xi32, #tpu.memory_space<hbm>> -> memref<448xi32, #tpu.memory_space<hbm>>
      %dma_wait3A_33 = tpu.memref_slice %arg4[%add3A_32] : memref<802816xi32, #tpu.memory_space<hbm>> -> memref<448xi32, #tpu.memory_space<hbm>>
      tpu.wait_dma2 semaphore(%arg15 : memref<!tpu.dma_semaphore, #tpu.memory_space<semaphore_mem>>) src(%dma_wait3A_33 : memref<448xi32, #tpu.memory_space<hbm>>) dst(%arg10 : memref<448xi32, #tpu.memory_space<vmem>>)
      %dma_start3A_34 = arith.constant 0 : i32
      %dma_start3A_35 = arith.constant 0 : i32
      %dma_start3A_36 = tpu.memref_slice %arg14[%dma_start3A_34, %dma_start3A_35] : memref<896x32xf32, #tpu.memory_space<vmem>> -> memref<448x32xf32, #tpu.memory_space<vmem>>
      %dma_start3A_37 = arith.constant 0 : i32
      %dma_start3A_38 = arith.constant 0 : i32
      %dma_start3A_39 = tpu.memref_slice %arg2[%dma_start3A_37, %dma_start3A_38] : memref<50000x32xf32, #tpu.memory_space<hbm>> -> memref<50000x32xf32, #tpu.memory_space<hbm>>
      tpu.enqueue_indirect_dma source(%dma_start3A_39 : memref<50000x32xf32, #tpu.memory_space<hbm>>) target(%dma_start3A_36 : memref<448x32xf32, #tpu.memory_space<vmem>>) offsets(%arg10 : memref<448xi32, #tpu.memory_space<vmem>>) semaphore(%arg19 : memref<!tpu.dma_semaphore, #tpu.memory_space<semaphore_mem>>)
      %scan3A = arith.constant 0 : i32
      %scan3A_40 = arith.constant 0 : i32
      %scan3A_41 = arith.constant 56 : i32
      %scan3A_42 = arith.addi %scan3A_40, %scan3A_41 : i32
      %scan3A_43 = arith.constant 1 : i32
      scf.for %scan3A_57 = %scan3A_40 to %scan3A_42 step %scan3A_43  : i32 {
        %mul3A_58 = arith.constant 2 : i32
        %mul3A_59 = arith.muli %mul3A_58, %scan3A_57 : i32
        %add3A_60 = arith.constant 0 : i32
        %add3A_61 = arith.addi %mul3A_59, %add3A_60 : i32
        %ge3A = arith.constant 1 : i32
        %ge3A_62 = arith.cmpi sge, %add3A_61, %ge3A : i32
        %convert_element_type3A_63 = arith.extui %ge3A_62 : i1 to i32
        %cond3A_64 = arith.constant 0 : i32
        %cond3A_65 = arith.cmpi ne, %convert_element_type3A_63, %cond3A_64 : i32
        scf.if %cond3A_65 {
          %dma_wait3A_136 = arith.constant 448 : i32
          %dma_wait3A_137 = arith.constant 0 : i32
          %dma_wait3A_138 = tpu.memref_slice %arg14[%dma_wait3A_136, %dma_wait3A_137] : memref<896x32xf32, #tpu.memory_space<vmem>> -> memref<448x32xf32, #tpu.memory_space<vmem>>
          %dma_wait3A_139 = arith.constant 0 : i32
          %dma_wait3A_140 = arith.constant 0 : i32
          %dma_wait3A_141 = tpu.memref_slice %arg2[%dma_wait3A_139, %dma_wait3A_140] : memref<50000x32xf32, #tpu.memory_space<hbm>> -> memref<448x32xf32, #tpu.memory_space<hbm>>
          %dma_wait3A_142 = arith.constant 448 : i32
          %dma_wait3A_143 = arith.constant 0 : i32
          %dma_wait3A_144 = tpu.memref_slice %arg14[%dma_wait3A_142, %dma_wait3A_143] : memref<896x32xf32, #tpu.memory_space<vmem>> -> memref<448x32xf32, #tpu.memory_space<vmem>>
          %dma_wait3A_145 = arith.constant 0 : i32
          %dma_wait3A_146 = arith.constant 0 : i32
          %dma_wait3A_147 = tpu.memref_slice %arg2[%dma_wait3A_145, %dma_wait3A_146] : memref<50000x32xf32, #tpu.memory_space<hbm>> -> memref<448x32xf32, #tpu.memory_space<hbm>>
          tpu.wait_dma2 semaphore(%arg22 : memref<!tpu.dma_semaphore, #tpu.memory_space<semaphore_mem>>) src(%dma_wait3A_147 : memref<448x32xf32, #tpu.memory_space<hbm>>) dst(%dma_wait3A_144 : memref<448x32xf32, #tpu.memory_space<vmem>>)
        } else {
        }
        %add3A_66 = arith.constant 1 : i32
        %add3A_67 = arith.addi %add3A_61, %add3A_66 : i32
        %lt3A = arith.constant 112 : i32
        %lt3A_68 = arith.cmpi slt, %add3A_67, %lt3A : i32
        %convert_element_type3A_69 = arith.extui %lt3A_68 : i1 to i32
        %cond3A_70 = arith.constant 0 : i32
        %cond3A_71 = arith.cmpi ne, %convert_element_type3A_69, %cond3A_70 : i32
        scf.if %cond3A_71 {
          %add3A_136 = arith.constant 1 : i32
          %add3A_137 = arith.addi %add3A_61, %add3A_136 : i32
          %mul3A_138 = arith.constant 448 : i32
          %mul3A_139 = arith.muli %add3A_137, %mul3A_138 : i32
          %add3A_140 = arith.addi %mul3A_2, %mul3A_139 : i32
          %dma_wait3A_141 = tpu.memref_slice %arg4[%add3A_140] : memref<802816xi32, #tpu.memory_space<hbm>> -> memref<448xi32, #tpu.memory_space<hbm>>
          %dma_wait3A_142 = tpu.memref_slice %arg4[%add3A_140] : memref<802816xi32, #tpu.memory_space<hbm>> -> memref<448xi32, #tpu.memory_space<hbm>>
          tpu.wait_dma2 semaphore(%arg16 : memref<!tpu.dma_semaphore, #tpu.memory_space<semaphore_mem>>) src(%dma_wait3A_142 : memref<448xi32, #tpu.memory_space<hbm>>) dst(%arg11 : memref<448xi32, #tpu.memory_space<vmem>>)
          %dma_start3A_143 = arith.constant 448 : i32
          %dma_start3A_144 = arith.constant 0 : i32
          %dma_start3A_145 = tpu.memref_slice %arg14[%dma_start3A_143, %dma_start3A_144] : memref<896x32xf32, #tpu.memory_space<vmem>> -> memref<448x32xf32, #tpu.memory_space<vmem>>
          %dma_start3A_146 = arith.constant 0 : i32
          %dma_start3A_147 = arith.constant 0 : i32
          %dma_start3A_148 = tpu.memref_slice %arg2[%dma_start3A_146, %dma_start3A_147] : memref<50000x32xf32, #tpu.memory_space<hbm>> -> memref<50000x32xf32, #tpu.memory_space<hbm>>
          tpu.enqueue_indirect_dma source(%dma_start3A_148 : memref<50000x32xf32, #tpu.memory_space<hbm>>) target(%dma_start3A_145 : memref<448x32xf32, #tpu.memory_space<vmem>>) offsets(%arg11 : memref<448xi32, #tpu.memory_space<vmem>>) semaphore(%arg20 : memref<!tpu.dma_semaphore, #tpu.memory_space<semaphore_mem>>)
          %add3A_149 = arith.constant 1 : i32
          %add3A_150 = arith.addi %add3A_61, %add3A_149 : i32
          %mul3A_151 = arith.constant 448 : i32
          %mul3A_152 = arith.muli %add3A_150, %mul3A_151 : i32
          %add3A_153 = arith.addi %mul3A_2, %mul3A_152 : i32
          %dma_start3A_154 = tpu.memref_slice %arg5[%add3A_153] : memref<802816xi32, #tpu.memory_space<hbm>> -> memref<448xi32, #tpu.memory_space<hbm>>
          %dma_start3A_155 = tpu.memref_slice %arg5[%add3A_153] : memref<802816xi32, #tpu.memory_space<hbm>> -> memref<448xi32, #tpu.memory_space<hbm>>
          tpu.enqueue_dma source(%dma_start3A_155 : memref<448xi32, #tpu.memory_space<hbm>>) target(%arg13 : memref<448xi32, #tpu.memory_space<vmem>>) target_semaphore(%arg18 : memref<!tpu.dma_semaphore, #tpu.memory_space<semaphore_mem>>)
        } else {
        }
        %dma_wait3A_72 = arith.constant 0 : i32
        %dma_wait3A_73 = arith.constant 0 : i32
        %dma_wait3A_74 = tpu.memref_slice %arg14[%dma_wait3A_72, %dma_wait3A_73] : memref<896x32xf32, #tpu.memory_space<vmem>> -> memref<448x32xf32, #tpu.memory_space<vmem>>
        %dma_wait3A_75 = arith.constant 0 : i32
        %dma_wait3A_76 = arith.constant 0 : i32
        %dma_wait3A_77 = tpu.memref_slice %arg2[%dma_wait3A_75, %dma_wait3A_76] : memref<50000x32xf32, #tpu.memory_space<hbm>> -> memref<50000x32xf32, #tpu.memory_space<hbm>>
        tpu.wait_indirect_dma semaphore(%arg19 : memref<!tpu.dma_semaphore, #tpu.memory_space<semaphore_mem>>) src(%dma_wait3A_77 : memref<50000x32xf32, #tpu.memory_space<hbm>>) dst(%dma_wait3A_74 : memref<448x32xf32, #tpu.memory_space<vmem>>)
        %mul3A_78 = arith.constant 448 : i32
        %mul3A_79 = arith.muli %add3A_61, %mul3A_78 : i32
        %add3A_80 = arith.addi %mul3A_2, %mul3A_79 : i32
        %dma_wait3A_81 = tpu.memref_slice %arg5[%add3A_80] : memref<802816xi32, #tpu.memory_space<hbm>> -> memref<448xi32, #tpu.memory_space<hbm>>
        %dma_wait3A_82 = tpu.memref_slice %arg5[%add3A_80] : memref<802816xi32, #tpu.memory_space<hbm>> -> memref<448xi32, #tpu.memory_space<hbm>>
        tpu.wait_dma2 semaphore(%arg17 : memref<!tpu.dma_semaphore, #tpu.memory_space<semaphore_mem>>) src(%dma_wait3A_82 : memref<448xi32, #tpu.memory_space<hbm>>) dst(%arg12 : memref<448xi32, #tpu.memory_space<vmem>>)
        %dma_start3A_83 = arith.constant 0 : i32
        %dma_start3A_84 = arith.constant 0 : i32
        %dma_start3A_85 = tpu.memref_slice %arg14[%dma_start3A_83, %dma_start3A_84] : memref<896x32xf32, #tpu.memory_space<vmem>> -> memref<448x32xf32, #tpu.memory_space<vmem>>
        %dma_start3A_86 = arith.constant 0 : i32
        %dma_start3A_87 = arith.constant 0 : i32
        %dma_start3A_88 = tpu.memref_slice %arg9[%dma_start3A_86, %dma_start3A_87] : memref<50176x32xf32, #tpu.memory_space<vmem_shared>> -> memref<50176x32xf32, #tpu.memory_space<vmem_shared>>
        tpu.enqueue_indirect_dma source(%dma_start3A_85 : memref<448x32xf32, #tpu.memory_space<vmem>>) target(%dma_start3A_88 : memref<50176x32xf32, #tpu.memory_space<vmem_shared>>) offsets(%arg12 : memref<448xi32, #tpu.memory_space<vmem>>) semaphore(%arg21 : memref<!tpu.dma_semaphore, #tpu.memory_space<semaphore_mem>>) {add = true}
        %add3A_89 = arith.constant 2 : i32
        %add3A_90 = arith.addi %add3A_61, %add3A_89 : i32
        %lt3A_91 = arith.constant 112 : i32
        %lt3A_92 = arith.cmpi slt, %add3A_90, %lt3A_91 : i32
        %convert_element_type3A_93 = arith.extui %lt3A_92 : i1 to i32
        %cond3A_94 = arith.constant 0 : i32
        %cond3A_95 = arith.cmpi ne, %convert_element_type3A_93, %cond3A_94 : i32
        scf.if %cond3A_95 {
          %add3A_136 = arith.constant 2 : i32
          %add3A_137 = arith.addi %add3A_61, %add3A_136 : i32
          %mul3A_138 = arith.constant 448 : i32
          %mul3A_139 = arith.muli %add3A_137, %mul3A_138 : i32
          %add3A_140 = arith.addi %mul3A_2, %mul3A_139 : i32
          %dma_start3A_141 = tpu.memref_slice %arg4[%add3A_140] : memref<802816xi32, #tpu.memory_space<hbm>> -> memref<448xi32, #tpu.memory_space<hbm>>
          %dma_start3A_142 = tpu.memref_slice %arg4[%add3A_140] : memref<802816xi32, #tpu.memory_space<hbm>> -> memref<448xi32, #tpu.memory_space<hbm>>
          tpu.enqueue_dma source(%dma_start3A_142 : memref<448xi32, #tpu.memory_space<hbm>>) target(%arg10 : memref<448xi32, #tpu.memory_space<vmem>>) target_semaphore(%arg15 : memref<!tpu.dma_semaphore, #tpu.memory_space<semaphore_mem>>)
        } else {
        }
        %mul3A_96 = arith.constant 2 : i32
        %mul3A_97 = arith.muli %mul3A_96, %scan3A_57 : i32
        %add3A_98 = arith.constant 1 : i32
        %add3A_99 = arith.addi %mul3A_97, %add3A_98 : i32
        %ge3A_100 = arith.constant 1 : i32
        %ge3A_101 = arith.cmpi sge, %add3A_99, %ge3A_100 : i32
        %convert_element_type3A_102 = arith.extui %ge3A_101 : i1 to i32
        %cond3A_103 = arith.constant 0 : i32
        %cond3A_104 = arith.cmpi ne, %convert_element_type3A_102, %cond3A_103 : i32
        scf.if %cond3A_104 {
          %dma_wait3A_136 = arith.constant 0 : i32
          %dma_wait3A_137 = arith.constant 0 : i32
          %dma_wait3A_138 = tpu.memref_slice %arg14[%dma_wait3A_136, %dma_wait3A_137] : memref<896x32xf32, #tpu.memory_space<vmem>> -> memref<448x32xf32, #tpu.memory_space<vmem>>
          %dma_wait3A_139 = arith.constant 0 : i32
          %dma_wait3A_140 = arith.constant 0 : i32
          %dma_wait3A_141 = tpu.memref_slice %arg2[%dma_wait3A_139, %dma_wait3A_140] : memref<50000x32xf32, #tpu.memory_space<hbm>> -> memref<448x32xf32, #tpu.memory_space<hbm>>
          %dma_wait3A_142 = arith.constant 0 : i32
          %dma_wait3A_143 = arith.constant 0 : i32
          %dma_wait3A_144 = tpu.memref_slice %arg14[%dma_wait3A_142, %dma_wait3A_143] : memref<896x32xf32, #tpu.memory_space<vmem>> -> memref<448x32xf32, #tpu.memory_space<vmem>>
          %dma_wait3A_145 = arith.constant 0 : i32
          %dma_wait3A_146 = arith.constant 0 : i32
          %dma_wait3A_147 = tpu.memref_slice %arg2[%dma_wait3A_145, %dma_wait3A_146] : memref<50000x32xf32, #tpu.memory_space<hbm>> -> memref<448x32xf32, #tpu.memory_space<hbm>>
          tpu.wait_dma2 semaphore(%arg21 : memref<!tpu.dma_semaphore, #tpu.memory_space<semaphore_mem>>) src(%dma_wait3A_147 : memref<448x32xf32, #tpu.memory_space<hbm>>) dst(%dma_wait3A_144 : memref<448x32xf32, #tpu.memory_space<vmem>>)
        } else {
        }
        %add3A_105 = arith.constant 1 : i32
        %add3A_106 = arith.addi %add3A_99, %add3A_105 : i32
        %lt3A_107 = arith.constant 112 : i32
        %lt3A_108 = arith.cmpi slt, %add3A_106, %lt3A_107 : i32
        %convert_element_type3A_109 = arith.extui %lt3A_108 : i1 to i32
        %cond3A_110 = arith.constant 0 : i32
        %cond3A_111 = arith.cmpi ne, %convert_element_type3A_109, %cond3A_110 : i32
        scf.if %cond3A_111 {
          %add3A_136 = arith.constant 1 : i32
          %add3A_137 = arith.addi %add3A_99, %add3A_136 : i32
          %mul3A_138 = arith.constant 448 : i32
          %mul3A_139 = arith.muli %add3A_137, %mul3A_138 : i32
          %add3A_140 = arith.addi %mul3A_2, %mul3A_139 : i32
          %dma_wait3A_141 = tpu.memref_slice %arg4[%add3A_140] : memref<802816xi32, #tpu.memory_space<hbm>> -> memref<448xi32, #tpu.memory_space<hbm>>
          %dma_wait3A_142 = tpu.memref_slice %arg4[%add3A_140] : memref<802816xi32, #tpu.memory_space<hbm>> -> memref<448xi32, #tpu.memory_space<hbm>>
          tpu.wait_dma2 semaphore(%arg15 : memref<!tpu.dma_semaphore, #tpu.memory_space<semaphore_mem>>) src(%dma_wait3A_142 : memref<448xi32, #tpu.memory_space<hbm>>) dst(%arg10 : memref<448xi32, #tpu.memory_space<vmem>>)
          %dma_start3A_143 = arith.constant 0 : i32
          %dma_start3A_144 = arith.constant 0 : i32
          %dma_start3A_145 = tpu.memref_slice %arg14[%dma_start3A_143, %dma_start3A_144] : memref<896x32xf32, #tpu.memory_space<vmem>> -> memref<448x32xf32, #tpu.memory_space<vmem>>
          %dma_start3A_146 = arith.constant 0 : i32
          %dma_start3A_147 = arith.constant 0 : i32
          %dma_start3A_148 = tpu.memref_slice %arg2[%dma_start3A_146, %dma_start3A_147] : memref<50000x32xf32, #tpu.memory_space<hbm>> -> memref<50000x32xf32, #tpu.memory_space<hbm>>
          tpu.enqueue_indirect_dma source(%dma_start3A_148 : memref<50000x32xf32, #tpu.memory_space<hbm>>) target(%dma_start3A_145 : memref<448x32xf32, #tpu.memory_space<vmem>>) offsets(%arg10 : memref<448xi32, #tpu.memory_space<vmem>>) semaphore(%arg19 : memref<!tpu.dma_semaphore, #tpu.memory_space<semaphore_mem>>)
          %add3A_149 = arith.constant 1 : i32
          %add3A_150 = arith.addi %add3A_99, %add3A_149 : i32
          %mul3A_151 = arith.constant 448 : i32
          %mul3A_152 = arith.muli %add3A_150, %mul3A_151 : i32
          %add3A_153 = arith.addi %mul3A_2, %mul3A_152 : i32
          %dma_start3A_154 = tpu.memref_slice %arg5[%add3A_153] : memref<802816xi32, #tpu.memory_space<hbm>> -> memref<448xi32, #tpu.memory_space<hbm>>
          %dma_start3A_155 = tpu.memref_slice %arg5[%add3A_153] : memref<802816xi32, #tpu.memory_space<hbm>> -> memref<448xi32, #tpu.memory_space<hbm>>
          tpu.enqueue_dma source(%dma_start3A_155 : memref<448xi32, #tpu.memory_space<hbm>>) target(%arg12 : memref<448xi32, #tpu.memory_space<vmem>>) target_semaphore(%arg17 : memref<!tpu.dma_semaphore, #tpu.memory_space<semaphore_mem>>)
        } else {
        }
        %dma_wait3A_112 = arith.constant 448 : i32
        %dma_wait3A_113 = arith.constant 0 : i32
        %dma_wait3A_114 = tpu.memref_slice %arg14[%dma_wait3A_112, %dma_wait3A_113] : memref<896x32xf32, #tpu.memory_space<vmem>> -> memref<448x32xf32, #tpu.memory_space<vmem>>
        %dma_wait3A_115 = arith.constant 0 : i32
        %dma_wait3A_116 = arith.constant 0 : i32
        %dma_wait3A_117 = tpu.memref_slice %arg2[%dma_wait3A_115, %dma_wait3A_116] : memref<50000x32xf32, #tpu.memory_space<hbm>> -> memref<50000x32xf32, #tpu.memory_space<hbm>>
        tpu.wait_indirect_dma semaphore(%arg20 : memref<!tpu.dma_semaphore, #tpu.memory_space<semaphore_mem>>) src(%dma_wait3A_117 : memref<50000x32xf32, #tpu.memory_space<hbm>>) dst(%dma_wait3A_114 : memref<448x32xf32, #tpu.memory_space<vmem>>)
        %mul3A_118 = arith.constant 448 : i32
        %mul3A_119 = arith.muli %add3A_99, %mul3A_118 : i32
        %add3A_120 = arith.addi %mul3A_2, %mul3A_119 : i32
        %dma_wait3A_121 = tpu.memref_slice %arg5[%add3A_120] : memref<802816xi32, #tpu.memory_space<hbm>> -> memref<448xi32, #tpu.memory_space<hbm>>
        %dma_wait3A_122 = tpu.memref_slice %arg5[%add3A_120] : memref<802816xi32, #tpu.memory_space<hbm>> -> memref<448xi32, #tpu.memory_space<hbm>>
        tpu.wait_dma2 semaphore(%arg18 : memref<!tpu.dma_semaphore, #tpu.memory_space<semaphore_mem>>) src(%dma_wait3A_122 : memref<448xi32, #tpu.memory_space<hbm>>) dst(%arg13 : memref<448xi32, #tpu.memory_space<vmem>>)
        %dma_start3A_123 = arith.constant 448 : i32
        %dma_start3A_124 = arith.constant 0 : i32
        %dma_start3A_125 = tpu.memref_slice %arg14[%dma_start3A_123, %dma_start3A_124] : memref<896x32xf32, #tpu.memory_space<vmem>> -> memref<448x32xf32, #tpu.memory_space<vmem>>
        %dma_start3A_126 = arith.constant 0 : i32
        %dma_start3A_127 = arith.constant 0 : i32
        %dma_start3A_128 = tpu.memref_slice %arg9[%dma_start3A_126, %dma_start3A_127] : memref<50176x32xf32, #tpu.memory_space<vmem_shared>> -> memref<50176x32xf32, #tpu.memory_space<vmem_shared>>
        tpu.enqueue_indirect_dma source(%dma_start3A_125 : memref<448x32xf32, #tpu.memory_space<vmem>>) target(%dma_start3A_128 : memref<50176x32xf32, #tpu.memory_space<vmem_shared>>) offsets(%arg13 : memref<448xi32, #tpu.memory_space<vmem>>) semaphore(%arg22 : memref<!tpu.dma_semaphore, #tpu.memory_space<semaphore_mem>>) {add = true}
        %add3A_129 = arith.constant 2 : i32
        %add3A_130 = arith.addi %add3A_99, %add3A_129 : i32
        %lt3A_131 = arith.constant 112 : i32
        %lt3A_132 = arith.cmpi slt, %add3A_130, %lt3A_131 : i32
        %convert_element_type3A_133 = arith.extui %lt3A_132 : i1 to i32
        %cond3A_134 = arith.constant 0 : i32
        %cond3A_135 = arith.cmpi ne, %convert_element_type3A_133, %cond3A_134 : i32
        scf.if %cond3A_135 {
          %add3A_136 = arith.constant 2 : i32
          %add3A_137 = arith.addi %add3A_99, %add3A_136 : i32
          %mul3A_138 = arith.constant 448 : i32
          %mul3A_139 = arith.muli %add3A_137, %mul3A_138 : i32
          %add3A_140 = arith.addi %mul3A_2, %mul3A_139 : i32
          %dma_start3A_141 = tpu.memref_slice %arg4[%add3A_140] : memref<802816xi32, #tpu.memory_space<hbm>> -> memref<448xi32, #tpu.memory_space<hbm>>
          %dma_start3A_142 = tpu.memref_slice %arg4[%add3A_140] : memref<802816xi32, #tpu.memory_space<hbm>> -> memref<448xi32, #tpu.memory_space<hbm>>
          tpu.enqueue_dma source(%dma_start3A_142 : memref<448xi32, #tpu.memory_space<hbm>>) target(%arg11 : memref<448xi32, #tpu.memory_space<vmem>>) target_semaphore(%arg16 : memref<!tpu.dma_semaphore, #tpu.memory_space<semaphore_mem>>)
        } else {
        }
      }
      %scan3A_44 = arith.constant 56 : i32
      %dma_wait3A_45 = arith.constant 448 : i32
      %dma_wait3A_46 = arith.constant 0 : i32
      %dma_wait3A_47 = tpu.memref_slice %arg14[%dma_wait3A_45, %dma_wait3A_46] : memref<896x32xf32, #tpu.memory_space<vmem>> -> memref<448x32xf32, #tpu.memory_space<vmem>>
      %dma_wait3A_48 = arith.constant 0 : i32
      %dma_wait3A_49 = arith.constant 0 : i32
      %dma_wait3A_50 = tpu.memref_slice %arg2[%dma_wait3A_48, %dma_wait3A_49] : memref<50000x32xf32, #tpu.memory_space<hbm>> -> memref<448x32xf32, #tpu.memory_space<hbm>>
      %dma_wait3A_51 = arith.constant 448 : i32
      %dma_wait3A_52 = arith.constant 0 : i32
      %dma_wait3A_53 = tpu.memref_slice %arg14[%dma_wait3A_51, %dma_wait3A_52] : memref<896x32xf32, #tpu.memory_space<vmem>> -> memref<448x32xf32, #tpu.memory_space<vmem>>
      %dma_wait3A_54 = arith.constant 0 : i32
      %dma_wait3A_55 = arith.constant 0 : i32
      %dma_wait3A_56 = tpu.memref_slice %arg2[%dma_wait3A_54, %dma_wait3A_55] : memref<50000x32xf32, #tpu.memory_space<hbm>> -> memref<448x32xf32, #tpu.memory_space<hbm>>
      tpu.wait_dma2 semaphore(%arg22 : memref<!tpu.dma_semaphore, #tpu.memory_space<semaphore_mem>>) src(%dma_wait3A_56 : memref<448x32xf32, #tpu.memory_space<hbm>>) dst(%dma_wait3A_53 : memref<448x32xf32, #tpu.memory_space<vmem>>)
    } else {
    }
    %eq3A_5 = arith.constant 1 : i32
    %eq3A_6 = arith.cmpi eq, %arg0, %eq3A_5 : i32
    %convert_element_type3A_7 = arith.extui %eq3A_6 : i1 to i32
    %cond3A_8 = arith.constant 0 : i32
    %cond3A_9 = arith.cmpi ne, %convert_element_type3A_7, %cond3A_8 : i32
    scf.if %cond3A_9 {
      %add3A = arith.constant 0 : i32
      %add3A_21 = arith.addi %mul3A_2, %add3A : i32
      %dma_start3A = tpu.memref_slice %arg4[%add3A_21] : memref<802816xi32, #tpu.memory_space<hbm>> -> memref<448xi32, #tpu.memory_space<hbm>>
      %dma_start3A_22 = tpu.memref_slice %arg4[%add3A_21] : memref<802816xi32, #tpu.memory_space<hbm>> -> memref<448xi32, #tpu.memory_space<hbm>>
      tpu.enqueue_dma source(%dma_start3A_22 : memref<448xi32, #tpu.memory_space<hbm>>) target(%arg10 : memref<448xi32, #tpu.memory_space<vmem>>) target_semaphore(%arg15 : memref<!tpu.dma_semaphore, #tpu.memory_space<semaphore_mem>>)
      %add3A_23 = arith.constant 448 : i32
      %add3A_24 = arith.addi %mul3A_2, %add3A_23 : i32
      %dma_start3A_25 = tpu.memref_slice %arg4[%add3A_24] : memref<802816xi32, #tpu.memory_space<hbm>> -> memref<448xi32, #tpu.memory_space<hbm>>
      %dma_start3A_26 = tpu.memref_slice %arg4[%add3A_24] : memref<802816xi32, #tpu.memory_space<hbm>> -> memref<448xi32, #tpu.memory_space<hbm>>
      tpu.enqueue_dma source(%dma_start3A_26 : memref<448xi32, #tpu.memory_space<hbm>>) target(%arg11 : memref<448xi32, #tpu.memory_space<vmem>>) target_semaphore(%arg16 : memref<!tpu.dma_semaphore, #tpu.memory_space<semaphore_mem>>)
      %add3A_27 = arith.constant 0 : i32
      %add3A_28 = arith.addi %mul3A_2, %add3A_27 : i32
      %dma_start3A_29 = tpu.memref_slice %arg5[%add3A_28] : memref<802816xi32, #tpu.memory_space<hbm>> -> memref<448xi32, #tpu.memory_space<hbm>>
      %dma_start3A_30 = tpu.memref_slice %arg5[%add3A_28] : memref<802816xi32, #tpu.memory_space<hbm>> -> memref<448xi32, #tpu.memory_space<hbm>>
      tpu.enqueue_dma source(%dma_start3A_30 : memref<448xi32, #tpu.memory_space<hbm>>) target(%arg12 : memref<448xi32, #tpu.memory_space<vmem>>) target_semaphore(%arg17 : memref<!tpu.dma_semaphore, #tpu.memory_space<semaphore_mem>>)
      %add3A_31 = arith.constant 0 : i32
      %add3A_32 = arith.addi %mul3A_2, %add3A_31 : i32
      %dma_wait3A = tpu.memref_slice %arg4[%add3A_32] : memref<802816xi32, #tpu.memory_space<hbm>> -> memref<448xi32, #tpu.memory_space<hbm>>
      %dma_wait3A_33 = tpu.memref_slice %arg4[%add3A_32] : memref<802816xi32, #tpu.memory_space<hbm>> -> memref<448xi32, #tpu.memory_space<hbm>>
      tpu.wait_dma2 semaphore(%arg15 : memref<!tpu.dma_semaphore, #tpu.memory_space<semaphore_mem>>) src(%dma_wait3A_33 : memref<448xi32, #tpu.memory_space<hbm>>) dst(%arg10 : memref<448xi32, #tpu.memory_space<vmem>>)
      %dma_start3A_34 = arith.constant 0 : i32
      %dma_start3A_35 = arith.constant 0 : i32
      %dma_start3A_36 = tpu.memref_slice %arg14[%dma_start3A_34, %dma_start3A_35] : memref<896x32xf32, #tpu.memory_space<vmem>> -> memref<448x32xf32, #tpu.memory_space<vmem>>
      %dma_start3A_37 = arith.constant 0 : i32
      %dma_start3A_38 = arith.constant 0 : i32
      %dma_start3A_39 = tpu.memref_slice %arg3[%dma_start3A_37, %dma_start3A_38] : memref<50000x32xf32, #tpu.memory_space<hbm>> -> memref<50000x32xf32, #tpu.memory_space<hbm>>
      tpu.enqueue_indirect_dma source(%dma_start3A_39 : memref<50000x32xf32, #tpu.memory_space<hbm>>) target(%dma_start3A_36 : memref<448x32xf32, #tpu.memory_space<vmem>>) offsets(%arg10 : memref<448xi32, #tpu.memory_space<vmem>>) semaphore(%arg19 : memref<!tpu.dma_semaphore, #tpu.memory_space<semaphore_mem>>)
      %scan3A = arith.constant 0 : i32
      %scan3A_40 = arith.constant 0 : i32
      %scan3A_41 = arith.constant 56 : i32
      %scan3A_42 = arith.addi %scan3A_40, %scan3A_41 : i32
      %scan3A_43 = arith.constant 1 : i32
      scf.for %scan3A_57 = %scan3A_40 to %scan3A_42 step %scan3A_43  : i32 {
        %mul3A_58 = arith.constant 2 : i32
        %mul3A_59 = arith.muli %mul3A_58, %scan3A_57 : i32
        %add3A_60 = arith.constant 0 : i32
        %add3A_61 = arith.addi %mul3A_59, %add3A_60 : i32
        %ge3A = arith.constant 1 : i32
        %ge3A_62 = arith.cmpi sge, %add3A_61, %ge3A : i32
        %convert_element_type3A_63 = arith.extui %ge3A_62 : i1 to i32
        %cond3A_64 = arith.constant 0 : i32
        %cond3A_65 = arith.cmpi ne, %convert_element_type3A_63, %cond3A_64 : i32
        scf.if %cond3A_65 {
          %dma_wait3A_136 = arith.constant 448 : i32
          %dma_wait3A_137 = arith.constant 0 : i32
          %dma_wait3A_138 = tpu.memref_slice %arg14[%dma_wait3A_136, %dma_wait3A_137] : memref<896x32xf32, #tpu.memory_space<vmem>> -> memref<448x32xf32, #tpu.memory_space<vmem>>
          %dma_wait3A_139 = arith.constant 0 : i32
          %dma_wait3A_140 = arith.constant 0 : i32
          %dma_wait3A_141 = tpu.memref_slice %arg3[%dma_wait3A_139, %dma_wait3A_140] : memref<50000x32xf32, #tpu.memory_space<hbm>> -> memref<448x32xf32, #tpu.memory_space<hbm>>
          %dma_wait3A_142 = arith.constant 448 : i32
          %dma_wait3A_143 = arith.constant 0 : i32
          %dma_wait3A_144 = tpu.memref_slice %arg14[%dma_wait3A_142, %dma_wait3A_143] : memref<896x32xf32, #tpu.memory_space<vmem>> -> memref<448x32xf32, #tpu.memory_space<vmem>>
          %dma_wait3A_145 = arith.constant 0 : i32
          %dma_wait3A_146 = arith.constant 0 : i32
          %dma_wait3A_147 = tpu.memref_slice %arg3[%dma_wait3A_145, %dma_wait3A_146] : memref<50000x32xf32, #tpu.memory_space<hbm>> -> memref<448x32xf32, #tpu.memory_space<hbm>>
          tpu.wait_dma2 semaphore(%arg22 : memref<!tpu.dma_semaphore, #tpu.memory_space<semaphore_mem>>) src(%dma_wait3A_147 : memref<448x32xf32, #tpu.memory_space<hbm>>) dst(%dma_wait3A_144 : memref<448x32xf32, #tpu.memory_space<vmem>>)
        } else {
        }
        %add3A_66 = arith.constant 1 : i32
        %add3A_67 = arith.addi %add3A_61, %add3A_66 : i32
        %lt3A = arith.constant 112 : i32
        %lt3A_68 = arith.cmpi slt, %add3A_67, %lt3A : i32
        %convert_element_type3A_69 = arith.extui %lt3A_68 : i1 to i32
        %cond3A_70 = arith.constant 0 : i32
        %cond3A_71 = arith.cmpi ne, %convert_element_type3A_69, %cond3A_70 : i32
        scf.if %cond3A_71 {
          %add3A_136 = arith.constant 1 : i32
          %add3A_137 = arith.addi %add3A_61, %add3A_136 : i32
          %mul3A_138 = arith.constant 448 : i32
          %mul3A_139 = arith.muli %add3A_137, %mul3A_138 : i32
          %add3A_140 = arith.addi %mul3A_2, %mul3A_139 : i32
          %dma_wait3A_141 = tpu.memref_slice %arg4[%add3A_140] : memref<802816xi32, #tpu.memory_space<hbm>> -> memref<448xi32, #tpu.memory_space<hbm>>
          %dma_wait3A_142 = tpu.memref_slice %arg4[%add3A_140] : memref<802816xi32, #tpu.memory_space<hbm>> -> memref<448xi32, #tpu.memory_space<hbm>>
          tpu.wait_dma2 semaphore(%arg16 : memref<!tpu.dma_semaphore, #tpu.memory_space<semaphore_mem>>) src(%dma_wait3A_142 : memref<448xi32, #tpu.memory_space<hbm>>) dst(%arg11 : memref<448xi32, #tpu.memory_space<vmem>>)
          %dma_start3A_143 = arith.constant 448 : i32
          %dma_start3A_144 = arith.constant 0 : i32
          %dma_start3A_145 = tpu.memref_slice %arg14[%dma_start3A_143, %dma_start3A_144] : memref<896x32xf32, #tpu.memory_space<vmem>> -> memref<448x32xf32, #tpu.memory_space<vmem>>
          %dma_start3A_146 = arith.constant 0 : i32
          %dma_start3A_147 = arith.constant 0 : i32
          %dma_start3A_148 = tpu.memref_slice %arg3[%dma_start3A_146, %dma_start3A_147] : memref<50000x32xf32, #tpu.memory_space<hbm>> -> memref<50000x32xf32, #tpu.memory_space<hbm>>
          tpu.enqueue_indirect_dma source(%dma_start3A_148 : memref<50000x32xf32, #tpu.memory_space<hbm>>) target(%dma_start3A_145 : memref<448x32xf32, #tpu.memory_space<vmem>>) offsets(%arg11 : memref<448xi32, #tpu.memory_space<vmem>>) semaphore(%arg20 : memref<!tpu.dma_semaphore, #tpu.memory_space<semaphore_mem>>)
          %add3A_149 = arith.constant 1 : i32
          %add3A_150 = arith.addi %add3A_61, %add3A_149 : i32
          %mul3A_151 = arith.constant 448 : i32
          %mul3A_152 = arith.muli %add3A_150, %mul3A_151 : i32
          %add3A_153 = arith.addi %mul3A_2, %mul3A_152 : i32
          %dma_start3A_154 = tpu.memref_slice %arg5[%add3A_153] : memref<802816xi32, #tpu.memory_space<hbm>> -> memref<448xi32, #tpu.memory_space<hbm>>
          %dma_start3A_155 = tpu.memref_slice %arg5[%add3A_153] : memref<802816xi32, #tpu.memory_space<hbm>> -> memref<448xi32, #tpu.memory_space<hbm>>
          tpu.enqueue_dma source(%dma_start3A_155 : memref<448xi32, #tpu.memory_space<hbm>>) target(%arg13 : memref<448xi32, #tpu.memory_space<vmem>>) target_semaphore(%arg18 : memref<!tpu.dma_semaphore, #tpu.memory_space<semaphore_mem>>)
        } else {
        }
        %dma_wait3A_72 = arith.constant 0 : i32
        %dma_wait3A_73 = arith.constant 0 : i32
        %dma_wait3A_74 = tpu.memref_slice %arg14[%dma_wait3A_72, %dma_wait3A_73] : memref<896x32xf32, #tpu.memory_space<vmem>> -> memref<448x32xf32, #tpu.memory_space<vmem>>
        %dma_wait3A_75 = arith.constant 0 : i32
        %dma_wait3A_76 = arith.constant 0 : i32
        %dma_wait3A_77 = tpu.memref_slice %arg3[%dma_wait3A_75, %dma_wait3A_76] : memref<50000x32xf32, #tpu.memory_space<hbm>> -> memref<50000x32xf32, #tpu.memory_space<hbm>>
        tpu.wait_indirect_dma semaphore(%arg19 : memref<!tpu.dma_semaphore, #tpu.memory_space<semaphore_mem>>) src(%dma_wait3A_77 : memref<50000x32xf32, #tpu.memory_space<hbm>>) dst(%dma_wait3A_74 : memref<448x32xf32, #tpu.memory_space<vmem>>)
        %mul3A_78 = arith.constant 448 : i32
        %mul3A_79 = arith.muli %add3A_61, %mul3A_78 : i32
        %add3A_80 = arith.addi %mul3A_2, %mul3A_79 : i32
        %dma_wait3A_81 = tpu.memref_slice %arg5[%add3A_80] : memref<802816xi32, #tpu.memory_space<hbm>> -> memref<448xi32, #tpu.memory_space<hbm>>
        %dma_wait3A_82 = tpu.memref_slice %arg5[%add3A_80] : memref<802816xi32, #tpu.memory_space<hbm>> -> memref<448xi32, #tpu.memory_space<hbm>>
        tpu.wait_dma2 semaphore(%arg17 : memref<!tpu.dma_semaphore, #tpu.memory_space<semaphore_mem>>) src(%dma_wait3A_82 : memref<448xi32, #tpu.memory_space<hbm>>) dst(%arg12 : memref<448xi32, #tpu.memory_space<vmem>>)
        %dma_start3A_83 = arith.constant 0 : i32
        %dma_start3A_84 = arith.constant 0 : i32
        %dma_start3A_85 = tpu.memref_slice %arg14[%dma_start3A_83, %dma_start3A_84] : memref<896x32xf32, #tpu.memory_space<vmem>> -> memref<448x32xf32, #tpu.memory_space<vmem>>
        %dma_start3A_86 = arith.constant 0 : i32
        %dma_start3A_87 = arith.constant 0 : i32
        %dma_start3A_88 = tpu.memref_slice %arg9[%dma_start3A_86, %dma_start3A_87] : memref<50176x32xf32, #tpu.memory_space<vmem_shared>> -> memref<50176x32xf32, #tpu.memory_space<vmem_shared>>
        tpu.enqueue_indirect_dma source(%dma_start3A_85 : memref<448x32xf32, #tpu.memory_space<vmem>>) target(%dma_start3A_88 : memref<50176x32xf32, #tpu.memory_space<vmem_shared>>) offsets(%arg12 : memref<448xi32, #tpu.memory_space<vmem>>) semaphore(%arg21 : memref<!tpu.dma_semaphore, #tpu.memory_space<semaphore_mem>>) {add = true}
        %add3A_89 = arith.constant 2 : i32
        %add3A_90 = arith.addi %add3A_61, %add3A_89 : i32
        %lt3A_91 = arith.constant 112 : i32
        %lt3A_92 = arith.cmpi slt, %add3A_90, %lt3A_91 : i32
        %convert_element_type3A_93 = arith.extui %lt3A_92 : i1 to i32
        %cond3A_94 = arith.constant 0 : i32
        %cond3A_95 = arith.cmpi ne, %convert_element_type3A_93, %cond3A_94 : i32
        scf.if %cond3A_95 {
          %add3A_136 = arith.constant 2 : i32
          %add3A_137 = arith.addi %add3A_61, %add3A_136 : i32
          %mul3A_138 = arith.constant 448 : i32
          %mul3A_139 = arith.muli %add3A_137, %mul3A_138 : i32
          %add3A_140 = arith.addi %mul3A_2, %mul3A_139 : i32
          %dma_start3A_141 = tpu.memref_slice %arg4[%add3A_140] : memref<802816xi32, #tpu.memory_space<hbm>> -> memref<448xi32, #tpu.memory_space<hbm>>
          %dma_start3A_142 = tpu.memref_slice %arg4[%add3A_140] : memref<802816xi32, #tpu.memory_space<hbm>> -> memref<448xi32, #tpu.memory_space<hbm>>
          tpu.enqueue_dma source(%dma_start3A_142 : memref<448xi32, #tpu.memory_space<hbm>>) target(%arg10 : memref<448xi32, #tpu.memory_space<vmem>>) target_semaphore(%arg15 : memref<!tpu.dma_semaphore, #tpu.memory_space<semaphore_mem>>)
        } else {
        }
        %mul3A_96 = arith.constant 2 : i32
        %mul3A_97 = arith.muli %mul3A_96, %scan3A_57 : i32
        %add3A_98 = arith.constant 1 : i32
        %add3A_99 = arith.addi %mul3A_97, %add3A_98 : i32
        %ge3A_100 = arith.constant 1 : i32
        %ge3A_101 = arith.cmpi sge, %add3A_99, %ge3A_100 : i32
        %convert_element_type3A_102 = arith.extui %ge3A_101 : i1 to i32
        %cond3A_103 = arith.constant 0 : i32
        %cond3A_104 = arith.cmpi ne, %convert_element_type3A_102, %cond3A_103 : i32
        scf.if %cond3A_104 {
          %dma_wait3A_136 = arith.constant 0 : i32
          %dma_wait3A_137 = arith.constant 0 : i32
          %dma_wait3A_138 = tpu.memref_slice %arg14[%dma_wait3A_136, %dma_wait3A_137] : memref<896x32xf32, #tpu.memory_space<vmem>> -> memref<448x32xf32, #tpu.memory_space<vmem>>
          %dma_wait3A_139 = arith.constant 0 : i32
          %dma_wait3A_140 = arith.constant 0 : i32
          %dma_wait3A_141 = tpu.memref_slice %arg3[%dma_wait3A_139, %dma_wait3A_140] : memref<50000x32xf32, #tpu.memory_space<hbm>> -> memref<448x32xf32, #tpu.memory_space<hbm>>
          %dma_wait3A_142 = arith.constant 0 : i32
          %dma_wait3A_143 = arith.constant 0 : i32
          %dma_wait3A_144 = tpu.memref_slice %arg14[%dma_wait3A_142, %dma_wait3A_143] : memref<896x32xf32, #tpu.memory_space<vmem>> -> memref<448x32xf32, #tpu.memory_space<vmem>>
          %dma_wait3A_145 = arith.constant 0 : i32
          %dma_wait3A_146 = arith.constant 0 : i32
          %dma_wait3A_147 = tpu.memref_slice %arg3[%dma_wait3A_145, %dma_wait3A_146] : memref<50000x32xf32, #tpu.memory_space<hbm>> -> memref<448x32xf32, #tpu.memory_space<hbm>>
          tpu.wait_dma2 semaphore(%arg21 : memref<!tpu.dma_semaphore, #tpu.memory_space<semaphore_mem>>) src(%dma_wait3A_147 : memref<448x32xf32, #tpu.memory_space<hbm>>) dst(%dma_wait3A_144 : memref<448x32xf32, #tpu.memory_space<vmem>>)
        } else {
        }
        %add3A_105 = arith.constant 1 : i32
        %add3A_106 = arith.addi %add3A_99, %add3A_105 : i32
        %lt3A_107 = arith.constant 112 : i32
        %lt3A_108 = arith.cmpi slt, %add3A_106, %lt3A_107 : i32
        %convert_element_type3A_109 = arith.extui %lt3A_108 : i1 to i32
        %cond3A_110 = arith.constant 0 : i32
        %cond3A_111 = arith.cmpi ne, %convert_element_type3A_109, %cond3A_110 : i32
        scf.if %cond3A_111 {
          %add3A_136 = arith.constant 1 : i32
          %add3A_137 = arith.addi %add3A_99, %add3A_136 : i32
          %mul3A_138 = arith.constant 448 : i32
          %mul3A_139 = arith.muli %add3A_137, %mul3A_138 : i32
          %add3A_140 = arith.addi %mul3A_2, %mul3A_139 : i32
          %dma_wait3A_141 = tpu.memref_slice %arg4[%add3A_140] : memref<802816xi32, #tpu.memory_space<hbm>> -> memref<448xi32, #tpu.memory_space<hbm>>
          %dma_wait3A_142 = tpu.memref_slice %arg4[%add3A_140] : memref<802816xi32, #tpu.memory_space<hbm>> -> memref<448xi32, #tpu.memory_space<hbm>>
          tpu.wait_dma2 semaphore(%arg15 : memref<!tpu.dma_semaphore, #tpu.memory_space<semaphore_mem>>) src(%dma_wait3A_142 : memref<448xi32, #tpu.memory_space<hbm>>) dst(%arg10 : memref<448xi32, #tpu.memory_space<vmem>>)
          %dma_start3A_143 = arith.constant 0 : i32
          %dma_start3A_144 = arith.constant 0 : i32
          %dma_start3A_145 = tpu.memref_slice %arg14[%dma_start3A_143, %dma_start3A_144] : memref<896x32xf32, #tpu.memory_space<vmem>> -> memref<448x32xf32, #tpu.memory_space<vmem>>
          %dma_start3A_146 = arith.constant 0 : i32
          %dma_start3A_147 = arith.constant 0 : i32
          %dma_start3A_148 = tpu.memref_slice %arg3[%dma_start3A_146, %dma_start3A_147] : memref<50000x32xf32, #tpu.memory_space<hbm>> -> memref<50000x32xf32, #tpu.memory_space<hbm>>
          tpu.enqueue_indirect_dma source(%dma_start3A_148 : memref<50000x32xf32, #tpu.memory_space<hbm>>) target(%dma_start3A_145 : memref<448x32xf32, #tpu.memory_space<vmem>>) offsets(%arg10 : memref<448xi32, #tpu.memory_space<vmem>>) semaphore(%arg19 : memref<!tpu.dma_semaphore, #tpu.memory_space<semaphore_mem>>)
          %add3A_149 = arith.constant 1 : i32
          %add3A_150 = arith.addi %add3A_99, %add3A_149 : i32
          %mul3A_151 = arith.constant 448 : i32
          %mul3A_152 = arith.muli %add3A_150, %mul3A_151 : i32
          %add3A_153 = arith.addi %mul3A_2, %mul3A_152 : i32
          %dma_start3A_154 = tpu.memref_slice %arg5[%add3A_153] : memref<802816xi32, #tpu.memory_space<hbm>> -> memref<448xi32, #tpu.memory_space<hbm>>
          %dma_start3A_155 = tpu.memref_slice %arg5[%add3A_153] : memref<802816xi32, #tpu.memory_space<hbm>> -> memref<448xi32, #tpu.memory_space<hbm>>
          tpu.enqueue_dma source(%dma_start3A_155 : memref<448xi32, #tpu.memory_space<hbm>>) target(%arg12 : memref<448xi32, #tpu.memory_space<vmem>>) target_semaphore(%arg17 : memref<!tpu.dma_semaphore, #tpu.memory_space<semaphore_mem>>)
        } else {
        }
        %dma_wait3A_112 = arith.constant 448 : i32
        %dma_wait3A_113 = arith.constant 0 : i32
        %dma_wait3A_114 = tpu.memref_slice %arg14[%dma_wait3A_112, %dma_wait3A_113] : memref<896x32xf32, #tpu.memory_space<vmem>> -> memref<448x32xf32, #tpu.memory_space<vmem>>
        %dma_wait3A_115 = arith.constant 0 : i32
        %dma_wait3A_116 = arith.constant 0 : i32
        %dma_wait3A_117 = tpu.memref_slice %arg3[%dma_wait3A_115, %dma_wait3A_116] : memref<50000x32xf32, #tpu.memory_space<hbm>> -> memref<50000x32xf32, #tpu.memory_space<hbm>>
        tpu.wait_indirect_dma semaphore(%arg20 : memref<!tpu.dma_semaphore, #tpu.memory_space<semaphore_mem>>) src(%dma_wait3A_117 : memref<50000x32xf32, #tpu.memory_space<hbm>>) dst(%dma_wait3A_114 : memref<448x32xf32, #tpu.memory_space<vmem>>)
        %mul3A_118 = arith.constant 448 : i32
        %mul3A_119 = arith.muli %add3A_99, %mul3A_118 : i32
        %add3A_120 = arith.addi %mul3A_2, %mul3A_119 : i32
        %dma_wait3A_121 = tpu.memref_slice %arg5[%add3A_120] : memref<802816xi32, #tpu.memory_space<hbm>> -> memref<448xi32, #tpu.memory_space<hbm>>
        %dma_wait3A_122 = tpu.memref_slice %arg5[%add3A_120] : memref<802816xi32, #tpu.memory_space<hbm>> -> memref<448xi32, #tpu.memory_space<hbm>>
        tpu.wait_dma2 semaphore(%arg18 : memref<!tpu.dma_semaphore, #tpu.memory_space<semaphore_mem>>) src(%dma_wait3A_122 : memref<448xi32, #tpu.memory_space<hbm>>) dst(%arg13 : memref<448xi32, #tpu.memory_space<vmem>>)
        %dma_start3A_123 = arith.constant 448 : i32
        %dma_start3A_124 = arith.constant 0 : i32
        %dma_start3A_125 = tpu.memref_slice %arg14[%dma_start3A_123, %dma_start3A_124] : memref<896x32xf32, #tpu.memory_space<vmem>> -> memref<448x32xf32, #tpu.memory_space<vmem>>
        %dma_start3A_126 = arith.constant 0 : i32
        %dma_start3A_127 = arith.constant 0 : i32
        %dma_start3A_128 = tpu.memref_slice %arg9[%dma_start3A_126, %dma_start3A_127] : memref<50176x32xf32, #tpu.memory_space<vmem_shared>> -> memref<50176x32xf32, #tpu.memory_space<vmem_shared>>
        tpu.enqueue_indirect_dma source(%dma_start3A_125 : memref<448x32xf32, #tpu.memory_space<vmem>>) target(%dma_start3A_128 : memref<50176x32xf32, #tpu.memory_space<vmem_shared>>) offsets(%arg13 : memref<448xi32, #tpu.memory_space<vmem>>) semaphore(%arg22 : memref<!tpu.dma_semaphore, #tpu.memory_space<semaphore_mem>>) {add = true}
        %add3A_129 = arith.constant 2 : i32
        %add3A_130 = arith.addi %add3A_99, %add3A_129 : i32
        %lt3A_131 = arith.constant 112 : i32
        %lt3A_132 = arith.cmpi slt, %add3A_130, %lt3A_131 : i32
        %convert_element_type3A_133 = arith.extui %lt3A_132 : i1 to i32
        %cond3A_134 = arith.constant 0 : i32
        %cond3A_135 = arith.cmpi ne, %convert_element_type3A_133, %cond3A_134 : i32
        scf.if %cond3A_135 {
          %add3A_136 = arith.constant 2 : i32
          %add3A_137 = arith.addi %add3A_99, %add3A_136 : i32
          %mul3A_138 = arith.constant 448 : i32
          %mul3A_139 = arith.muli %add3A_137, %mul3A_138 : i32
          %add3A_140 = arith.addi %mul3A_2, %mul3A_139 : i32
          %dma_start3A_141 = tpu.memref_slice %arg4[%add3A_140] : memref<802816xi32, #tpu.memory_space<hbm>> -> memref<448xi32, #tpu.memory_space<hbm>>
          %dma_start3A_142 = tpu.memref_slice %arg4[%add3A_140] : memref<802816xi32, #tpu.memory_space<hbm>> -> memref<448xi32, #tpu.memory_space<hbm>>
          tpu.enqueue_dma source(%dma_start3A_142 : memref<448xi32, #tpu.memory_space<hbm>>) target(%arg11 : memref<448xi32, #tpu.memory_space<vmem>>) target_semaphore(%arg16 : memref<!tpu.dma_semaphore, #tpu.memory_space<semaphore_mem>>)
        } else {
        }
      }
      %scan3A_44 = arith.constant 56 : i32
      %dma_wait3A_45 = arith.constant 448 : i32
      %dma_wait3A_46 = arith.constant 0 : i32
      %dma_wait3A_47 = tpu.memref_slice %arg14[%dma_wait3A_45, %dma_wait3A_46] : memref<896x32xf32, #tpu.memory_space<vmem>> -> memref<448x32xf32, #tpu.memory_space<vmem>>
      %dma_wait3A_48 = arith.constant 0 : i32
      %dma_wait3A_49 = arith.constant 0 : i32
      %dma_wait3A_50 = tpu.memref_slice %arg3[%dma_wait3A_48, %dma_wait3A_49] : memref<50000x32xf32, #tpu.memory_space<hbm>> -> memref<448x32xf32, #tpu.memory_space<hbm>>
      %dma_wait3A_51 = arith.constant 448 : i32
      %dma_wait3A_52 = arith.constant 0 : i32
      %dma_wait3A_53 = tpu.memref_slice %arg14[%dma_wait3A_51, %dma_wait3A_52] : memref<896x32xf32, #tpu.memory_space<vmem>> -> memref<448x32xf32, #tpu.memory_space<vmem>>
      %dma_wait3A_54 = arith.constant 0 : i32
      %dma_wait3A_55 = arith.constant 0 : i32
      %dma_wait3A_56 = tpu.memref_slice %arg3[%dma_wait3A_54, %dma_wait3A_55] : memref<50000x32xf32, #tpu.memory_space<hbm>> -> memref<448x32xf32, #tpu.memory_space<hbm>>
      tpu.wait_dma2 semaphore(%arg22 : memref<!tpu.dma_semaphore, #tpu.memory_space<semaphore_mem>>) src(%dma_wait3A_56 : memref<448x32xf32, #tpu.memory_space<hbm>>) dst(%dma_wait3A_53 : memref<448x32xf32, #tpu.memory_space<vmem>>)
    } else {
    }
    %barrier3A_10 = arith.constant 0 : index
    tpu.barrier barrier_id(%barrier3A_10)
    %eq3A_11 = arith.constant 0 : i32
    %eq3A_12 = arith.cmpi eq, %arg0, %eq3A_11 : i32
    %convert_element_type3A_13 = arith.extui %eq3A_12 : i1 to i32
    %cond3A_14 = arith.constant 0 : i32
    %cond3A_15 = arith.cmpi ne, %convert_element_type3A_13, %cond3A_14 : i32
    scf.if %cond3A_15 {
      %mul3A_21 = arith.constant 3136 : i32
      %mul3A_22 = arith.muli %arg1, %mul3A_21 : i32
      %mul3A_23 = arith.constant 3136 : i32
      %mul3A_24 = arith.muli %arg1, %mul3A_23 : i32
      "tpu.region"() ({
        %run_scoped3A = tpu.sem_alloc : memref<!tpu.dma_semaphore, #tpu.memory_space<semaphore_mem>>
        %dma_start3A = arith.constant 0 : i32
        %dma_start3A_25 = tpu.memref_slice %arg7[%mul3A_24, %dma_start3A] : memref<50176x32xf32, #tpu.memory_space<hbm>> -> memref<3136x32xf32, #tpu.memory_space<hbm>>
        %dma_start3A_26 = arith.constant 0 : i32
        %dma_start3A_27 = tpu.memref_slice %arg9[%mul3A_22, %dma_start3A_26] : memref<50176x32xf32, #tpu.memory_space<vmem_shared>> -> memref<3136x32xf32, #tpu.memory_space<vmem_shared>>
        tpu.enqueue_dma source(%dma_start3A_27 : memref<3136x32xf32, #tpu.memory_space<vmem_shared>>) target(%dma_start3A_25 : memref<3136x32xf32, #tpu.memory_space<hbm>>) target_semaphore(%run_scoped3A : memref<!tpu.dma_semaphore, #tpu.memory_space<semaphore_mem>>)
        %dma_wait3A = arith.constant 0 : i32
        %dma_wait3A_28 = tpu.memref_slice %arg7[%mul3A_24, %dma_wait3A] : memref<50176x32xf32, #tpu.memory_space<hbm>> -> memref<3136x32xf32, #tpu.memory_space<hbm>>
        %dma_wait3A_29 = arith.constant 0 : i32
        %dma_wait3A_30 = tpu.memref_slice %arg9[%mul3A_22, %dma_wait3A_29] : memref<50176x32xf32, #tpu.memory_space<vmem_shared>> -> memref<3136x32xf32, #tpu.memory_space<vmem_shared>>
        tpu.wait_dma2 semaphore(%run_scoped3A : memref<!tpu.dma_semaphore, #tpu.memory_space<semaphore_mem>>) src(%dma_wait3A_30 : memref<3136x32xf32, #tpu.memory_space<vmem_shared>>) dst(%dma_wait3A_28 : memref<3136x32xf32, #tpu.memory_space<hbm>>)
        tpu.yield
      }) : () -> ()
    } else {
    }
    %eq3A_16 = arith.constant 1 : i32
    %eq3A_17 = arith.cmpi eq, %arg0, %eq3A_16 : i32
    %convert_element_type3A_18 = arith.extui %eq3A_17 : i1 to i32
    %cond3A_19 = arith.constant 0 : i32
    %cond3A_20 = arith.cmpi ne, %convert_element_type3A_18, %cond3A_19 : i32
    scf.if %cond3A_20 {
      %mul3A_21 = arith.constant 3136 : i32
      %mul3A_22 = arith.muli %arg1, %mul3A_21 : i32
      %mul3A_23 = arith.constant 3136 : i32
      %mul3A_24 = arith.muli %arg1, %mul3A_23 : i32
      "tpu.region"() ({
        %run_scoped3A = tpu.sem_alloc : memref<!tpu.dma_semaphore, #tpu.memory_space<semaphore_mem>>
        %dma_start3A = arith.constant 0 : i32
        %dma_start3A_25 = tpu.memref_slice %arg8[%mul3A_24, %dma_start3A] : memref<50176x32xf32, #tpu.memory_space<hbm>> -> memref<3136x32xf32, #tpu.memory_space<hbm>>
        %dma_start3A_26 = arith.constant 0 : i32
        %dma_start3A_27 = tpu.memref_slice %arg9[%mul3A_22, %dma_start3A_26] : memref<50176x32xf32, #tpu.memory_space<vmem_shared>> -> memref<3136x32xf32, #tpu.memory_space<vmem_shared>>
        tpu.enqueue_dma source(%dma_start3A_27 : memref<3136x32xf32, #tpu.memory_space<vmem_shared>>) target(%dma_start3A_25 : memref<3136x32xf32, #tpu.memory_space<hbm>>) target_semaphore(%run_scoped3A : memref<!tpu.dma_semaphore, #tpu.memory_space<semaphore_mem>>)
        %dma_wait3A = arith.constant 0 : i32
        %dma_wait3A_28 = tpu.memref_slice %arg8[%mul3A_24, %dma_wait3A] : memref<50176x32xf32, #tpu.memory_space<hbm>> -> memref<3136x32xf32, #tpu.memory_space<hbm>>
        %dma_wait3A_29 = arith.constant 0 : i32
        %dma_wait3A_30 = tpu.memref_slice %arg9[%mul3A_22, %dma_wait3A_29] : memref<50176x32xf32, #tpu.memory_space<vmem_shared>> -> memref<3136x32xf32, #tpu.memory_space<vmem_shared>>
        tpu.wait_dma2 semaphore(%run_scoped3A : memref<!tpu.dma_semaphore, #tpu.memory_space<semaphore_mem>>) src(%dma_wait3A_30 : memref<3136x32xf32, #tpu.memory_space<vmem_shared>>) dst(%dma_wait3A_28 : memref<3136x32xf32, #tpu.memory_space<hbm>>)
        tpu.yield
      }) : () -> ()
    } else {
    }
    return
  }
}

#map = affine_map<(d0, d1) -> (0, 0)>
#map1 = affine_map<(d0, d1) -> (0)>
module attributes {stable_mosaic.version = 14 : i64} {
  func.func @_sc_pass1(%arg0: i32, %arg1: i32, %arg2: memref<50000x32xf32, #tpu.memory_space<hbm>>, %arg3: memref<50000x32xf32, #tpu.memory_space<hbm>>, %arg4: memref<802816xi32, #tpu.memory_space<hbm>>, %arg5: memref<802816xi32, #tpu.memory_space<hbm>>, %arg6: memref<3136x32xf32, #tpu.memory_space<hbm>>, %arg7: memref<50176x32xf32, #tpu.memory_space<hbm>>, %arg8: memref<50176x32xf32, #tpu.memory_space<hbm>>, %arg9: memref<50176x32xf32, #tpu.memory_space<vmem_shared>>, %arg10: memref<448xi32, #tpu.memory_space<vmem>>, %arg11: memref<448xi32, #tpu.memory_space<vmem>>, %arg12: memref<448xi32, #tpu.memory_space<vmem>>, %arg13: memref<448xi32, #tpu.memory_space<vmem>>, %arg14: memref<896x32xf32, #tpu.memory_space<vmem>>, %arg15: memref<!tpu.dma_semaphore, #tpu.memory_space<semaphore_mem>>, %arg16: memref<!tpu.dma_semaphore, #tpu.memory_space<semaphore_mem>>, %arg17: memref<!tpu.dma_semaphore, #tpu.memory_space<semaphore_mem>>, %arg18: memref<!tpu.dma_semaphore, #tpu.memory_space<semaphore_mem>>, %arg19: memref<!tpu.dma_semaphore, #tpu.memory_space<semaphore_mem>>, %arg20: memref<!tpu.dma_semaphore, #tpu.memory_space<semaphore_mem>>, %arg21: memref<!tpu.dma_semaphore, #tpu.memory_space<semaphore_mem>>, %arg22: memref<!tpu.dma_semaphore, #tpu.memory_space<semaphore_mem>>) attributes {dimension_semantics = [#tpu.dimension_semantics<core_parallel>, #tpu.dimension_semantics<subcore_parallel>], iteration_bounds = array<i64: 2, 16>, scalar_prefetch = 0 : i64, scratch_operands = 14 : i64, tpu.core_type = #tpu.core_type<sc_vector_subcore>, window_params = [{transform_indices = #map}, {transform_indices = #map}, {transform_indices = #map1}, {transform_indices = #map1}, {transform_indices = #map}, {transform_indices = #map}, {transform_indices = #map}]} {
    %mul3A = arith.constant 3136 : i32
    %mul3A_0 = arith.muli %arg1, %mul3A : i32
    "tpu.region"() ({
      %run_scoped3A = tpu.sem_alloc : memref<!tpu.dma_semaphore, #tpu.memory_space<semaphore_mem>>
      %dma_start3A = arith.constant 0 : i32
      %dma_start3A_21 = tpu.memref_slice %arg9[%mul3A_0, %dma_start3A] : memref<50176x32xf32, #tpu.memory_space<vmem_shared>> -> memref<3136x32xf32, #tpu.memory_space<vmem_shared>>
      tpu.enqueue_dma source(%arg6 : memref<3136x32xf32, #tpu.memory_space<hbm>>) target(%dma_start3A_21 : memref<3136x32xf32, #tpu.memory_space<vmem_shared>>) target_semaphore(%run_scoped3A : memref<!tpu.dma_semaphore, #tpu.memory_space<semaphore_mem>>)
      %dma_wait3A = arith.constant 0 : i32
      %dma_wait3A_22 = tpu.memref_slice %arg9[%mul3A_0, %dma_wait3A] : memref<50176x32xf32, #tpu.memory_space<vmem_shared>> -> memref<3136x32xf32, #tpu.memory_space<vmem_shared>>
      tpu.wait_dma2 semaphore(%run_scoped3A : memref<!tpu.dma_semaphore, #tpu.memory_space<semaphore_mem>>) src(%arg6 : memref<3136x32xf32, #tpu.memory_space<hbm>>) dst(%dma_wait3A_22 : memref<3136x32xf32, #tpu.memory_space<vmem_shared>>)
      tpu.yield
    }) : () -> ()
    %barrier3A = arith.constant 0 : index
    tpu.barrier barrier_id(%barrier3A)
    %mul3A_1 = arith.constant 50176 : i32
    %mul3A_2 = arith.muli %arg1, %mul3A_1 : i32
    %eq3A = arith.constant 0 : i32
    %eq3A_3 = arith.cmpi eq, %arg0, %eq3A : i32
    %convert_element_type3A = arith.extui %eq3A_3 : i1 to i32
    %cond3A = arith.constant 0 : i32
    %cond3A_4 = arith.cmpi ne, %convert_element_type3A, %cond3A : i32
    scf.if %cond3A_4 {
      %add3A = arith.constant 0 : i32
      %add3A_21 = arith.addi %mul3A_2, %add3A : i32
      %dma_start3A = tpu.memref_slice %arg4[%add3A_21] : memref<802816xi32, #tpu.memory_space<hbm>> -> memref<448xi32, #tpu.memory_space<hbm>>
      %dma_start3A_22 = tpu.memref_slice %arg4[%add3A_21] : memref<802816xi32, #tpu.memory_space<hbm>> -> memref<448xi32, #tpu.memory_space<hbm>>
      tpu.enqueue_dma source(%dma_start3A_22 : memref<448xi32, #tpu.memory_space<hbm>>) target(%arg10 : memref<448xi32, #tpu.memory_space<vmem>>) target_semaphore(%arg15 : memref<!tpu.dma_semaphore, #tpu.memory_space<semaphore_mem>>)
      %add3A_23 = arith.constant 448 : i32
      %add3A_24 = arith.addi %mul3A_2, %add3A_23 : i32
      %dma_start3A_25 = tpu.memref_slice %arg4[%add3A_24] : memref<802816xi32, #tpu.memory_space<hbm>> -> memref<448xi32, #tpu.memory_space<hbm>>
      %dma_start3A_26 = tpu.memref_slice %arg4[%add3A_24] : memref<802816xi32, #tpu.memory_space<hbm>> -> memref<448xi32, #tpu.memory_space<hbm>>
      tpu.enqueue_dma source(%dma_start3A_26 : memref<448xi32, #tpu.memory_space<hbm>>) target(%arg11 : memref<448xi32, #tpu.memory_space<vmem>>) target_semaphore(%arg16 : memref<!tpu.dma_semaphore, #tpu.memory_space<semaphore_mem>>)
      %add3A_27 = arith.constant 0 : i32
      %add3A_28 = arith.addi %mul3A_2, %add3A_27 : i32
      %dma_start3A_29 = tpu.memref_slice %arg5[%add3A_28] : memref<802816xi32, #tpu.memory_space<hbm>> -> memref<448xi32, #tpu.memory_space<hbm>>
      %dma_start3A_30 = tpu.memref_slice %arg5[%add3A_28] : memref<802816xi32, #tpu.memory_space<hbm>> -> memref<448xi32, #tpu.memory_space<hbm>>
      tpu.enqueue_dma source(%dma_start3A_30 : memref<448xi32, #tpu.memory_space<hbm>>) target(%arg12 : memref<448xi32, #tpu.memory_space<vmem>>) target_semaphore(%arg17 : memref<!tpu.dma_semaphore, #tpu.memory_space<semaphore_mem>>)
      %add3A_31 = arith.constant 0 : i32
      %add3A_32 = arith.addi %mul3A_2, %add3A_31 : i32
      %dma_wait3A = tpu.memref_slice %arg4[%add3A_32] : memref<802816xi32, #tpu.memory_space<hbm>> -> memref<448xi32, #tpu.memory_space<hbm>>
      %dma_wait3A_33 = tpu.memref_slice %arg4[%add3A_32] : memref<802816xi32, #tpu.memory_space<hbm>> -> memref<448xi32, #tpu.memory_space<hbm>>
      tpu.wait_dma2 semaphore(%arg15 : memref<!tpu.dma_semaphore, #tpu.memory_space<semaphore_mem>>) src(%dma_wait3A_33 : memref<448xi32, #tpu.memory_space<hbm>>) dst(%arg10 : memref<448xi32, #tpu.memory_space<vmem>>)
      %dma_start3A_34 = arith.constant 0 : i32
      %dma_start3A_35 = arith.constant 0 : i32
      %dma_start3A_36 = tpu.memref_slice %arg14[%dma_start3A_34, %dma_start3A_35] : memref<896x32xf32, #tpu.memory_space<vmem>> -> memref<448x32xf32, #tpu.memory_space<vmem>>
      %dma_start3A_37 = arith.constant 0 : i32
      %dma_start3A_38 = arith.constant 0 : i32
      %dma_start3A_39 = tpu.memref_slice %arg2[%dma_start3A_37, %dma_start3A_38] : memref<50000x32xf32, #tpu.memory_space<hbm>> -> memref<50000x32xf32, #tpu.memory_space<hbm>>
      tpu.enqueue_indirect_dma source(%dma_start3A_39 : memref<50000x32xf32, #tpu.memory_space<hbm>>) target(%dma_start3A_36 : memref<448x32xf32, #tpu.memory_space<vmem>>) offsets(%arg10 : memref<448xi32, #tpu.memory_space<vmem>>) semaphore(%arg19 : memref<!tpu.dma_semaphore, #tpu.memory_space<semaphore_mem>>)
      %scan3A = arith.constant 0 : i32
      %scan3A_40 = arith.constant 0 : i32
      %scan3A_41 = arith.constant 56 : i32
      %scan3A_42 = arith.addi %scan3A_40, %scan3A_41 : i32
      %scan3A_43 = arith.constant 1 : i32
      scf.for %scan3A_57 = %scan3A_40 to %scan3A_42 step %scan3A_43  : i32 {
        %mul3A_58 = arith.constant 2 : i32
        %mul3A_59 = arith.muli %mul3A_58, %scan3A_57 : i32
        %add3A_60 = arith.constant 0 : i32
        %add3A_61 = arith.addi %mul3A_59, %add3A_60 : i32
        %ge3A = arith.constant 1 : i32
        %ge3A_62 = arith.cmpi sge, %add3A_61, %ge3A : i32
        %convert_element_type3A_63 = arith.extui %ge3A_62 : i1 to i32
        %cond3A_64 = arith.constant 0 : i32
        %cond3A_65 = arith.cmpi ne, %convert_element_type3A_63, %cond3A_64 : i32
        scf.if %cond3A_65 {
          %dma_wait3A_136 = arith.constant 448 : i32
          %dma_wait3A_137 = arith.constant 0 : i32
          %dma_wait3A_138 = tpu.memref_slice %arg14[%dma_wait3A_136, %dma_wait3A_137] : memref<896x32xf32, #tpu.memory_space<vmem>> -> memref<448x32xf32, #tpu.memory_space<vmem>>
          %dma_wait3A_139 = arith.constant 0 : i32
          %dma_wait3A_140 = arith.constant 0 : i32
          %dma_wait3A_141 = tpu.memref_slice %arg2[%dma_wait3A_139, %dma_wait3A_140] : memref<50000x32xf32, #tpu.memory_space<hbm>> -> memref<448x32xf32, #tpu.memory_space<hbm>>
          %dma_wait3A_142 = arith.constant 448 : i32
          %dma_wait3A_143 = arith.constant 0 : i32
          %dma_wait3A_144 = tpu.memref_slice %arg14[%dma_wait3A_142, %dma_wait3A_143] : memref<896x32xf32, #tpu.memory_space<vmem>> -> memref<448x32xf32, #tpu.memory_space<vmem>>
          %dma_wait3A_145 = arith.constant 0 : i32
          %dma_wait3A_146 = arith.constant 0 : i32
          %dma_wait3A_147 = tpu.memref_slice %arg2[%dma_wait3A_145, %dma_wait3A_146] : memref<50000x32xf32, #tpu.memory_space<hbm>> -> memref<448x32xf32, #tpu.memory_space<hbm>>
          tpu.wait_dma2 semaphore(%arg22 : memref<!tpu.dma_semaphore, #tpu.memory_space<semaphore_mem>>) src(%dma_wait3A_147 : memref<448x32xf32, #tpu.memory_space<hbm>>) dst(%dma_wait3A_144 : memref<448x32xf32, #tpu.memory_space<vmem>>)
        } else {
        }
        %add3A_66 = arith.constant 1 : i32
        %add3A_67 = arith.addi %add3A_61, %add3A_66 : i32
        %lt3A = arith.constant 112 : i32
        %lt3A_68 = arith.cmpi slt, %add3A_67, %lt3A : i32
        %convert_element_type3A_69 = arith.extui %lt3A_68 : i1 to i32
        %cond3A_70 = arith.constant 0 : i32
        %cond3A_71 = arith.cmpi ne, %convert_element_type3A_69, %cond3A_70 : i32
        scf.if %cond3A_71 {
          %add3A_136 = arith.constant 1 : i32
          %add3A_137 = arith.addi %add3A_61, %add3A_136 : i32
          %mul3A_138 = arith.constant 448 : i32
          %mul3A_139 = arith.muli %add3A_137, %mul3A_138 : i32
          %add3A_140 = arith.addi %mul3A_2, %mul3A_139 : i32
          %dma_wait3A_141 = tpu.memref_slice %arg4[%add3A_140] : memref<802816xi32, #tpu.memory_space<hbm>> -> memref<448xi32, #tpu.memory_space<hbm>>
          %dma_wait3A_142 = tpu.memref_slice %arg4[%add3A_140] : memref<802816xi32, #tpu.memory_space<hbm>> -> memref<448xi32, #tpu.memory_space<hbm>>
          tpu.wait_dma2 semaphore(%arg16 : memref<!tpu.dma_semaphore, #tpu.memory_space<semaphore_mem>>) src(%dma_wait3A_142 : memref<448xi32, #tpu.memory_space<hbm>>) dst(%arg11 : memref<448xi32, #tpu.memory_space<vmem>>)
          %dma_start3A_143 = arith.constant 448 : i32
          %dma_start3A_144 = arith.constant 0 : i32
          %dma_start3A_145 = tpu.memref_slice %arg14[%dma_start3A_143, %dma_start3A_144] : memref<896x32xf32, #tpu.memory_space<vmem>> -> memref<448x32xf32, #tpu.memory_space<vmem>>
          %dma_start3A_146 = arith.constant 0 : i32
          %dma_start3A_147 = arith.constant 0 : i32
          %dma_start3A_148 = tpu.memref_slice %arg2[%dma_start3A_146, %dma_start3A_147] : memref<50000x32xf32, #tpu.memory_space<hbm>> -> memref<50000x32xf32, #tpu.memory_space<hbm>>
          tpu.enqueue_indirect_dma source(%dma_start3A_148 : memref<50000x32xf32, #tpu.memory_space<hbm>>) target(%dma_start3A_145 : memref<448x32xf32, #tpu.memory_space<vmem>>) offsets(%arg11 : memref<448xi32, #tpu.memory_space<vmem>>) semaphore(%arg20 : memref<!tpu.dma_semaphore, #tpu.memory_space<semaphore_mem>>)
          %add3A_149 = arith.constant 1 : i32
          %add3A_150 = arith.addi %add3A_61, %add3A_149 : i32
          %mul3A_151 = arith.constant 448 : i32
          %mul3A_152 = arith.muli %add3A_150, %mul3A_151 : i32
          %add3A_153 = arith.addi %mul3A_2, %mul3A_152 : i32
          %dma_start3A_154 = tpu.memref_slice %arg5[%add3A_153] : memref<802816xi32, #tpu.memory_space<hbm>> -> memref<448xi32, #tpu.memory_space<hbm>>
          %dma_start3A_155 = tpu.memref_slice %arg5[%add3A_153] : memref<802816xi32, #tpu.memory_space<hbm>> -> memref<448xi32, #tpu.memory_space<hbm>>
          tpu.enqueue_dma source(%dma_start3A_155 : memref<448xi32, #tpu.memory_space<hbm>>) target(%arg13 : memref<448xi32, #tpu.memory_space<vmem>>) target_semaphore(%arg18 : memref<!tpu.dma_semaphore, #tpu.memory_space<semaphore_mem>>)
        } else {
        }
        %dma_wait3A_72 = arith.constant 0 : i32
        %dma_wait3A_73 = arith.constant 0 : i32
        %dma_wait3A_74 = tpu.memref_slice %arg14[%dma_wait3A_72, %dma_wait3A_73] : memref<896x32xf32, #tpu.memory_space<vmem>> -> memref<448x32xf32, #tpu.memory_space<vmem>>
        %dma_wait3A_75 = arith.constant 0 : i32
        %dma_wait3A_76 = arith.constant 0 : i32
        %dma_wait3A_77 = tpu.memref_slice %arg2[%dma_wait3A_75, %dma_wait3A_76] : memref<50000x32xf32, #tpu.memory_space<hbm>> -> memref<50000x32xf32, #tpu.memory_space<hbm>>
        tpu.wait_indirect_dma semaphore(%arg19 : memref<!tpu.dma_semaphore, #tpu.memory_space<semaphore_mem>>) src(%dma_wait3A_77 : memref<50000x32xf32, #tpu.memory_space<hbm>>) dst(%dma_wait3A_74 : memref<448x32xf32, #tpu.memory_space<vmem>>)
        %mul3A_78 = arith.constant 448 : i32
        %mul3A_79 = arith.muli %add3A_61, %mul3A_78 : i32
        %add3A_80 = arith.addi %mul3A_2, %mul3A_79 : i32
        %dma_wait3A_81 = tpu.memref_slice %arg5[%add3A_80] : memref<802816xi32, #tpu.memory_space<hbm>> -> memref<448xi32, #tpu.memory_space<hbm>>
        %dma_wait3A_82 = tpu.memref_slice %arg5[%add3A_80] : memref<802816xi32, #tpu.memory_space<hbm>> -> memref<448xi32, #tpu.memory_space<hbm>>
        tpu.wait_dma2 semaphore(%arg17 : memref<!tpu.dma_semaphore, #tpu.memory_space<semaphore_mem>>) src(%dma_wait3A_82 : memref<448xi32, #tpu.memory_space<hbm>>) dst(%arg12 : memref<448xi32, #tpu.memory_space<vmem>>)
        %dma_start3A_83 = arith.constant 0 : i32
        %dma_start3A_84 = arith.constant 0 : i32
        %dma_start3A_85 = tpu.memref_slice %arg14[%dma_start3A_83, %dma_start3A_84] : memref<896x32xf32, #tpu.memory_space<vmem>> -> memref<448x32xf32, #tpu.memory_space<vmem>>
        %dma_start3A_86 = arith.constant 0 : i32
        %dma_start3A_87 = arith.constant 0 : i32
        %dma_start3A_88 = tpu.memref_slice %arg9[%dma_start3A_86, %dma_start3A_87] : memref<50176x32xf32, #tpu.memory_space<vmem_shared>> -> memref<50176x32xf32, #tpu.memory_space<vmem_shared>>
        tpu.enqueue_indirect_dma source(%dma_start3A_85 : memref<448x32xf32, #tpu.memory_space<vmem>>) target(%dma_start3A_88 : memref<50176x32xf32, #tpu.memory_space<vmem_shared>>) offsets(%arg12 : memref<448xi32, #tpu.memory_space<vmem>>) semaphore(%arg21 : memref<!tpu.dma_semaphore, #tpu.memory_space<semaphore_mem>>) {add = true}
        %add3A_89 = arith.constant 2 : i32
        %add3A_90 = arith.addi %add3A_61, %add3A_89 : i32
        %lt3A_91 = arith.constant 112 : i32
        %lt3A_92 = arith.cmpi slt, %add3A_90, %lt3A_91 : i32
        %convert_element_type3A_93 = arith.extui %lt3A_92 : i1 to i32
        %cond3A_94 = arith.constant 0 : i32
        %cond3A_95 = arith.cmpi ne, %convert_element_type3A_93, %cond3A_94 : i32
        scf.if %cond3A_95 {
          %add3A_136 = arith.constant 2 : i32
          %add3A_137 = arith.addi %add3A_61, %add3A_136 : i32
          %mul3A_138 = arith.constant 448 : i32
          %mul3A_139 = arith.muli %add3A_137, %mul3A_138 : i32
          %add3A_140 = arith.addi %mul3A_2, %mul3A_139 : i32
          %dma_start3A_141 = tpu.memref_slice %arg4[%add3A_140] : memref<802816xi32, #tpu.memory_space<hbm>> -> memref<448xi32, #tpu.memory_space<hbm>>
          %dma_start3A_142 = tpu.memref_slice %arg4[%add3A_140] : memref<802816xi32, #tpu.memory_space<hbm>> -> memref<448xi32, #tpu.memory_space<hbm>>
          tpu.enqueue_dma source(%dma_start3A_142 : memref<448xi32, #tpu.memory_space<hbm>>) target(%arg10 : memref<448xi32, #tpu.memory_space<vmem>>) target_semaphore(%arg15 : memref<!tpu.dma_semaphore, #tpu.memory_space<semaphore_mem>>)
        } else {
        }
        %mul3A_96 = arith.constant 2 : i32
        %mul3A_97 = arith.muli %mul3A_96, %scan3A_57 : i32
        %add3A_98 = arith.constant 1 : i32
        %add3A_99 = arith.addi %mul3A_97, %add3A_98 : i32
        %ge3A_100 = arith.constant 1 : i32
        %ge3A_101 = arith.cmpi sge, %add3A_99, %ge3A_100 : i32
        %convert_element_type3A_102 = arith.extui %ge3A_101 : i1 to i32
        %cond3A_103 = arith.constant 0 : i32
        %cond3A_104 = arith.cmpi ne, %convert_element_type3A_102, %cond3A_103 : i32
        scf.if %cond3A_104 {
          %dma_wait3A_136 = arith.constant 0 : i32
          %dma_wait3A_137 = arith.constant 0 : i32
          %dma_wait3A_138 = tpu.memref_slice %arg14[%dma_wait3A_136, %dma_wait3A_137] : memref<896x32xf32, #tpu.memory_space<vmem>> -> memref<448x32xf32, #tpu.memory_space<vmem>>
          %dma_wait3A_139 = arith.constant 0 : i32
          %dma_wait3A_140 = arith.constant 0 : i32
          %dma_wait3A_141 = tpu.memref_slice %arg2[%dma_wait3A_139, %dma_wait3A_140] : memref<50000x32xf32, #tpu.memory_space<hbm>> -> memref<448x32xf32, #tpu.memory_space<hbm>>
          %dma_wait3A_142 = arith.constant 0 : i32
          %dma_wait3A_143 = arith.constant 0 : i32
          %dma_wait3A_144 = tpu.memref_slice %arg14[%dma_wait3A_142, %dma_wait3A_143] : memref<896x32xf32, #tpu.memory_space<vmem>> -> memref<448x32xf32, #tpu.memory_space<vmem>>
          %dma_wait3A_145 = arith.constant 0 : i32
          %dma_wait3A_146 = arith.constant 0 : i32
          %dma_wait3A_147 = tpu.memref_slice %arg2[%dma_wait3A_145, %dma_wait3A_146] : memref<50000x32xf32, #tpu.memory_space<hbm>> -> memref<448x32xf32, #tpu.memory_space<hbm>>
          tpu.wait_dma2 semaphore(%arg21 : memref<!tpu.dma_semaphore, #tpu.memory_space<semaphore_mem>>) src(%dma_wait3A_147 : memref<448x32xf32, #tpu.memory_space<hbm>>) dst(%dma_wait3A_144 : memref<448x32xf32, #tpu.memory_space<vmem>>)
        } else {
        }
        %add3A_105 = arith.constant 1 : i32
        %add3A_106 = arith.addi %add3A_99, %add3A_105 : i32
        %lt3A_107 = arith.constant 112 : i32
        %lt3A_108 = arith.cmpi slt, %add3A_106, %lt3A_107 : i32
        %convert_element_type3A_109 = arith.extui %lt3A_108 : i1 to i32
        %cond3A_110 = arith.constant 0 : i32
        %cond3A_111 = arith.cmpi ne, %convert_element_type3A_109, %cond3A_110 : i32
        scf.if %cond3A_111 {
          %add3A_136 = arith.constant 1 : i32
          %add3A_137 = arith.addi %add3A_99, %add3A_136 : i32
          %mul3A_138 = arith.constant 448 : i32
          %mul3A_139 = arith.muli %add3A_137, %mul3A_138 : i32
          %add3A_140 = arith.addi %mul3A_2, %mul3A_139 : i32
          %dma_wait3A_141 = tpu.memref_slice %arg4[%add3A_140] : memref<802816xi32, #tpu.memory_space<hbm>> -> memref<448xi32, #tpu.memory_space<hbm>>
          %dma_wait3A_142 = tpu.memref_slice %arg4[%add3A_140] : memref<802816xi32, #tpu.memory_space<hbm>> -> memref<448xi32, #tpu.memory_space<hbm>>
          tpu.wait_dma2 semaphore(%arg15 : memref<!tpu.dma_semaphore, #tpu.memory_space<semaphore_mem>>) src(%dma_wait3A_142 : memref<448xi32, #tpu.memory_space<hbm>>) dst(%arg10 : memref<448xi32, #tpu.memory_space<vmem>>)
          %dma_start3A_143 = arith.constant 0 : i32
          %dma_start3A_144 = arith.constant 0 : i32
          %dma_start3A_145 = tpu.memref_slice %arg14[%dma_start3A_143, %dma_start3A_144] : memref<896x32xf32, #tpu.memory_space<vmem>> -> memref<448x32xf32, #tpu.memory_space<vmem>>
          %dma_start3A_146 = arith.constant 0 : i32
          %dma_start3A_147 = arith.constant 0 : i32
          %dma_start3A_148 = tpu.memref_slice %arg2[%dma_start3A_146, %dma_start3A_147] : memref<50000x32xf32, #tpu.memory_space<hbm>> -> memref<50000x32xf32, #tpu.memory_space<hbm>>
          tpu.enqueue_indirect_dma source(%dma_start3A_148 : memref<50000x32xf32, #tpu.memory_space<hbm>>) target(%dma_start3A_145 : memref<448x32xf32, #tpu.memory_space<vmem>>) offsets(%arg10 : memref<448xi32, #tpu.memory_space<vmem>>) semaphore(%arg19 : memref<!tpu.dma_semaphore, #tpu.memory_space<semaphore_mem>>)
          %add3A_149 = arith.constant 1 : i32
          %add3A_150 = arith.addi %add3A_99, %add3A_149 : i32
          %mul3A_151 = arith.constant 448 : i32
          %mul3A_152 = arith.muli %add3A_150, %mul3A_151 : i32
          %add3A_153 = arith.addi %mul3A_2, %mul3A_152 : i32
          %dma_start3A_154 = tpu.memref_slice %arg5[%add3A_153] : memref<802816xi32, #tpu.memory_space<hbm>> -> memref<448xi32, #tpu.memory_space<hbm>>
          %dma_start3A_155 = tpu.memref_slice %arg5[%add3A_153] : memref<802816xi32, #tpu.memory_space<hbm>> -> memref<448xi32, #tpu.memory_space<hbm>>
          tpu.enqueue_dma source(%dma_start3A_155 : memref<448xi32, #tpu.memory_space<hbm>>) target(%arg12 : memref<448xi32, #tpu.memory_space<vmem>>) target_semaphore(%arg17 : memref<!tpu.dma_semaphore, #tpu.memory_space<semaphore_mem>>)
        } else {
        }
        %dma_wait3A_112 = arith.constant 448 : i32
        %dma_wait3A_113 = arith.constant 0 : i32
        %dma_wait3A_114 = tpu.memref_slice %arg14[%dma_wait3A_112, %dma_wait3A_113] : memref<896x32xf32, #tpu.memory_space<vmem>> -> memref<448x32xf32, #tpu.memory_space<vmem>>
        %dma_wait3A_115 = arith.constant 0 : i32
        %dma_wait3A_116 = arith.constant 0 : i32
        %dma_wait3A_117 = tpu.memref_slice %arg2[%dma_wait3A_115, %dma_wait3A_116] : memref<50000x32xf32, #tpu.memory_space<hbm>> -> memref<50000x32xf32, #tpu.memory_space<hbm>>
        tpu.wait_indirect_dma semaphore(%arg20 : memref<!tpu.dma_semaphore, #tpu.memory_space<semaphore_mem>>) src(%dma_wait3A_117 : memref<50000x32xf32, #tpu.memory_space<hbm>>) dst(%dma_wait3A_114 : memref<448x32xf32, #tpu.memory_space<vmem>>)
        %mul3A_118 = arith.constant 448 : i32
        %mul3A_119 = arith.muli %add3A_99, %mul3A_118 : i32
        %add3A_120 = arith.addi %mul3A_2, %mul3A_119 : i32
        %dma_wait3A_121 = tpu.memref_slice %arg5[%add3A_120] : memref<802816xi32, #tpu.memory_space<hbm>> -> memref<448xi32, #tpu.memory_space<hbm>>
        %dma_wait3A_122 = tpu.memref_slice %arg5[%add3A_120] : memref<802816xi32, #tpu.memory_space<hbm>> -> memref<448xi32, #tpu.memory_space<hbm>>
        tpu.wait_dma2 semaphore(%arg18 : memref<!tpu.dma_semaphore, #tpu.memory_space<semaphore_mem>>) src(%dma_wait3A_122 : memref<448xi32, #tpu.memory_space<hbm>>) dst(%arg13 : memref<448xi32, #tpu.memory_space<vmem>>)
        %dma_start3A_123 = arith.constant 448 : i32
        %dma_start3A_124 = arith.constant 0 : i32
        %dma_start3A_125 = tpu.memref_slice %arg14[%dma_start3A_123, %dma_start3A_124] : memref<896x32xf32, #tpu.memory_space<vmem>> -> memref<448x32xf32, #tpu.memory_space<vmem>>
        %dma_start3A_126 = arith.constant 0 : i32
        %dma_start3A_127 = arith.constant 0 : i32
        %dma_start3A_128 = tpu.memref_slice %arg9[%dma_start3A_126, %dma_start3A_127] : memref<50176x32xf32, #tpu.memory_space<vmem_shared>> -> memref<50176x32xf32, #tpu.memory_space<vmem_shared>>
        tpu.enqueue_indirect_dma source(%dma_start3A_125 : memref<448x32xf32, #tpu.memory_space<vmem>>) target(%dma_start3A_128 : memref<50176x32xf32, #tpu.memory_space<vmem_shared>>) offsets(%arg13 : memref<448xi32, #tpu.memory_space<vmem>>) semaphore(%arg22 : memref<!tpu.dma_semaphore, #tpu.memory_space<semaphore_mem>>) {add = true}
        %add3A_129 = arith.constant 2 : i32
        %add3A_130 = arith.addi %add3A_99, %add3A_129 : i32
        %lt3A_131 = arith.constant 112 : i32
        %lt3A_132 = arith.cmpi slt, %add3A_130, %lt3A_131 : i32
        %convert_element_type3A_133 = arith.extui %lt3A_132 : i1 to i32
        %cond3A_134 = arith.constant 0 : i32
        %cond3A_135 = arith.cmpi ne, %convert_element_type3A_133, %cond3A_134 : i32
        scf.if %cond3A_135 {
          %add3A_136 = arith.constant 2 : i32
          %add3A_137 = arith.addi %add3A_99, %add3A_136 : i32
          %mul3A_138 = arith.constant 448 : i32
          %mul3A_139 = arith.muli %add3A_137, %mul3A_138 : i32
          %add3A_140 = arith.addi %mul3A_2, %mul3A_139 : i32
          %dma_start3A_141 = tpu.memref_slice %arg4[%add3A_140] : memref<802816xi32, #tpu.memory_space<hbm>> -> memref<448xi32, #tpu.memory_space<hbm>>
          %dma_start3A_142 = tpu.memref_slice %arg4[%add3A_140] : memref<802816xi32, #tpu.memory_space<hbm>> -> memref<448xi32, #tpu.memory_space<hbm>>
          tpu.enqueue_dma source(%dma_start3A_142 : memref<448xi32, #tpu.memory_space<hbm>>) target(%arg11 : memref<448xi32, #tpu.memory_space<vmem>>) target_semaphore(%arg16 : memref<!tpu.dma_semaphore, #tpu.memory_space<semaphore_mem>>)
        } else {
        }
      }
      %scan3A_44 = arith.constant 56 : i32
      %dma_wait3A_45 = arith.constant 448 : i32
      %dma_wait3A_46 = arith.constant 0 : i32
      %dma_wait3A_47 = tpu.memref_slice %arg14[%dma_wait3A_45, %dma_wait3A_46] : memref<896x32xf32, #tpu.memory_space<vmem>> -> memref<448x32xf32, #tpu.memory_space<vmem>>
      %dma_wait3A_48 = arith.constant 0 : i32
      %dma_wait3A_49 = arith.constant 0 : i32
      %dma_wait3A_50 = tpu.memref_slice %arg2[%dma_wait3A_48, %dma_wait3A_49] : memref<50000x32xf32, #tpu.memory_space<hbm>> -> memref<448x32xf32, #tpu.memory_space<hbm>>
      %dma_wait3A_51 = arith.constant 448 : i32
      %dma_wait3A_52 = arith.constant 0 : i32
      %dma_wait3A_53 = tpu.memref_slice %arg14[%dma_wait3A_51, %dma_wait3A_52] : memref<896x32xf32, #tpu.memory_space<vmem>> -> memref<448x32xf32, #tpu.memory_space<vmem>>
      %dma_wait3A_54 = arith.constant 0 : i32
      %dma_wait3A_55 = arith.constant 0 : i32
      %dma_wait3A_56 = tpu.memref_slice %arg2[%dma_wait3A_54, %dma_wait3A_55] : memref<50000x32xf32, #tpu.memory_space<hbm>> -> memref<448x32xf32, #tpu.memory_space<hbm>>
      tpu.wait_dma2 semaphore(%arg22 : memref<!tpu.dma_semaphore, #tpu.memory_space<semaphore_mem>>) src(%dma_wait3A_56 : memref<448x32xf32, #tpu.memory_space<hbm>>) dst(%dma_wait3A_53 : memref<448x32xf32, #tpu.memory_space<vmem>>)
    } else {
    }
    %eq3A_5 = arith.constant 1 : i32
    %eq3A_6 = arith.cmpi eq, %arg0, %eq3A_5 : i32
    %convert_element_type3A_7 = arith.extui %eq3A_6 : i1 to i32
    %cond3A_8 = arith.constant 0 : i32
    %cond3A_9 = arith.cmpi ne, %convert_element_type3A_7, %cond3A_8 : i32
    scf.if %cond3A_9 {
      %add3A = arith.constant 0 : i32
      %add3A_21 = arith.addi %mul3A_2, %add3A : i32
      %dma_start3A = tpu.memref_slice %arg4[%add3A_21] : memref<802816xi32, #tpu.memory_space<hbm>> -> memref<448xi32, #tpu.memory_space<hbm>>
      %dma_start3A_22 = tpu.memref_slice %arg4[%add3A_21] : memref<802816xi32, #tpu.memory_space<hbm>> -> memref<448xi32, #tpu.memory_space<hbm>>
      tpu.enqueue_dma source(%dma_start3A_22 : memref<448xi32, #tpu.memory_space<hbm>>) target(%arg10 : memref<448xi32, #tpu.memory_space<vmem>>) target_semaphore(%arg15 : memref<!tpu.dma_semaphore, #tpu.memory_space<semaphore_mem>>)
      %add3A_23 = arith.constant 448 : i32
      %add3A_24 = arith.addi %mul3A_2, %add3A_23 : i32
      %dma_start3A_25 = tpu.memref_slice %arg4[%add3A_24] : memref<802816xi32, #tpu.memory_space<hbm>> -> memref<448xi32, #tpu.memory_space<hbm>>
      %dma_start3A_26 = tpu.memref_slice %arg4[%add3A_24] : memref<802816xi32, #tpu.memory_space<hbm>> -> memref<448xi32, #tpu.memory_space<hbm>>
      tpu.enqueue_dma source(%dma_start3A_26 : memref<448xi32, #tpu.memory_space<hbm>>) target(%arg11 : memref<448xi32, #tpu.memory_space<vmem>>) target_semaphore(%arg16 : memref<!tpu.dma_semaphore, #tpu.memory_space<semaphore_mem>>)
      %add3A_27 = arith.constant 0 : i32
      %add3A_28 = arith.addi %mul3A_2, %add3A_27 : i32
      %dma_start3A_29 = tpu.memref_slice %arg5[%add3A_28] : memref<802816xi32, #tpu.memory_space<hbm>> -> memref<448xi32, #tpu.memory_space<hbm>>
      %dma_start3A_30 = tpu.memref_slice %arg5[%add3A_28] : memref<802816xi32, #tpu.memory_space<hbm>> -> memref<448xi32, #tpu.memory_space<hbm>>
      tpu.enqueue_dma source(%dma_start3A_30 : memref<448xi32, #tpu.memory_space<hbm>>) target(%arg12 : memref<448xi32, #tpu.memory_space<vmem>>) target_semaphore(%arg17 : memref<!tpu.dma_semaphore, #tpu.memory_space<semaphore_mem>>)
      %add3A_31 = arith.constant 0 : i32
      %add3A_32 = arith.addi %mul3A_2, %add3A_31 : i32
      %dma_wait3A = tpu.memref_slice %arg4[%add3A_32] : memref<802816xi32, #tpu.memory_space<hbm>> -> memref<448xi32, #tpu.memory_space<hbm>>
      %dma_wait3A_33 = tpu.memref_slice %arg4[%add3A_32] : memref<802816xi32, #tpu.memory_space<hbm>> -> memref<448xi32, #tpu.memory_space<hbm>>
      tpu.wait_dma2 semaphore(%arg15 : memref<!tpu.dma_semaphore, #tpu.memory_space<semaphore_mem>>) src(%dma_wait3A_33 : memref<448xi32, #tpu.memory_space<hbm>>) dst(%arg10 : memref<448xi32, #tpu.memory_space<vmem>>)
      %dma_start3A_34 = arith.constant 0 : i32
      %dma_start3A_35 = arith.constant 0 : i32
      %dma_start3A_36 = tpu.memref_slice %arg14[%dma_start3A_34, %dma_start3A_35] : memref<896x32xf32, #tpu.memory_space<vmem>> -> memref<448x32xf32, #tpu.memory_space<vmem>>
      %dma_start3A_37 = arith.constant 0 : i32
      %dma_start3A_38 = arith.constant 0 : i32
      %dma_start3A_39 = tpu.memref_slice %arg3[%dma_start3A_37, %dma_start3A_38] : memref<50000x32xf32, #tpu.memory_space<hbm>> -> memref<50000x32xf32, #tpu.memory_space<hbm>>
      tpu.enqueue_indirect_dma source(%dma_start3A_39 : memref<50000x32xf32, #tpu.memory_space<hbm>>) target(%dma_start3A_36 : memref<448x32xf32, #tpu.memory_space<vmem>>) offsets(%arg10 : memref<448xi32, #tpu.memory_space<vmem>>) semaphore(%arg19 : memref<!tpu.dma_semaphore, #tpu.memory_space<semaphore_mem>>)
      %scan3A = arith.constant 0 : i32
      %scan3A_40 = arith.constant 0 : i32
      %scan3A_41 = arith.constant 56 : i32
      %scan3A_42 = arith.addi %scan3A_40, %scan3A_41 : i32
      %scan3A_43 = arith.constant 1 : i32
      scf.for %scan3A_57 = %scan3A_40 to %scan3A_42 step %scan3A_43  : i32 {
        %mul3A_58 = arith.constant 2 : i32
        %mul3A_59 = arith.muli %mul3A_58, %scan3A_57 : i32
        %add3A_60 = arith.constant 0 : i32
        %add3A_61 = arith.addi %mul3A_59, %add3A_60 : i32
        %ge3A = arith.constant 1 : i32
        %ge3A_62 = arith.cmpi sge, %add3A_61, %ge3A : i32
        %convert_element_type3A_63 = arith.extui %ge3A_62 : i1 to i32
        %cond3A_64 = arith.constant 0 : i32
        %cond3A_65 = arith.cmpi ne, %convert_element_type3A_63, %cond3A_64 : i32
        scf.if %cond3A_65 {
          %dma_wait3A_136 = arith.constant 448 : i32
          %dma_wait3A_137 = arith.constant 0 : i32
          %dma_wait3A_138 = tpu.memref_slice %arg14[%dma_wait3A_136, %dma_wait3A_137] : memref<896x32xf32, #tpu.memory_space<vmem>> -> memref<448x32xf32, #tpu.memory_space<vmem>>
          %dma_wait3A_139 = arith.constant 0 : i32
          %dma_wait3A_140 = arith.constant 0 : i32
          %dma_wait3A_141 = tpu.memref_slice %arg3[%dma_wait3A_139, %dma_wait3A_140] : memref<50000x32xf32, #tpu.memory_space<hbm>> -> memref<448x32xf32, #tpu.memory_space<hbm>>
          %dma_wait3A_142 = arith.constant 448 : i32
          %dma_wait3A_143 = arith.constant 0 : i32
          %dma_wait3A_144 = tpu.memref_slice %arg14[%dma_wait3A_142, %dma_wait3A_143] : memref<896x32xf32, #tpu.memory_space<vmem>> -> memref<448x32xf32, #tpu.memory_space<vmem>>
          %dma_wait3A_145 = arith.constant 0 : i32
          %dma_wait3A_146 = arith.constant 0 : i32
          %dma_wait3A_147 = tpu.memref_slice %arg3[%dma_wait3A_145, %dma_wait3A_146] : memref<50000x32xf32, #tpu.memory_space<hbm>> -> memref<448x32xf32, #tpu.memory_space<hbm>>
          tpu.wait_dma2 semaphore(%arg22 : memref<!tpu.dma_semaphore, #tpu.memory_space<semaphore_mem>>) src(%dma_wait3A_147 : memref<448x32xf32, #tpu.memory_space<hbm>>) dst(%dma_wait3A_144 : memref<448x32xf32, #tpu.memory_space<vmem>>)
        } else {
        }
        %add3A_66 = arith.constant 1 : i32
        %add3A_67 = arith.addi %add3A_61, %add3A_66 : i32
        %lt3A = arith.constant 112 : i32
        %lt3A_68 = arith.cmpi slt, %add3A_67, %lt3A : i32
        %convert_element_type3A_69 = arith.extui %lt3A_68 : i1 to i32
        %cond3A_70 = arith.constant 0 : i32
        %cond3A_71 = arith.cmpi ne, %convert_element_type3A_69, %cond3A_70 : i32
        scf.if %cond3A_71 {
          %add3A_136 = arith.constant 1 : i32
          %add3A_137 = arith.addi %add3A_61, %add3A_136 : i32
          %mul3A_138 = arith.constant 448 : i32
          %mul3A_139 = arith.muli %add3A_137, %mul3A_138 : i32
          %add3A_140 = arith.addi %mul3A_2, %mul3A_139 : i32
          %dma_wait3A_141 = tpu.memref_slice %arg4[%add3A_140] : memref<802816xi32, #tpu.memory_space<hbm>> -> memref<448xi32, #tpu.memory_space<hbm>>
          %dma_wait3A_142 = tpu.memref_slice %arg4[%add3A_140] : memref<802816xi32, #tpu.memory_space<hbm>> -> memref<448xi32, #tpu.memory_space<hbm>>
          tpu.wait_dma2 semaphore(%arg16 : memref<!tpu.dma_semaphore, #tpu.memory_space<semaphore_mem>>) src(%dma_wait3A_142 : memref<448xi32, #tpu.memory_space<hbm>>) dst(%arg11 : memref<448xi32, #tpu.memory_space<vmem>>)
          %dma_start3A_143 = arith.constant 448 : i32
          %dma_start3A_144 = arith.constant 0 : i32
          %dma_start3A_145 = tpu.memref_slice %arg14[%dma_start3A_143, %dma_start3A_144] : memref<896x32xf32, #tpu.memory_space<vmem>> -> memref<448x32xf32, #tpu.memory_space<vmem>>
          %dma_start3A_146 = arith.constant 0 : i32
          %dma_start3A_147 = arith.constant 0 : i32
          %dma_start3A_148 = tpu.memref_slice %arg3[%dma_start3A_146, %dma_start3A_147] : memref<50000x32xf32, #tpu.memory_space<hbm>> -> memref<50000x32xf32, #tpu.memory_space<hbm>>
          tpu.enqueue_indirect_dma source(%dma_start3A_148 : memref<50000x32xf32, #tpu.memory_space<hbm>>) target(%dma_start3A_145 : memref<448x32xf32, #tpu.memory_space<vmem>>) offsets(%arg11 : memref<448xi32, #tpu.memory_space<vmem>>) semaphore(%arg20 : memref<!tpu.dma_semaphore, #tpu.memory_space<semaphore_mem>>)
          %add3A_149 = arith.constant 1 : i32
          %add3A_150 = arith.addi %add3A_61, %add3A_149 : i32
          %mul3A_151 = arith.constant 448 : i32
          %mul3A_152 = arith.muli %add3A_150, %mul3A_151 : i32
          %add3A_153 = arith.addi %mul3A_2, %mul3A_152 : i32
          %dma_start3A_154 = tpu.memref_slice %arg5[%add3A_153] : memref<802816xi32, #tpu.memory_space<hbm>> -> memref<448xi32, #tpu.memory_space<hbm>>
          %dma_start3A_155 = tpu.memref_slice %arg5[%add3A_153] : memref<802816xi32, #tpu.memory_space<hbm>> -> memref<448xi32, #tpu.memory_space<hbm>>
          tpu.enqueue_dma source(%dma_start3A_155 : memref<448xi32, #tpu.memory_space<hbm>>) target(%arg13 : memref<448xi32, #tpu.memory_space<vmem>>) target_semaphore(%arg18 : memref<!tpu.dma_semaphore, #tpu.memory_space<semaphore_mem>>)
        } else {
        }
        %dma_wait3A_72 = arith.constant 0 : i32
        %dma_wait3A_73 = arith.constant 0 : i32
        %dma_wait3A_74 = tpu.memref_slice %arg14[%dma_wait3A_72, %dma_wait3A_73] : memref<896x32xf32, #tpu.memory_space<vmem>> -> memref<448x32xf32, #tpu.memory_space<vmem>>
        %dma_wait3A_75 = arith.constant 0 : i32
        %dma_wait3A_76 = arith.constant 0 : i32
        %dma_wait3A_77 = tpu.memref_slice %arg3[%dma_wait3A_75, %dma_wait3A_76] : memref<50000x32xf32, #tpu.memory_space<hbm>> -> memref<50000x32xf32, #tpu.memory_space<hbm>>
        tpu.wait_indirect_dma semaphore(%arg19 : memref<!tpu.dma_semaphore, #tpu.memory_space<semaphore_mem>>) src(%dma_wait3A_77 : memref<50000x32xf32, #tpu.memory_space<hbm>>) dst(%dma_wait3A_74 : memref<448x32xf32, #tpu.memory_space<vmem>>)
        %mul3A_78 = arith.constant 448 : i32
        %mul3A_79 = arith.muli %add3A_61, %mul3A_78 : i32
        %add3A_80 = arith.addi %mul3A_2, %mul3A_79 : i32
        %dma_wait3A_81 = tpu.memref_slice %arg5[%add3A_80] : memref<802816xi32, #tpu.memory_space<hbm>> -> memref<448xi32, #tpu.memory_space<hbm>>
        %dma_wait3A_82 = tpu.memref_slice %arg5[%add3A_80] : memref<802816xi32, #tpu.memory_space<hbm>> -> memref<448xi32, #tpu.memory_space<hbm>>
        tpu.wait_dma2 semaphore(%arg17 : memref<!tpu.dma_semaphore, #tpu.memory_space<semaphore_mem>>) src(%dma_wait3A_82 : memref<448xi32, #tpu.memory_space<hbm>>) dst(%arg12 : memref<448xi32, #tpu.memory_space<vmem>>)
        %dma_start3A_83 = arith.constant 0 : i32
        %dma_start3A_84 = arith.constant 0 : i32
        %dma_start3A_85 = tpu.memref_slice %arg14[%dma_start3A_83, %dma_start3A_84] : memref<896x32xf32, #tpu.memory_space<vmem>> -> memref<448x32xf32, #tpu.memory_space<vmem>>
        %dma_start3A_86 = arith.constant 0 : i32
        %dma_start3A_87 = arith.constant 0 : i32
        %dma_start3A_88 = tpu.memref_slice %arg9[%dma_start3A_86, %dma_start3A_87] : memref<50176x32xf32, #tpu.memory_space<vmem_shared>> -> memref<50176x32xf32, #tpu.memory_space<vmem_shared>>
        tpu.enqueue_indirect_dma source(%dma_start3A_85 : memref<448x32xf32, #tpu.memory_space<vmem>>) target(%dma_start3A_88 : memref<50176x32xf32, #tpu.memory_space<vmem_shared>>) offsets(%arg12 : memref<448xi32, #tpu.memory_space<vmem>>) semaphore(%arg21 : memref<!tpu.dma_semaphore, #tpu.memory_space<semaphore_mem>>) {add = true}
        %add3A_89 = arith.constant 2 : i32
        %add3A_90 = arith.addi %add3A_61, %add3A_89 : i32
        %lt3A_91 = arith.constant 112 : i32
        %lt3A_92 = arith.cmpi slt, %add3A_90, %lt3A_91 : i32
        %convert_element_type3A_93 = arith.extui %lt3A_92 : i1 to i32
        %cond3A_94 = arith.constant 0 : i32
        %cond3A_95 = arith.cmpi ne, %convert_element_type3A_93, %cond3A_94 : i32
        scf.if %cond3A_95 {
          %add3A_136 = arith.constant 2 : i32
          %add3A_137 = arith.addi %add3A_61, %add3A_136 : i32
          %mul3A_138 = arith.constant 448 : i32
          %mul3A_139 = arith.muli %add3A_137, %mul3A_138 : i32
          %add3A_140 = arith.addi %mul3A_2, %mul3A_139 : i32
          %dma_start3A_141 = tpu.memref_slice %arg4[%add3A_140] : memref<802816xi32, #tpu.memory_space<hbm>> -> memref<448xi32, #tpu.memory_space<hbm>>
          %dma_start3A_142 = tpu.memref_slice %arg4[%add3A_140] : memref<802816xi32, #tpu.memory_space<hbm>> -> memref<448xi32, #tpu.memory_space<hbm>>
          tpu.enqueue_dma source(%dma_start3A_142 : memref<448xi32, #tpu.memory_space<hbm>>) target(%arg10 : memref<448xi32, #tpu.memory_space<vmem>>) target_semaphore(%arg15 : memref<!tpu.dma_semaphore, #tpu.memory_space<semaphore_mem>>)
        } else {
        }
        %mul3A_96 = arith.constant 2 : i32
        %mul3A_97 = arith.muli %mul3A_96, %scan3A_57 : i32
        %add3A_98 = arith.constant 1 : i32
        %add3A_99 = arith.addi %mul3A_97, %add3A_98 : i32
        %ge3A_100 = arith.constant 1 : i32
        %ge3A_101 = arith.cmpi sge, %add3A_99, %ge3A_100 : i32
        %convert_element_type3A_102 = arith.extui %ge3A_101 : i1 to i32
        %cond3A_103 = arith.constant 0 : i32
        %cond3A_104 = arith.cmpi ne, %convert_element_type3A_102, %cond3A_103 : i32
        scf.if %cond3A_104 {
          %dma_wait3A_136 = arith.constant 0 : i32
          %dma_wait3A_137 = arith.constant 0 : i32
          %dma_wait3A_138 = tpu.memref_slice %arg14[%dma_wait3A_136, %dma_wait3A_137] : memref<896x32xf32, #tpu.memory_space<vmem>> -> memref<448x32xf32, #tpu.memory_space<vmem>>
          %dma_wait3A_139 = arith.constant 0 : i32
          %dma_wait3A_140 = arith.constant 0 : i32
          %dma_wait3A_141 = tpu.memref_slice %arg3[%dma_wait3A_139, %dma_wait3A_140] : memref<50000x32xf32, #tpu.memory_space<hbm>> -> memref<448x32xf32, #tpu.memory_space<hbm>>
          %dma_wait3A_142 = arith.constant 0 : i32
          %dma_wait3A_143 = arith.constant 0 : i32
          %dma_wait3A_144 = tpu.memref_slice %arg14[%dma_wait3A_142, %dma_wait3A_143] : memref<896x32xf32, #tpu.memory_space<vmem>> -> memref<448x32xf32, #tpu.memory_space<vmem>>
          %dma_wait3A_145 = arith.constant 0 : i32
          %dma_wait3A_146 = arith.constant 0 : i32
          %dma_wait3A_147 = tpu.memref_slice %arg3[%dma_wait3A_145, %dma_wait3A_146] : memref<50000x32xf32, #tpu.memory_space<hbm>> -> memref<448x32xf32, #tpu.memory_space<hbm>>
          tpu.wait_dma2 semaphore(%arg21 : memref<!tpu.dma_semaphore, #tpu.memory_space<semaphore_mem>>) src(%dma_wait3A_147 : memref<448x32xf32, #tpu.memory_space<hbm>>) dst(%dma_wait3A_144 : memref<448x32xf32, #tpu.memory_space<vmem>>)
        } else {
        }
        %add3A_105 = arith.constant 1 : i32
        %add3A_106 = arith.addi %add3A_99, %add3A_105 : i32
        %lt3A_107 = arith.constant 112 : i32
        %lt3A_108 = arith.cmpi slt, %add3A_106, %lt3A_107 : i32
        %convert_element_type3A_109 = arith.extui %lt3A_108 : i1 to i32
        %cond3A_110 = arith.constant 0 : i32
        %cond3A_111 = arith.cmpi ne, %convert_element_type3A_109, %cond3A_110 : i32
        scf.if %cond3A_111 {
          %add3A_136 = arith.constant 1 : i32
          %add3A_137 = arith.addi %add3A_99, %add3A_136 : i32
          %mul3A_138 = arith.constant 448 : i32
          %mul3A_139 = arith.muli %add3A_137, %mul3A_138 : i32
          %add3A_140 = arith.addi %mul3A_2, %mul3A_139 : i32
          %dma_wait3A_141 = tpu.memref_slice %arg4[%add3A_140] : memref<802816xi32, #tpu.memory_space<hbm>> -> memref<448xi32, #tpu.memory_space<hbm>>
          %dma_wait3A_142 = tpu.memref_slice %arg4[%add3A_140] : memref<802816xi32, #tpu.memory_space<hbm>> -> memref<448xi32, #tpu.memory_space<hbm>>
          tpu.wait_dma2 semaphore(%arg15 : memref<!tpu.dma_semaphore, #tpu.memory_space<semaphore_mem>>) src(%dma_wait3A_142 : memref<448xi32, #tpu.memory_space<hbm>>) dst(%arg10 : memref<448xi32, #tpu.memory_space<vmem>>)
          %dma_start3A_143 = arith.constant 0 : i32
          %dma_start3A_144 = arith.constant 0 : i32
          %dma_start3A_145 = tpu.memref_slice %arg14[%dma_start3A_143, %dma_start3A_144] : memref<896x32xf32, #tpu.memory_space<vmem>> -> memref<448x32xf32, #tpu.memory_space<vmem>>
          %dma_start3A_146 = arith.constant 0 : i32
          %dma_start3A_147 = arith.constant 0 : i32
          %dma_start3A_148 = tpu.memref_slice %arg3[%dma_start3A_146, %dma_start3A_147] : memref<50000x32xf32, #tpu.memory_space<hbm>> -> memref<50000x32xf32, #tpu.memory_space<hbm>>
          tpu.enqueue_indirect_dma source(%dma_start3A_148 : memref<50000x32xf32, #tpu.memory_space<hbm>>) target(%dma_start3A_145 : memref<448x32xf32, #tpu.memory_space<vmem>>) offsets(%arg10 : memref<448xi32, #tpu.memory_space<vmem>>) semaphore(%arg19 : memref<!tpu.dma_semaphore, #tpu.memory_space<semaphore_mem>>)
          %add3A_149 = arith.constant 1 : i32
          %add3A_150 = arith.addi %add3A_99, %add3A_149 : i32
          %mul3A_151 = arith.constant 448 : i32
          %mul3A_152 = arith.muli %add3A_150, %mul3A_151 : i32
          %add3A_153 = arith.addi %mul3A_2, %mul3A_152 : i32
          %dma_start3A_154 = tpu.memref_slice %arg5[%add3A_153] : memref<802816xi32, #tpu.memory_space<hbm>> -> memref<448xi32, #tpu.memory_space<hbm>>
          %dma_start3A_155 = tpu.memref_slice %arg5[%add3A_153] : memref<802816xi32, #tpu.memory_space<hbm>> -> memref<448xi32, #tpu.memory_space<hbm>>
          tpu.enqueue_dma source(%dma_start3A_155 : memref<448xi32, #tpu.memory_space<hbm>>) target(%arg12 : memref<448xi32, #tpu.memory_space<vmem>>) target_semaphore(%arg17 : memref<!tpu.dma_semaphore, #tpu.memory_space<semaphore_mem>>)
        } else {
        }
        %dma_wait3A_112 = arith.constant 448 : i32
        %dma_wait3A_113 = arith.constant 0 : i32
        %dma_wait3A_114 = tpu.memref_slice %arg14[%dma_wait3A_112, %dma_wait3A_113] : memref<896x32xf32, #tpu.memory_space<vmem>> -> memref<448x32xf32, #tpu.memory_space<vmem>>
        %dma_wait3A_115 = arith.constant 0 : i32
        %dma_wait3A_116 = arith.constant 0 : i32
        %dma_wait3A_117 = tpu.memref_slice %arg3[%dma_wait3A_115, %dma_wait3A_116] : memref<50000x32xf32, #tpu.memory_space<hbm>> -> memref<50000x32xf32, #tpu.memory_space<hbm>>
        tpu.wait_indirect_dma semaphore(%arg20 : memref<!tpu.dma_semaphore, #tpu.memory_space<semaphore_mem>>) src(%dma_wait3A_117 : memref<50000x32xf32, #tpu.memory_space<hbm>>) dst(%dma_wait3A_114 : memref<448x32xf32, #tpu.memory_space<vmem>>)
        %mul3A_118 = arith.constant 448 : i32
        %mul3A_119 = arith.muli %add3A_99, %mul3A_118 : i32
        %add3A_120 = arith.addi %mul3A_2, %mul3A_119 : i32
        %dma_wait3A_121 = tpu.memref_slice %arg5[%add3A_120] : memref<802816xi32, #tpu.memory_space<hbm>> -> memref<448xi32, #tpu.memory_space<hbm>>
        %dma_wait3A_122 = tpu.memref_slice %arg5[%add3A_120] : memref<802816xi32, #tpu.memory_space<hbm>> -> memref<448xi32, #tpu.memory_space<hbm>>
        tpu.wait_dma2 semaphore(%arg18 : memref<!tpu.dma_semaphore, #tpu.memory_space<semaphore_mem>>) src(%dma_wait3A_122 : memref<448xi32, #tpu.memory_space<hbm>>) dst(%arg13 : memref<448xi32, #tpu.memory_space<vmem>>)
        %dma_start3A_123 = arith.constant 448 : i32
        %dma_start3A_124 = arith.constant 0 : i32
        %dma_start3A_125 = tpu.memref_slice %arg14[%dma_start3A_123, %dma_start3A_124] : memref<896x32xf32, #tpu.memory_space<vmem>> -> memref<448x32xf32, #tpu.memory_space<vmem>>
        %dma_start3A_126 = arith.constant 0 : i32
        %dma_start3A_127 = arith.constant 0 : i32
        %dma_start3A_128 = tpu.memref_slice %arg9[%dma_start3A_126, %dma_start3A_127] : memref<50176x32xf32, #tpu.memory_space<vmem_shared>> -> memref<50176x32xf32, #tpu.memory_space<vmem_shared>>
        tpu.enqueue_indirect_dma source(%dma_start3A_125 : memref<448x32xf32, #tpu.memory_space<vmem>>) target(%dma_start3A_128 : memref<50176x32xf32, #tpu.memory_space<vmem_shared>>) offsets(%arg13 : memref<448xi32, #tpu.memory_space<vmem>>) semaphore(%arg22 : memref<!tpu.dma_semaphore, #tpu.memory_space<semaphore_mem>>) {add = true}
        %add3A_129 = arith.constant 2 : i32
        %add3A_130 = arith.addi %add3A_99, %add3A_129 : i32
        %lt3A_131 = arith.constant 112 : i32
        %lt3A_132 = arith.cmpi slt, %add3A_130, %lt3A_131 : i32
        %convert_element_type3A_133 = arith.extui %lt3A_132 : i1 to i32
        %cond3A_134 = arith.constant 0 : i32
        %cond3A_135 = arith.cmpi ne, %convert_element_type3A_133, %cond3A_134 : i32
        scf.if %cond3A_135 {
          %add3A_136 = arith.constant 2 : i32
          %add3A_137 = arith.addi %add3A_99, %add3A_136 : i32
          %mul3A_138 = arith.constant 448 : i32
          %mul3A_139 = arith.muli %add3A_137, %mul3A_138 : i32
          %add3A_140 = arith.addi %mul3A_2, %mul3A_139 : i32
          %dma_start3A_141 = tpu.memref_slice %arg4[%add3A_140] : memref<802816xi32, #tpu.memory_space<hbm>> -> memref<448xi32, #tpu.memory_space<hbm>>
          %dma_start3A_142 = tpu.memref_slice %arg4[%add3A_140] : memref<802816xi32, #tpu.memory_space<hbm>> -> memref<448xi32, #tpu.memory_space<hbm>>
          tpu.enqueue_dma source(%dma_start3A_142 : memref<448xi32, #tpu.memory_space<hbm>>) target(%arg11 : memref<448xi32, #tpu.memory_space<vmem>>) target_semaphore(%arg16 : memref<!tpu.dma_semaphore, #tpu.memory_space<semaphore_mem>>)
        } else {
        }
      }
      %scan3A_44 = arith.constant 56 : i32
      %dma_wait3A_45 = arith.constant 448 : i32
      %dma_wait3A_46 = arith.constant 0 : i32
      %dma_wait3A_47 = tpu.memref_slice %arg14[%dma_wait3A_45, %dma_wait3A_46] : memref<896x32xf32, #tpu.memory_space<vmem>> -> memref<448x32xf32, #tpu.memory_space<vmem>>
      %dma_wait3A_48 = arith.constant 0 : i32
      %dma_wait3A_49 = arith.constant 0 : i32
      %dma_wait3A_50 = tpu.memref_slice %arg3[%dma_wait3A_48, %dma_wait3A_49] : memref<50000x32xf32, #tpu.memory_space<hbm>> -> memref<448x32xf32, #tpu.memory_space<hbm>>
      %dma_wait3A_51 = arith.constant 448 : i32
      %dma_wait3A_52 = arith.constant 0 : i32
      %dma_wait3A_53 = tpu.memref_slice %arg14[%dma_wait3A_51, %dma_wait3A_52] : memref<896x32xf32, #tpu.memory_space<vmem>> -> memref<448x32xf32, #tpu.memory_space<vmem>>
      %dma_wait3A_54 = arith.constant 0 : i32
      %dma_wait3A_55 = arith.constant 0 : i32
      %dma_wait3A_56 = tpu.memref_slice %arg3[%dma_wait3A_54, %dma_wait3A_55] : memref<50000x32xf32, #tpu.memory_space<hbm>> -> memref<448x32xf32, #tpu.memory_space<hbm>>
      tpu.wait_dma2 semaphore(%arg22 : memref<!tpu.dma_semaphore, #tpu.memory_space<semaphore_mem>>) src(%dma_wait3A_56 : memref<448x32xf32, #tpu.memory_space<hbm>>) dst(%dma_wait3A_53 : memref<448x32xf32, #tpu.memory_space<vmem>>)
    } else {
    }
    %barrier3A_10 = arith.constant 0 : index
    tpu.barrier barrier_id(%barrier3A_10)
    %eq3A_11 = arith.constant 0 : i32
    %eq3A_12 = arith.cmpi eq, %arg0, %eq3A_11 : i32
    %convert_element_type3A_13 = arith.extui %eq3A_12 : i1 to i32
    %cond3A_14 = arith.constant 0 : i32
    %cond3A_15 = arith.cmpi ne, %convert_element_type3A_13, %cond3A_14 : i32
    scf.if %cond3A_15 {
      %mul3A_21 = arith.constant 3136 : i32
      %mul3A_22 = arith.muli %arg1, %mul3A_21 : i32
      %mul3A_23 = arith.constant 3136 : i32
      %mul3A_24 = arith.muli %arg1, %mul3A_23 : i32
      "tpu.region"() ({
        %run_scoped3A = tpu.sem_alloc : memref<!tpu.dma_semaphore, #tpu.memory_space<semaphore_mem>>
        %dma_start3A = arith.constant 0 : i32
        %dma_start3A_25 = tpu.memref_slice %arg7[%mul3A_24, %dma_start3A] : memref<50176x32xf32, #tpu.memory_space<hbm>> -> memref<3136x32xf32, #tpu.memory_space<hbm>>
        %dma_start3A_26 = arith.constant 0 : i32
        %dma_start3A_27 = tpu.memref_slice %arg9[%mul3A_22, %dma_start3A_26] : memref<50176x32xf32, #tpu.memory_space<vmem_shared>> -> memref<3136x32xf32, #tpu.memory_space<vmem_shared>>
        tpu.enqueue_dma source(%dma_start3A_27 : memref<3136x32xf32, #tpu.memory_space<vmem_shared>>) target(%dma_start3A_25 : memref<3136x32xf32, #tpu.memory_space<hbm>>) target_semaphore(%run_scoped3A : memref<!tpu.dma_semaphore, #tpu.memory_space<semaphore_mem>>)
        %dma_wait3A = arith.constant 0 : i32
        %dma_wait3A_28 = tpu.memref_slice %arg7[%mul3A_24, %dma_wait3A] : memref<50176x32xf32, #tpu.memory_space<hbm>> -> memref<3136x32xf32, #tpu.memory_space<hbm>>
        %dma_wait3A_29 = arith.constant 0 : i32
        %dma_wait3A_30 = tpu.memref_slice %arg9[%mul3A_22, %dma_wait3A_29] : memref<50176x32xf32, #tpu.memory_space<vmem_shared>> -> memref<3136x32xf32, #tpu.memory_space<vmem_shared>>
        tpu.wait_dma2 semaphore(%run_scoped3A : memref<!tpu.dma_semaphore, #tpu.memory_space<semaphore_mem>>) src(%dma_wait3A_30 : memref<3136x32xf32, #tpu.memory_space<vmem_shared>>) dst(%dma_wait3A_28 : memref<3136x32xf32, #tpu.memory_space<hbm>>)
        tpu.yield
      }) : () -> ()
    } else {
    }
    %eq3A_16 = arith.constant 1 : i32
    %eq3A_17 = arith.cmpi eq, %arg0, %eq3A_16 : i32
    %convert_element_type3A_18 = arith.extui %eq3A_17 : i1 to i32
    %cond3A_19 = arith.constant 0 : i32
    %cond3A_20 = arith.cmpi ne, %convert_element_type3A_18, %cond3A_19 : i32
    scf.if %cond3A_20 {
      %mul3A_21 = arith.constant 3136 : i32
      %mul3A_22 = arith.muli %arg1, %mul3A_21 : i32
      %mul3A_23 = arith.constant 3136 : i32
      %mul3A_24 = arith.muli %arg1, %mul3A_23 : i32
      "tpu.region"() ({
        %run_scoped3A = tpu.sem_alloc : memref<!tpu.dma_semaphore, #tpu.memory_space<semaphore_mem>>
        %dma_start3A = arith.constant 0 : i32
        %dma_start3A_25 = tpu.memref_slice %arg8[%mul3A_24, %dma_start3A] : memref<50176x32xf32, #tpu.memory_space<hbm>> -> memref<3136x32xf32, #tpu.memory_space<hbm>>
        %dma_start3A_26 = arith.constant 0 : i32
        %dma_start3A_27 = tpu.memref_slice %arg9[%mul3A_22, %dma_start3A_26] : memref<50176x32xf32, #tpu.memory_space<vmem_shared>> -> memref<3136x32xf32, #tpu.memory_space<vmem_shared>>
        tpu.enqueue_dma source(%dma_start3A_27 : memref<3136x32xf32, #tpu.memory_space<vmem_shared>>) target(%dma_start3A_25 : memref<3136x32xf32, #tpu.memory_space<hbm>>) target_semaphore(%run_scoped3A : memref<!tpu.dma_semaphore, #tpu.memory_space<semaphore_mem>>)
        %dma_wait3A = arith.constant 0 : i32
        %dma_wait3A_28 = tpu.memref_slice %arg8[%mul3A_24, %dma_wait3A] : memref<50176x32xf32, #tpu.memory_space<hbm>> -> memref<3136x32xf32, #tpu.memory_space<hbm>>
        %dma_wait3A_29 = arith.constant 0 : i32
        %dma_wait3A_30 = tpu.memref_slice %arg9[%mul3A_22, %dma_wait3A_29] : memref<50176x32xf32, #tpu.memory_space<vmem_shared>> -> memref<3136x32xf32, #tpu.memory_space<vmem_shared>>
        tpu.wait_dma2 semaphore(%run_scoped3A : memref<!tpu.dma_semaphore, #tpu.memory_space<semaphore_mem>>) src(%dma_wait3A_30 : memref<3136x32xf32, #tpu.memory_space<vmem_shared>>) dst(%dma_wait3A_28 : memref<3136x32xf32, #tpu.memory_space<hbm>>)
        tpu.yield
      }) : () -> ()
    } else {
    }
    return
  }
}

module attributes {stable_mosaic.version = 14 : i64} {
  func.func @_tc_a(%arg0: i32, %arg1: memref<2000x8xf32, #tpu.memory_space<vmem>>, %arg2: memref<2000x8xf32, #tpu.memory_space<vmem>>, %arg3: memref<2000x32xf32, #tpu.memory_space<vmem>>, %arg4: memref<2000x32xf32, #tpu.memory_space<vmem>>, %arg5: memref<2000x32xf32, #tpu.memory_space<vmem>>, %arg6: memref<64x64xf32, #tpu.memory_space<vmem>>, %arg7: memref<1x64xf32, #tpu.memory_space<vmem>>, %arg8: memref<32x64xf32, #tpu.memory_space<vmem>>, %arg9: memref<64x64xf32, #tpu.memory_space<vmem>>, %arg10: memref<1x64xf32, #tpu.memory_space<vmem>>, %arg11: memref<2000x16xf32, #tpu.memory_space<vmem>>, %arg12: memref<2000x16xf32, #tpu.memory_space<vmem>>, %arg13: memref<2000x64xf32, #tpu.memory_space<vmem>>, %arg14: memref<2000x64xf32, #tpu.memory_space<vmem>>) attributes {dimension_semantics = [#tpu.dimension_semantics<arbitrary>], iteration_bounds = array<i64: 25>, scalar_prefetch = 0 : i64, scratch_operands = 0 : i64, tpu.core_type = #tpu.core_type<tc>, window_params = [{transform_indices = @transform_0, window_bounds = array<i64: 2000, 8>}, {transform_indices = @transform_1, window_bounds = array<i64: 2000, 8>}, {transform_indices = @transform_2, window_bounds = array<i64: 2000, 32>}, {transform_indices = @transform_3, window_bounds = array<i64: 2000, 32>}, {transform_indices = @transform_4, window_bounds = array<i64: 2000, 32>}, {pipeline_mode = #tpu.pipeline_mode<synchronous>, transform_indices = @transform_5, window_bounds = array<i64: 64, 64>}, {pipeline_mode = #tpu.pipeline_mode<synchronous>, transform_indices = @transform_6, window_bounds = array<i64: 1, 64>}, {pipeline_mode = #tpu.pipeline_mode<synchronous>, transform_indices = @transform_7, window_bounds = array<i64: 32, 64>}, {pipeline_mode = #tpu.pipeline_mode<synchronous>, transform_indices = @transform_8, window_bounds = array<i64: 64, 64>}, {pipeline_mode = #tpu.pipeline_mode<synchronous>, transform_indices = @transform_9, window_bounds = array<i64: 1, 64>}, {transform_indices = @transform_10, window_bounds = array<i64: 2000, 16>}, {transform_indices = @transform_11, window_bounds = array<i64: 2000, 16>}, {transform_indices = @transform_12, window_bounds = array<i64: 2000, 64>}, {transform_indices = @transform_13, window_bounds = array<i64: 2000, 64>}]} {
    %get3A = arith.constant 0 : index
    %get3A_0 = arith.constant 0 : index
    %get3A_1 = vector.load %arg1[%get3A, %get3A_0] : memref<2000x8xf32, #tpu.memory_space<vmem>>, vector<2000x1xf32>
    %add3A = arith.constant 1.000000e+00 : f32
    %add3A_2 = vector.broadcast %add3A : f32 to vector<2000x1xf32>
    %add3A_3 = arith.addf %get3A_1, %add3A_2 : vector<2000x1xf32>
    %rsqrt3A = math.rsqrt %add3A_3 : vector<2000x1xf32>
    %get3A_4 = arith.constant 0 : index
    %get3A_5 = arith.constant 0 : index
    %get3A_6 = vector.load %arg3[%get3A_4, %get3A_5] : memref<2000x32xf32, #tpu.memory_space<vmem>>, vector<2000x32xf32>
    %mul3A = vector.broadcast %rsqrt3A : vector<2000x1xf32> to vector<2000x32xf32>
    %mul3A_7 = arith.mulf %get3A_6, %mul3A : vector<2000x32xf32>
    %slice3A = vector.extract_strided_slice %mul3A_7 {offsets = [0, 0], sizes = [2000, 16], strides = [1, 1]} : vector<2000x32xf32> to vector<2000x16xf32>
    %swap3A = arith.constant 0 : index
    %swap3A_8 = arith.constant 0 : index
    %swap3A_9 = vector.load %arg11[%swap3A, %swap3A_8] : memref<2000x16xf32, #tpu.memory_space<vmem>>, vector<2000x16xf32>
    tpu.vector_store %arg11[%swap3A, %swap3A_8], %slice3A {strides = array<i32>} : memref<2000x16xf32, #tpu.memory_space<vmem>>, vector<2000x16xf32>,
    %slice3A_10 = vector.extract_strided_slice %mul3A_7 {offsets = [0, 16], sizes = [2000, 16], strides = [1, 1]} : vector<2000x32xf32> to vector<2000x16xf32>
    %swap3A_11 = arith.constant 0 : index
    %swap3A_12 = arith.constant 0 : index
    %swap3A_13 = vector.load %arg12[%swap3A_11, %swap3A_12] : memref<2000x16xf32, #tpu.memory_space<vmem>>, vector<2000x16xf32>
    tpu.vector_store %arg12[%swap3A_11, %swap3A_12], %slice3A_10 {strides = array<i32>} : memref<2000x16xf32, #tpu.memory_space<vmem>>, vector<2000x16xf32>,
    %get3A_14 = arith.constant 0 : index
    %get3A_15 = arith.constant 0 : index
    %get3A_16 = vector.load %arg2[%get3A_14, %get3A_15] : memref<2000x8xf32, #tpu.memory_space<vmem>>, vector<2000x1xf32>
    %max3A = arith.constant 1.000000e+00 : f32
    %max3A_17 = vector.broadcast %max3A : f32 to vector<2000x1xf32>
    %max3A_18 = arith.maximumf %get3A_16, %max3A_17 : vector<2000x1xf32>
    %div3A = arith.constant 1.000000e+00 : f32
    %div3A_19 = vector.broadcast %div3A : f32 to vector<2000x1xf32>
    %div3A_20 = arith.divf %div3A_19, %max3A_18 : vector<2000x1xf32>
    %get3A_21 = arith.constant 0 : index
    %get3A_22 = arith.constant 0 : index
    %get3A_23 = vector.load %arg4[%get3A_21, %get3A_22] : memref<2000x32xf32, #tpu.memory_space<vmem>>, vector<2000x32xf32>
    %mul3A_24 = vector.broadcast %div3A_20 : vector<2000x1xf32> to vector<2000x32xf32>
    %mul3A_25 = arith.mulf %get3A_23, %mul3A_24 : vector<2000x32xf32>
    %get3A_26 = arith.constant 0 : index
    %get3A_27 = arith.constant 0 : index
    %get3A_28 = vector.load %arg5[%get3A_26, %get3A_27] : memref<2000x32xf32, #tpu.memory_space<vmem>>, vector<2000x32xf32>
    %mul3A_29 = vector.broadcast %div3A_20 : vector<2000x1xf32> to vector<2000x32xf32>
    %mul3A_30 = arith.mulf %get3A_28, %mul3A_29 : vector<2000x32xf32>
    %get3A_31 = arith.constant 0 : index
    %get3A_32 = arith.constant 0 : index
    %get3A_33 = vector.load %arg6[%get3A_31, %get3A_32] : memref<64x64xf32, #tpu.memory_space<vmem>>, vector<64x64xf32>
    %get3A_34 = arith.constant 0 : index
    %get3A_35 = arith.constant 0 : index
    %get3A_36 = vector.load %arg9[%get3A_34, %get3A_35] : memref<64x64xf32, #tpu.memory_space<vmem>>, vector<64x64xf32>
    %slice3A_37 = vector.extract_strided_slice %get3A_33 {offsets = [0, 0], sizes = [32, 64], strides = [1, 1]} : vector<64x64xf32> to vector<32x64xf32>
    %dot_general3A = arith.constant dense<0.000000e+00> : vector<2000x64xf32>
    %dot_general3A_38 = tpu.matmul %mul3A_25, %slice3A_37, %dot_general3A {dimension_numbers = #tpu.dot_dimension_numbers<[1], [0], [0], [1], [0, 0, 1, 1], [], []>, transpose_lhs_hint = false} : vector<2000x32xf32>, vector<32x64xf32>, vector<2000x64xf32> -> vector<2000x64xf32>
    %slice3A_39 = vector.extract_strided_slice %get3A_33 {offsets = [32, 0], sizes = [32, 64], strides = [1, 1]} : vector<64x64xf32> to vector<32x64xf32>
    %dot_general3A_40 = arith.constant dense<0.000000e+00> : vector<2000x64xf32>
    %dot_general3A_41 = tpu.matmul %mul3A_30, %slice3A_39, %dot_general3A_40 {dimension_numbers = #tpu.dot_dimension_numbers<[1], [0], [0], [1], [0, 0, 1, 1], [], []>, transpose_lhs_hint = false} : vector<2000x32xf32>, vector<32x64xf32>, vector<2000x64xf32> -> vector<2000x64xf32>
    %add3A_42 = arith.addf %dot_general3A_38, %dot_general3A_41 : vector<2000x64xf32>
    %get3A_43 = arith.constant 0 : index
    %get3A_44 = arith.constant 0 : index
    %get3A_45 = vector.load %arg7[%get3A_43, %get3A_44] : memref<1x64xf32, #tpu.memory_space<vmem>>, vector<1x64xf32>
    %add3A_46 = vector.broadcast %get3A_45 : vector<1x64xf32> to vector<2000x64xf32>
    %add3A_47 = arith.addf %add3A_42, %add3A_46 : vector<2000x64xf32>
    %get3A_48 = arith.constant 0 : index
    %get3A_49 = arith.constant 0 : index
    %get3A_50 = vector.load %arg8[%get3A_48, %get3A_49] : memref<32x64xf32, #tpu.memory_space<vmem>>, vector<32x64xf32>
    %dot_general3A_51 = arith.constant dense<0.000000e+00> : vector<2000x64xf32>
    %dot_general3A_52 = tpu.matmul %get3A_6, %get3A_50, %dot_general3A_51 {dimension_numbers = #tpu.dot_dimension_numbers<[1], [0], [0], [1], [0, 0, 1, 1], [], []>, transpose_lhs_hint = false} : vector<2000x32xf32>, vector<32x64xf32>, vector<2000x64xf32> -> vector<2000x64xf32>
    %add3A_53 = arith.addf %add3A_47, %dot_general3A_52 : vector<2000x64xf32>
    %swap3A_54 = arith.constant 0 : index
    %swap3A_55 = arith.constant 0 : index
    %swap3A_56 = vector.load %arg13[%swap3A_54, %swap3A_55] : memref<2000x64xf32, #tpu.memory_space<vmem>>, vector<2000x64xf32>
    tpu.vector_store %arg13[%swap3A_54, %swap3A_55], %add3A_53 {strides = array<i32>} : memref<2000x64xf32, #tpu.memory_space<vmem>>, vector<2000x64xf32>,
    %slice3A_57 = vector.extract_strided_slice %get3A_36 {offsets = [0, 0], sizes = [32, 64], strides = [1, 1]} : vector<64x64xf32> to vector<32x64xf32>
    %dot_general3A_58 = arith.constant dense<0.000000e+00> : vector<2000x64xf32>
    %dot_general3A_59 = tpu.matmul %mul3A_25, %slice3A_57, %dot_general3A_58 {dimension_numbers = #tpu.dot_dimension_numbers<[1], [0], [0], [1], [0, 0, 1, 1], [], []>, transpose_lhs_hint = false} : vector<2000x32xf32>, vector<32x64xf32>, vector<2000x64xf32> -> vector<2000x64xf32>
    %slice3A_60 = vector.extract_strided_slice %get3A_36 {offsets = [32, 0], sizes = [32, 64], strides = [1, 1]} : vector<64x64xf32> to vector<32x64xf32>
    %dot_general3A_61 = arith.constant dense<0.000000e+00> : vector<2000x64xf32>
    %dot_general3A_62 = tpu.matmul %mul3A_30, %slice3A_60, %dot_general3A_61 {dimension_numbers = #tpu.dot_dimension_numbers<[1], [0], [0], [1], [0, 0, 1, 1], [], []>, transpose_lhs_hint = false} : vector<2000x32xf32>, vector<32x64xf32>, vector<2000x64xf32> -> vector<2000x64xf32>
    %add3A_63 = arith.addf %dot_general3A_59, %dot_general3A_62 : vector<2000x64xf32>
    %get3A_64 = arith.constant 0 : index
    %get3A_65 = arith.constant 0 : index
    %get3A_66 = vector.load %arg10[%get3A_64, %get3A_65] : memref<1x64xf32, #tpu.memory_space<vmem>>, vector<1x64xf32>
    %add3A_67 = vector.broadcast %get3A_66 : vector<1x64xf32> to vector<2000x64xf32>
    %add3A_68 = arith.addf %add3A_63, %add3A_67 : vector<2000x64xf32>
    %swap3A_69 = arith.constant 0 : index
    %swap3A_70 = arith.constant 0 : index
    %swap3A_71 = vector.load %arg14[%swap3A_69, %swap3A_70] : memref<2000x64xf32, #tpu.memory_space<vmem>>, vector<2000x64xf32>
    tpu.vector_store %arg14[%swap3A_69, %swap3A_70], %add3A_68 {strides = array<i32>} : memref<2000x64xf32, #tpu.memory_space<vmem>>, vector<2000x64xf32>,
    return
  }
  func.func @transform_0(%arg0: i32) -> (i32, i32) {
    %c0_i32 = arith.constant 0 : i32
    %c0_i32_0 = arith.constant 0 : i32
    return %arg0, %c0_i32 : i32, i32
  }
  func.func @transform_1(%arg0: i32) -> (i32, i32) {
    %c0_i32 = arith.constant 0 : i32
    %c0_i32_0 = arith.constant 0 : i32
    return %arg0, %c0_i32 : i32, i32
  }
  func.func @transform_2(%arg0: i32) -> (i32, i32) {
    %c0_i32 = arith.constant 0 : i32
    %c0_i32_0 = arith.constant 0 : i32
    return %arg0, %c0_i32 : i32, i32
  }
  func.func @transform_3(%arg0: i32) -> (i32, i32) {
    %c0_i32 = arith.constant 0 : i32
    %c0_i32_0 = arith.constant 0 : i32
    return %arg0, %c0_i32 : i32, i32
  }
  func.func @transform_4(%arg0: i32) -> (i32, i32) {
    %c0_i32 = arith.constant 0 : i32
    %c0_i32_0 = arith.constant 0 : i32
    return %arg0, %c0_i32 : i32, i32
  }
  func.func @transform_5(%arg0: i32) -> (i32, i32) {
    %c0_i32 = arith.constant 0 : i32
    %c0_i32_0 = arith.constant 0 : i32
    %c0_i32_1 = arith.constant 0 : i32
    return %c0_i32, %c0_i32_0 : i32, i32
  }
  func.func @transform_6(%arg0: i32) -> (i32, i32) {
    %c0_i32 = arith.constant 0 : i32
    %c0_i32_0 = arith.constant 0 : i32
    %c0_i32_1 = arith.constant 0 : i32
    return %c0_i32, %c0_i32_0 : i32, i32
  }
  func.func @transform_7(%arg0: i32) -> (i32, i32) {
    %c0_i32 = arith.constant 0 : i32
    %c0_i32_0 = arith.constant 0 : i32
    %c0_i32_1 = arith.constant 0 : i32
    return %c0_i32, %c0_i32_0 : i32, i32
  }
  func.func @transform_8(%arg0: i32) -> (i32, i32) {
    %c0_i32 = arith.constant 0 : i32
    %c0_i32_0 = arith.constant 0 : i32
    %c0_i32_1 = arith.constant 0 : i32
    return %c0_i32, %c0_i32_0 : i32, i32
  }
  func.func @transform_9(%arg0: i32) -> (i32, i32) {
    %c0_i32 = arith.constant 0 : i32
    %c0_i32_0 = arith.constant 0 : i32
    %c0_i32_1 = arith.constant 0 : i32
    return %c0_i32, %c0_i32_0 : i32, i32
  }
  func.func @transform_10(%arg0: i32) -> (i32, i32) {
    %c0_i32 = arith.constant 0 : i32
    %c0_i32_0 = arith.constant 0 : i32
    return %arg0, %c0_i32 : i32, i32
  }
  func.func @transform_11(%arg0: i32) -> (i32, i32) {
    %c0_i32 = arith.constant 0 : i32
    %c0_i32_0 = arith.constant 0 : i32
    return %arg0, %c0_i32 : i32, i32
  }
  func.func @transform_12(%arg0: i32) -> (i32, i32) {
    %c0_i32 = arith.constant 0 : i32
    %c0_i32_0 = arith.constant 0 : i32
    return %arg0, %c0_i32 : i32, i32
  }
  func.func @transform_13(%arg0: i32) -> (i32, i32) {
    %c0_i32 = arith.constant 0 : i32
    %c0_i32_0 = arith.constant 0 : i32
    return %arg0, %c0_i32 : i32, i32
  }
}

module attributes {stable_mosaic.version = 14 : i64} {
  func.func @_tc_b(%arg0: i32, %arg1: memref<2000x16xf32, #tpu.memory_space<vmem>>, %arg2: memref<2000x16xf32, #tpu.memory_space<vmem>>, %arg3: memref<2000x16xf32, #tpu.memory_space<vmem>>, %arg4: memref<2000x16xf32, #tpu.memory_space<vmem>>, %arg5: memref<2000x8xf32, #tpu.memory_space<vmem>>, %arg6: memref<2000x64xf32, #tpu.memory_space<vmem>>, %arg7: memref<32x64xf32, #tpu.memory_space<vmem>>, %arg8: memref<1x64xf32, #tpu.memory_space<vmem>>, %arg9: memref<64x64xf32, #tpu.memory_space<vmem>>, %arg10: memref<2000x64xf32, #tpu.memory_space<vmem>>, %arg11: memref<2000x32xf32, #tpu.memory_space<vmem>>, %arg12: memref<2000x32xf32, #tpu.memory_space<vmem>>, %arg13: memref<2000x64xf32, #tpu.memory_space<vmem>>) attributes {dimension_semantics = [#tpu.dimension_semantics<arbitrary>], iteration_bounds = array<i64: 25>, scalar_prefetch = 0 : i64, scratch_operands = 0 : i64, tpu.core_type = #tpu.core_type<tc>, window_params = [{transform_indices = @transform_0, window_bounds = array<i64: 2000, 16>}, {transform_indices = @transform_1, window_bounds = array<i64: 2000, 16>}, {transform_indices = @transform_2, window_bounds = array<i64: 2000, 16>}, {transform_indices = @transform_3, window_bounds = array<i64: 2000, 16>}, {transform_indices = @transform_4, window_bounds = array<i64: 2000, 8>}, {transform_indices = @transform_5, window_bounds = array<i64: 2000, 64>}, {pipeline_mode = #tpu.pipeline_mode<synchronous>, transform_indices = @transform_6, window_bounds = array<i64: 32, 64>}, {pipeline_mode = #tpu.pipeline_mode<synchronous>, transform_indices = @transform_7, window_bounds = array<i64: 1, 64>}, {pipeline_mode = #tpu.pipeline_mode<synchronous>, transform_indices = @transform_8, window_bounds = array<i64: 64, 64>}, {transform_indices = @transform_9, window_bounds = array<i64: 2000, 64>}, {transform_indices = @transform_10, window_bounds = array<i64: 2000, 32>}, {transform_indices = @transform_11, window_bounds = array<i64: 2000, 32>}, {transform_indices = @transform_12, window_bounds = array<i64: 2000, 64>}]} {
    %get3A = arith.constant 0 : index
    %get3A_0 = arith.constant 0 : index
    %get3A_1 = vector.load %arg5[%get3A, %get3A_0] : memref<2000x8xf32, #tpu.memory_space<vmem>>, vector<2000x1xf32>
    %add3A = arith.constant 1.000000e+00 : f32
    %add3A_2 = vector.broadcast %add3A : f32 to vector<2000x1xf32>
    %add3A_3 = arith.addf %get3A_1, %add3A_2 : vector<2000x1xf32>
    %rsqrt3A = math.rsqrt %add3A_3 : vector<2000x1xf32>
    %get3A_4 = arith.constant 0 : index
    %get3A_5 = arith.constant 0 : index
    %get3A_6 = vector.load %arg1[%get3A_4, %get3A_5] : memref<2000x16xf32, #tpu.memory_space<vmem>>, vector<2000x16xf32>
    %get3A_7 = arith.constant 0 : index
    %get3A_8 = arith.constant 0 : index
    %get3A_9 = vector.load %arg3[%get3A_7, %get3A_8] : memref<2000x16xf32, #tpu.memory_space<vmem>>, vector<2000x16xf32>
    %add3A_10 = arith.addf %get3A_6, %get3A_9 : vector<2000x16xf32>
    %mul3A = vector.broadcast %rsqrt3A : vector<2000x1xf32> to vector<2000x16xf32>
    %mul3A_11 = arith.mulf %add3A_10, %mul3A : vector<2000x16xf32>
    %get3A_12 = arith.constant 0 : index
    %get3A_13 = arith.constant 0 : index
    %get3A_14 = vector.load %arg2[%get3A_12, %get3A_13] : memref<2000x16xf32, #tpu.memory_space<vmem>>, vector<2000x16xf32>
    %get3A_15 = arith.constant 0 : index
    %get3A_16 = arith.constant 0 : index
    %get3A_17 = vector.load %arg4[%get3A_15, %get3A_16] : memref<2000x16xf32, #tpu.memory_space<vmem>>, vector<2000x16xf32>
    %add3A_18 = arith.addf %get3A_14, %get3A_17 : vector<2000x16xf32>
    %mul3A_19 = vector.broadcast %rsqrt3A : vector<2000x1xf32> to vector<2000x16xf32>
    %mul3A_20 = arith.mulf %add3A_18, %mul3A_19 : vector<2000x16xf32>
    %get3A_21 = arith.constant 0 : index
    %get3A_22 = arith.constant 0 : index
    %get3A_23 = vector.load %arg7[%get3A_21, %get3A_22] : memref<32x64xf32, #tpu.memory_space<vmem>>, vector<32x64xf32>
    %slice3A = vector.extract_strided_slice %get3A_23 {offsets = [0, 0], sizes = [16, 64], strides = [1, 1]} : vector<32x64xf32> to vector<16x64xf32>
    %dot_general3A = arith.constant dense<0.000000e+00> : vector<2000x64xf32>
    %dot_general3A_24 = tpu.matmul %mul3A_11, %slice3A, %dot_general3A {dimension_numbers = #tpu.dot_dimension_numbers<[1], [0], [0], [1], [0, 0, 1, 1], [], []>, transpose_lhs_hint = false} : vector<2000x16xf32>, vector<16x64xf32>, vector<2000x64xf32> -> vector<2000x64xf32>
    %slice3A_25 = vector.extract_strided_slice %get3A_23 {offsets = [16, 0], sizes = [16, 64], strides = [1, 1]} : vector<32x64xf32> to vector<16x64xf32>
    %dot_general3A_26 = arith.constant dense<0.000000e+00> : vector<2000x64xf32>
    %dot_general3A_27 = tpu.matmul %mul3A_20, %slice3A_25, %dot_general3A_26 {dimension_numbers = #tpu.dot_dimension_numbers<[1], [0], [0], [1], [0, 0, 1, 1], [], []>, transpose_lhs_hint = false} : vector<2000x16xf32>, vector<16x64xf32>, vector<2000x64xf32> -> vector<2000x64xf32>
    %add3A_28 = arith.addf %dot_general3A_24, %dot_general3A_27 : vector<2000x64xf32>
    %get3A_29 = arith.constant 0 : index
    %get3A_30 = arith.constant 0 : index
    %get3A_31 = vector.load %arg8[%get3A_29, %get3A_30] : memref<1x64xf32, #tpu.memory_space<vmem>>, vector<1x64xf32>
    %add3A_32 = vector.broadcast %get3A_31 : vector<1x64xf32> to vector<2000x64xf32>
    %add3A_33 = arith.addf %add3A_28, %add3A_32 : vector<2000x64xf32>
    %get3A_34 = arith.constant 0 : index
    %get3A_35 = arith.constant 0 : index
    %get3A_36 = vector.load %arg6[%get3A_34, %get3A_35] : memref<2000x64xf32, #tpu.memory_space<vmem>>, vector<2000x64xf32>
    %add3A_37 = arith.addf %add3A_33, %get3A_36 : vector<2000x64xf32>
    %max3A = arith.constant 0.000000e+00 : f32
    %max3A_38 = vector.broadcast %max3A : f32 to vector<2000x64xf32>
    %max3A_39 = arith.maximumf %add3A_37, %max3A_38 : vector<2000x64xf32>
    %mul3A_40 = vector.broadcast %rsqrt3A : vector<2000x1xf32> to vector<2000x64xf32>
    %mul3A_41 = arith.mulf %max3A_39, %mul3A_40 : vector<2000x64xf32>
    %slice3A_42 = vector.extract_strided_slice %mul3A_41 {offsets = [0, 0], sizes = [2000, 32], strides = [1, 1]} : vector<2000x64xf32> to vector<2000x32xf32>
    %swap3A = arith.constant 0 : index
    %swap3A_43 = arith.constant 0 : index
    %swap3A_44 = vector.load %arg11[%swap3A, %swap3A_43] : memref<2000x32xf32, #tpu.memory_space<vmem>>, vector<2000x32xf32>
    tpu.vector_store %arg11[%swap3A, %swap3A_43], %slice3A_42 {strides = array<i32>} : memref<2000x32xf32, #tpu.memory_space<vmem>>, vector<2000x32xf32>,
    %slice3A_45 = vector.extract_strided_slice %mul3A_41 {offsets = [0, 32], sizes = [2000, 32], strides = [1, 1]} : vector<2000x64xf32> to vector<2000x32xf32>
    %swap3A_46 = arith.constant 0 : index
    %swap3A_47 = arith.constant 0 : index
    %swap3A_48 = vector.load %arg12[%swap3A_46, %swap3A_47] : memref<2000x32xf32, #tpu.memory_space<vmem>>, vector<2000x32xf32>
    tpu.vector_store %arg12[%swap3A_46, %swap3A_47], %slice3A_45 {strides = array<i32>} : memref<2000x32xf32, #tpu.memory_space<vmem>>, vector<2000x32xf32>,
    %get3A_49 = arith.constant 0 : index
    %get3A_50 = arith.constant 0 : index
    %get3A_51 = vector.load %arg9[%get3A_49, %get3A_50] : memref<64x64xf32, #tpu.memory_space<vmem>>, vector<64x64xf32>
    %dot_general3A_52 = arith.constant dense<0.000000e+00> : vector<2000x64xf32>
    %dot_general3A_53 = tpu.matmul %max3A_39, %get3A_51, %dot_general3A_52 {dimension_numbers = #tpu.dot_dimension_numbers<[1], [0], [0], [1], [0, 0, 1, 1], [], []>, transpose_lhs_hint = false} : vector<2000x64xf32>, vector<64x64xf32>, vector<2000x64xf32> -> vector<2000x64xf32>
    %get3A_54 = arith.constant 0 : index
    %get3A_55 = arith.constant 0 : index
    %get3A_56 = vector.load %arg10[%get3A_54, %get3A_55] : memref<2000x64xf32, #tpu.memory_space<vmem>>, vector<2000x64xf32>
    %add3A_57 = arith.addf %dot_general3A_53, %get3A_56 : vector<2000x64xf32>
    %swap3A_58 = arith.constant 0 : index
    %swap3A_59 = arith.constant 0 : index
    %swap3A_60 = vector.load %arg13[%swap3A_58, %swap3A_59] : memref<2000x64xf32, #tpu.memory_space<vmem>>, vector<2000x64xf32>
    tpu.vector_store %arg13[%swap3A_58, %swap3A_59], %add3A_57 {strides = array<i32>} : memref<2000x64xf32, #tpu.memory_space<vmem>>, vector<2000x64xf32>,
    return
  }
  func.func @transform_0(%arg0: i32) -> (i32, i32) {
    %c0_i32 = arith.constant 0 : i32
    %c0_i32_0 = arith.constant 0 : i32
    return %arg0, %c0_i32 : i32, i32
  }
  func.func @transform_1(%arg0: i32) -> (i32, i32) {
    %c0_i32 = arith.constant 0 : i32
    %c0_i32_0 = arith.constant 0 : i32
    return %arg0, %c0_i32 : i32, i32
  }
  func.func @transform_2(%arg0: i32) -> (i32, i32) {
    %c0_i32 = arith.constant 0 : i32
    %c0_i32_0 = arith.constant 0 : i32
    return %arg0, %c0_i32 : i32, i32
  }
  func.func @transform_3(%arg0: i32) -> (i32, i32) {
    %c0_i32 = arith.constant 0 : i32
    %c0_i32_0 = arith.constant 0 : i32
    return %arg0, %c0_i32 : i32, i32
  }
  func.func @transform_4(%arg0: i32) -> (i32, i32) {
    %c0_i32 = arith.constant 0 : i32
    %c0_i32_0 = arith.constant 0 : i32
    return %arg0, %c0_i32 : i32, i32
  }
  func.func @transform_5(%arg0: i32) -> (i32, i32) {
    %c0_i32 = arith.constant 0 : i32
    %c0_i32_0 = arith.constant 0 : i32
    return %arg0, %c0_i32 : i32, i32
  }
  func.func @transform_6(%arg0: i32) -> (i32, i32) {
    %c0_i32 = arith.constant 0 : i32
    %c0_i32_0 = arith.constant 0 : i32
    %c0_i32_1 = arith.constant 0 : i32
    return %c0_i32, %c0_i32_0 : i32, i32
  }
  func.func @transform_7(%arg0: i32) -> (i32, i32) {
    %c0_i32 = arith.constant 0 : i32
    %c0_i32_0 = arith.constant 0 : i32
    %c0_i32_1 = arith.constant 0 : i32
    return %c0_i32, %c0_i32_0 : i32, i32
  }
  func.func @transform_8(%arg0: i32) -> (i32, i32) {
    %c0_i32 = arith.constant 0 : i32
    %c0_i32_0 = arith.constant 0 : i32
    %c0_i32_1 = arith.constant 0 : i32
    return %c0_i32, %c0_i32_0 : i32, i32
  }
  func.func @transform_9(%arg0: i32) -> (i32, i32) {
    %c0_i32 = arith.constant 0 : i32
    %c0_i32_0 = arith.constant 0 : i32
    return %arg0, %c0_i32 : i32, i32
  }
  func.func @transform_10(%arg0: i32) -> (i32, i32) {
    %c0_i32 = arith.constant 0 : i32
    %c0_i32_0 = arith.constant 0 : i32
    return %arg0, %c0_i32 : i32, i32
  }
  func.func @transform_11(%arg0: i32) -> (i32, i32) {
    %c0_i32 = arith.constant 0 : i32
    %c0_i32_0 = arith.constant 0 : i32
    return %arg0, %c0_i32 : i32, i32
  }
  func.func @transform_12(%arg0: i32) -> (i32, i32) {
    %c0_i32 = arith.constant 0 : i32
    %c0_i32_0 = arith.constant 0 : i32
    return %arg0, %c0_i32 : i32, i32
  }
}

module attributes {stable_mosaic.version = 14 : i64} {
  func.func @_tc_c(%arg0: i32, %arg1: memref<2000x32xf32, #tpu.memory_space<vmem>>, %arg2: memref<2000x32xf32, #tpu.memory_space<vmem>>, %arg3: memref<2000x32xf32, #tpu.memory_space<vmem>>, %arg4: memref<2000x32xf32, #tpu.memory_space<vmem>>, %arg5: memref<2000x8xf32, #tpu.memory_space<vmem>>, %arg6: memref<2000x64xf32, #tpu.memory_space<vmem>>, %arg7: memref<64x64xf32, #tpu.memory_space<vmem>>, %arg8: memref<1x64xf32, #tpu.memory_space<vmem>>, %arg9: memref<2000x64xf32, #tpu.memory_space<vmem>>) attributes {dimension_semantics = [#tpu.dimension_semantics<arbitrary>], iteration_bounds = array<i64: 25>, scalar_prefetch = 0 : i64, scratch_operands = 0 : i64, tpu.core_type = #tpu.core_type<tc>, window_params = [{transform_indices = @transform_0, window_bounds = array<i64: 2000, 32>}, {transform_indices = @transform_1, window_bounds = array<i64: 2000, 32>}, {transform_indices = @transform_2, window_bounds = array<i64: 2000, 32>}, {transform_indices = @transform_3, window_bounds = array<i64: 2000, 32>}, {transform_indices = @transform_4, window_bounds = array<i64: 2000, 8>}, {transform_indices = @transform_5, window_bounds = array<i64: 2000, 64>}, {pipeline_mode = #tpu.pipeline_mode<synchronous>, transform_indices = @transform_6, window_bounds = array<i64: 64, 64>}, {pipeline_mode = #tpu.pipeline_mode<synchronous>, transform_indices = @transform_7, window_bounds = array<i64: 1, 64>}, {transform_indices = @transform_8, window_bounds = array<i64: 2000, 64>}]} {
    %get3A = arith.constant 0 : index
    %get3A_0 = arith.constant 0 : index
    %get3A_1 = vector.load %arg5[%get3A, %get3A_0] : memref<2000x8xf32, #tpu.memory_space<vmem>>, vector<2000x1xf32>
    %add3A = arith.constant 1.000000e+00 : f32
    %add3A_2 = vector.broadcast %add3A : f32 to vector<2000x1xf32>
    %add3A_3 = arith.addf %get3A_1, %add3A_2 : vector<2000x1xf32>
    %rsqrt3A = math.rsqrt %add3A_3 : vector<2000x1xf32>
    %get3A_4 = arith.constant 0 : index
    %get3A_5 = arith.constant 0 : index
    %get3A_6 = vector.load %arg7[%get3A_4, %get3A_5] : memref<64x64xf32, #tpu.memory_space<vmem>>, vector<64x64xf32>
    %get3A_7 = arith.constant 0 : index
    %get3A_8 = arith.constant 0 : index
    %get3A_9 = vector.load %arg1[%get3A_7, %get3A_8] : memref<2000x32xf32, #tpu.memory_space<vmem>>, vector<2000x32xf32>
    %get3A_10 = arith.constant 0 : index
    %get3A_11 = arith.constant 0 : index
    %get3A_12 = vector.load %arg3[%get3A_10, %get3A_11] : memref<2000x32xf32, #tpu.memory_space<vmem>>, vector<2000x32xf32>
    %add3A_13 = arith.addf %get3A_9, %get3A_12 : vector<2000x32xf32>
    %mul3A = vector.broadcast %rsqrt3A : vector<2000x1xf32> to vector<2000x32xf32>
    %mul3A_14 = arith.mulf %add3A_13, %mul3A : vector<2000x32xf32>
    %slice3A = vector.extract_strided_slice %get3A_6 {offsets = [0, 0], sizes = [32, 64], strides = [1, 1]} : vector<64x64xf32> to vector<32x64xf32>
    %dot_general3A = arith.constant dense<0.000000e+00> : vector<2000x64xf32>
    %dot_general3A_15 = tpu.matmul %mul3A_14, %slice3A, %dot_general3A {dimension_numbers = #tpu.dot_dimension_numbers<[1], [0], [0], [1], [0, 0, 1, 1], [], []>, transpose_lhs_hint = false} : vector<2000x32xf32>, vector<32x64xf32>, vector<2000x64xf32> -> vector<2000x64xf32>
    %get3A_16 = arith.constant 0 : index
    %get3A_17 = arith.constant 0 : index
    %get3A_18 = vector.load %arg2[%get3A_16, %get3A_17] : memref<2000x32xf32, #tpu.memory_space<vmem>>, vector<2000x32xf32>
    %get3A_19 = arith.constant 0 : index
    %get3A_20 = arith.constant 0 : index
    %get3A_21 = vector.load %arg4[%get3A_19, %get3A_20] : memref<2000x32xf32, #tpu.memory_space<vmem>>, vector<2000x32xf32>
    %add3A_22 = arith.addf %get3A_18, %get3A_21 : vector<2000x32xf32>
    %mul3A_23 = vector.broadcast %rsqrt3A : vector<2000x1xf32> to vector<2000x32xf32>
    %mul3A_24 = arith.mulf %add3A_22, %mul3A_23 : vector<2000x32xf32>
    %slice3A_25 = vector.extract_strided_slice %get3A_6 {offsets = [32, 0], sizes = [32, 64], strides = [1, 1]} : vector<64x64xf32> to vector<32x64xf32>
    %dot_general3A_26 = arith.constant dense<0.000000e+00> : vector<2000x64xf32>
    %dot_general3A_27 = tpu.matmul %mul3A_24, %slice3A_25, %dot_general3A_26 {dimension_numbers = #tpu.dot_dimension_numbers<[1], [0], [0], [1], [0, 0, 1, 1], [], []>, transpose_lhs_hint = false} : vector<2000x32xf32>, vector<32x64xf32>, vector<2000x64xf32> -> vector<2000x64xf32>
    %add3A_28 = arith.addf %dot_general3A_15, %dot_general3A_27 : vector<2000x64xf32>
    %get3A_29 = arith.constant 0 : index
    %get3A_30 = arith.constant 0 : index
    %get3A_31 = vector.load %arg8[%get3A_29, %get3A_30] : memref<1x64xf32, #tpu.memory_space<vmem>>, vector<1x64xf32>
    %add3A_32 = vector.broadcast %get3A_31 : vector<1x64xf32> to vector<2000x64xf32>
    %add3A_33 = arith.addf %add3A_28, %add3A_32 : vector<2000x64xf32>
    %get3A_34 = arith.constant 0 : index
    %get3A_35 = arith.constant 0 : index
    %get3A_36 = vector.load %arg6[%get3A_34, %get3A_35] : memref<2000x64xf32, #tpu.memory_space<vmem>>, vector<2000x64xf32>
    %add3A_37 = arith.addf %add3A_33, %get3A_36 : vector<2000x64xf32>
    %swap3A = arith.constant 0 : index
    %swap3A_38 = arith.constant 0 : index
    %swap3A_39 = vector.load %arg9[%swap3A, %swap3A_38] : memref<2000x64xf32, #tpu.memory_space<vmem>>, vector<2000x64xf32>
    tpu.vector_store %arg9[%swap3A, %swap3A_38], %add3A_37 {strides = array<i32>} : memref<2000x64xf32, #tpu.memory_space<vmem>>, vector<2000x64xf32>,
    return
  }
  func.func @transform_0(%arg0: i32) -> (i32, i32) {
    %c0_i32 = arith.constant 0 : i32
    %c0_i32_0 = arith.constant 0 : i32
    return %arg0, %c0_i32 : i32, i32
  }
  func.func @transform_1(%arg0: i32) -> (i32, i32) {
    %c0_i32 = arith.constant 0 : i32
    %c0_i32_0 = arith.constant 0 : i32
    return %arg0, %c0_i32 : i32, i32
  }
  func.func @transform_2(%arg0: i32) -> (i32, i32) {
    %c0_i32 = arith.constant 0 : i32
    %c0_i32_0 = arith.constant 0 : i32
    return %arg0, %c0_i32 : i32, i32
  }
  func.func @transform_3(%arg0: i32) -> (i32, i32) {
    %c0_i32 = arith.constant 0 : i32
    %c0_i32_0 = arith.constant 0 : i32
    return %arg0, %c0_i32 : i32, i32
  }
  func.func @transform_4(%arg0: i32) -> (i32, i32) {
    %c0_i32 = arith.constant 0 : i32
    %c0_i32_0 = arith.constant 0 : i32
    return %arg0, %c0_i32 : i32, i32
  }
  func.func @transform_5(%arg0: i32) -> (i32, i32) {
    %c0_i32 = arith.constant 0 : i32
    %c0_i32_0 = arith.constant 0 : i32
    return %arg0, %c0_i32 : i32, i32
  }
  func.func @transform_6(%arg0: i32) -> (i32, i32) {
    %c0_i32 = arith.constant 0 : i32
    %c0_i32_0 = arith.constant 0 : i32
    %c0_i32_1 = arith.constant 0 : i32
    return %c0_i32, %c0_i32_0 : i32, i32
  }
  func.func @transform_7(%arg0: i32) -> (i32, i32) {
    %c0_i32 = arith.constant 0 : i32
    %c0_i32_0 = arith.constant 0 : i32
    %c0_i32_1 = arith.constant 0 : i32
    return %c0_i32, %c0_i32_0 : i32, i32
  }
  func.func @transform_8(%arg0: i32) -> (i32, i32) {
    %c0_i32 = arith.constant 0 : i32
    %c0_i32_0 = arith.constant 0 : i32
    return %arg0, %c0_i32 : i32, i32
  }
}

</mosaic_0001>

<sc_bundles>
// kernel: kernel.12.cloned.1.call-start
scs
__scs_entry_jumppad:
0x0: {  	(pc) =	sbr.rel $0x88, $3  }
0x1: {  	(tag) =	ssettag $0x0;
	lr =	simm.s32 $0x1  }
0x2: {  	[smem:$0x3F93] =	sst lr;
	_ =	strace $0xD0000000  }
0x3: {  	_ = 	snop  }
0x4: {  	_ = 	snop  }
0x5: {  	_ = 	snop  }
0x6: {  	_ = 	snop  }
0x7: {  	_ = 	snop  }
__scs_overlays_trampoline_lowered:
0x8: {  	[smem:$0x3FA2] =	sst s0  }
0x9: {  	[smem:$0x3FA3] =	sst s1  }
0xa: {  	[smem:$0x3FA4] =	sst s2  }
0xb: {  	[smem:$0x3FA5] =	sst s3  }
0xc: {  	[smem:$0x3FA6] =	sst s4  }
0xd: {  	[smem:$0x3FA7] =	sst s5  }
0xe: {  	[smem:$0x3FA8] =	sst s6  }
0xf: {  	[smem:$0x3FA9] =	sst s7  }
0x10: {  	[smem:$0x3FAA] =	sst s8  }
0x11: {  	[smem:$0x3FAB] =	sst s9;
	s0 =	simm.s32 @!p0 $0x0  }
0x12: {  	s1 =	sld [smem:$0x3F91];
	s0 =	simm.s32 @p0 $0x1  }
0x13: {  	[smem:$0x3FAC] =	sst s0;
	s0 =	simm.s32 @!p1 $0x0  }
0x14: {  	s2 =	sld [smem:$0x3F90];
	s0 =	simm.s32 @p1 $0x1  }
0x15: {  	[smem:$0x3FAD] =	sst s0;
	s0 =	simm.s32 @!p2 $0x0  }
0x16: {  	s3 =	sld [smem:$0x3FDB];
	s0 =	simm.s32 @p2 $0x1  }
0x17: {  	s4 =	simm.s32 $0x1BF5;
	[smem:$0x3FAF] =	sst s0  }
0x18: {  	s0 =	sld [smem:$0x3F92];
	_ =	swait.ge [sflag:s4], $0x0  }
0x19: {  	s7 =	sld [smem:$0x3F93]  }
0x1a: {  	s8 =	sadd.s32 $0xFFFFE003, lr  }
0x1b: {  	s9 =	sadd.s32 $0xFFFFFEF7, lr;
	s5 =	simm.s32 $0xFFFFFFFF;
	p2 =	slt.u32 s8, $0xFFFFF086  }
0x1c: {  	p1 =	slt.u32 s9, $0xF7A;
	s5 =	simm.s32 @!p2 $0x0  }
0x1d: {  	s5 =	simm.s32 @p1 $0x1;
	p0 =	seq.s32 s7, s2  }
0x1e: {  	s7 =	smul.u32 @!p0 $0xF7A, s2;
	p2 =	seq.s32 @!p0 s5, $0x0  }
0x1f: {  	s9 =	smul.u32 $0xF7A, s1;
	s8 =	simm.s32 @!p0 $0x1BF5;
	p2 =	por !p2, p0  }
0x20: {  	[sflag:s8] =	ssyncset.s32 @!p0 $0xFFFFF086;
	s6 =	sadd.s32 @!p0 s3, s7;
	s7 =	simm.s32 @!p0 $0x108  }
0x21: {  	s3 =	sadd.s32 s3, s9;
	s6 =	sadd.s32 @!p0 $0x88, s6;
	s7 =	simm.s32 @p2 $0x1082  }
0x22: {  	[simem:s7], [sflag:s8] =	dma.local @!p0 [hbm:s6], $0xF7A  }
0x23: {  	s9 =	sor.u32 $0xD0000000, s2;
	s6 =	simm.s32 $0x108;
	_ =	swait.ge @!p0 [sflag:s8], $0x0  }
0x24: {  	s3 =	sadd.s32 $0x88, s3;
	s6 =	simm.s32 @!p1 $0x1082;
	[sflag:s4] =	ssyncset.s32 $0xFFFFF086  }
0x25: {  	[simem:s6], [sflag:s4] =	dma.local [hbm:s3], $0xF7A  }
0x26: {  	[smem:$0x3F93] =	sst s1;
	(tag) =	ssettag s2;
	_ =	strace s9  }
0x27: {  	s1 =	sld [smem:$0x3FA3]  }
0x28: {  	s2 =	sld [smem:$0x3FA4]  }
0x29: {  	s4 =	sld [smem:$0x3FA6]  }
0x2a: {  	p0 =	seq.s32 s5, $0x0;
	s5 =	sld [smem:$0x3FA7]  }
0x2b: {  	s6 =	sld [smem:$0x3FA8]  }
0x2c: {  	s7 =	sld [smem:$0x3FA9]  }
0x2d: {  	s3 =	simm.s32 $0x108;
	s8 =	sld [smem:$0x3FAA]  }
0x2e: {  	s3 =	simm.s32 @!p0 $0x1082;
	s9 =	sld [smem:$0x3FAB]  }
0x2f: {  	lr =	sadd.s32 s0, s3;
	s0 =	sld [smem:$0x3FA2]  }
0x30: {  	s3 =	sld [smem:$0x3FA5]  }
0x31: {  	[smem:$0x3FAE] =	sst s10  }
0x32: {  	s10 =	sld [smem:$0x3FAC];
	_ =	sdelay $0x3  }
0x33: {  	p0 =	seq.s32 s10, $0x1;
	s10 =	sld [smem:$0x3FAE];
	_ =	sdelay $0x3  }
0x34: {  	[smem:$0x3FAE] =	sst s10  }
0x35: {  	s10 =	sld [smem:$0x3FAD];
	_ =	sdelay $0x3  }
0x36: {  	p1 =	seq.s32 s10, $0x1;
	s10 =	sld [smem:$0x3FAE];
	_ =	sdelay $0x3  }
0x37: {  	[smem:$0x3FAE] =	sst s10  }
0x38: {  	s10 =	sld [smem:$0x3FAF]  }
0x39: {  	_ = 	snop;
	(pc) =	sbr.ind lr, $3  }
0x3a: {  	_ = 	snop  }
0x3b: {  	_ = 	snop  }
0x3c: {  	p2 =	seq.s32 s10, $0x1;
	s10 =	sld [smem:$0x3FAE]  }
0x3d: {  	_ =	shalt  }
0x3e: {  	_ =	shalt  }
0x3f: {  	_ =	shalt  }
0x40: {  	_ =	shalt  }
0x41: {  	_ =	shalt  }
0x42: {  	_ =	shalt  }
0x43: {  	_ =	shalt  }
0x44: {  	_ =	shalt  }
0x45: {  	_ =	shalt  }
0x46: {  	_ =	shalt  }
0x47: {  	_ =	shalt  }
0x48: {  	_ =	shalt  }
0x49: {  	_ =	shalt  }
0x4a: {  	_ =	shalt  }
0x4b: {  	_ =	shalt  }
0x4c: {  	_ =	shalt  }
0x4d: {  	_ =	shalt  }
0x4e: {  	_ =	shalt  }
0x4f: {  	_ =	shalt  }
0x50: {  	_ =	shalt  }
0x51: {  	_ =	shalt  }
0x52: {  	_ =	shalt  }
0x53: {  	_ =	shalt  }
0x54: {  	_ =	shalt  }
0x55: {  	_ =	shalt  }
0x56: {  	_ =	shalt  }
0x57: {  	_ =	shalt  }
0x58: {  	_ =	shalt  }
0x59: {  	_ =	shalt  }
0x5a: {  	_ =	shalt  }
0x5b: {  	_ =	shalt  }
0x5c: {  	_ =	shalt  }
0x5d: {  	_ =	shalt  }
0x5e: {  	_ =	shalt  }
0x5f: {  	_ =	shalt  }
0x60: {  	_ =	shalt  }
0x61: {  	_ =	shalt  }
0x62: {  	_ =	shalt  }
0x63: {  	_ =	shalt  }
0x64: {  	_ =	shalt  }
0x65: {  	_ =	shalt  }
0x66: {  	_ =	shalt  }
0x67: {  	_ =	shalt  }
0x68: {  	_ =	shalt  }
0x69: {  	_ =	shalt  }
0x6a: {  	_ =	shalt  }
0x6b: {  	_ =	shalt  }
0x6c: {  	_ =	shalt  }
0x6d: {  	_ =	shalt  }
0x6e: {  	_ =	shalt  }
0x6f: {  	_ =	shalt  }
0x70: {  	_ =	shalt  }
0x71: {  	_ =	shalt  }
0x72: {  	_ =	shalt  }
0x73: {  	_ =	shalt  }
0x74: {  	_ =	shalt  }
0x75: {  	_ =	shalt  }
0x76: {  	_ =	shalt  }
0x77: {  	_ =	shalt  }
0x78: {  	_ =	shalt  }
0x79: {  	_ =	shalt  }
0x7a: {  	_ =	shalt  }
0x7b: {  	_ =	shalt  }
0x7c: {  	_ =	shalt  }
0x7d: {  	_ =	shalt  }
0x7e: {  	_ =	shalt  }
0x7f: {  	_ =	shalt  }
0x80: {  	_ =	shalt  }
0x81: {  	_ =	shalt  }
0x82: {  	_ =	shalt  }
0x83: {  	_ =	shalt  }
0x84: {  	_ =	shalt  }
0x85: {  	_ =	shalt  }
0x86: {  	_ =	shalt  }
0x87: {  	_ =	shalt  }
.Lfunc_end0:
.L_simem_size_0:
called_computation.1_lowered:
.L_overlay_start_0:
0x88: {  	s2 =	sld [smem:$0x3FD9]  }
0x89: {  	s3 =	sld [smem:$0x3FFE];
	_ =	sdelay $0x1  }
0x8a: {  	s1 =	srdreg.scid  }
0x8b: {  	s0 =	sand.u32 $0x1, s1  }
0x8c: {  	s17 =	sshll.u32 s0, $0xA;
	s2 =	sadd.s32 s3, s2  }
0x8d: {  	s2 =	sadd.s32 s2, s17  }
0x8e: {  	[smem:$0x3FBA] =	sst s2  }
0x8f: {  	_ = 	snop  }
0x90: {  	s18 =	sld [smem:$0x3FD0];
	(tm) =	ssettm $0x1  }
0x91: {  	s19 =	sld [smem:$0x3FFB];
	_ =	sdelay $0x3  }
0x92: {  	_ =	strace s19  }
0x93: {  	s2 =	sld [smem:$0x3FFC];
	_ =	sdelay $0x3  }
0x94: {  	_ =	strace s2  }
0x95: {  	s2 =	sld [smem:$0x3FFD];
	_ =	sdelay $0x3  }
0x96: {  	_ =	strace s2  }
0x97: {  	_ =	strace $0x8FFFFFFF  }
0x98: {  	s20 =	sld [smem:$0x3FDB];
	_ =	sdelay $0x1  }
0x99: {  	s4 =	simm.s32 $_scs_section_size  }
0x9a: {  	s5 =	simm.s32 $_size__tile_overlayer_lowered;
	s6 =	simm.s32 $_tile_overlayer_lowered  }
0x9b: {  	s7 =	simm.s32 $0x1BFF;
	s21 =	sshll.u32 s6, $0x1;
	s4 =	sadd.s32 s4, s20  }
0x9c: {  	s22 =	simm.s32 $0x0;
	s5 =	sshll.u32 s5, $0x1;
	s6 =	sadd.s32 s21, s4  }
0x9d: {  	[timem:s22], [sflag:s7] =	dma.local [hbm:s6], s5  }
0x9e: {  	_ =	swait.ge [sflag:s7], s5  }
0x9f: {  	s5 =	ssub.s32 $0x0, s5;
	[sflag:s7] =	ssyncset.done $0x0  }
0xa0: {  	[sflag:s7] =	ssyncadd.s32 s5;
	_ =	sdelay $0x1  }
0xa1: {  	s23 =	simm.s32 $0x1B8B  }
0xa2: {  	_ =	swait.ge [sflag:s23], $0x1  }
0xa3: {  	[sflag:s23] =	ssyncset.done $0x0  }
0xa4: {  	[sflag:s23] =	ssyncadd.s32 $0xFFFFFFFF  }
0xa5: {  	s5 =	sld [smem:$0x0]  }
0xa6: {  	s6 =	sand.u32 $0xFFFFFFFE, s1  }
0xa7: {  	p0 =	sne.s32 s1, s6  }
0xa8: {  	s6 =	sshll.u32 @p0 s6, $0xE  }
0xa9: {  	s6 =	sadd.s32 @p0 $0x11B8D, s6;
	s7 =	sshll.u32 @p0 s5, $0x11  }
0xaa: {  	s6 =	sor.u32 @p0 s7, s6  }
0xab: {  	[sflag:s6] =	ssyncadd.remote.s32 @p0 $0x1;
	_ =	sdelay $0x1  }
0xac: {  	s6 =	simm.s32 @p0 $0x1B8D  }
0xad: {  	_ =	swait.eq @p0 [sflag:s6], $0x1  }
0xae: {  	[sflag:s6] =	ssyncadd.s32 @p0 $0xFFFFFFFF  }
0xaf: {  	s7 =	sshll.u32 @!p0 s1, $0xE  }
0xb0: {  	s7 =	sor.u32 @!p0 $0x4000, s7;
	s6 =	simm.s32 @!p0 $0x1B8D  }
0xb1: {  	s5 =	sshll.u32 @!p0 s5, $0x11;
	s7 =	sadd.s32 @!p0 $0x11B8D, s7;
	_ =	swait.eq @!p0 [sflag:s6], $0x1  }
0xb2: {  	s5 =	sor.u32 @!p0 s5, s7;
	[sflag:s6] =	ssyncadd.s32 @!p0 $0xFFFFFFFF  }
0xb3: {  	s25 =	simm.s32 $0x1B8E;
	s24 =	sld [smem:$0x3FFE];
	[sflag:s5] =	ssyncadd.remote.s32 @!p0 $0x1  }
0xb4: {  	s26 =	simm.s32 $execute0_lowered;
	[smem:$0x3FD2] =	sst s25  }
0xb5: {  	s6 =	sshll.u32 s26, $0x1;
	_ =	strace $0x80000049;
	[dreg:$0x1] =	wrdreg $0xFFFFFFFF  }
0xb6: {  	s28 =	simm.s32 $_size_execute0_lowered;
	s4 =	sadd.s32 s4, s6;
	[dreg:$0x0] =	wrdreg $0x0  }
0xb7: {  	s6 =	sshll.u32 s28, $0x1;
	[dreg:$0x2] =	wrdreg s4  }
0xb8: {  	[dreg:$0x3] =	wrdreg s6  }
0xb9: {  	[dreg:$0x4] =	wrdreg $0xC0  }
0xba: {  	_ =	task [dreg:s22], $0x5FFFF  }
0xbb: {  	[dreg:$0x1] =	wrdreg $0xFFFFFFFF  }
0xbc: {  	[dreg:$0x0] =	wrdreg $0x60  }
0xbd: {  	[dreg:$0x2] =	wrdreg s24  }
0xbe: {  	[dreg:$0x3] =	wrdreg s18  }
0xbf: {  	[dreg:$0x4] =	wrdreg $0x0  }
0xc0: {  	[dreg:$0x5] =	wrdreg $0xA  }
0xc1: {  	_ =	task.clear_ibuf [dreg:s22], $0x6FFFF;
	_ =	strace $0x90000049  }
0xc2: {  	s29 =	simm.s32 $0xA;
	_ =	strace $0x8000004B  }
0xc3: {  	_ =	swait.ge [sflag:s29], $0x1  }
0xc4: {  	[sflag:s29] =	ssyncadd.s32 $0xFFFFFFFF  }
0xc5: {  	_ =	strace $0x9000004B  }
0xc6: {  	_ =	sfence  }
0xc7: {  	s30 =	sld [smem:$0x0];
	_ =	sdelay $0x2  }
0xc8: {  	s31 =	sshll.u32 s1, $0xD;
	s1 =	sshrl.u32 s1, $0x2  }
0xc9: {  	s4 =	sand.u32 $0x4000, s31;
	s1 =	sadd.s32 s1, s30  }
0xca: {  	s0 =	sor.u32 s4, s0;
	s1 =	sshll.u32 s1, $0x11  }
0xcb: {  	s0 =	sor.u32 s1, s0  }
0xcc: {  	s0 =	sadd.s32 $0x8F2B, s0  }
0xcd: {  	[sflag:s0] =	ssyncadd.remote.s32 $0x1  }
0xce: {  	_ =	sfence.sel $0xFFFF  }
0xcf: {  	[dreg:$0x0] =	wrdreg $0xFFFFFFFF;
	(pc) =	sbr.abs _section_cstart, $3  }
0xd0: {  	[dreg:$0x1] =	wrdreg $0xFFFFFFFF  }
0xd1: {  	_ =	task.clear_ibuf [dreg:s22], $0x2FFFF;
	_ =	strace $0x9FFFFFFF  }
0xd2: {  	(tm) =	ssettm $0x7FFFFFFF  }
0xd3: {  	_ =	shalt  }
tec
execute0_lowered:
.L_overlay_start_1:
0x0: {  	(tag) =	ssettag $0x1  }
0x1: {  	s0 =	rddreg [dreg:$0x0]  }
0x2: {  	s2 =	rddreg [dreg:$0x2];
	s3 =	simm.s32 $0x0  }
0x3: {  	s5 =	srdreg.scid;
	s14 =	stileid.u32;
	s28 =	simm.s32 $0x1C0  }
0x4: {  	s29 =	simm.s32 $0x18F00;
	s30 =	simm.s32 $0x2;
	s31 =	simm.s32 $0x1C700  }
0x5: {  	[smem:$0x7FF] =	sst s3;
	s4 =	sadd.s32 $0xB2A00, s0;
	s6 =	sadd.s32 $0x81C00, s0  }
0x6: {  	s1 =	sadd.s32 $0xE3800, s0;
	s7 =	sadd.s32 $0x4F000, s0;
	s9 =	smul.u32 $0xC400, s14  }
0x7: {  	s5 =	sand.u32 $0x1, s5;
	s8 =	sadd.s32 $0x1E000, s0;
	s12 =	smul.u32 $0x18800, s14  }
0x8: {  	s0 =	sadd.s32 $0xFC000, s0;
	s17 =	sshll.u32 s14, $0x6;
	s23 =	smul.u32 $0x1880, s14  }
0x9: {  	_ =	strace $0x8000004A;
	[dreg:$0x4] =	wrdreg s8;
	s15 =	ssub.s32 $0x2, s5  }
0xa: {  	[dreg:$0x5] =	wrdreg s0;
	p0 =	sne.s32 s5, $0x0;
	s5 =	simm.s32 $0x5  }
0xb: {  	s8 =	simm.s32 $0x7;
	s16 =	sshrl.u32 s15, $0x1;
	s13 =	sshrl.u32 s9, $0x3  }
0xc: {  	s10 =	sadd.s32 s12, s2;
	s20 =	sor.u32 $0x1C0, s9;
	s9 =	sor.u32 $0x380, s9  }
0xd: {  	s12 =	sshrl.u32 s12, $0x3;
	s0 =	ssub.s32 s15, s16;
	[dreg:$0x6] =	wrdreg s10  }
0xe: {  	s10 =	sor.u32 $0x1C09, s17;
	s11 =	sadd.s32 s1, s13;
	s19 =	sadd.s32 s7, s13  }
0xf: {  	[dreg:$0x9] =	wrdreg s12;
	s21 =	sshrl.u32 s20, $0x3;
	s22 =	sshrl.u32 s9, $0x3  }
0x10: {  	s20 =	sadd.s32 s23, s7;
	s18 =	sadd.s32 $0x38, s11;
	[dreg:$0x8] =	wrdreg s19  }
0x11: {  	s9 =	simm.s32 $0x4;
	s0 =	smax.u32 s0, $0x1;
	[dreg:$0x7] =	wrdreg s18  }
0x12: {  	s12 =	simm.s32 $0x8;
	s24 =	sadd.s32 s1, s22;
	[dreg:$0xa] =	wrdreg s0  }
0x13: {  	s13 =	simm.s32 $0x0;
	s25 =	sadd.s32 s7, s22;
	[dreg:$0xc] =	wrdreg s24  }
.Ltmp0:
0x14: {  	s26 =	sadd.s32 $0xA8, s11;
	[dreg:$0xd] =	wrdreg s25;
	(pc) =	sbr.rel .LBB2_1-.Ltmp0, $4  }
0x15: {  	s22 =	simm.s32 $0x9;
	s0 =	sadd.s32 s7, s21;
	[dreg:$0xe] =	wrdreg s26  }
0x16: {  	s21 =	sadd.s32 s23, s1;
	s23 =	simm.s32 $0x18800;
	s24 =	simm.s32 $0x189C0  }
0x17: {  	s25 =	simm.s32 $0x18B80;
	s26 =	simm.s32 $0x1;
	s1 =	simm.s32 $0x3  }
0x18: {  	s7 =	simm.s32 $0x6;
	[dreg:$0xb] =	wrdreg s0;
	s0 =	simm.s32 $0x18D40  }
.LBB2_8:
0x19: {  	s15 =	rddreg [dreg:$0x5]  }
.LBB2_9:
0x1a: {  	_ =	swait.ge [sflag:s12], $0x3800  }
0x1b: {  	[sflag:s12] =	ssyncset.done $0x0  }
0x1c: {  	s16 =	rddreg [dreg:$0x9];
	[sflag:s12] =	ssyncadd.s32 $0xFFFFC800  }
0x1d: {  	s15 =	sadd.s32 s15, s16;
	[bflag:$0x0] =	sbarrier.arrive $0xFFFF  }
0x1e: {  	[hbm:s15], [sflag:s10] =	dma.local [spmem:s14], $0x3100  }
0x1f: {  	_ =	swait.ge [sflag:s22], $0x3100  }
0x20: {  	s13 =	sadd.s32 $0x1, s13;
	s19 =	rddreg [dreg:$0xa]  }
0x21: {  	p1 =	sne.s32 s13, s19  }
.Ltmp1:
0x22: {  	_ = 	snop;
	(pc) =	sbr.rel @!p1 .LBB2_10-.Ltmp1, $3  }
0x23: {  	_ =	sdelay $0x1  }
0x24: {  	[sflag:s22] =	ssyncset.done $0x0  }
0x25: {  	[sflag:s22] =	ssyncadd.s32 $0xFFFFCF00  }
.LBB2_1:
0x26: {  	s14 =	rddreg [dreg:$0x6]  }
0x27: {  	s15 =	rddreg [dreg:$0x4];
	s14 =	sshrl.u32 s14, $0x3  }
0x28: {  	[spmem:s14], [sflag:s10] =	dma.local [hbm:s15], $0x3100  }
0x29: {  	_ =	swait.ge [sflag:s22], $0x3100  }
0x2a: {  	[sflag:s22] =	ssyncset.done $0x0  }
0x2b: {  	[sflag:s22] =	ssyncadd.s32 $0xFFFFCF00  }
0x2c: {  	[bflag:$0x0] =	sbarrier.arrive $0xFFFF  }
0x2d: {  	[tilespmem:s23], [sflag:$0x1] =	stream.linear.gather [hbm4b:s11+s3], $0x1C0, $0x38;
	[tilespmem:$0x1FF00] =	vst v63  }
0x2e: {  	s18 =	rddreg [dreg:$0x7]  }
0x2f: {  	[tilespmem:s24], [sflag:$0x2] =	stream.linear.gather [hbm4b:s18+s3], $0x1C0, $0x38;
	[tilespmem:$0x1FF00] =	vst v63  }
.Ltmp2:
0x30: {  	s19 =	rddreg [dreg:$0x8];
	(pc) =	sbr.rel @p0 .LBB2_6-.Ltmp2, $4  }
0x31: {  	[tilespmem:s25], [sflag:$0x3] =	stream.linear.gather [hbm4b:s19+s3], $0x1C0, $0x38;
	[tilespmem:$0x1FF00] =	vst v63  }
0x32: {  	_ =	swait.ge [sflag:s26], $0x1C0  }
0x33: {  	[sflag:s26] =	ssyncset.done $0x0  }
0x34: {  	[sflag:s26] =	ssyncadd.s32 $0xFFFFFE40  }
0x35: {  	[tilespmem:s29], [sflag:$0x5] =	stream.indirect.gather [hbm4b:s4+s28], $0x20, s23, s28, $0xb8;
	[tilespmem:$0x1FF00] =	vst v63  }
0x36: {  	_ =	swait.ge [sflag:s30], $0x1C0  }
0x37: {  	[sflag:s30] =	ssyncset.done $0x0  }
0x38: {  	[sflag:s30] =	ssyncadd.s32 $0xFFFFFE40  }
0x39: {  	[tilespmem:s31], [sflag:$0x6] =	stream.indirect.gather [hbm4b:s4+s28], $0x20, s24, s28, $0xb8;
	[tilespmem:$0x1FF00] =	vst v63  }
0x3a: {  	s15 =	rddreg [dreg:$0xb]  }
0x3b: {  	[tilespmem:s0], [sflag:$0x4] =	stream.linear.gather [hbm4b:s15+s3], $0x1C0, $0x38;
	[tilespmem:$0x1FF00] =	vst v63  }
0x3c: {  	_ =	swait.ge [sflag:s5], $0x3800  }
0x3d: {  	[sflag:s5] =	ssyncset.done $0x0  }
0x3e: {  	[sflag:s5] =	ssyncadd.s32 $0xFFFFC800  }
0x3f: {  	_ =	swait.ge [sflag:s1], $0x1C0  }
0x40: {  	[sflag:s1] =	ssyncset.done $0x0  }
0x41: {  	[sflag:s1] =	ssyncadd.s32 $0xFFFFFE40  }
0x42: {  	[spmem:s2] =	stream.indirect.scatter.add.f32 [tilespmem:s29], [sflag:$0x7], $0x20, s25, s28, $0xb8;
	[tilespmem:$0x1FF00] =	vst v63  }
0x43: {  	s17 =	rddreg [dreg:$0xc]  }
0x44: {  	[tilespmem:s23], [sflag:$0x1] =	stream.linear.gather [hbm4b:s17+s3], $0x1C0, $0x38;
	[tilespmem:$0x1FF00] =	vst v63  }
0x45: {  	_ =	swait.ge [sflag:s8], $0x3800  }
0x46: {  	[sflag:s8] =	ssyncset.done $0x0  }
0x47: {  	[sflag:s8] =	ssyncadd.s32 $0xFFFFC800  }
0x48: {  	_ =	swait.ge [sflag:s26], $0x1C0  }
0x49: {  	[sflag:s26] =	ssyncset.done $0x0  }
0x4a: {  	[sflag:s26] =	ssyncadd.s32 $0xFFFFFE40  }
0x4b: {  	[tilespmem:s29], [sflag:$0x5] =	stream.indirect.gather [hbm4b:s4+s28], $0x20, s23, s28, $0xb8;
	[tilespmem:$0x1FF00] =	vst v63  }
0x4c: {  	s18 =	rddreg [dreg:$0xd]  }
0x4d: {  	[tilespmem:s25], [sflag:$0x3] =	stream.linear.gather [hbm4b:s18+s3], $0x1C0, $0x38;
	[tilespmem:$0x1FF00] =	vst v63  }
0x4e: {  	_ =	swait.ge [sflag:s7], $0x3800  }
0x4f: {  	[sflag:s7] =	ssyncset.done $0x0  }
0x50: {  	[sflag:s7] =	ssyncadd.s32 $0xFFFFC800  }
0x51: {  	_ =	swait.ge [sflag:s9], $0x1C0  }
0x52: {  	[sflag:s9] =	ssyncset.done $0x0  }
0x53: {  	[sflag:s9] =	ssyncadd.s32 $0xFFFFFE40  }
0x54: {  	[spmem:s2] =	stream.indirect.scatter.add.f32 [tilespmem:s31], [sflag:$0x8], $0x20, s0, s28, $0xb8;
	[tilespmem:$0x1FF00] =	vst v63  }
0x55: {  	s15 =	simm.s32 $0xFFFFE860;
	s19 =	rddreg [dreg:$0xe]  }
0x56: {  	[tilespmem:s24], [sflag:$0x2] =	stream.linear.gather [hbm4b:s19+s3], $0x1C0, $0x38;
	[tilespmem:$0x1FF00] =	vst v63  }
.LBB2_3:
0x57: {  	_ =	swait.ge [sflag:s12], $0x3800  }
0x58: {  	[sflag:s12] =	ssyncset.done $0x0  }
0x59: {  	[sflag:s12] =	ssyncadd.s32 $0xFFFFC800  }
0x5a: {  	_ =	swait.ge [sflag:s30], $0x1C0  }
0x5b: {  	[sflag:s30] =	ssyncset.done $0x0  }
0x5c: {  	s16 =	sadd.s32 s15, s20;
	[sflag:s30] =	ssyncadd.s32 $0xFFFFFE40  }
0x5d: {  	[tilespmem:s31], [sflag:$0x6] =	stream.indirect.gather [hbm4b:s4+s28], $0x20, s24, s28, $0xb8;
	[tilespmem:$0x1FF00] =	vst v63  }
0x5e: {  	s16 =	sadd.s32 $0x1848, s16  }
0x5f: {  	[tilespmem:s0], [sflag:$0x4] =	stream.linear.gather [hbm4b:s16+s3], $0x1C0, $0x38;
	[tilespmem:$0x1FF00] =	vst v63  }
0x60: {  	_ =	swait.ge [sflag:s5], $0x3800  }
0x61: {  	[sflag:s5] =	ssyncset.done $0x0  }
0x62: {  	[sflag:s5] =	ssyncadd.s32 $0xFFFFC800  }
0x63: {  	_ =	swait.ge [sflag:s1], $0x1C0  }
0x64: {  	p1 =	seq.s32 s15, $0x0;
	[sflag:s1] =	ssyncset.done $0x0  }
0x65: {  	s16 =	simm.s32 @p1 $0x7;
	[sflag:s1] =	ssyncadd.s32 $0xFFFFFE40  }
0x66: {  	[spmem:s2] =	stream.indirect.scatter.add.f32 [tilespmem:s29], [sflag:$0x7], $0x20, s25, s28, $0xb8;
	[tilespmem:$0x1FF00] =	vst v63  }
0x67: {  	_ =	swait.ge @p1 [sflag:s16], $0x3800  }
0x68: {  	[sflag:s16] =	ssyncset.done @p1 $0x0  }
0x69: {  	[sflag:s16] =	ssyncadd.s32 @p1 $0xFFFFC800;
	s16 =	sadd.s32 @!p1 s15, s21  }
0x6a: {  	s17 =	simm.s32 @!p1 $0x0;
	s18 =	simm.s32 @!p1 $0x18800;
	s16 =	sadd.s32 @!p1 $0x1880, s16  }
0x6b: {  	[tilespmem:s18], [sflag:$0x1] =	stream.linear.gather @!p1 [hbm4b:s16+s17], $0x1C0, $0x38;
	[tilespmem:$0x1FF00] =	vst v63  }
0x6c: {  	s16 =	simm.s32 @!p1 $0x7  }
0x6d: {  	_ =	swait.ge @!p1 [sflag:s16], $0x3800  }
0x6e: {  	[sflag:s16] =	ssyncset.done @!p1 $0x0  }
0x6f: {  	[sflag:s16] =	ssyncadd.s32 @!p1 $0xFFFFC800;
	s16 =	simm.s32 @!p1 $0x1  }
0x70: {  	_ =	swait.ge @!p1 [sflag:s16], $0x1C0  }
0x71: {  	[sflag:s16] =	ssyncset.done @!p1 $0x0  }
0x72: {  	s19 =	simm.s32 @!p1 $0x18F00;
	[sflag:s16] =	ssyncadd.s32 @!p1 $0xFFFFFE40;
	s16 =	simm.s32 @!p1 $0x1C0  }
0x73: {  	[tilespmem:s19], [sflag:$0x5] =	stream.indirect.gather @!p1 [hbm4b:s4+s16], $0x20, s18, s16, $0xb8;
	[tilespmem:$0x1FF00] =	vst v63  }
0x74: {  	s16 =	sadd.s32 @!p1 s15, s20  }
0x75: {  	s18 =	simm.s32 @!p1 $0x18B80;
	s16 =	sadd.s32 @!p1 $0x1880, s16  }
0x76: {  	[tilespmem:s18], [sflag:$0x3] =	stream.linear.gather @!p1 [hbm4b:s16+s17], $0x1C0, $0x38;
	[tilespmem:$0x1FF00] =	vst v63  }
0x77: {  	_ =	swait.ge [sflag:s7], $0x3800  }
0x78: {  	[sflag:s7] =	ssyncset.done $0x0  }
.Ltmp3:
0x79: {  	[sflag:s7] =	ssyncadd.s32 $0xFFFFC800;
	(pc) =	sbr.rel @p1 .LBB2_4-.Ltmp3, $4  }
0x7a: {  	_ =	swait.ge [sflag:s9], $0x1C0  }
0x7b: {  	[sflag:s9] =	ssyncset.done $0x0  }
0x7c: {  	[sflag:s9] =	ssyncadd.s32 $0xFFFFFE40  }
0x7d: {  	[spmem:s2] =	stream.indirect.scatter.add.f32 [tilespmem:s31], [sflag:$0x8], $0x20, s0, s28, $0xb8;
	[tilespmem:$0x1FF00] =	vst v63  }
.Ltmp4:
0x7e: {  	(pc) =	sbr.rel .LBB2_3-.Ltmp4, $4  }
0x7f: {  	_ = 	snop  }
0x80: {  	s16 =	sadd.s32 s15, s21  }
0x81: {  	s15 =	sadd.s32 $0x70, s15;
	s16 =	sadd.s32 $0x18B8, s16  }
0x82: {  	[tilespmem:s24], [sflag:$0x2] =	stream.linear.gather [hbm4b:s16+s3], $0x1C0, $0x38;
	[tilespmem:$0x1FF00] =	vst v63  }
.LBB2_6:
0x83: {  	[tilespmem:s29], [sflag:$0x5] =	stream.indirect.gather [hbm4b:s6+s28], $0x20, s23, s28, $0xb8;
	[tilespmem:$0x1FF00] =	vst v63  }
0x84: {  	_ =	swait.ge [sflag:s30], $0x1C0  }
0x85: {  	[sflag:s30] =	ssyncset.done $0x0  }
0x86: {  	[sflag:s30] =	ssyncadd.s32 $0xFFFFFE40  }
0x87: {  	[tilespmem:s31], [sflag:$0x6] =	stream.indirect.gather [hbm4b:s6+s28], $0x20, s24, s28, $0xb8;
	[tilespmem:$0x1FF00] =	vst v63  }
0x88: {  	s15 =	rddreg [dreg:$0xb]  }
0x89: {  	[tilespmem:s0], [sflag:$0x4] =	stream.linear.gather [hbm4b:s15+s3], $0x1C0, $0x38;
	[tilespmem:$0x1FF00] =	vst v63  }
0x8a: {  	_ =	swait.ge [sflag:s5], $0x3800  }
0x8b: {  	[sflag:s5] =	ssyncset.done $0x0  }
0x8c: {  	[sflag:s5] =	ssyncadd.s32 $0xFFFFC800  }
0x8d: {  	_ =	swait.ge [sflag:s1], $0x1C0  }
0x8e: {  	[sflag:s1] =	ssyncset.done $0x0  }
0x8f: {  	[sflag:s1] =	ssyncadd.s32 $0xFFFFFE40  }
0x90: {  	[spmem:s2] =	stream.indirect.scatter.add.f32 [tilespmem:s29], [sflag:$0x7], $0x20, s25, s28, $0xb8;
	[tilespmem:$0x1FF00] =	vst v63  }
0x91: {  	s17 =	rddreg [dreg:$0xc]  }
0x92: {  	[tilespmem:s23], [sflag:$0x1] =	stream.linear.gather [hbm4b:s17+s3], $0x1C0, $0x38;
	[tilespmem:$0x1FF00] =	vst v63  }
0x93: {  	_ =	swait.ge [sflag:s8], $0x3800  }
0x94: {  	[sflag:s8] =	ssyncset.done $0x0  }
0x95: {  	[sflag:s8] =	ssyncadd.s32 $0xFFFFC800  }
0x96: {  	_ =	swait.ge [sflag:s26], $0x1C0  }
0x97: {  	[sflag:s26] =	ssyncset.done $0x0  }
0x98: {  	[sflag:s26] =	ssyncadd.s32 $0xFFFFFE40  }
0x99: {  	[tilespmem:s29], [sflag:$0x5] =	stream.indirect.gather [hbm4b:s6+s28], $0x20, s23, s28, $0xb8;
	[tilespmem:$0x1FF00] =	vst v63  }
0x9a: {  	s18 =	rddreg [dreg:$0xd]  }
0x9b: {  	[tilespmem:s25], [sflag:$0x3] =	stream.linear.gather [hbm4b:s18+s3], $0x1C0, $0x38;
	[tilespmem:$0x1FF00] =	vst v63  }
0x9c: {  	_ =	swait.ge [sflag:s7], $0x3800  }
0x9d: {  	[sflag:s7] =	ssyncset.done $0x0  }
0x9e: {  	[sflag:s7] =	ssyncadd.s32 $0xFFFFC800  }
0x9f: {  	_ =	swait.ge [sflag:s9], $0x1C0  }
0xa0: {  	[sflag:s9] =	ssyncset.done $0x0  }
0xa1: {  	[sflag:s9] =	ssyncadd.s32 $0xFFFFFE40  }
0xa2: {  	[spmem:s2] =	stream.indirect.scatter.add.f32 [tilespmem:s31], [sflag:$0x8], $0x20, s0, s28, $0xb8;
	[tilespmem:$0x1FF00] =	vst v63  }
0xa3: {  	s15 =	simm.s32 $0xFFFFE860;
	s19 =	rddreg [dreg:$0xe]  }
0xa4: {  	[tilespmem:s24], [sflag:$0x2] =	stream.linear.gather [hbm4b:s19+s3], $0x1C0, $0x38;
	[tilespmem:$0x1FF00] =	vst v63  }
.LBB2_7:
0xa5: {  	_ =	swait.ge [sflag:s12], $0x3800  }
0xa6: {  	[sflag:s12] =	ssyncset.done $0x0  }
0xa7: {  	[sflag:s12] =	ssyncadd.s32 $0xFFFFC800  }
0xa8: {  	_ =	swait.ge [sflag:s30], $0x1C0  }
0xa9: {  	[sflag:s30] =	ssyncset.done $0x0  }
0xaa: {  	s16 =	sadd.s32 s15, s20;
	[sflag:s30] =	ssyncadd.s32 $0xFFFFFE40  }
0xab: {  	[tilespmem:s31], [sflag:$0x6] =	stream.indirect.gather [hbm4b:s6+s28], $0x20, s24, s28, $0xb8;
	[tilespmem:$0x1FF00] =	vst v63  }
0xac: {  	s16 =	sadd.s32 $0x1848, s16  }
0xad: {  	[tilespmem:s0], [sflag:$0x4] =	stream.linear.gather [hbm4b:s16+s3], $0x1C0, $0x38;
	[tilespmem:$0x1FF00] =	vst v63  }
0xae: {  	_ =	swait.ge [sflag:s5], $0x3800  }
0xaf: {  	[sflag:s5] =	ssyncset.done $0x0  }
0xb0: {  	[sflag:s5] =	ssyncadd.s32 $0xFFFFC800  }
0xb1: {  	_ =	swait.ge [sflag:s1], $0x1C0  }
0xb2: {  	p1 =	seq.s32 s15, $0x0;
	[sflag:s1] =	ssyncset.done $0x0  }
0xb3: {  	s16 =	simm.s32 @p1 $0x7;
	[sflag:s1] =	ssyncadd.s32 $0xFFFFFE40  }
0xb4: {  	[spmem:s2] =	stream.indirect.scatter.add.f32 [tilespmem:s29], [sflag:$0x7], $0x20, s25, s28, $0xb8;
	[tilespmem:$0x1FF00] =	vst v63  }
0xb5: {  	_ =	swait.ge @p1 [sflag:s16], $0x3800  }
0xb6: {  	[sflag:s16] =	ssyncset.done @p1 $0x0  }
0xb7: {  	[sflag:s16] =	ssyncadd.s32 @p1 $0xFFFFC800;
	s16 =	sadd.s32 @!p1 s15, s21  }
0xb8: {  	s17 =	simm.s32 @!p1 $0x0;
	s18 =	simm.s32 @!p1 $0x18800;
	s16 =	sadd.s32 @!p1 $0x1880, s16  }
0xb9: {  	[tilespmem:s18], [sflag:$0x1] =	stream.linear.gather @!p1 [hbm4b:s16+s17], $0x1C0, $0x38;
	[tilespmem:$0x1FF00] =	vst v63  }
0xba: {  	s16 =	simm.s32 @!p1 $0x7  }
0xbb: {  	_ =	swait.ge @!p1 [sflag:s16], $0x3800  }
0xbc: {  	[sflag:s16] =	ssyncset.done @!p1 $0x0  }
0xbd: {  	[sflag:s16] =	ssyncadd.s32 @!p1 $0xFFFFC800;
	s16 =	simm.s32 @!p1 $0x1  }
0xbe: {  	_ =	swait.ge @!p1 [sflag:s16], $0x1C0  }
0xbf: {  	[sflag:s16] =	ssyncset.done @!p1 $0x0  }
0xc0: {  	s19 =	simm.s32 @!p1 $0x18F00;
	[sflag:s16] =	ssyncadd.s32 @!p1 $0xFFFFFE40;
	s16 =	simm.s32 @!p1 $0x1C0  }
0xc1: {  	[tilespmem:s19], [sflag:$0x5] =	stream.indirect.gather @!p1 [hbm4b:s6+s16], $0x20, s18, s16, $0xb8;
	[tilespmem:$0x1FF00] =	vst v63  }
0xc2: {  	s16 =	sadd.s32 @!p1 s15, s20  }
0xc3: {  	s18 =	simm.s32 @!p1 $0x18B80;
	s16 =	sadd.s32 @!p1 $0x1880, s16  }
0xc4: {  	[tilespmem:s18], [sflag:$0x3] =	stream.linear.gather @!p1 [hbm4b:s16+s17], $0x1C0, $0x38;
	[tilespmem:$0x1FF00] =	vst v63  }
0xc5: {  	_ =	swait.ge [sflag:s7], $0x3800  }
0xc6: {  	[sflag:s7] =	ssyncset.done $0x0  }
.Ltmp5:
0xc7: {  	[sflag:s7] =	ssyncadd.s32 $0xFFFFC800;
	(pc) =	sbr.rel @p1 .LBB2_8-.Ltmp5, $4  }
0xc8: {  	_ =	swait.ge [sflag:s9], $0x1C0  }
0xc9: {  	[sflag:s9] =	ssyncset.done $0x0  }
0xca: {  	[sflag:s9] =	ssyncadd.s32 $0xFFFFFE40  }
0xcb: {  	[spmem:s2] =	stream.indirect.scatter.add.f32 [tilespmem:s31], [sflag:$0x8], $0x20, s0, s28, $0xb8;
	[tilespmem:$0x1FF00] =	vst v63  }
.Ltmp6:
0xcc: {  	(pc) =	sbr.rel .LBB2_7-.Ltmp6, $4  }
0xcd: {  	_ = 	snop  }
0xce: {  	s16 =	sadd.s32 s15, s21  }
0xcf: {  	s15 =	sadd.s32 $0x70, s15;
	s16 =	sadd.s32 $0x18B8, s16  }
0xd0: {  	[tilespmem:s24], [sflag:$0x2] =	stream.linear.gather [hbm4b:s16+s3], $0x1C0, $0x38;
	[tilespmem:$0x1FF00] =	vst v63  }
.LBB2_4:
.Ltmp7:
0xd1: {  	(pc) =	sbr.rel .LBB2_9-.Ltmp7, $2  }
0xd2: {  	_ =	sdelay $0x2  }
0xd3: {  	s15 =	rddreg [dreg:$0x1]  }
.LBB2_10:
0xd4: {  	_ =	sfence.sel $0x180000  }
0xd5: {  	[bflag:$0x0] =	sbarrier.arrive $0xFFFF  }
0xd6: {  	_ =	strace $0x9000004A  }
0xd7: {  	s0 =	stileid.u32;
	[bflag:$0x2] =	sbarrier.arrive $0xFFFF  }
0xd8: {  	p0 =	sne.s32 s0, $0x0;
	s0 =	rddreg [dreg:$0x3]  }
0xd9: {  	s0 =	sadd.s32 @!p0 $0x100000, s0  }
0xda: {  	[sflag:s0] =	ssyncadd.tile.s32 @!p0 $0x1;
	_ =	shalt  }
.Lfunc_end2:
_tile_overlayer_lowered:
.L_overlay_start_2:
0xdb: {  	(tag) =	ssettag $0x2  }
0xdc: {  	s0 =	rddreg [dreg:$0x0];
	s2 =	stileid.u32  }
0xdd: {  	s1 =	rddreg [dreg:$0x1];
	p0 =	sne.s32 s2, $0x0  }
0xde: {  	s3 =	rddreg [dreg:$0x2];
	[bflag:$0x3] =	sbarrier.arrive $0xFFFF;
	s2 =	simm.s32 @!p0 $0x1C09  }
0xdf: {  	[timem:s3], [sflag:s2] =	dma.local @!p0 [hbm:s0], s1  }
0xe0: {  	s0 =	simm.s32 @!p0 $0x9  }
0xe1: {  	_ =	swait.ge @!p0 [sflag:s0], s1  }
0xe2: {  	s1 =	ssub.s32 @!p0 $0x0, s1;
	[sflag:s0] =	ssyncset.done @!p0 $0x0  }
0xe3: {  	[sflag:s0] =	ssyncadd.s32 @!p0 s1  }
0xe4: {  	[bflag:$0x3] =	sbarrier.arrive $0xFFFF  }
0xe5: {  	_ =	shalt  }

// kernel: kernel.15.cloned.1.call-start
scs
__scs_entry_jumppad:
0x0: {  	(pc) =	sbr.rel $0x88, $3  }
0x1: {  	(tag) =	ssettag $0x0;
	lr =	simm.s32 $0x1  }
0x2: {  	[smem:$0x3F93] =	sst lr;
	_ =	strace $0xD0000000  }
0x3: {  	_ = 	snop  }
0x4: {  	_ = 	snop  }
0x5: {  	_ = 	snop  }
0x6: {  	_ = 	snop  }
0x7: {  	_ = 	snop  }
__scs_overlays_trampoline_lowered:
0x8: {  	[smem:$0x3FA2] =	sst s0  }
0x9: {  	[smem:$0x3FA3] =	sst s1  }
0xa: {  	[smem:$0x3FA4] =	sst s2  }
0xb: {  	[smem:$0x3FA5] =	sst s3  }
0xc: {  	[smem:$0x3FA6] =	sst s4  }
0xd: {  	[smem:$0x3FA7] =	sst s5  }
0xe: {  	[smem:$0x3FA8] =	sst s6  }
0xf: {  	[smem:$0x3FA9] =	sst s7  }
0x10: {  	[smem:$0x3FAA] =	sst s8  }
0x11: {  	[smem:$0x3FAB] =	sst s9;
	s0 =	simm.s32 @!p0 $0x0  }
0x12: {  	s1 =	sld [smem:$0x3F91];
	s0 =	simm.s32 @p0 $0x1  }
0x13: {  	[smem:$0x3FAC] =	sst s0;
	s0 =	simm.s32 @!p1 $0x0  }
0x14: {  	s2 =	sld [smem:$0x3F90];
	s0 =	simm.s32 @p1 $0x1  }
0x15: {  	[smem:$0x3FAD] =	sst s0;
	s0 =	simm.s32 @!p2 $0x0  }
0x16: {  	s3 =	sld [smem:$0x3FDB];
	s0 =	simm.s32 @p2 $0x1  }
0x17: {  	s4 =	simm.s32 $0x1BF5;
	[smem:$0x3FAF] =	sst s0  }
0x18: {  	s0 =	sld [smem:$0x3F92];
	_ =	swait.ge [sflag:s4], $0x0  }
0x19: {  	s7 =	sld [smem:$0x3F93]  }
0x1a: {  	s8 =	sadd.s32 $0xFFFFE003, lr  }
0x1b: {  	s9 =	sadd.s32 $0xFFFFFEF7, lr;
	s5 =	simm.s32 $0xFFFFFFFF;
	p2 =	slt.u32 s8, $0xFFFFF086  }
0x1c: {  	p1 =	slt.u32 s9, $0xF7A;
	s5 =	simm.s32 @!p2 $0x0  }
0x1d: {  	s5 =	simm.s32 @p1 $0x1;
	p0 =	seq.s32 s7, s2  }
0x1e: {  	s7 =	smul.u32 @!p0 $0xF7A, s2;
	p2 =	seq.s32 @!p0 s5, $0x0  }
0x1f: {  	s9 =	smul.u32 $0xF7A, s1;
	s8 =	simm.s32 @!p0 $0x1BF5;
	p2 =	por !p2, p0  }
0x20: {  	[sflag:s8] =	ssyncset.s32 @!p0 $0xFFFFF086;
	s6 =	sadd.s32 @!p0 s3, s7;
	s7 =	simm.s32 @!p0 $0x108  }
0x21: {  	s3 =	sadd.s32 s3, s9;
	s6 =	sadd.s32 @!p0 $0x88, s6;
	s7 =	simm.s32 @p2 $0x1082  }
0x22: {  	[simem:s7], [sflag:s8] =	dma.local @!p0 [hbm:s6], $0xF7A  }
0x23: {  	s9 =	sor.u32 $0xD0000000, s2;
	s6 =	simm.s32 $0x108;
	_ =	swait.ge @!p0 [sflag:s8], $0x0  }
0x24: {  	s3 =	sadd.s32 $0x88, s3;
	s6 =	simm.s32 @!p1 $0x1082;
	[sflag:s4] =	ssyncset.s32 $0xFFFFF086  }
0x25: {  	[simem:s6], [sflag:s4] =	dma.local [hbm:s3], $0xF7A  }
0x26: {  	[smem:$0x3F93] =	sst s1;
	(tag) =	ssettag s2;
	_ =	strace s9  }
0x27: {  	s1 =	sld [smem:$0x3FA3]  }
0x28: {  	s2 =	sld [smem:$0x3FA4]  }
0x29: {  	s4 =	sld [smem:$0x3FA6]  }
0x2a: {  	p0 =	seq.s32 s5, $0x0;
	s5 =	sld [smem:$0x3FA7]  }
0x2b: {  	s6 =	sld [smem:$0x3FA8]  }
0x2c: {  	s7 =	sld [smem:$0x3FA9]  }
0x2d: {  	s3 =	simm.s32 $0x108;
	s8 =	sld [smem:$0x3FAA]  }
0x2e: {  	s3 =	simm.s32 @!p0 $0x1082;
	s9 =	sld [smem:$0x3FAB]  }
0x2f: {  	lr =	sadd.s32 s0, s3;
	s0 =	sld [smem:$0x3FA2]  }
0x30: {  	s3 =	sld [smem:$0x3FA5]  }
0x31: {  	[smem:$0x3FAE] =	sst s10  }
0x32: {  	s10 =	sld [smem:$0x3FAC];
	_ =	sdelay $0x3  }
0x33: {  	p0 =	seq.s32 s10, $0x1;
	s10 =	sld [smem:$0x3FAE];
	_ =	sdelay $0x3  }
0x34: {  	[smem:$0x3FAE] =	sst s10  }
0x35: {  	s10 =	sld [smem:$0x3FAD];
	_ =	sdelay $0x3  }
0x36: {  	p1 =	seq.s32 s10, $0x1;
	s10 =	sld [smem:$0x3FAE];
	_ =	sdelay $0x3  }
0x37: {  	[smem:$0x3FAE] =	sst s10  }
0x38: {  	s10 =	sld [smem:$0x3FAF]  }
0x39: {  	_ = 	snop;
	(pc) =	sbr.ind lr, $3  }
0x3a: {  	_ = 	snop  }
0x3b: {  	_ = 	snop  }
0x3c: {  	p2 =	seq.s32 s10, $0x1;
	s10 =	sld [smem:$0x3FAE]  }
0x3d: {  	_ =	shalt  }
0x3e: {  	_ =	shalt  }
0x3f: {  	_ =	shalt  }
0x40: {  	_ =	shalt  }
0x41: {  	_ =	shalt  }
0x42: {  	_ =	shalt  }
0x43: {  	_ =	shalt  }
0x44: {  	_ =	shalt  }
0x45: {  	_ =	shalt  }
0x46: {  	_ =	shalt  }
0x47: {  	_ =	shalt  }
0x48: {  	_ =	shalt  }
0x49: {  	_ =	shalt  }
0x4a: {  	_ =	shalt  }
0x4b: {  	_ =	shalt  }
0x4c: {  	_ =	shalt  }
0x4d: {  	_ =	shalt  }
0x4e: {  	_ =	shalt  }
0x4f: {  	_ =	shalt  }
0x50: {  	_ =	shalt  }
0x51: {  	_ =	shalt  }
0x52: {  	_ =	shalt  }
0x53: {  	_ =	shalt  }
0x54: {  	_ =	shalt  }
0x55: {  	_ =	shalt  }
0x56: {  	_ =	shalt  }
0x57: {  	_ =	shalt  }
0x58: {  	_ =	shalt  }
0x59: {  	_ =	shalt  }
0x5a: {  	_ =	shalt  }
0x5b: {  	_ =	shalt  }
0x5c: {  	_ =	shalt  }
0x5d: {  	_ =	shalt  }
0x5e: {  	_ =	shalt  }
0x5f: {  	_ =	shalt  }
0x60: {  	_ =	shalt  }
0x61: {  	_ =	shalt  }
0x62: {  	_ =	shalt  }
0x63: {  	_ =	shalt  }
0x64: {  	_ =	shalt  }
0x65: {  	_ =	shalt  }
0x66: {  	_ =	shalt  }
0x67: {  	_ =	shalt  }
0x68: {  	_ =	shalt  }
0x69: {  	_ =	shalt  }
0x6a: {  	_ =	shalt  }
0x6b: {  	_ =	shalt  }
0x6c: {  	_ =	shalt  }
0x6d: {  	_ =	shalt  }
0x6e: {  	_ =	shalt  }
0x6f: {  	_ =	shalt  }
0x70: {  	_ =	shalt  }
0x71: {  	_ =	shalt  }
0x72: {  	_ =	shalt  }
0x73: {  	_ =	shalt  }
0x74: {  	_ =	shalt  }
0x75: {  	_ =	shalt  }
0x76: {  	_ =	shalt  }
0x77: {  	_ =	shalt  }
0x78: {  	_ =	shalt  }
0x79: {  	_ =	shalt  }
0x7a: {  	_ =	shalt  }
0x7b: {  	_ =	shalt  }
0x7c: {  	_ =	shalt  }
0x7d: {  	_ =	shalt  }
0x7e: {  	_ =	shalt  }
0x7f: {  	_ =	shalt  }
0x80: {  	_ =	shalt  }
0x81: {  	_ =	shalt  }
0x82: {  	_ =	shalt  }
0x83: {  	_ =	shalt  }
0x84: {  	_ =	shalt  }
0x85: {  	_ =	shalt  }
0x86: {  	_ =	shalt  }
0x87: {  	_ =	shalt  }
.Lfunc_end0:
.L_simem_size_0:
called_computation.2_lowered:
.L_overlay_start_0:
0x88: {  	s2 =	sld [smem:$0x3FD9]  }
0x89: {  	s3 =	sld [smem:$0x3FFE];
	_ =	sdelay $0x1  }
0x8a: {  	s1 =	srdreg.scid  }
0x8b: {  	s0 =	sand.u32 $0x1, s1  }
0x8c: {  	s17 =	sshll.u32 s0, $0xA;
	s2 =	sadd.s32 s3, s2  }
0x8d: {  	s2 =	sadd.s32 s2, s17  }
0x8e: {  	[smem:$0x3FBA] =	sst s2  }
0x8f: {  	_ = 	snop  }
0x90: {  	s2 =	sld [smem:$0x3FD0];
	(tm) =	ssettm $0x1  }
0x91: {  	s18 =	sld [smem:$0x3FFB];
	_ =	sdelay $0x3  }
0x92: {  	_ =	strace s18  }
0x93: {  	s3 =	sld [smem:$0x3FFC];
	_ =	sdelay $0x3  }
0x94: {  	_ =	strace s3  }
0x95: {  	s3 =	sld [smem:$0x3FFD];
	_ =	sdelay $0x3  }
0x96: {  	_ =	strace s3  }
0x97: {  	_ =	strace $0x8FFFFFFF  }
0x98: {  	s19 =	sld [smem:$0x3FDB];
	_ =	sdelay $0x1  }
0x99: {  	s4 =	simm.s32 $_scs_section_size  }
0x9a: {  	s5 =	simm.s32 $_size__tile_overlayer_lowered;
	s6 =	simm.s32 $_tile_overlayer_lowered  }
0x9b: {  	s22 =	simm.s32 $0x1BFF;
	s21 =	sshll.u32 s6, $0x1;
	s3 =	sadd.s32 s4, s19  }
0x9c: {  	s7 =	simm.s32 $0x0;
	s20 =	sshll.u32 s5, $0x1;
	s5 =	sadd.s32 s21, s3  }
0x9d: {  	[timem:s7], [sflag:s22] =	dma.local [hbm:s5], s20  }
0x9e: {  	_ =	swait.ge [sflag:s22], s20  }
0x9f: {  	s4 =	ssub.s32 $0x0, s20;
	[sflag:s22] =	ssyncset.done $0x0  }
0xa0: {  	[sflag:s22] =	ssyncadd.s32 s4;
	_ =	sdelay $0x1  }
0xa1: {  	s23 =	simm.s32 $0x1B8B  }
0xa2: {  	_ =	swait.ge [sflag:s23], $0x1  }
0xa3: {  	[sflag:s23] =	ssyncset.done $0x0  }
0xa4: {  	s25 =	simm.s32 $0x1B8E;
	s24 =	sld [smem:$0x3FFE];
	[sflag:s23] =	ssyncadd.s32 $0xFFFFFFFF  }
0xa5: {  	s26 =	simm.s32 $execute0_lowered;
	[smem:$0x3FD2] =	sst s25  }
0xa6: {  	s5 =	sshll.u32 s26, $0x1;
	_ =	strace $0x8000004C;
	[dreg:$0x1] =	wrdreg $0xFFFFFFFF  }
0xa7: {  	s28 =	simm.s32 $_size_execute0_lowered;
	s3 =	sadd.s32 s3, s5;
	[dreg:$0x0] =	wrdreg $0x0  }
0xa8: {  	s5 =	sshll.u32 s28, $0x1;
	[dreg:$0x2] =	wrdreg s3  }
0xa9: {  	[dreg:$0x3] =	wrdreg s5  }
0xaa: {  	[dreg:$0x4] =	wrdreg $0xC0  }
0xab: {  	_ =	task [dreg:s7], $0x5FFFF  }
0xac: {  	[dreg:$0x1] =	wrdreg $0xFFFFFFFF  }
0xad: {  	[dreg:$0x0] =	wrdreg $0x60  }
0xae: {  	[dreg:$0x2] =	wrdreg s24  }
0xaf: {  	[dreg:$0x3] =	wrdreg s2  }
0xb0: {  	[dreg:$0x4] =	wrdreg $0x0  }
0xb1: {  	[dreg:$0x5] =	wrdreg $0x9  }
0xb2: {  	_ =	task.clear_ibuf [dreg:s7], $0x6FFFF;
	_ =	strace $0x9000004C  }
0xb3: {  	s29 =	simm.s32 $0x9;
	_ =	strace $0x8000004E  }
0xb4: {  	_ =	swait.ge [sflag:s29], $0x1  }
0xb5: {  	[sflag:s29] =	ssyncadd.s32 $0xFFFFFFFF  }
0xb6: {  	_ =	strace $0x9000004E  }
0xb7: {  	_ =	sfence  }
0xb8: {  	s30 =	sld [smem:$0x0];
	_ =	sdelay $0x2  }
0xb9: {  	s31 =	sshll.u32 s1, $0xD;
	s1 =	sshrl.u32 s1, $0x2  }
0xba: {  	s3 =	sand.u32 $0x4000, s31;
	s1 =	sadd.s32 s1, s30  }
0xbb: {  	s0 =	sor.u32 s3, s0;
	s1 =	sshll.u32 s1, $0x11  }
0xbc: {  	s0 =	sor.u32 s1, s0  }
0xbd: {  	s0 =	sadd.s32 $0x8F2B, s0  }
0xbe: {  	[sflag:s0] =	ssyncadd.remote.s32 $0x1  }
0xbf: {  	_ =	sfence.sel $0xFFFF  }
0xc0: {  	[dreg:$0x0] =	wrdreg $0xFFFFFFFF;
	(pc) =	sbr.abs _section_cstart, $3  }
0xc1: {  	[dreg:$0x1] =	wrdreg $0xFFFFFFFF  }
0xc2: {  	_ =	task.clear_ibuf [dreg:s7], $0x2FFFF;
	_ =	strace $0x9FFFFFFF  }
0xc3: {  	(tm) =	ssettm $0x7FFFFFFF  }
tec
execute0_lowered:
.L_overlay_start_1:
0x0: {  	(tag) =	ssettag $0x1  }
0x1: {  	s0 =	rddreg [dreg:$0x0]  }
0x2: {  	s2 =	rddreg [dreg:$0x2]  }
0x3: {  	s3 =	simm.s32 $0x0;
	s1 =	srdreg.scid;
	s12 =	stileid.u32  }
0x4: {  	s28 =	simm.s32 $0x700;
	s29 =	simm.s32 $0xE000;
	s30 =	simm.s32 $0x2  }
0x5: {  	s31 =	simm.s32 $0x15000;
	s14 =	simm.s32 $0x0;
	[smem:$0x7FF] =	sst s3  }
0x6: {  	s5 =	sadd.s32 $0x5800, s0;
	s6 =	sadd.s32 $0x145800, s0;
	s4 =	sadd.s32 $0x12D000, s0  }
0x7: {  	s1 =	sand.u32 $0x1, s1;
	s7 =	sadd.s32 $0x36800, s0;
	s10 =	smul.u32 $0xC400, s12  }
0x8: {  	s9 =	sadd.s32 $0x21200, s0;
	s0 =	sadd.s32 $0x15E000, s0;
	s19 =	sshll.u32 s12, $0x6  }
0x9: {  	s24 =	smul.u32 $0x1880, s12;
	_ =	strace $0x8000004D;
	[dreg:$0x4] =	wrdreg s9  }
0xa: {  	s8 =	ssub.s32 $0x2, s1;
	[dreg:$0x5] =	wrdreg s0;
	s11 =	sor.u32 $0x1C09, s19  }
0xb: {  	p0 =	sne.s32 s1, $0x0;
	s1 =	simm.s32 $0x3;
	s18 =	sshrl.u32 s8, $0x1  }
0xc: {  	s9 =	sshrl.u32 s10, $0x3;
	s10 =	sadd.s32 s10, s2;
	s0 =	ssub.s32 s8, s18  }
0xd: {  	[dreg:$0x6] =	wrdreg s10;
	s20 =	sadd.s32 $0xE0, s9;
	s22 =	sadd.s32 s7, s9  }
0xe: {  	s13 =	sadd.s32 s4, s9;
	s23 =	sadd.s32 $0x1C0, s9;
	[dreg:$0x9] =	wrdreg s22  }
0xf: {  	s10 =	simm.s32 $0x4;
	s21 =	sadd.s32 s4, s20;
	[dreg:$0x7] =	wrdreg s13  }
0x10: {  	s0 =	smax.u32 s0, $0x1;
	s8 =	sadd.s32 s7, s20;
	[dreg:$0x8] =	wrdreg s21  }
0x11: {  	s25 =	sadd.s32 s4, s23;
	s26 =	sadd.s32 $0x2A0, s13;
	[dreg:$0xa] =	wrdreg s0  }
0x12: {  	s20 =	sadd.s32 s24, s7;
	s22 =	simm.s32 $0x9;
	[dreg:$0xb] =	wrdreg s8  }
.Ltmp0:
0x13: {  	s13 =	simm.s32 $0x8;
	[dreg:$0xc] =	wrdreg s25;
	(pc) =	sbr.rel .LBB2_1-.Ltmp0, $4  }
0x14: {  	s0 =	sadd.s32 s7, s23;
	[dreg:$0xe] =	wrdreg s26;
	s21 =	sadd.s32 s24, s4  }
0x15: {  	s23 =	simm.s32 $0xC400;
	s24 =	simm.s32 $0xCB00;
	s25 =	simm.s32 $0xD200  }
0x16: {  	s26 =	simm.s32 $0x1;
	s4 =	simm.s32 $0x5;
	s8 =	simm.s32 $0x7  }
0x17: {  	s7 =	simm.s32 $0x6;
	[dreg:$0xd] =	wrdreg s0;
	s0 =	simm.s32 $0xD900  }
.LBB2_8:
0x18: {  	s16 =	rddreg [dreg:$0x5]  }
.LBB2_9:
0x19: {  	_ =	swait.ge [sflag:s13], $0x7000  }
0x1a: {  	[sflag:s13] =	ssyncset.done $0x0  }
0x1b: {  	[sflag:s13] =	ssyncadd.s32 $0xFFFF9000  }
0x1c: {  	s12 =	sadd.s32 s16, s9;
	[bflag:$0x0] =	sbarrier.arrive $0xFFFF  }
0x1d: {  	[hbm:s12], [sflag:s11] =	dma.local [spmem:s15], $0x1880  }
0x1e: {  	_ =	swait.ge [sflag:s22], $0x1880  }
0x1f: {  	s14 =	sadd.s32 $0x1, s14;
	s19 =	rddreg [dreg:$0xa]  }
0x20: {  	p1 =	sne.s32 s14, s19  }
.Ltmp1:
0x21: {  	_ = 	snop;
	(pc) =	sbr.rel @!p1 .LBB2_10-.Ltmp1, $3  }
0x22: {  	_ =	sdelay $0x1  }
0x23: {  	[sflag:s22] =	ssyncset.done $0x0  }
0x24: {  	[sflag:s22] =	ssyncadd.s32 $0xFFFFE780  }
.LBB2_1:
0x25: {  	s12 =	rddreg [dreg:$0x6]  }
0x26: {  	s16 =	rddreg [dreg:$0x4];
	s15 =	sshrl.u32 s12, $0x3  }
0x27: {  	[spmem:s15], [sflag:s11] =	dma.local [hbm:s16], $0x1880  }
0x28: {  	_ =	swait.ge [sflag:s22], $0x1880  }
0x29: {  	[sflag:s22] =	ssyncset.done $0x0  }
0x2a: {  	[sflag:s22] =	ssyncadd.s32 $0xFFFFE780  }
0x2b: {  	[bflag:$0x0] =	sbarrier.arrive $0xFFFF  }
0x2c: {  	s17 =	rddreg [dreg:$0x7]  }
0x2d: {  	[tilespmem:s23], [sflag:$0x1] =	stream.linear.gather [hbm4b:s17+s3], $0x700, $0x38;
	[tilespmem:$0x1C000] =	vst v63  }
0x2e: {  	s18 =	rddreg [dreg:$0x8]  }
0x2f: {  	[tilespmem:s24], [sflag:$0x2] =	stream.linear.gather [hbm4b:s18+s3], $0x700, $0x38;
	[tilespmem:$0x1C000] =	vst v63  }
.Ltmp2:
0x30: {  	s19 =	rddreg [dreg:$0x9];
	(pc) =	sbr.rel @p0 .LBB2_6-.Ltmp2, $4  }
0x31: {  	[tilespmem:s25], [sflag:$0x3] =	stream.linear.gather [hbm4b:s19+s3], $0x700, $0x38;
	[tilespmem:$0x1C000] =	vst v63  }
0x32: {  	_ =	swait.ge [sflag:s26], $0x700  }
0x33: {  	[sflag:s26] =	ssyncset.done $0x0  }
0x34: {  	[sflag:s26] =	ssyncadd.s32 $0xFFFFF900  }
0x35: {  	[tilespmem:s29], [sflag:$0x5] =	stream.indirect.gather [hbm4b:s5+s28], $0x10, s23, s28, $0xb8;
	[tilespmem:$0x1C000] =	vst v63  }
0x36: {  	_ =	swait.ge [sflag:s30], $0x700  }
0x37: {  	[sflag:s30] =	ssyncset.done $0x0  }
0x38: {  	[sflag:s30] =	ssyncadd.s32 $0xFFFFF900  }
0x39: {  	[tilespmem:s31], [sflag:$0x6] =	stream.indirect.gather [hbm4b:s5+s28], $0x10, s24, s28, $0xb8;
	[tilespmem:$0x1C000] =	vst v63  }
0x3a: {  	s12 =	rddreg [dreg:$0xb]  }
0x3b: {  	[tilespmem:s0], [sflag:$0x4] =	stream.linear.gather [hbm4b:s12+s3], $0x700, $0x38;
	[tilespmem:$0x1C000] =	vst v63  }
0x3c: {  	_ =	swait.ge [sflag:s4], $0x7000  }
0x3d: {  	[sflag:s4] =	ssyncset.done $0x0  }
0x3e: {  	[sflag:s4] =	ssyncadd.s32 $0xFFFF9000  }
0x3f: {  	_ =	swait.ge [sflag:s1], $0x700  }
0x40: {  	[sflag:s1] =	ssyncset.done $0x0  }
0x41: {  	[sflag:s1] =	ssyncadd.s32 $0xFFFFF900  }
0x42: {  	[spmem:s2] =	stream.indirect.scatter.add.f32 [tilespmem:s29], [sflag:$0x7], $0x10, s25, s28, $0xb8;
	[tilespmem:$0x1C000] =	vst v63  }
0x43: {  	s17 =	rddreg [dreg:$0xc]  }
0x44: {  	[tilespmem:s23], [sflag:$0x1] =	stream.linear.gather [hbm4b:s17+s3], $0x700, $0x38;
	[tilespmem:$0x1C000] =	vst v63  }
0x45: {  	_ =	swait.ge [sflag:s8], $0x7000  }
0x46: {  	[sflag:s8] =	ssyncset.done $0x0  }
0x47: {  	[sflag:s8] =	ssyncadd.s32 $0xFFFF9000  }
0x48: {  	_ =	swait.ge [sflag:s26], $0x700  }
0x49: {  	[sflag:s26] =	ssyncset.done $0x0  }
0x4a: {  	[sflag:s26] =	ssyncadd.s32 $0xFFFFF900  }
0x4b: {  	[tilespmem:s29], [sflag:$0x5] =	stream.indirect.gather [hbm4b:s5+s28], $0x10, s23, s28, $0xb8;
	[tilespmem:$0x1C000] =	vst v63  }
0x4c: {  	s18 =	rddreg [dreg:$0xd]  }
0x4d: {  	[tilespmem:s25], [sflag:$0x3] =	stream.linear.gather [hbm4b:s18+s3], $0x700, $0x38;
	[tilespmem:$0x1C000] =	vst v63  }
0x4e: {  	_ =	swait.ge [sflag:s7], $0x7000  }
0x4f: {  	[sflag:s7] =	ssyncset.done $0x0  }
0x50: {  	[sflag:s7] =	ssyncadd.s32 $0xFFFF9000  }
0x51: {  	_ =	swait.ge [sflag:s10], $0x700  }
0x52: {  	[sflag:s10] =	ssyncset.done $0x0  }
0x53: {  	[sflag:s10] =	ssyncadd.s32 $0xFFFFF900  }
0x54: {  	[spmem:s2] =	stream.indirect.scatter.add.f32 [tilespmem:s31], [sflag:$0x8], $0x10, s0, s28, $0xb8;
	[tilespmem:$0x1C000] =	vst v63  }
0x55: {  	s16 =	simm.s32 $0xFFFFEB00;
	s19 =	rddreg [dreg:$0xe]  }
0x56: {  	[tilespmem:s24], [sflag:$0x2] =	stream.linear.gather [hbm4b:s19+s3], $0x700, $0x38;
	[tilespmem:$0x1C000] =	vst v63  }
.LBB2_3:
0x57: {  	_ =	swait.ge [sflag:s13], $0x7000  }
0x58: {  	[sflag:s13] =	ssyncset.done $0x0  }
0x59: {  	[sflag:s13] =	ssyncadd.s32 $0xFFFF9000  }
0x5a: {  	_ =	swait.ge [sflag:s30], $0x700  }
0x5b: {  	[sflag:s30] =	ssyncset.done $0x0  }
0x5c: {  	s17 =	sadd.s32 s16, s20;
	[sflag:s30] =	ssyncadd.s32 $0xFFFFF900  }
0x5d: {  	[tilespmem:s31], [sflag:$0x6] =	stream.indirect.gather [hbm4b:s5+s28], $0x10, s24, s28, $0xb8;
	[tilespmem:$0x1C000] =	vst v63  }
0x5e: {  	s17 =	sadd.s32 $0x17A0, s17  }
0x5f: {  	[tilespmem:s0], [sflag:$0x4] =	stream.linear.gather [hbm4b:s17+s3], $0x700, $0x38;
	[tilespmem:$0x1C000] =	vst v63  }
0x60: {  	_ =	swait.ge [sflag:s4], $0x7000  }
0x61: {  	[sflag:s4] =	ssyncset.done $0x0  }
0x62: {  	[sflag:s4] =	ssyncadd.s32 $0xFFFF9000  }
0x63: {  	_ =	swait.ge [sflag:s1], $0x700  }
0x64: {  	p1 =	seq.s32 s16, $0x0;
	[sflag:s1] =	ssyncset.done $0x0  }
0x65: {  	s17 =	simm.s32 @p1 $0x7;
	[sflag:s1] =	ssyncadd.s32 $0xFFFFF900  }
0x66: {  	[spmem:s2] =	stream.indirect.scatter.add.f32 [tilespmem:s29], [sflag:$0x7], $0x10, s25, s28, $0xb8;
	[tilespmem:$0x1C000] =	vst v63  }
0x67: {  	_ =	swait.ge @p1 [sflag:s17], $0x7000  }
0x68: {  	[sflag:s17] =	ssyncset.done @p1 $0x0  }
0x69: {  	[sflag:s17] =	ssyncadd.s32 @p1 $0xFFFF9000;
	s17 =	sadd.s32 @!p1 s16, s21  }
0x6a: {  	s12 =	simm.s32 @!p1 $0x0;
	s18 =	simm.s32 @!p1 $0xC400;
	s17 =	sadd.s32 @!p1 $0x1880, s17  }
0x6b: {  	[tilespmem:s18], [sflag:$0x1] =	stream.linear.gather @!p1 [hbm4b:s17+s12], $0x700, $0x38;
	[tilespmem:$0x1C000] =	vst v63  }
0x6c: {  	s17 =	simm.s32 @!p1 $0x7  }
0x6d: {  	_ =	swait.ge @!p1 [sflag:s17], $0x7000  }
0x6e: {  	[sflag:s17] =	ssyncset.done @!p1 $0x0  }
0x6f: {  	[sflag:s17] =	ssyncadd.s32 @!p1 $0xFFFF9000;
	s17 =	simm.s32 @!p1 $0x1  }
0x70: {  	_ =	swait.ge @!p1 [sflag:s17], $0x700  }
0x71: {  	[sflag:s17] =	ssyncset.done @!p1 $0x0  }
0x72: {  	s19 =	simm.s32 @!p1 $0xE000;
	[sflag:s17] =	ssyncadd.s32 @!p1 $0xFFFFF900;
	s17 =	simm.s32 @!p1 $0x700  }
0x73: {  	[tilespmem:s19], [sflag:$0x5] =	stream.indirect.gather @!p1 [hbm4b:s5+s17], $0x10, s18, s17, $0xb8;
	[tilespmem:$0x1C000] =	vst v63  }
0x74: {  	s17 =	sadd.s32 @!p1 s16, s20  }
0x75: {  	s18 =	simm.s32 @!p1 $0xD200;
	s17 =	sadd.s32 @!p1 $0x1880, s17  }
0x76: {  	[tilespmem:s18], [sflag:$0x3] =	stream.linear.gather @!p1 [hbm4b:s17+s12], $0x700, $0x38;
	[tilespmem:$0x1C000] =	vst v63  }
0x77: {  	_ =	swait.ge [sflag:s7], $0x7000  }
0x78: {  	[sflag:s7] =	ssyncset.done $0x0  }
.Ltmp3:
0x79: {  	[sflag:s7] =	ssyncadd.s32 $0xFFFF9000;
	(pc) =	sbr.rel @p1 .LBB2_4-.Ltmp3, $4  }
0x7a: {  	_ =	swait.ge [sflag:s10], $0x700  }
0x7b: {  	[sflag:s10] =	ssyncset.done $0x0  }
0x7c: {  	[sflag:s10] =	ssyncadd.s32 $0xFFFFF900  }
0x7d: {  	[spmem:s2] =	stream.indirect.scatter.add.f32 [tilespmem:s31], [sflag:$0x8], $0x10, s0, s28, $0xb8;
	[tilespmem:$0x1C000] =	vst v63  }
.Ltmp4:
0x7e: {  	(pc) =	sbr.rel .LBB2_3-.Ltmp4, $4  }
0x7f: {  	_ = 	snop  }
0x80: {  	s12 =	sadd.s32 s16, s21  }
0x81: {  	s16 =	sadd.s32 $0x1C0, s16;
	s12 =	sadd.s32 $0x1960, s12  }
0x82: {  	[tilespmem:s24], [sflag:$0x2] =	stream.linear.gather [hbm4b:s12+s3], $0x700, $0x38;
	[tilespmem:$0x1C000] =	vst v63  }
.LBB2_6:
0x83: {  	[tilespmem:s29], [sflag:$0x5] =	stream.indirect.gather [hbm4b:s6+s28], $0x10, s23, s28, $0xb8;
	[tilespmem:$0x1C000] =	vst v63  }
0x84: {  	_ =	swait.ge [sflag:s30], $0x700  }
0x85: {  	[sflag:s30] =	ssyncset.done $0x0  }
0x86: {  	[sflag:s30] =	ssyncadd.s32 $0xFFFFF900  }
0x87: {  	[tilespmem:s31], [sflag:$0x6] =	stream.indirect.gather [hbm4b:s6+s28], $0x10, s24, s28, $0xb8;
	[tilespmem:$0x1C000] =	vst v63  }
0x88: {  	s12 =	rddreg [dreg:$0xb]  }
0x89: {  	[tilespmem:s0], [sflag:$0x4] =	stream.linear.gather [hbm4b:s12+s3], $0x700, $0x38;
	[tilespmem:$0x1C000] =	vst v63  }
0x8a: {  	_ =	swait.ge [sflag:s4], $0x7000  }
0x8b: {  	[sflag:s4] =	ssyncset.done $0x0  }
0x8c: {  	[sflag:s4] =	ssyncadd.s32 $0xFFFF9000  }
0x8d: {  	_ =	swait.ge [sflag:s1], $0x700  }
0x8e: {  	[sflag:s1] =	ssyncset.done $0x0  }
0x8f: {  	[sflag:s1] =	ssyncadd.s32 $0xFFFFF900  }
0x90: {  	[spmem:s2] =	stream.indirect.scatter.add.f32 [tilespmem:s29], [sflag:$0x7], $0x10, s25, s28, $0xb8;
	[tilespmem:$0x1C000] =	vst v63  }
0x91: {  	s17 =	rddreg [dreg:$0xc]  }
0x92: {  	[tilespmem:s23], [sflag:$0x1] =	stream.linear.gather [hbm4b:s17+s3], $0x700, $0x38;
	[tilespmem:$0x1C000] =	vst v63  }
0x93: {  	_ =	swait.ge [sflag:s8], $0x7000  }
0x94: {  	[sflag:s8] =	ssyncset.done $0x0  }
0x95: {  	[sflag:s8] =	ssyncadd.s32 $0xFFFF9000  }
0x96: {  	_ =	swait.ge [sflag:s26], $0x700  }
0x97: {  	[sflag:s26] =	ssyncset.done $0x0  }
0x98: {  	[sflag:s26] =	ssyncadd.s32 $0xFFFFF900  }
0x99: {  	[tilespmem:s29], [sflag:$0x5] =	stream.indirect.gather [hbm4b:s6+s28], $0x10, s23, s28, $0xb8;
	[tilespmem:$0x1C000] =	vst v63  }
0x9a: {  	s18 =	rddreg [dreg:$0xd]  }
0x9b: {  	[tilespmem:s25], [sflag:$0x3] =	stream.linear.gather [hbm4b:s18+s3], $0x700, $0x38;
	[tilespmem:$0x1C000] =	vst v63  }
0x9c: {  	_ =	swait.ge [sflag:s7], $0x7000  }
0x9d: {  	[sflag:s7] =	ssyncset.done $0x0  }
0x9e: {  	[sflag:s7] =	ssyncadd.s32 $0xFFFF9000  }
0x9f: {  	_ =	swait.ge [sflag:s10], $0x700  }
0xa0: {  	[sflag:s10] =	ssyncset.done $0x0  }
0xa1: {  	[sflag:s10] =	ssyncadd.s32 $0xFFFFF900  }
0xa2: {  	[spmem:s2] =	stream.indirect.scatter.add.f32 [tilespmem:s31], [sflag:$0x8], $0x10, s0, s28, $0xb8;
	[tilespmem:$0x1C000] =	vst v63  }
0xa3: {  	s16 =	simm.s32 $0xFFFFEB00;
	s19 =	rddreg [dreg:$0xe]  }
0xa4: {  	[tilespmem:s24], [sflag:$0x2] =	stream.linear.gather [hbm4b:s19+s3], $0x700, $0x38;
	[tilespmem:$0x1C000] =	vst v63  }
.LBB2_7:
0xa5: {  	_ =	swait.ge [sflag:s13], $0x7000  }
0xa6: {  	[sflag:s13] =	ssyncset.done $0x0  }
0xa7: {  	[sflag:s13] =	ssyncadd.s32 $0xFFFF9000  }
0xa8: {  	_ =	swait.ge [sflag:s30], $0x700  }
0xa9: {  	[sflag:s30] =	ssyncset.done $0x0  }
0xaa: {  	s12 =	sadd.s32 s16, s20;
	[sflag:s30] =	ssyncadd.s32 $0xFFFFF900  }
0xab: {  	[tilespmem:s31], [sflag:$0x6] =	stream.indirect.gather [hbm4b:s6+s28], $0x10, s24, s28, $0xb8;
	[tilespmem:$0x1C000] =	vst v63  }
0xac: {  	s12 =	sadd.s32 $0x17A0, s12  }
0xad: {  	[tilespmem:s0], [sflag:$0x4] =	stream.linear.gather [hbm4b:s12+s3], $0x700, $0x38;
	[tilespmem:$0x1C000] =	vst v63  }
0xae: {  	_ =	swait.ge [sflag:s4], $0x7000  }
0xaf: {  	[sflag:s4] =	ssyncset.done $0x0  }
0xb0: {  	[sflag:s4] =	ssyncadd.s32 $0xFFFF9000  }
0xb1: {  	_ =	swait.ge [sflag:s1], $0x700  }
0xb2: {  	p1 =	seq.s32 s16, $0x0;
	[sflag:s1] =	ssyncset.done $0x0  }
0xb3: {  	s12 =	simm.s32 @p1 $0x7;
	[sflag:s1] =	ssyncadd.s32 $0xFFFFF900  }
0xb4: {  	[spmem:s2] =	stream.indirect.scatter.add.f32 [tilespmem:s29], [sflag:$0x7], $0x10, s25, s28, $0xb8;
	[tilespmem:$0x1C000] =	vst v63  }
0xb5: {  	_ =	swait.ge @p1 [sflag:s12], $0x7000  }
0xb6: {  	[sflag:s12] =	ssyncset.done @p1 $0x0  }
0xb7: {  	[sflag:s12] =	ssyncadd.s32 @p1 $0xFFFF9000;
	s12 =	sadd.s32 @!p1 s16, s21  }
0xb8: {  	s17 =	simm.s32 @!p1 $0x0;
	s18 =	simm.s32 @!p1 $0xC400;
	s12 =	sadd.s32 @!p1 $0x1880, s12  }
0xb9: {  	[tilespmem:s18], [sflag:$0x1] =	stream.linear.gather @!p1 [hbm4b:s12+s17], $0x700, $0x38;
	[tilespmem:$0x1C000] =	vst v63  }
0xba: {  	s12 =	simm.s32 @!p1 $0x7  }
0xbb: {  	_ =	swait.ge @!p1 [sflag:s12], $0x7000  }
0xbc: {  	[sflag:s12] =	ssyncset.done @!p1 $0x0  }
0xbd: {  	[sflag:s12] =	ssyncadd.s32 @!p1 $0xFFFF9000;
	s12 =	simm.s32 @!p1 $0x1  }
0xbe: {  	_ =	swait.ge @!p1 [sflag:s12], $0x700  }
0xbf: {  	[sflag:s12] =	ssyncset.done @!p1 $0x0  }
0xc0: {  	s19 =	simm.s32 @!p1 $0xE000;
	[sflag:s12] =	ssyncadd.s32 @!p1 $0xFFFFF900;
	s12 =	simm.s32 @!p1 $0x700  }
0xc1: {  	[tilespmem:s19], [sflag:$0x5] =	stream.indirect.gather @!p1 [hbm4b:s6+s12], $0x10, s18, s12, $0xb8;
	[tilespmem:$0x1C000] =	vst v63  }
0xc2: {  	s12 =	sadd.s32 @!p1 s16, s20  }
0xc3: {  	s18 =	simm.s32 @!p1 $0xD200;
	s12 =	sadd.s32 @!p1 $0x1880, s12  }
0xc4: {  	[tilespmem:s18], [sflag:$0x3] =	stream.linear.gather @!p1 [hbm4b:s12+s17], $0x700, $0x38;
	[tilespmem:$0x1C000] =	vst v63  }
0xc5: {  	_ =	swait.ge [sflag:s7], $0x7000  }
0xc6: {  	[sflag:s7] =	ssyncset.done $0x0  }
.Ltmp5:
0xc7: {  	[sflag:s7] =	ssyncadd.s32 $0xFFFF9000;
	(pc) =	sbr.rel @p1 .LBB2_8-.Ltmp5, $4  }
0xc8: {  	_ =	swait.ge [sflag:s10], $0x700  }
0xc9: {  	[sflag:s10] =	ssyncset.done $0x0  }
0xca: {  	[sflag:s10] =	ssyncadd.s32 $0xFFFFF900  }
0xcb: {  	[spmem:s2] =	stream.indirect.scatter.add.f32 [tilespmem:s31], [sflag:$0x8], $0x10, s0, s28, $0xb8;
	[tilespmem:$0x1C000] =	vst v63  }
.Ltmp6:
0xcc: {  	(pc) =	sbr.rel .LBB2_7-.Ltmp6, $4  }
0xcd: {  	_ = 	snop  }
0xce: {  	s12 =	sadd.s32 s16, s21  }
0xcf: {  	s16 =	sadd.s32 $0x1C0, s16;
	s12 =	sadd.s32 $0x1960, s12  }
0xd0: {  	[tilespmem:s24], [sflag:$0x2] =	stream.linear.gather [hbm4b:s12+s3], $0x700, $0x38;
	[tilespmem:$0x1C000] =	vst v63  }
.LBB2_4:
.Ltmp7:
0xd1: {  	(pc) =	sbr.rel .LBB2_9-.Ltmp7, $2  }
0xd2: {  	_ =	sdelay $0x2  }
0xd3: {  	s16 =	rddreg [dreg:$0x1]  }
.LBB2_10:
0xd4: {  	_ =	sfence.sel $0x180000  }
0xd5: {  	[bflag:$0x0] =	sbarrier.arrive $0xFFFF  }
0xd6: {  	_ =	strace $0x9000004D  }
0xd7: {  	s0 =	stileid.u32;
	[bflag:$0x2] =	sbarrier.arrive $0xFFFF  }
0xd8: {  	p0 =	sne.s32 s0, $0x0;
	s0 =	rddreg [dreg:$0x3]  }
0xd9: {  	s0 =	sadd.s32 @!p0 $0x100000, s0  }
0xda: {  	[sflag:s0] =	ssyncadd.tile.s32 @!p0 $0x1;
	_ =	shalt  }
.Lfunc_end2:
_tile_overlayer_lowered:
.L_overlay_start_2:
0xdb: {  	(tag) =	ssettag $0x2  }
0xdc: {  	s0 =	rddreg [dreg:$0x0];
	s2 =	stileid.u32  }
0xdd: {  	s1 =	rddreg [dreg:$0x1];
	p0 =	sne.s32 s2, $0x0  }
0xde: {  	s3 =	rddreg [dreg:$0x2];
	[bflag:$0x3] =	sbarrier.arrive $0xFFFF;
	s2 =	simm.s32 @!p0 $0x1C09  }
0xdf: {  	[timem:s3], [sflag:s2] =	dma.local @!p0 [hbm:s0], s1  }
0xe0: {  	s0 =	simm.s32 @!p0 $0x9  }
0xe1: {  	_ =	swait.ge @!p0 [sflag:s0], s1  }
0xe2: {  	s1 =	ssub.s32 @!p0 $0x0, s1;
	[sflag:s0] =	ssyncset.done @!p0 $0x0  }
0xe3: {  	[sflag:s0] =	ssyncadd.s32 @!p0 s1  }
0xe4: {  	[bflag:$0x3] =	sbarrier.arrive $0xFFFF  }
0xe5: {  	_ =	shalt  }

// kernel: kernel.18.cloned.1.call-start
scs
__scs_entry_jumppad:
0x0: {  	(pc) =	sbr.rel $0x88, $3  }
0x1: {  	(tag) =	ssettag $0x0;
	lr =	simm.s32 $0x1  }
0x2: {  	[smem:$0x3F93] =	sst lr;
	_ =	strace $0xD0000000  }
0x3: {  	_ = 	snop  }
0x4: {  	_ = 	snop  }
0x5: {  	_ = 	snop  }
0x6: {  	_ = 	snop  }
0x7: {  	_ = 	snop  }
__scs_overlays_trampoline_lowered:
0x8: {  	[smem:$0x3FA2] =	sst s0  }
0x9: {  	[smem:$0x3FA3] =	sst s1  }
0xa: {  	[smem:$0x3FA4] =	sst s2  }
0xb: {  	[smem:$0x3FA5] =	sst s3  }
0xc: {  	[smem:$0x3FA6] =	sst s4  }
0xd: {  	[smem:$0x3FA7] =	sst s5  }
0xe: {  	[smem:$0x3FA8] =	sst s6  }
0xf: {  	[smem:$0x3FA9] =	sst s7  }
0x10: {  	[smem:$0x3FAA] =	sst s8  }
0x11: {  	[smem:$0x3FAB] =	sst s9;
	s0 =	simm.s32 @!p0 $0x0  }
0x12: {  	s1 =	sld [smem:$0x3F91];
	s0 =	simm.s32 @p0 $0x1  }
0x13: {  	[smem:$0x3FAC] =	sst s0;
	s0 =	simm.s32 @!p1 $0x0  }
0x14: {  	s2 =	sld [smem:$0x3F90];
	s0 =	simm.s32 @p1 $0x1  }
0x15: {  	[smem:$0x3FAD] =	sst s0;
	s0 =	simm.s32 @!p2 $0x0  }
0x16: {  	s3 =	sld [smem:$0x3FDB];
	s0 =	simm.s32 @p2 $0x1  }
0x17: {  	s4 =	simm.s32 $0x1BF5;
	[smem:$0x3FAF] =	sst s0  }
0x18: {  	s0 =	sld [smem:$0x3F92];
	_ =	swait.ge [sflag:s4], $0x0  }
0x19: {  	s7 =	sld [smem:$0x3F93]  }
0x1a: {  	s8 =	sadd.s32 $0xFFFFE003, lr  }
0x1b: {  	s9 =	sadd.s32 $0xFFFFFEF7, lr;
	s5 =	simm.s32 $0xFFFFFFFF;
	p2 =	slt.u32 s8, $0xFFFFF086  }
0x1c: {  	p1 =	slt.u32 s9, $0xF7A;
	s5 =	simm.s32 @!p2 $0x0  }
0x1d: {  	s5 =	simm.s32 @p1 $0x1;
	p0 =	seq.s32 s7, s2  }
0x1e: {  	s7 =	smul.u32 @!p0 $0xF7A, s2;
	p2 =	seq.s32 @!p0 s5, $0x0  }
0x1f: {  	s9 =	smul.u32 $0xF7A, s1;
	s8 =	simm.s32 @!p0 $0x1BF5;
	p2 =	por !p2, p0  }
0x20: {  	[sflag:s8] =	ssyncset.s32 @!p0 $0xFFFFF086;
	s6 =	sadd.s32 @!p0 s3, s7;
	s7 =	simm.s32 @!p0 $0x108  }
0x21: {  	s3 =	sadd.s32 s3, s9;
	s6 =	sadd.s32 @!p0 $0x88, s6;
	s7 =	simm.s32 @p2 $0x1082  }
0x22: {  	[simem:s7], [sflag:s8] =	dma.local @!p0 [hbm:s6], $0xF7A  }
0x23: {  	s9 =	sor.u32 $0xD0000000, s2;
	s6 =	simm.s32 $0x108;
	_ =	swait.ge @!p0 [sflag:s8], $0x0  }
0x24: {  	s3 =	sadd.s32 $0x88, s3;
	s6 =	simm.s32 @!p1 $0x1082;
	[sflag:s4] =	ssyncset.s32 $0xFFFFF086  }
0x25: {  	[simem:s6], [sflag:s4] =	dma.local [hbm:s3], $0xF7A  }
0x26: {  	[smem:$0x3F93] =	sst s1;
	(tag) =	ssettag s2;
	_ =	strace s9  }
0x27: {  	s1 =	sld [smem:$0x3FA3]  }
0x28: {  	s2 =	sld [smem:$0x3FA4]  }
0x29: {  	s4 =	sld [smem:$0x3FA6]  }
0x2a: {  	p0 =	seq.s32 s5, $0x0;
	s5 =	sld [smem:$0x3FA7]  }
0x2b: {  	s6 =	sld [smem:$0x3FA8]  }
0x2c: {  	s7 =	sld [smem:$0x3FA9]  }
0x2d: {  	s3 =	simm.s32 $0x108;
	s8 =	sld [smem:$0x3FAA]  }
0x2e: {  	s3 =	simm.s32 @!p0 $0x1082;
	s9 =	sld [smem:$0x3FAB]  }
0x2f: {  	lr =	sadd.s32 s0, s3;
	s0 =	sld [smem:$0x3FA2]  }
0x30: {  	s3 =	sld [smem:$0x3FA5]  }
0x31: {  	[smem:$0x3FAE] =	sst s10  }
0x32: {  	s10 =	sld [smem:$0x3FAC];
	_ =	sdelay $0x3  }
0x33: {  	p0 =	seq.s32 s10, $0x1;
	s10 =	sld [smem:$0x3FAE];
	_ =	sdelay $0x3  }
0x34: {  	[smem:$0x3FAE] =	sst s10  }
0x35: {  	s10 =	sld [smem:$0x3FAD];
	_ =	sdelay $0x3  }
0x36: {  	p1 =	seq.s32 s10, $0x1;
	s10 =	sld [smem:$0x3FAE];
	_ =	sdelay $0x3  }
0x37: {  	[smem:$0x3FAE] =	sst s10  }
0x38: {  	s10 =	sld [smem:$0x3FAF]  }
0x39: {  	_ = 	snop;
	(pc) =	sbr.ind lr, $3  }
0x3a: {  	_ = 	snop  }
0x3b: {  	_ = 	snop  }
0x3c: {  	p2 =	seq.s32 s10, $0x1;
	s10 =	sld [smem:$0x3FAE]  }
0x3d: {  	_ =	shalt  }
0x3e: {  	_ =	shalt  }
0x3f: {  	_ =	shalt  }
0x40: {  	_ =	shalt  }
0x41: {  	_ =	shalt  }
0x42: {  	_ =	shalt  }
0x43: {  	_ =	shalt  }
0x44: {  	_ =	shalt  }
0x45: {  	_ =	shalt  }
0x46: {  	_ =	shalt  }
0x47: {  	_ =	shalt  }
0x48: {  	_ =	shalt  }
0x49: {  	_ =	shalt  }
0x4a: {  	_ =	shalt  }
0x4b: {  	_ =	shalt  }
0x4c: {  	_ =	shalt  }
0x4d: {  	_ =	shalt  }
0x4e: {  	_ =	shalt  }
0x4f: {  	_ =	shalt  }
0x50: {  	_ =	shalt  }
0x51: {  	_ =	shalt  }
0x52: {  	_ =	shalt  }
0x53: {  	_ =	shalt  }
0x54: {  	_ =	shalt  }
0x55: {  	_ =	shalt  }
0x56: {  	_ =	shalt  }
0x57: {  	_ =	shalt  }
0x58: {  	_ =	shalt  }
0x59: {  	_ =	shalt  }
0x5a: {  	_ =	shalt  }
0x5b: {  	_ =	shalt  }
0x5c: {  	_ =	shalt  }
0x5d: {  	_ =	shalt  }
0x5e: {  	_ =	shalt  }
0x5f: {  	_ =	shalt  }
0x60: {  	_ =	shalt  }
0x61: {  	_ =	shalt  }
0x62: {  	_ =	shalt  }
0x63: {  	_ =	shalt  }
0x64: {  	_ =	shalt  }
0x65: {  	_ =	shalt  }
0x66: {  	_ =	shalt  }
0x67: {  	_ =	shalt  }
0x68: {  	_ =	shalt  }
0x69: {  	_ =	shalt  }
0x6a: {  	_ =	shalt  }
0x6b: {  	_ =	shalt  }
0x6c: {  	_ =	shalt  }
0x6d: {  	_ =	shalt  }
0x6e: {  	_ =	shalt  }
0x6f: {  	_ =	shalt  }
0x70: {  	_ =	shalt  }
0x71: {  	_ =	shalt  }
0x72: {  	_ =	shalt  }
0x73: {  	_ =	shalt  }
0x74: {  	_ =	shalt  }
0x75: {  	_ =	shalt  }
0x76: {  	_ =	shalt  }
0x77: {  	_ =	shalt  }
0x78: {  	_ =	shalt  }
0x79: {  	_ =	shalt  }
0x7a: {  	_ =	shalt  }
0x7b: {  	_ =	shalt  }
0x7c: {  	_ =	shalt  }
0x7d: {  	_ =	shalt  }
0x7e: {  	_ =	shalt  }
0x7f: {  	_ =	shalt  }
0x80: {  	_ =	shalt  }
0x81: {  	_ =	shalt  }
0x82: {  	_ =	shalt  }
0x83: {  	_ =	shalt  }
0x84: {  	_ =	shalt  }
0x85: {  	_ =	shalt  }
0x86: {  	_ =	shalt  }
0x87: {  	_ =	shalt  }
.Lfunc_end0:
.L_simem_size_0:
called_computation.3_lowered:
.L_overlay_start_0:
0x88: {  	s2 =	sld [smem:$0x3FD9]  }
0x89: {  	s3 =	sld [smem:$0x3FFE];
	_ =	sdelay $0x1  }
0x8a: {  	s1 =	srdreg.scid  }
0x8b: {  	s0 =	sand.u32 $0x1, s1  }
0x8c: {  	s17 =	sshll.u32 s0, $0xA;
	s2 =	sadd.s32 s3, s2  }
0x8d: {  	s2 =	sadd.s32 s2, s17  }
0x8e: {  	[smem:$0x3FBA] =	sst s2  }
0x8f: {  	_ = 	snop  }
0x90: {  	s2 =	sld [smem:$0x3FD0];
	(tm) =	ssettm $0x1  }
0x91: {  	s18 =	sld [smem:$0x3FFB];
	_ =	sdelay $0x3  }
0x92: {  	_ =	strace s18  }
0x93: {  	s3 =	sld [smem:$0x3FFC];
	_ =	sdelay $0x3  }
0x94: {  	_ =	strace s3  }
0x95: {  	s3 =	sld [smem:$0x3FFD];
	_ =	sdelay $0x3  }
0x96: {  	_ =	strace s3  }
0x97: {  	_ =	strace $0x8FFFFFFF  }
0x98: {  	s19 =	sld [smem:$0x3FDB];
	_ =	sdelay $0x1  }
0x99: {  	s4 =	simm.s32 $_scs_section_size  }
0x9a: {  	s5 =	simm.s32 $_size__tile_overlayer_lowered;
	s6 =	simm.s32 $_tile_overlayer_lowered  }
0x9b: {  	s22 =	simm.s32 $0x1BFF;
	s21 =	sshll.u32 s6, $0x1;
	s3 =	sadd.s32 s4, s19  }
0x9c: {  	s7 =	simm.s32 $0x0;
	s20 =	sshll.u32 s5, $0x1;
	s5 =	sadd.s32 s21, s3  }
0x9d: {  	[timem:s7], [sflag:s22] =	dma.local [hbm:s5], s20  }
0x9e: {  	_ =	swait.ge [sflag:s22], s20  }
0x9f: {  	s4 =	ssub.s32 $0x0, s20;
	[sflag:s22] =	ssyncset.done $0x0  }
0xa0: {  	[sflag:s22] =	ssyncadd.s32 s4;
	_ =	sdelay $0x1  }
0xa1: {  	s23 =	simm.s32 $0x1B8B  }
0xa2: {  	_ =	swait.ge [sflag:s23], $0x1  }
0xa3: {  	[sflag:s23] =	ssyncset.done $0x0  }
0xa4: {  	s25 =	simm.s32 $0x1B8E;
	s24 =	sld [smem:$0x3FFE];
	[sflag:s23] =	ssyncadd.s32 $0xFFFFFFFF  }
0xa5: {  	s26 =	simm.s32 $execute0_lowered;
	[smem:$0x3FD2] =	sst s25  }
0xa6: {  	s5 =	sshll.u32 s26, $0x1;
	_ =	strace $0x8000004F;
	[dreg:$0x1] =	wrdreg $0xFFFFFFFF  }
0xa7: {  	s28 =	simm.s32 $_size_execute0_lowered;
	s3 =	sadd.s32 s3, s5;
	[dreg:$0x0] =	wrdreg $0x0  }
0xa8: {  	s5 =	sshll.u32 s28, $0x1;
	[dreg:$0x2] =	wrdreg s3  }
0xa9: {  	[dreg:$0x3] =	wrdreg s5  }
0xaa: {  	[dreg:$0x4] =	wrdreg $0xC0  }
0xab: {  	_ =	task [dreg:s7], $0x5FFFF  }
0xac: {  	[dreg:$0x1] =	wrdreg $0xFFFFFFFF  }
0xad: {  	[dreg:$0x0] =	wrdreg $0x60  }
0xae: {  	[dreg:$0x2] =	wrdreg s24  }
0xaf: {  	[dreg:$0x3] =	wrdreg s2  }
0xb0: {  	[dreg:$0x4] =	wrdreg $0x0  }
0xb1: {  	[dreg:$0x5] =	wrdreg $0x9  }
0xb2: {  	_ =	task.clear_ibuf [dreg:s7], $0x6FFFF;
	_ =	strace $0x9000004F  }
0xb3: {  	s29 =	simm.s32 $0x9;
	_ =	strace $0x80000051  }
0xb4: {  	_ =	swait.ge [sflag:s29], $0x1  }
0xb5: {  	[sflag:s29] =	ssyncadd.s32 $0xFFFFFFFF  }
0xb6: {  	_ =	strace $0x90000051  }
0xb7: {  	_ =	sfence  }
0xb8: {  	s30 =	sld [smem:$0x0];
	_ =	sdelay $0x2  }
0xb9: {  	s31 =	sshll.u32 s1, $0xD;
	s1 =	sshrl.u32 s1, $0x2  }
0xba: {  	s3 =	sand.u32 $0x4000, s31;
	s1 =	sadd.s32 s1, s30  }
0xbb: {  	s0 =	sor.u32 s3, s0;
	s1 =	sshll.u32 s1, $0x11  }
0xbc: {  	s0 =	sor.u32 s1, s0  }
0xbd: {  	s0 =	sadd.s32 $0x8F2B, s0  }
0xbe: {  	[sflag:s0] =	ssyncadd.remote.s32 $0x1  }
0xbf: {  	_ =	sfence.sel $0xFFFF  }
0xc0: {  	[dreg:$0x0] =	wrdreg $0xFFFFFFFF;
	(pc) =	sbr.abs _section_cstart, $3  }
0xc1: {  	[dreg:$0x1] =	wrdreg $0xFFFFFFFF  }
0xc2: {  	_ =	task.clear_ibuf [dreg:s7], $0x2FFFF;
	_ =	strace $0x9FFFFFFF  }
0xc3: {  	(tm) =	ssettm $0x7FFFFFFF  }
tec
execute0_lowered:
.L_overlay_start_1:
0x0: {  	(tag) =	ssettag $0x1  }
0x1: {  	s0 =	rddreg [dreg:$0x0]  }
0x2: {  	s2 =	rddreg [dreg:$0x2];
	s3 =	simm.s32 $0x0  }
0x3: {  	s5 =	srdreg.scid;
	s14 =	stileid.u32;
	s28 =	simm.s32 $0x1C0  }
0x4: {  	s29 =	simm.s32 $0x18F00;
	s31 =	simm.s32 $0x1C700;
	[smem:$0x7FF] =	sst s3  }
0x5: {  	s30 =	simm.s32 $0x2;
	s4 =	sadd.s32 $0x2CCE00, s0;
	s6 =	sadd.s32 $0x2FDC00, s0  }
0x6: {  	s1 =	sadd.s32 $0x12D000, s0;
	s7 =	sadd.s32 $0x36800, s0;
	s9 =	smul.u32 $0xC400, s14  }
0x7: {  	s5 =	sand.u32 $0x1, s5;
	s8 =	sadd.s32 $0x1E000, s0;
	s12 =	smul.u32 $0x18800, s14  }
0x8: {  	s0 =	sadd.s32 $0x32EA00, s0;
	s17 =	sshll.u32 s14, $0x6;
	s23 =	smul.u32 $0x1880, s14  }
0x9: {  	_ =	strace $0x80000050;
	[dreg:$0x4] =	wrdreg s8;
	s15 =	ssub.s32 $0x2, s5  }
0xa: {  	[dreg:$0x5] =	wrdreg s0;
	p0 =	sne.s32 s5, $0x0;
	s5 =	simm.s32 $0x5  }
0xb: {  	s8 =	simm.s32 $0x7;
	s16 =	sshrl.u32 s15, $0x1;
	s13 =	sshrl.u32 s9, $0x3  }
0xc: {  	s10 =	sadd.s32 s12, s2;
	s20 =	sor.u32 $0x1C0, s9;
	s9 =	sor.u32 $0x380, s9  }
0xd: {  	s12 =	sshrl.u32 s12, $0x3;
	s0 =	ssub.s32 s15, s16;
	[dreg:$0x6] =	wrdreg s10  }
0xe: {  	s10 =	sor.u32 $0x1C09, s17;
	s11 =	sadd.s32 s1, s13;
	s19 =	sadd.s32 s7, s13  }
0xf: {  	[dreg:$0x9] =	wrdreg s12;
	s21 =	sshrl.u32 s20, $0x3;
	s22 =	sshrl.u32 s9, $0x3  }
0x10: {  	s20 =	sadd.s32 s23, s7;
	s18 =	sadd.s32 $0x38, s11;
	[dreg:$0x8] =	wrdreg s19  }
0x11: {  	s9 =	simm.s32 $0x4;
	s0 =	smax.u32 s0, $0x1;
	[dreg:$0x7] =	wrdreg s18  }
0x12: {  	s12 =	simm.s32 $0x8;
	s24 =	sadd.s32 s1, s22;
	[dreg:$0xa] =	wrdreg s0  }
0x13: {  	s13 =	simm.s32 $0x0;
	s25 =	sadd.s32 s7, s22;
	[dreg:$0xc] =	wrdreg s24  }
.Ltmp0:
0x14: {  	s26 =	sadd.s32 $0xA8, s11;
	[dreg:$0xd] =	wrdreg s25;
	(pc) =	sbr.rel .LBB2_1-.Ltmp0, $4  }
0x15: {  	s22 =	simm.s32 $0x9;
	s0 =	sadd.s32 s7, s21;
	[dreg:$0xe] =	wrdreg s26  }
0x16: {  	s21 =	sadd.s32 s23, s1;
	s23 =	simm.s32 $0x18800;
	s24 =	simm.s32 $0x189C0  }
0x17: {  	s25 =	simm.s32 $0x18B80;
	s26 =	simm.s32 $0x1;
	s1 =	simm.s32 $0x3  }
0x18: {  	s7 =	simm.s32 $0x6;
	[dreg:$0xb] =	wrdreg s0;
	s0 =	simm.s32 $0x18D40  }
.LBB2_8:
0x19: {  	s15 =	rddreg [dreg:$0x5]  }
.LBB2_9:
0x1a: {  	_ =	swait.ge [sflag:s12], $0x3800  }
0x1b: {  	[sflag:s12] =	ssyncset.done $0x0  }
0x1c: {  	s16 =	rddreg [dreg:$0x9];
	[sflag:s12] =	ssyncadd.s32 $0xFFFFC800  }
0x1d: {  	s15 =	sadd.s32 s15, s16;
	[bflag:$0x0] =	sbarrier.arrive $0xFFFF  }
0x1e: {  	[hbm:s15], [sflag:s10] =	dma.local [spmem:s14], $0x3100  }
0x1f: {  	_ =	swait.ge [sflag:s22], $0x3100  }
0x20: {  	s13 =	sadd.s32 $0x1, s13;
	s19 =	rddreg [dreg:$0xa]  }
0x21: {  	p1 =	sne.s32 s13, s19  }
.Ltmp1:
0x22: {  	_ = 	snop;
	(pc) =	sbr.rel @!p1 .LBB2_10-.Ltmp1, $3  }
0x23: {  	_ =	sdelay $0x1  }
0x24: {  	[sflag:s22] =	ssyncset.done $0x0  }
0x25: {  	[sflag:s22] =	ssyncadd.s32 $0xFFFFCF00  }
.LBB2_1:
0x26: {  	s14 =	rddreg [dreg:$0x6]  }
0x27: {  	s15 =	rddreg [dreg:$0x4];
	s14 =	sshrl.u32 s14, $0x3  }
0x28: {  	[spmem:s14], [sflag:s10] =	dma.local [hbm:s15], $0x3100  }
0x29: {  	_ =	swait.ge [sflag:s22], $0x3100  }
0x2a: {  	[sflag:s22] =	ssyncset.done $0x0  }
0x2b: {  	[sflag:s22] =	ssyncadd.s32 $0xFFFFCF00  }
0x2c: {  	[bflag:$0x0] =	sbarrier.arrive $0xFFFF  }
0x2d: {  	[tilespmem:s23], [sflag:$0x1] =	stream.linear.gather [hbm4b:s11+s3], $0x1C0, $0x38;
	[tilespmem:$0x1FF00] =	vst v63  }
0x2e: {  	s18 =	rddreg [dreg:$0x7]  }
0x2f: {  	[tilespmem:s24], [sflag:$0x2] =	stream.linear.gather [hbm4b:s18+s3], $0x1C0, $0x38;
	[tilespmem:$0x1FF00] =	vst v63  }
.Ltmp2:
0x30: {  	s19 =	rddreg [dreg:$0x8];
	(pc) =	sbr.rel @p0 .LBB2_6-.Ltmp2, $4  }
0x31: {  	[tilespmem:s25], [sflag:$0x3] =	stream.linear.gather [hbm4b:s19+s3], $0x1C0, $0x38;
	[tilespmem:$0x1FF00] =	vst v63  }
0x32: {  	_ =	swait.ge [sflag:s26], $0x1C0  }
0x33: {  	[sflag:s26] =	ssyncset.done $0x0  }
0x34: {  	[sflag:s26] =	ssyncadd.s32 $0xFFFFFE40  }
0x35: {  	[tilespmem:s29], [sflag:$0x5] =	stream.indirect.gather [hbm4b:s4+s28], $0x20, s23, s28, $0xb8;
	[tilespmem:$0x1FF00] =	vst v63  }
0x36: {  	_ =	swait.ge [sflag:s30], $0x1C0  }
0x37: {  	[sflag:s30] =	ssyncset.done $0x0  }
0x38: {  	[sflag:s30] =	ssyncadd.s32 $0xFFFFFE40  }
0x39: {  	[tilespmem:s31], [sflag:$0x6] =	stream.indirect.gather [hbm4b:s4+s28], $0x20, s24, s28, $0xb8;
	[tilespmem:$0x1FF00] =	vst v63  }
0x3a: {  	s15 =	rddreg [dreg:$0xb]  }
0x3b: {  	[tilespmem:s0], [sflag:$0x4] =	stream.linear.gather [hbm4b:s15+s3], $0x1C0, $0x38;
	[tilespmem:$0x1FF00] =	vst v63  }
0x3c: {  	_ =	swait.ge [sflag:s5], $0x3800  }
0x3d: {  	[sflag:s5] =	ssyncset.done $0x0  }
0x3e: {  	[sflag:s5] =	ssyncadd.s32 $0xFFFFC800  }
0x3f: {  	_ =	swait.ge [sflag:s1], $0x1C0  }
0x40: {  	[sflag:s1] =	ssyncset.done $0x0  }
0x41: {  	[sflag:s1] =	ssyncadd.s32 $0xFFFFFE40  }
0x42: {  	[spmem:s2] =	stream.indirect.scatter.add.f32 [tilespmem:s29], [sflag:$0x7], $0x20, s25, s28, $0xb8;
	[tilespmem:$0x1FF00] =	vst v63  }
0x43: {  	s17 =	rddreg [dreg:$0xc]  }
0x44: {  	[tilespmem:s23], [sflag:$0x1] =	stream.linear.gather [hbm4b:s17+s3], $0x1C0, $0x38;
	[tilespmem:$0x1FF00] =	vst v63  }
0x45: {  	_ =	swait.ge [sflag:s8], $0x3800  }
0x46: {  	[sflag:s8] =	ssyncset.done $0x0  }
0x47: {  	[sflag:s8] =	ssyncadd.s32 $0xFFFFC800  }
0x48: {  	_ =	swait.ge [sflag:s26], $0x1C0  }
0x49: {  	[sflag:s26] =	ssyncset.done $0x0  }
0x4a: {  	[sflag:s26] =	ssyncadd.s32 $0xFFFFFE40  }
0x4b: {  	[tilespmem:s29], [sflag:$0x5] =	stream.indirect.gather [hbm4b:s4+s28], $0x20, s23, s28, $0xb8;
	[tilespmem:$0x1FF00] =	vst v63  }
0x4c: {  	s18 =	rddreg [dreg:$0xd]  }
0x4d: {  	[tilespmem:s25], [sflag:$0x3] =	stream.linear.gather [hbm4b:s18+s3], $0x1C0, $0x38;
	[tilespmem:$0x1FF00] =	vst v63  }
0x4e: {  	_ =	swait.ge [sflag:s7], $0x3800  }
0x4f: {  	[sflag:s7] =	ssyncset.done $0x0  }
0x50: {  	[sflag:s7] =	ssyncadd.s32 $0xFFFFC800  }
0x51: {  	_ =	swait.ge [sflag:s9], $0x1C0  }
0x52: {  	[sflag:s9] =	ssyncset.done $0x0  }
0x53: {  	[sflag:s9] =	ssyncadd.s32 $0xFFFFFE40  }
0x54: {  	[spmem:s2] =	stream.indirect.scatter.add.f32 [tilespmem:s31], [sflag:$0x8], $0x20, s0, s28, $0xb8;
	[tilespmem:$0x1FF00] =	vst v63  }
0x55: {  	s15 =	simm.s32 $0xFFFFE860;
	s19 =	rddreg [dreg:$0xe]  }
0x56: {  	[tilespmem:s24], [sflag:$0x2] =	stream.linear.gather [hbm4b:s19+s3], $0x1C0, $0x38;
	[tilespmem:$0x1FF00] =	vst v63  }
.LBB2_3:
0x57: {  	_ =	swait.ge [sflag:s12], $0x3800  }
0x58: {  	[sflag:s12] =	ssyncset.done $0x0  }
0x59: {  	[sflag:s12] =	ssyncadd.s32 $0xFFFFC800  }
0x5a: {  	_ =	swait.ge [sflag:s30], $0x1C0  }
0x5b: {  	[sflag:s30] =	ssyncset.done $0x0  }
0x5c: {  	s16 =	sadd.s32 s15, s20;
	[sflag:s30] =	ssyncadd.s32 $0xFFFFFE40  }
0x5d: {  	[tilespmem:s31], [sflag:$0x6] =	stream.indirect.gather [hbm4b:s4+s28], $0x20, s24, s28, $0xb8;
	[tilespmem:$0x1FF00] =	vst v63  }
0x5e: {  	s16 =	sadd.s32 $0x1848, s16  }
0x5f: {  	[tilespmem:s0], [sflag:$0x4] =	stream.linear.gather [hbm4b:s16+s3], $0x1C0, $0x38;
	[tilespmem:$0x1FF00] =	vst v63  }
0x60: {  	_ =	swait.ge [sflag:s5], $0x3800  }
0x61: {  	[sflag:s5] =	ssyncset.done $0x0  }
0x62: {  	[sflag:s5] =	ssyncadd.s32 $0xFFFFC800  }
0x63: {  	_ =	swait.ge [sflag:s1], $0x1C0  }
0x64: {  	p1 =	seq.s32 s15, $0x0;
	[sflag:s1] =	ssyncset.done $0x0  }
0x65: {  	s16 =	simm.s32 @p1 $0x7;
	[sflag:s1] =	ssyncadd.s32 $0xFFFFFE40  }
0x66: {  	[spmem:s2] =	stream.indirect.scatter.add.f32 [tilespmem:s29], [sflag:$0x7], $0x20, s25, s28, $0xb8;
	[tilespmem:$0x1FF00] =	vst v63  }
0x67: {  	_ =	swait.ge @p1 [sflag:s16], $0x3800  }
0x68: {  	[sflag:s16] =	ssyncset.done @p1 $0x0  }
0x69: {  	[sflag:s16] =	ssyncadd.s32 @p1 $0xFFFFC800;
	s16 =	sadd.s32 @!p1 s15, s21  }
0x6a: {  	s17 =	simm.s32 @!p1 $0x0;
	s18 =	simm.s32 @!p1 $0x18800;
	s16 =	sadd.s32 @!p1 $0x1880, s16  }
0x6b: {  	[tilespmem:s18], [sflag:$0x1] =	stream.linear.gather @!p1 [hbm4b:s16+s17], $0x1C0, $0x38;
	[tilespmem:$0x1FF00] =	vst v63  }
0x6c: {  	s16 =	simm.s32 @!p1 $0x7  }
0x6d: {  	_ =	swait.ge @!p1 [sflag:s16], $0x3800  }
0x6e: {  	[sflag:s16] =	ssyncset.done @!p1 $0x0  }
0x6f: {  	[sflag:s16] =	ssyncadd.s32 @!p1 $0xFFFFC800;
	s16 =	simm.s32 @!p1 $0x1  }
0x70: {  	_ =	swait.ge @!p1 [sflag:s16], $0x1C0  }
0x71: {  	[sflag:s16] =	ssyncset.done @!p1 $0x0  }
0x72: {  	s19 =	simm.s32 @!p1 $0x18F00;
	[sflag:s16] =	ssyncadd.s32 @!p1 $0xFFFFFE40;
	s16 =	simm.s32 @!p1 $0x1C0  }
0x73: {  	[tilespmem:s19], [sflag:$0x5] =	stream.indirect.gather @!p1 [hbm4b:s4+s16], $0x20, s18, s16, $0xb8;
	[tilespmem:$0x1FF00] =	vst v63  }
0x74: {  	s16 =	sadd.s32 @!p1 s15, s20  }
0x75: {  	s18 =	simm.s32 @!p1 $0x18B80;
	s16 =	sadd.s32 @!p1 $0x1880, s16  }
0x76: {  	[tilespmem:s18], [sflag:$0x3] =	stream.linear.gather @!p1 [hbm4b:s16+s17], $0x1C0, $0x38;
	[tilespmem:$0x1FF00] =	vst v63  }
0x77: {  	_ =	swait.ge [sflag:s7], $0x3800  }
0x78: {  	[sflag:s7] =	ssyncset.done $0x0  }
.Ltmp3:
0x79: {  	[sflag:s7] =	ssyncadd.s32 $0xFFFFC800;
	(pc) =	sbr.rel @p1 .LBB2_4-.Ltmp3, $4  }
0x7a: {  	_ =	swait.ge [sflag:s9], $0x1C0  }
0x7b: {  	[sflag:s9] =	ssyncset.done $0x0  }
0x7c: {  	[sflag:s9] =	ssyncadd.s32 $0xFFFFFE40  }
0x7d: {  	[spmem:s2] =	stream.indirect.scatter.add.f32 [tilespmem:s31], [sflag:$0x8], $0x20, s0, s28, $0xb8;
	[tilespmem:$0x1FF00] =	vst v63  }
.Ltmp4:
0x7e: {  	(pc) =	sbr.rel .LBB2_3-.Ltmp4, $4  }
0x7f: {  	_ = 	snop  }
0x80: {  	s16 =	sadd.s32 s15, s21  }
0x81: {  	s15 =	sadd.s32 $0x70, s15;
	s16 =	sadd.s32 $0x18B8, s16  }
0x82: {  	[tilespmem:s24], [sflag:$0x2] =	stream.linear.gather [hbm4b:s16+s3], $0x1C0, $0x38;
	[tilespmem:$0x1FF00] =	vst v63  }
.LBB2_6:
0x83: {  	[tilespmem:s29], [sflag:$0x5] =	stream.indirect.gather [hbm4b:s6+s28], $0x20, s23, s28, $0xb8;
	[tilespmem:$0x1FF00] =	vst v63  }
0x84: {  	_ =	swait.ge [sflag:s30], $0x1C0  }
0x85: {  	[sflag:s30] =	ssyncset.done $0x0  }
0x86: {  	[sflag:s30] =	ssyncadd.s32 $0xFFFFFE40  }
0x87: {  	[tilespmem:s31], [sflag:$0x6] =	stream.indirect.gather [hbm4b:s6+s28], $0x20, s24, s28, $0xb8;
	[tilespmem:$0x1FF00] =	vst v63  }
0x88: {  	s15 =	rddreg [dreg:$0xb]  }
0x89: {  	[tilespmem:s0], [sflag:$0x4] =	stream.linear.gather [hbm4b:s15+s3], $0x1C0, $0x38;
	[tilespmem:$0x1FF00] =	vst v63  }
0x8a: {  	_ =	swait.ge [sflag:s5], $0x3800  }
0x8b: {  	[sflag:s5] =	ssyncset.done $0x0  }
0x8c: {  	[sflag:s5] =	ssyncadd.s32 $0xFFFFC800  }
0x8d: {  	_ =	swait.ge [sflag:s1], $0x1C0  }
0x8e: {  	[sflag:s1] =	ssyncset.done $0x0  }
0x8f: {  	[sflag:s1] =	ssyncadd.s32 $0xFFFFFE40  }
0x90: {  	[spmem:s2] =	stream.indirect.scatter.add.f32 [tilespmem:s29], [sflag:$0x7], $0x20, s25, s28, $0xb8;
	[tilespmem:$0x1FF00] =	vst v63  }
0x91: {  	s17 =	rddreg [dreg:$0xc]  }
0x92: {  	[tilespmem:s23], [sflag:$0x1] =	stream.linear.gather [hbm4b:s17+s3], $0x1C0, $0x38;
	[tilespmem:$0x1FF00] =	vst v63  }
0x93: {  	_ =	swait.ge [sflag:s8], $0x3800  }
0x94: {  	[sflag:s8] =	ssyncset.done $0x0  }
0x95: {  	[sflag:s8] =	ssyncadd.s32 $0xFFFFC800  }
0x96: {  	_ =	swait.ge [sflag:s26], $0x1C0  }
0x97: {  	[sflag:s26] =	ssyncset.done $0x0  }
0x98: {  	[sflag:s26] =	ssyncadd.s32 $0xFFFFFE40  }
0x99: {  	[tilespmem:s29], [sflag:$0x5] =	stream.indirect.gather [hbm4b:s6+s28], $0x20, s23, s28, $0xb8;
	[tilespmem:$0x1FF00] =	vst v63  }
0x9a: {  	s18 =	rddreg [dreg:$0xd]  }
0x9b: {  	[tilespmem:s25], [sflag:$0x3] =	stream.linear.gather [hbm4b:s18+s3], $0x1C0, $0x38;
	[tilespmem:$0x1FF00] =	vst v63  }
0x9c: {  	_ =	swait.ge [sflag:s7], $0x3800  }
0x9d: {  	[sflag:s7] =	ssyncset.done $0x0  }
0x9e: {  	[sflag:s7] =	ssyncadd.s32 $0xFFFFC800  }
0x9f: {  	_ =	swait.ge [sflag:s9], $0x1C0  }
0xa0: {  	[sflag:s9] =	ssyncset.done $0x0  }
0xa1: {  	[sflag:s9] =	ssyncadd.s32 $0xFFFFFE40  }
0xa2: {  	[spmem:s2] =	stream.indirect.scatter.add.f32 [tilespmem:s31], [sflag:$0x8], $0x20, s0, s28, $0xb8;
	[tilespmem:$0x1FF00] =	vst v63  }
0xa3: {  	s15 =	simm.s32 $0xFFFFE860;
	s19 =	rddreg [dreg:$0xe]  }
0xa4: {  	[tilespmem:s24], [sflag:$0x2] =	stream.linear.gather [hbm4b:s19+s3], $0x1C0, $0x38;
	[tilespmem:$0x1FF00] =	vst v63  }
.LBB2_7:
0xa5: {  	_ =	swait.ge [sflag:s12], $0x3800  }
0xa6: {  	[sflag:s12] =	ssyncset.done $0x0  }
0xa7: {  	[sflag:s12] =	ssyncadd.s32 $0xFFFFC800  }
0xa8: {  	_ =	swait.ge [sflag:s30], $0x1C0  }
0xa9: {  	[sflag:s30] =	ssyncset.done $0x0  }
0xaa: {  	s16 =	sadd.s32 s15, s20;
	[sflag:s30] =	ssyncadd.s32 $0xFFFFFE40  }
0xab: {  	[tilespmem:s31], [sflag:$0x6] =	stream.indirect.gather [hbm4b:s6+s28], $0x20, s24, s28, $0xb8;
	[tilespmem:$0x1FF00] =	vst v63  }
0xac: {  	s16 =	sadd.s32 $0x1848, s16  }
0xad: {  	[tilespmem:s0], [sflag:$0x4] =	stream.linear.gather [hbm4b:s16+s3], $0x1C0, $0x38;
	[tilespmem:$0x1FF00] =	vst v63  }
0xae: {  	_ =	swait.ge [sflag:s5], $0x3800  }
0xaf: {  	[sflag:s5] =	ssyncset.done $0x0  }
0xb0: {  	[sflag:s5] =	ssyncadd.s32 $0xFFFFC800  }
0xb1: {  	_ =	swait.ge [sflag:s1], $0x1C0  }
0xb2: {  	p1 =	seq.s32 s15, $0x0;
	[sflag:s1] =	ssyncset.done $0x0  }
0xb3: {  	s16 =	simm.s32 @p1 $0x7;
	[sflag:s1] =	ssyncadd.s32 $0xFFFFFE40  }
0xb4: {  	[spmem:s2] =	stream.indirect.scatter.add.f32 [tilespmem:s29], [sflag:$0x7], $0x20, s25, s28, $0xb8;
	[tilespmem:$0x1FF00] =	vst v63  }
0xb5: {  	_ =	swait.ge @p1 [sflag:s16], $0x3800  }
0xb6: {  	[sflag:s16] =	ssyncset.done @p1 $0x0  }
0xb7: {  	[sflag:s16] =	ssyncadd.s32 @p1 $0xFFFFC800;
	s16 =	sadd.s32 @!p1 s15, s21  }
0xb8: {  	s17 =	simm.s32 @!p1 $0x0;
	s18 =	simm.s32 @!p1 $0x18800;
	s16 =	sadd.s32 @!p1 $0x1880, s16  }
0xb9: {  	[tilespmem:s18], [sflag:$0x1] =	stream.linear.gather @!p1 [hbm4b:s16+s17], $0x1C0, $0x38;
	[tilespmem:$0x1FF00] =	vst v63  }
0xba: {  	s16 =	simm.s32 @!p1 $0x7  }
0xbb: {  	_ =	swait.ge @!p1 [sflag:s16], $0x3800  }
0xbc: {  	[sflag:s16] =	ssyncset.done @!p1 $0x0  }
0xbd: {  	[sflag:s16] =	ssyncadd.s32 @!p1 $0xFFFFC800;
	s16 =	simm.s32 @!p1 $0x1  }
0xbe: {  	_ =	swait.ge @!p1 [sflag:s16], $0x1C0  }
0xbf: {  	[sflag:s16] =	ssyncset.done @!p1 $0x0  }
0xc0: {  	s19 =	simm.s32 @!p1 $0x18F00;
	[sflag:s16] =	ssyncadd.s32 @!p1 $0xFFFFFE40;
	s16 =	simm.s32 @!p1 $0x1C0  }
0xc1: {  	[tilespmem:s19], [sflag:$0x5] =	stream.indirect.gather @!p1 [hbm4b:s6+s16], $0x20, s18, s16, $0xb8;
	[tilespmem:$0x1FF00] =	vst v63  }
0xc2: {  	s16 =	sadd.s32 @!p1 s15, s20  }
0xc3: {  	s18 =	simm.s32 @!p1 $0x18B80;
	s16 =	sadd.s32 @!p1 $0x1880, s16  }
0xc4: {  	[tilespmem:s18], [sflag:$0x3] =	stream.linear.gather @!p1 [hbm4b:s16+s17], $0x1C0, $0x38;
	[tilespmem:$0x1FF00] =	vst v63  }
0xc5: {  	_ =	swait.ge [sflag:s7], $0x3800  }
0xc6: {  	[sflag:s7] =	ssyncset.done $0x0  }
.Ltmp5:
0xc7: {  	[sflag:s7] =	ssyncadd.s32 $0xFFFFC800;
	(pc) =	sbr.rel @p1 .LBB2_8-.Ltmp5, $4  }
0xc8: {  	_ =	swait.ge [sflag:s9], $0x1C0  }
0xc9: {  	[sflag:s9] =	ssyncset.done $0x0  }
0xca: {  	[sflag:s9] =	ssyncadd.s32 $0xFFFFFE40  }
0xcb: {  	[spmem:s2] =	stream.indirect.scatter.add.f32 [tilespmem:s31], [sflag:$0x8], $0x20, s0, s28, $0xb8;
	[tilespmem:$0x1FF00] =	vst v63  }
.Ltmp6:
0xcc: {  	(pc) =	sbr.rel .LBB2_7-.Ltmp6, $4  }
0xcd: {  	_ = 	snop  }
0xce: {  	s16 =	sadd.s32 s15, s21  }
0xcf: {  	s15 =	sadd.s32 $0x70, s15;
	s16 =	sadd.s32 $0x18B8, s16  }
0xd0: {  	[tilespmem:s24], [sflag:$0x2] =	stream.linear.gather [hbm4b:s16+s3], $0x1C0, $0x38;
	[tilespmem:$0x1FF00] =	vst v63  }
.LBB2_4:
.Ltmp7:
0xd1: {  	(pc) =	sbr.rel .LBB2_9-.Ltmp7, $2  }
0xd2: {  	_ =	sdelay $0x2  }
0xd3: {  	s15 =	rddreg [dreg:$0x1]  }
.LBB2_10:
0xd4: {  	_ =	sfence.sel $0x180000  }
0xd5: {  	[bflag:$0x0] =	sbarrier.arrive $0xFFFF  }
0xd6: {  	_ =	strace $0x90000050  }
0xd7: {  	s0 =	stileid.u32;
	[bflag:$0x2] =	sbarrier.arrive $0xFFFF  }
0xd8: {  	p0 =	sne.s32 s0, $0x0;
	s0 =	rddreg [dreg:$0x3]  }
0xd9: {  	s0 =	sadd.s32 @!p0 $0x100000, s0  }
0xda: {  	[sflag:s0] =	ssyncadd.tile.s32 @!p0 $0x1;
	_ =	shalt  }
.Lfunc_end2:
_tile_overlayer_lowered:
.L_overlay_start_2:
0xdb: {  	(tag) =	ssettag $0x2  }
0xdc: {  	s0 =	rddreg [dreg:$0x0];
	s2 =	stileid.u32  }
0xdd: {  	s1 =	rddreg [dreg:$0x1];
	p0 =	sne.s32 s2, $0x0  }
0xde: {  	s3 =	rddreg [dreg:$0x2];
	[bflag:$0x3] =	sbarrier.arrive $0xFFFF;
	s2 =	simm.s32 @!p0 $0x1C09  }
0xdf: {  	[timem:s3], [sflag:s2] =	dma.local @!p0 [hbm:s0], s1  }
0xe0: {  	s0 =	simm.s32 @!p0 $0x9  }
0xe1: {  	_ =	swait.ge @!p0 [sflag:s0], s1  }
0xe2: {  	s1 =	ssub.s32 @!p0 $0x0, s1;
	[sflag:s0] =	ssyncset.done @!p0 $0x0  }
0xe3: {  	[sflag:s0] =	ssyncadd.s32 @!p0 s1  }
0xe4: {  	[bflag:$0x3] =	sbarrier.arrive $0xFFFF  }
0xe5: {  	_ =	shalt  }

// kernel: kernel.9.cloned.1.call-start
scs
__scs_entry_jumppad:
0x0: {  	(pc) =	sbr.rel $0x88, $3  }
0x1: {  	(tag) =	ssettag $0x0;
	lr =	simm.s32 $0x1  }
0x2: {  	[smem:$0x3F93] =	sst lr;
	_ =	strace $0xD0000000  }
0x3: {  	_ = 	snop  }
0x4: {  	_ = 	snop  }
0x5: {  	_ = 	snop  }
0x6: {  	_ = 	snop  }
0x7: {  	_ = 	snop  }
__scs_overlays_trampoline_lowered:
0x8: {  	[smem:$0x3FA2] =	sst s0  }
0x9: {  	[smem:$0x3FA3] =	sst s1  }
0xa: {  	[smem:$0x3FA4] =	sst s2  }
0xb: {  	[smem:$0x3FA5] =	sst s3  }
0xc: {  	[smem:$0x3FA6] =	sst s4  }
0xd: {  	[smem:$0x3FA7] =	sst s5  }
0xe: {  	[smem:$0x3FA8] =	sst s6  }
0xf: {  	[smem:$0x3FA9] =	sst s7  }
0x10: {  	[smem:$0x3FAA] =	sst s8  }
0x11: {  	[smem:$0x3FAB] =	sst s9;
	s0 =	simm.s32 @!p0 $0x0  }
0x12: {  	s1 =	sld [smem:$0x3F91];
	s0 =	simm.s32 @p0 $0x1  }
0x13: {  	[smem:$0x3FAC] =	sst s0;
	s0 =	simm.s32 @!p1 $0x0  }
0x14: {  	s2 =	sld [smem:$0x3F90];
	s0 =	simm.s32 @p1 $0x1  }
0x15: {  	[smem:$0x3FAD] =	sst s0;
	s0 =	simm.s32 @!p2 $0x0  }
0x16: {  	s3 =	sld [smem:$0x3FDB];
	s0 =	simm.s32 @p2 $0x1  }
0x17: {  	s4 =	simm.s32 $0x1BF5;
	[smem:$0x3FAF] =	sst s0  }
0x18: {  	s0 =	sld [smem:$0x3F92];
	_ =	swait.ge [sflag:s4], $0x0  }
0x19: {  	s7 =	sld [smem:$0x3F93]  }
0x1a: {  	s8 =	sadd.s32 $0xFFFFE003, lr  }
0x1b: {  	s9 =	sadd.s32 $0xFFFFFEF7, lr;
	s5 =	simm.s32 $0xFFFFFFFF;
	p2 =	slt.u32 s8, $0xFFFFF086  }
0x1c: {  	p1 =	slt.u32 s9, $0xF7A;
	s5 =	simm.s32 @!p2 $0x0  }
0x1d: {  	s5 =	simm.s32 @p1 $0x1;
	p0 =	seq.s32 s7, s2  }
0x1e: {  	s7 =	smul.u32 @!p0 $0xF7A, s2;
	p2 =	seq.s32 @!p0 s5, $0x0  }
0x1f: {  	s9 =	smul.u32 $0xF7A, s1;
	s8 =	simm.s32 @!p0 $0x1BF5;
	p2 =	por !p2, p0  }
0x20: {  	[sflag:s8] =	ssyncset.s32 @!p0 $0xFFFFF086;
	s6 =	sadd.s32 @!p0 s3, s7;
	s7 =	simm.s32 @!p0 $0x108  }
0x21: {  	s3 =	sadd.s32 s3, s9;
	s6 =	sadd.s32 @!p0 $0x88, s6;
	s7 =	simm.s32 @p2 $0x1082  }
0x22: {  	[simem:s7], [sflag:s8] =	dma.local @!p0 [hbm:s6], $0xF7A  }
0x23: {  	s9 =	sor.u32 $0xD0000000, s2;
	s6 =	simm.s32 $0x108;
	_ =	swait.ge @!p0 [sflag:s8], $0x0  }
0x24: {  	s3 =	sadd.s32 $0x88, s3;
	s6 =	simm.s32 @!p1 $0x1082;
	[sflag:s4] =	ssyncset.s32 $0xFFFFF086  }
0x25: {  	[simem:s6], [sflag:s4] =	dma.local [hbm:s3], $0xF7A  }
0x26: {  	[smem:$0x3F93] =	sst s1;
	(tag) =	ssettag s2;
	_ =	strace s9  }
0x27: {  	s1 =	sld [smem:$0x3FA3]  }
0x28: {  	s2 =	sld [smem:$0x3FA4]  }
0x29: {  	s4 =	sld [smem:$0x3FA6]  }
0x2a: {  	p0 =	seq.s32 s5, $0x0;
	s5 =	sld [smem:$0x3FA7]  }
0x2b: {  	s6 =	sld [smem:$0x3FA8]  }
0x2c: {  	s7 =	sld [smem:$0x3FA9]  }
0x2d: {  	s3 =	simm.s32 $0x108;
	s8 =	sld [smem:$0x3FAA]  }
0x2e: {  	s3 =	simm.s32 @!p0 $0x1082;
	s9 =	sld [smem:$0x3FAB]  }
0x2f: {  	lr =	sadd.s32 s0, s3;
	s0 =	sld [smem:$0x3FA2]  }
0x30: {  	s3 =	sld [smem:$0x3FA5]  }
0x31: {  	[smem:$0x3FAE] =	sst s10  }
0x32: {  	s10 =	sld [smem:$0x3FAC];
	_ =	sdelay $0x3  }
0x33: {  	p0 =	seq.s32 s10, $0x1;
	s10 =	sld [smem:$0x3FAE];
	_ =	sdelay $0x3  }
0x34: {  	[smem:$0x3FAE] =	sst s10  }
0x35: {  	s10 =	sld [smem:$0x3FAD];
	_ =	sdelay $0x3  }
0x36: {  	p1 =	seq.s32 s10, $0x1;
	s10 =	sld [smem:$0x3FAE];
	_ =	sdelay $0x3  }
0x37: {  	[smem:$0x3FAE] =	sst s10  }
0x38: {  	s10 =	sld [smem:$0x3FAF]  }
0x39: {  	_ = 	snop;
	(pc) =	sbr.ind lr, $3  }
0x3a: {  	_ = 	snop  }
0x3b: {  	_ = 	snop  }
0x3c: {  	p2 =	seq.s32 s10, $0x1;
	s10 =	sld [smem:$0x3FAE]  }
0x3d: {  	_ =	shalt  }
0x3e: {  	_ =	shalt  }
0x3f: {  	_ =	shalt  }
0x40: {  	_ =	shalt  }
0x41: {  	_ =	shalt  }
0x42: {  	_ =	shalt  }
0x43: {  	_ =	shalt  }
0x44: {  	_ =	shalt  }
0x45: {  	_ =	shalt  }
0x46: {  	_ =	shalt  }
0x47: {  	_ =	shalt  }
0x48: {  	_ =	shalt  }
0x49: {  	_ =	shalt  }
0x4a: {  	_ =	shalt  }
0x4b: {  	_ =	shalt  }
0x4c: {  	_ =	shalt  }
0x4d: {  	_ =	shalt  }
0x4e: {  	_ =	shalt  }
0x4f: {  	_ =	shalt  }
0x50: {  	_ =	shalt  }
0x51: {  	_ =	shalt  }
0x52: {  	_ =	shalt  }
0x53: {  	_ =	shalt  }
0x54: {  	_ =	shalt  }
0x55: {  	_ =	shalt  }
0x56: {  	_ =	shalt  }
0x57: {  	_ =	shalt  }
0x58: {  	_ =	shalt  }
0x59: {  	_ =	shalt  }
0x5a: {  	_ =	shalt  }
0x5b: {  	_ =	shalt  }
0x5c: {  	_ =	shalt  }
0x5d: {  	_ =	shalt  }
0x5e: {  	_ =	shalt  }
0x5f: {  	_ =	shalt  }
0x60: {  	_ =	shalt  }
0x61: {  	_ =	shalt  }
0x62: {  	_ =	shalt  }
0x63: {  	_ =	shalt  }
0x64: {  	_ =	shalt  }
0x65: {  	_ =	shalt  }
0x66: {  	_ =	shalt  }
0x67: {  	_ =	shalt  }
0x68: {  	_ =	shalt  }
0x69: {  	_ =	shalt  }
0x6a: {  	_ =	shalt  }
0x6b: {  	_ =	shalt  }
0x6c: {  	_ =	shalt  }
0x6d: {  	_ =	shalt  }
0x6e: {  	_ =	shalt  }
0x6f: {  	_ =	shalt  }
0x70: {  	_ =	shalt  }
0x71: {  	_ =	shalt  }
0x72: {  	_ =	shalt  }
0x73: {  	_ =	shalt  }
0x74: {  	_ =	shalt  }
0x75: {  	_ =	shalt  }
0x76: {  	_ =	shalt  }
0x77: {  	_ =	shalt  }
0x78: {  	_ =	shalt  }
0x79: {  	_ =	shalt  }
0x7a: {  	_ =	shalt  }
0x7b: {  	_ =	shalt  }
0x7c: {  	_ =	shalt  }
0x7d: {  	_ =	shalt  }
0x7e: {  	_ =	shalt  }
0x7f: {  	_ =	shalt  }
0x80: {  	_ =	shalt  }
0x81: {  	_ =	shalt  }
0x82: {  	_ =	shalt  }
0x83: {  	_ =	shalt  }
0x84: {  	_ =	shalt  }
0x85: {  	_ =	shalt  }
0x86: {  	_ =	shalt  }
0x87: {  	_ =	shalt  }
.Lfunc_end0:
.L_simem_size_0:
called_computation_lowered:
.L_overlay_start_0:
0x88: {  	s2 =	sld [smem:$0x3FD9]  }
0x89: {  	s3 =	sld [smem:$0x3FFE];
	_ =	sdelay $0x1  }
0x8a: {  	s1 =	srdreg.scid  }
0x8b: {  	s0 =	sand.u32 $0x1, s1  }
0x8c: {  	s16 =	sshll.u32 s0, $0xA;
	s2 =	sadd.s32 s3, s2  }
0x8d: {  	s2 =	sadd.s32 s2, s16  }
0x8e: {  	[smem:$0x3FBA] =	sst s2  }
0x8f: {  	_ = 	snop  }
0x90: {  	(tm) =	ssettm $0x1  }
0x91: {  	s17 =	sld [smem:$0x3FFB];
	_ =	sdelay $0x3  }
0x92: {  	_ =	strace s17  }
0x93: {  	s2 =	sld [smem:$0x3FFC];
	_ =	sdelay $0x3  }
0x94: {  	_ =	strace s2  }
0x95: {  	s2 =	sld [smem:$0x3FFD];
	_ =	sdelay $0x3  }
0x96: {  	_ =	strace s2  }
0x97: {  	_ =	strace $0x8FFFFFFF  }
0x98: {  	s18 =	sld [smem:$0x3FDB];
	_ =	sdelay $0x1  }
0x99: {  	s19 =	simm.s32 $_scs_section_size  }
0x9a: {  	s4 =	simm.s32 $_size__tile_overlayer_lowered;
	s5 =	simm.s32 $_tile_overlayer_lowered  }
0x9b: {  	s22 =	simm.s32 $0x1BFF;
	s21 =	sshll.u32 s5, $0x1;
	s2 =	sadd.s32 s19, s18  }
0x9c: {  	s6 =	simm.s32 $0x0;
	s20 =	sshll.u32 s4, $0x1;
	s4 =	sadd.s32 s21, s2  }
0x9d: {  	[timem:s6], [sflag:s22] =	dma.local [hbm:s4], s20  }
0x9e: {  	_ =	swait.ge [sflag:s22], s20  }
0x9f: {  	s3 =	ssub.s32 $0x0, s20;
	[sflag:s22] =	ssyncset.done $0x0  }
0xa0: {  	[sflag:s22] =	ssyncadd.s32 s3;
	_ =	sdelay $0x1  }
0xa1: {  	s23 =	simm.s32 $0x1B8B  }
0xa2: {  	_ =	swait.ge [sflag:s23], $0x1  }
0xa3: {  	[sflag:s23] =	ssyncset.done $0x0  }
0xa4: {  	s25 =	simm.s32 $0x1B8E;
	s24 =	sld [smem:$0x3FFE];
	[sflag:s23] =	ssyncadd.s32 $0xFFFFFFFF  }
0xa5: {  	s26 =	simm.s32 $execute0_lowered;
	[smem:$0x3FD2] =	sst s25  }
0xa6: {  	s4 =	sshll.u32 s26, $0x1;
	_ =	strace $0x80000046;
	[dreg:$0x1] =	wrdreg $0xFFFFFFFF  }
0xa7: {  	s28 =	simm.s32 $_size_execute0_lowered;
	s2 =	sadd.s32 s2, s4;
	[dreg:$0x0] =	wrdreg $0x0  }
0xa8: {  	s4 =	sshll.u32 s28, $0x1;
	[dreg:$0x2] =	wrdreg s2  }
0xa9: {  	[dreg:$0x3] =	wrdreg s4  }
0xaa: {  	[dreg:$0x4] =	wrdreg $0xC0  }
0xab: {  	_ =	task [dreg:s6], $0x5FFFF  }
0xac: {  	[dreg:$0x1] =	wrdreg $0xFFFFFFFF  }
0xad: {  	[dreg:$0x0] =	wrdreg $0x60  }
0xae: {  	[dreg:$0x2] =	wrdreg s24  }
0xaf: {  	[dreg:$0x3] =	wrdreg $0x0  }
0xb0: {  	[dreg:$0x4] =	wrdreg $0x9  }
0xb1: {  	_ =	task.clear_ibuf [dreg:s6], $0x5FFFF;
	_ =	strace $0x90000046  }
0xb2: {  	s29 =	simm.s32 $0x9;
	_ =	strace $0x80000048  }
0xb3: {  	_ =	swait.ge [sflag:s29], $0x1  }
0xb4: {  	[sflag:s29] =	ssyncadd.s32 $0xFFFFFFFF  }
0xb5: {  	_ =	strace $0x90000048  }
0xb6: {  	_ =	sfence  }
0xb7: {  	s30 =	sld [smem:$0x0];
	_ =	sdelay $0x2  }
0xb8: {  	s31 =	sshll.u32 s1, $0xD;
	s1 =	sshrl.u32 s1, $0x2  }
0xb9: {  	s3 =	sand.u32 $0x4000, s31;
	s1 =	sadd.s32 s1, s30  }
0xba: {  	s0 =	sor.u32 s3, s0;
	s1 =	sshll.u32 s1, $0x11  }
0xbb: {  	s0 =	sor.u32 s1, s0  }
0xbc: {  	s0 =	sadd.s32 $0x8F2B, s0  }
0xbd: {  	[sflag:s0] =	ssyncadd.remote.s32 $0x1  }
0xbe: {  	_ =	sfence.sel $0xFFFF  }
0xbf: {  	[dreg:$0x0] =	wrdreg $0xFFFFFFFF;
	(pc) =	sbr.abs _section_cstart, $3  }
0xc0: {  	[dreg:$0x1] =	wrdreg $0xFFFFFFFF  }
0xc1: {  	_ =	task.clear_ibuf [dreg:s6], $0x2FFFF;
	_ =	strace $0x9FFFFFFF  }
0xc2: {  	(tm) =	ssettm $0x7FFFFFFF  }
0xc3: {  	_ =	shalt  }
tec
execute0_lowered:
.L_overlay_start_1:
0x0: {  	(tag) =	ssettag $0x1  }
0x1: {  	s7 =	rddreg [dreg:$0x0]  }
0x2: {  	s2 =	rddreg [dreg:$0x1]  }
0x3: {  	s0 =	rddreg [dreg:$0x2];
	s3 =	simm.s32 $0x0;
	s1 =	stileid.u32  }
0x4: {  	s5 =	srdreg.scid;
	s13 =	simm.s32 $0x2;
	s16 =	simm.s32 $0x6200  }
0x5: {  	s17 =	simm.s32 $0xC40;
	s18 =	simm.s32 $0x1;
	s19 =	simm.s32 $0x0  }
0x6: {  	[smem:$0x7FF] =	sst s3;
	s4 =	smul.u32 $0x1880, s1;
	s12 =	sand.u32 $0x1, s5  }
0x7: {  	s5 =	sadd.s32 $0x67800, s7;
	s10 =	smul.u32 $0x6200, s1;
	s6 =	sadd.s32 $0x75800, s7  }
0x8: {  	s14 =	sshll.u32 s1, $0x6;
	_ =	strace $0x80000047;
	s8 =	ssub.s32 $0x2, s12  }
.Ltmp0:
0x9: {  	p0 =	sne.s32 s12, $0x0;
	s12 =	simm.s32 $0x6E40;
	(pc) =	sbr.rel .LBB2_1-.Ltmp0, $4  }
0xa: {  	s14 =	sor.u32 $0x1C02, s14;
	s11 =	sadd.s32 s4, s7;
	s4 =	sadd.s32 $0x68600, s7  }
0xb: {  	s9 =	sshrl.u32 s8, $0x1;
	s7 =	sadd.s32 $0x69400, s7;
	s15 =	sadd.s32 s10, s2  }
0xc: {  	s9 =	ssub.s32 s8, s9;
	s8 =	sshrl.u32 s10, $0x3;
	s10 =	sadd.s32 $0x36800, s11  }
0xd: {  	s11 =	sadd.s32 $0x4F000, s11;
	s15 =	sshrl.u32 s15, $0x3;
	s9 =	smax.u32 s9, $0x1  }
.LBB2_7:
0xe: {  	s20 =	sadd.s32 s20, s10;
	[sflag:s18] =	ssyncadd.s32 $0xFFFF9E00  }
0xf: {  	[tilespmem:s16], [sflag:$0x2] =	stream.linear.gather [hbm4b:s20+s3], $0xC40, $0x38;
	[tilespmem:$0xD040] =	vst v63  }
0x10: {  	_ =	swait.ge [sflag:s13], $0xC40  }
0x11: {  	[sflag:s13] =	ssyncset.done $0x0  }
0x12: {  	[sflag:s13] =	ssyncadd.s32 $0xFFFFF3C0  }
0x13: {  	[spmem:s2] =	stream.indirect.scatter.add.f32 [tilespmem:s12], [sflag:$0x1], $0x8, s16, s17, $0xb8;
	[tilespmem:$0xD040] =	vst v63  }
0x14: {  	_ =	swait.ge [sflag:s18], $0x6200  }
0x15: {  	[sflag:s18] =	ssyncset.done $0x0  }
0x16: {  	s20 =	smov.u32 s7;
	[sflag:s18] =	ssyncadd.s32 $0xFFFF9E00  }
.LBB2_8:
0x17: {  	s19 =	sadd.s32 $0x1, s19  }
0x18: {  	p1 =	sne.s32 s19, s9  }
.Ltmp1:
0x19: {  	s20 =	sadd.s32 s20, s8;
	[bflag:$0x0] =	sbarrier.arrive $0xFFFF;
	(pc) =	sbr.rel @!p1 .LBB2_9-.Ltmp1, $4  }
0x1a: {  	[hbm:s20], [sflag:s14] =	dma.local [spmem:s15], $0xC40  }
0x1b: {  	_ =	swait.ge [sflag:s13], $0xC40  }
0x1c: {  	[sflag:s13] =	ssyncset.done $0x0  }
0x1d: {  	[sflag:s13] =	ssyncadd.s32 $0xFFFFF3C0  }
.LBB2_1:
0x1e: {  	[tilespmem:s12], [sflag:$0x2] =	stream.linear.gather [hbm4b:s5+s3], $0x6200, $0x38;
	[tilespmem:$0xD040] =	vst v63  }
0x1f: {  	_ =	swait.ge [sflag:s13], $0x6200  }
0x20: {  	[sflag:s13] =	ssyncset.done $0x0  }
0x21: {  	[sflag:s13] =	ssyncadd.s32 $0xFFFF9E00  }
0x22: {  	[spmem:s15], [sflag:s14] =	dma.local [hbm:s4], $0xC40  }
.Ltmp2:
0x23: {  	_ =	swait.ge [sflag:s13], $0xC40;
	(pc) =	sbr.rel @p0 .LBB2_5-.Ltmp2, $3  }
0x24: {  	[sflag:s13] =	ssyncset.done $0x0  }
0x25: {  	[sflag:s13] =	ssyncadd.s32 $0xFFFFF3C0  }
0x26: {  	[bflag:$0x0] =	sbarrier.arrive $0xFFFF;
	_ =	sdelay $0x1  }
0x27: {  	s20 =	sadd.s32 $0x0, s11  }
0x28: {  	[tilespmem:s16], [sflag:$0x2] =	stream.linear.gather [hbm4b:s20+s3], $0xC40, $0x38;
	[tilespmem:$0xD040] =	vst v63  }
0x29: {  	_ =	swait.ge [sflag:s13], $0xC40  }
0x2a: {  	[sflag:s13] =	ssyncset.done $0x0  }
0x2b: {  	[sflag:s13] =	ssyncadd.s32 $0xFFFFF3C0  }
0x2c: {  	[spmem:s2] =	stream.indirect.scatter.add.f32 [tilespmem:s12], [sflag:$0x1], $0x8, s16, s17, $0xb8;
	[tilespmem:$0xD040] =	vst v63  }
0x2d: {  	_ =	swait.ge [sflag:s18], $0x6200  }
0x2e: {  	s21 =	simm.s32 $0x310;
	s20 =	simm.s32 $0x188;
	[sflag:s18] =	ssyncset.done $0x0  }
.LBB2_3:
0x2f: {  	s22 =	sadd.s32 s20, s11  }
0x30: {  	[sflag:s18] =	ssyncadd.s32 $0xFFFF9E00;
	s20 =	smov.u32 s21;
	s23 =	sadd.s32 $0x188, s21  }
0x31: {  	[tilespmem:s16], [sflag:$0x2] =	stream.linear.gather [hbm4b:s22+s3], $0xC40, $0x38;
	[tilespmem:$0xD040] =	vst v63  }
0x32: {  	p1 =	seq.s32 s21, $0x16F8;
	_ =	swait.ge [sflag:s13], $0xC40  }
.Ltmp3:
0x33: {  	[sflag:s13] =	ssyncset.done $0x0;
	(pc) =	sbr.rel @!p1 .LBB2_3-.Ltmp3, $4  }
0x34: {  	[sflag:s13] =	ssyncadd.s32 $0xFFFFF3C0  }
0x35: {  	[spmem:s2] =	stream.indirect.scatter.add.f32 [tilespmem:s12], [sflag:$0x1], $0x8, s16, s17, $0xb8;
	[tilespmem:$0xD040] =	vst v63  }
0x36: {  	_ =	swait.ge [sflag:s18], $0x6200  }
0x37: {  	s21 =	smov.u32 s23;
	[sflag:s18] =	ssyncset.done $0x0  }
0x38: {  	s20 =	sadd.s32 s20, s11;
	[sflag:s18] =	ssyncadd.s32 $0xFFFF9E00  }
0x39: {  	[tilespmem:s16], [sflag:$0x2] =	stream.linear.gather [hbm4b:s20+s3], $0xC40, $0x38;
	[tilespmem:$0xD040] =	vst v63  }
0x3a: {  	_ =	swait.ge [sflag:s13], $0xC40  }
0x3b: {  	[sflag:s13] =	ssyncset.done $0x0  }
.Ltmp4:
0x3c: {  	[sflag:s13] =	ssyncadd.s32 $0xFFFFF3C0;
	(pc) =	sbr.rel .LBB2_8-.Ltmp4, $4  }
0x3d: {  	[spmem:s2] =	stream.indirect.scatter.add.f32 [tilespmem:s12], [sflag:$0x1], $0x8, s16, s17, $0xb8;
	[tilespmem:$0xD040] =	vst v63  }
0x3e: {  	_ =	swait.ge [sflag:s18], $0x6200  }
0x3f: {  	[sflag:s18] =	ssyncset.done $0x0  }
0x40: {  	s20 =	smov.u32 s6;
	[sflag:s18] =	ssyncadd.s32 $0xFFFF9E00  }
.LBB2_5:
0x41: {  	s20 =	sadd.s32 $0x0, s10  }
0x42: {  	[tilespmem:s16], [sflag:$0x2] =	stream.linear.gather [hbm4b:s20+s3], $0xC40, $0x38;
	[tilespmem:$0xD040] =	vst v63  }
0x43: {  	_ =	swait.ge [sflag:s13], $0xC40  }
0x44: {  	[sflag:s13] =	ssyncset.done $0x0  }
0x45: {  	[sflag:s13] =	ssyncadd.s32 $0xFFFFF3C0  }
0x46: {  	[spmem:s2] =	stream.indirect.scatter.add.f32 [tilespmem:s12], [sflag:$0x1], $0x8, s16, s17, $0xb8;
	[tilespmem:$0xD040] =	vst v63  }
0x47: {  	_ =	swait.ge [sflag:s18], $0x6200  }
0x48: {  	s21 =	simm.s32 $0x310;
	s20 =	simm.s32 $0x188;
	[sflag:s18] =	ssyncset.done $0x0  }
.LBB2_6:
0x49: {  	s22 =	sadd.s32 s20, s10  }
0x4a: {  	[sflag:s18] =	ssyncadd.s32 $0xFFFF9E00;
	s20 =	smov.u32 s21;
	s23 =	sadd.s32 $0x188, s21  }
0x4b: {  	[tilespmem:s16], [sflag:$0x2] =	stream.linear.gather [hbm4b:s22+s3], $0xC40, $0x38;
	[tilespmem:$0xD040] =	vst v63  }
0x4c: {  	p1 =	sne.s32 s21, $0x16F8;
	_ =	swait.ge [sflag:s13], $0xC40  }
.Ltmp5:
0x4d: {  	[sflag:s13] =	ssyncset.done $0x0;
	(pc) =	sbr.rel @p1 .LBB2_6-.Ltmp5, $4  }
0x4e: {  	[sflag:s13] =	ssyncadd.s32 $0xFFFFF3C0  }
0x4f: {  	[spmem:s2] =	stream.indirect.scatter.add.f32 [tilespmem:s12], [sflag:$0x1], $0x8, s16, s17, $0xb8;
	[tilespmem:$0xD040] =	vst v63  }
0x50: {  	_ =	swait.ge [sflag:s18], $0x6200  }
0x51: {  	s21 =	smov.u32 s23;
	[sflag:s18] =	ssyncset.done $0x0  }
.Ltmp6:
0x52: {  	_ = 	snop;
	(pc) =	sbr.rel .LBB2_7-.Ltmp6, $1  }
0x53: {  	_ =	sdelay $0x3  }
.LBB2_9:
0x54: {  	_ =	sfence.sel $0x180000  }
0x55: {  	[bflag:$0x0] =	sbarrier.arrive $0xFFFF  }
0x56: {  	p0 =	sne.s32 s1, $0x0;
	_ =	strace $0x90000047  }
0x57: {  	s0 =	sadd.s32 @!p0 $0x100000, s0;
	[bflag:$0x2] =	sbarrier.arrive $0xFFFF  }
0x58: {  	[sflag:s0] =	ssyncadd.tile.s32 @!p0 $0x1;
	_ =	shalt  }
.Lfunc_end2:
_tile_overlayer_lowered:
.L_overlay_start_2:
0x59: {  	(tag) =	ssettag $0x2  }
0x5a: {  	s0 =	rddreg [dreg:$0x0];
	s2 =	stileid.u32  }
0x5b: {  	s1 =	rddreg [dreg:$0x1];
	p0 =	sne.s32 s2, $0x0  }
0x5c: {  	s3 =	rddreg [dreg:$0x2];
	[bflag:$0x3] =	sbarrier.arrive $0xFFFF;
	s2 =	simm.s32 @!p0 $0x1C02  }
0x5d: {  	[timem:s3], [sflag:s2] =	dma.local @!p0 [hbm:s0], s1  }
0x5e: {  	s0 =	simm.s32 @!p0 $0x2  }
0x5f: {  	_ =	swait.ge @!p0 [sflag:s0], s1  }
0x60: {  	s1 =	ssub.s32 @!p0 $0x0, s1;
	[sflag:s0] =	ssyncset.done @!p0 $0x0  }
0x61: {  	[sflag:s0] =	ssyncadd.s32 @!p0 s1  }
0x62: {  	[bflag:$0x3] =	sbarrier.arrive $0xFFFF  }
0x63: {  	_ =	shalt  }

</sc_bundles>
